<compile_context>
chip_gen: v7x
topology: tpu7x:2x2x1
jax: 0.10.2.dev20260603
libtpu: 0.0.44.dev20260713+nightly
codegen_flags: <defaults>
</compile_context>

<pallas_src>
import functools

import jax
import jax.numpy as jnp
from jax import lax
from jax.experimental import pallas as pl
from jax.experimental.pallas import tpu as pltpu
from jax.experimental.pallas import tpu_sc as plsc

N = 10000
E = 320000
C = 128
G = 16
NC = 2
NS = 16
NW = NC * NS
NPAD = 10240
TPW = NPAD // NS
QTPW = 80
B = 125
RB = 8
EROWS = E // B
WROWS = EROWS // NW
PH = 2
PROWS = WROWS // PH
CHUNKS = EROWS // (NW * RB)
RN = 2000



def _worker_id():
    return lax.axis_index("c") * NS + lax.axis_index("s")




def _deg_body(dst2_hbm, zvec_hbm, ovec_hbm, out_hbm, dacc, didx, ones_v, bounce):
    cid = lax.axis_index("c")
    sid = lax.axis_index("s")
    wid = cid * NS + sid
    pltpu.sync_copy(zvec_hbm, bounce)
    pltpu.sync_copy(ovec_hbm, ones_v)
    pltpu.sync_copy(bounce, dacc.at[pl.ds(sid * TPW, TPW)])
    plsc.subcore_barrier()

    def chunk(ci, carry):
        row0 = (ci * NW + wid) * RB
        pltpu.sync_copy(dst2_hbm.at[pl.ds(row0, RB)], didx)
        for j in range(RB):
            pltpu.sync_copy(ones_v, dacc.at[didx.at[j]], add=True)
        return carry

    lax.fori_loop(0, CHUNKS, chunk, 0)
    plsc.subcore_barrier()
    pltpu.sync_copy(dacc.at[pl.ds(sid * TPW, TPW)], bounce)
    pltpu.sync_copy(bounce, out_hbm.at[pl.ds(cid * NPAD + sid * TPW, TPW)])


@functools.cache
def _deg_kernel():
    mesh = plsc.VectorSubcoreMesh(core_axis_name="c", subcore_axis_name="s",
                                  num_cores=NC, num_subcores=NS)
    return pl.kernel(
        _deg_body,
        out_type=jax.ShapeDtypeStruct((NC * NPAD,), jnp.float32),
        mesh=mesh,
        scratch_types=[
            pltpu.VMEM_SHARED((NPAD,), jnp.float32),
            pltpu.VMEM((RB, B), jnp.int32),
            pltpu.VMEM((B,), jnp.float32),
            pltpu.VMEM((TPW,), jnp.float32),
        ],
    )


def _scatter_body(xs_hbm, src2_hbm, dst2_hbm, zrows_hbm, out_hbm,
                  acc, sidx, didx, buf0, buf1, gs0, gs1, ss0, ss1):
    cid = lax.axis_index("c")
    sid = lax.axis_index("s")
    wid = cid * NS + sid
    r0 = sid * TPW
    bufs = (buf0, buf1)
    gsems = (gs0, gs1)
    ssems = (ss0, ss1)
    pltpu.sync_copy(zrows_hbm, buf0.at[pl.ds(0, QTPW)])
    for hh in range(TPW // QTPW):
        pltpu.sync_copy(buf0.at[pl.ds(0, QTPW)],
                        acc.at[pl.ds(r0 + hh * QTPW, QTPW)])
    plsc.subcore_barrier()

    for ph in range(PH):
        row0 = wid * WROWS + ph * PROWS
        pltpu.sync_copy(src2_hbm.at[pl.ds(row0, PROWS)], sidx)
        pltpu.sync_copy(dst2_hbm.at[pl.ds(row0, PROWS)], didx)

        pltpu.async_copy(xs_hbm.at[sidx.at[0]], buf0, gs0)

        def step(t2, carry):
            for p in range(2):
                t = 2 * t2 + p

                @pl.when(t >= 1)
                def _drain_prev():
                    pltpu.make_async_copy(bufs[1 - p],
                                          acc.at[didx.at[t - 1]],
                                          ssems[1 - p]).wait()

                @pl.when(t + 1 < PROWS)
                def _fire_next():
                    pltpu.async_copy(xs_hbm.at[sidx.at[t + 1]],
                                     bufs[1 - p], gsems[1 - p])
                pltpu.make_async_copy(xs_hbm.at[sidx.at[t]], bufs[p],
                                      gsems[p]).wait()
                pltpu.async_copy(bufs[p], acc.at[didx.at[t]],
                                 ssems[p], add=True)
            return carry

        lax.fori_loop(0, PROWS // 2, step, 0)
        lastp = (PROWS - 1) % 2
        pltpu.make_async_copy(bufs[lastp],
                              acc.at[didx.at[PROWS - 1]],
                              ssems[lastp]).wait()
    plsc.subcore_barrier()
    for hh in range(TPW // QTPW):
        pltpu.sync_copy(acc.at[pl.ds(r0 + hh * QTPW, QTPW)],
                        buf0.at[pl.ds(0, QTPW)])
        pltpu.sync_copy(buf0.at[pl.ds(0, QTPW)],
                        out_hbm.at[pl.ds(cid * NPAD + r0 + hh * QTPW, QTPW)])


@functools.cache
def _scatter_kernel():
    mesh = plsc.VectorSubcoreMesh(core_axis_name="c", subcore_axis_name="s",
                                  num_cores=NC, num_subcores=NS)
    return pl.kernel(
        _scatter_body,
        out_type=jax.ShapeDtypeStruct((NC * NPAD, C), jnp.float32),
        mesh=mesh,
        scratch_types=[
            pltpu.VMEM_SHARED((NPAD, C), jnp.float32),
            pltpu.VMEM((PROWS, B), jnp.int32),
            pltpu.VMEM((PROWS, B), jnp.int32),
            pltpu.VMEM((B, C), jnp.float32),
            pltpu.VMEM((B, C), jnp.float32),
            pltpu.SemaphoreType.DMA,
            pltpu.SemaphoreType.DMA,
            pltpu.SemaphoreType.DMA,
            pltpu.SemaphoreType.DMA,
        ],
    )




PREC_LAYER = None
PREC_POOL = "highest"
PREC_HEAD = None


def _leaky(h):
    return jnp.where(h > 0, h, 0.01 * h)


def _prep_body(da_ref, db_ref, x_ref, rdeg_ref, xs_ref):
    rd = lax.rsqrt(da_ref[...] + db_ref[...] + 1.0)
    rdeg_ref[...] = rd
    xs_ref[...] = x_ref[...] * rd


def _mid_body(sa_ref, sb_ref, xs_ref, rd_ref, w_ref, b_ref, xsn_ref):
    rd = rd_ref[...]
    agg = (sa_ref[...] + sb_ref[...] + xs_ref[...]) * rd
    h = jnp.dot(agg, w_ref[...], preferred_element_type=jnp.float32,
                precision=PREC_LAYER) + b_ref[...]
    xsn_ref[...] = _leaky(h) * rd


def _final_body(sa_ref, sb_ref, xs_ref, rd_ref, i_ref, w_ref, b_ref,
                wd_ref, bd_ref, wo_ref, bo_ref, out_ref, pooled, cnt):
    bi = pl.program_id(0)

    @pl.when(bi == 0)
    def _init():
        pooled[...] = jnp.zeros_like(pooled)
        cnt[...] = jnp.zeros_like(cnt)

    agg = (sa_ref[...] + sb_ref[...] + xs_ref[...]) * rd_ref[...]
    h = _leaky(jnp.dot(agg, w_ref[...], preferred_element_type=jnp.float32,
                       precision=PREC_LAYER) + b_ref[...])
    seg = lax.broadcasted_iota(jnp.int32, (RN, G), 1)
    oh = (seg == i_ref[...]).astype(jnp.float32)
    dn = (((0,), (0,)), ((), ()))
    pooled[...] += lax.dot_general(oh, h, dn,
                                   preferred_element_type=jnp.float32,
                                   precision=PREC_POOL)
    cnt[...] += lax.dot_general(oh, jnp.ones_like(h), dn,
                                preferred_element_type=jnp.float32,
                                precision=PREC_POOL)

    @pl.when(bi == pl.num_programs(0) - 1)
    def _head():
        pm = pooled[...] / jnp.maximum(cnt[...], 1.0)
        d = _leaky(jnp.dot(pm, wd_ref[...], preferred_element_type=jnp.float32,
                           precision=PREC_HEAD) + bd_ref[...])
        o = jnp.dot(d, wo_ref[...], preferred_element_type=jnp.float32,
                    precision=PREC_HEAD) + bo_ref[...]
        out_ref[...] = jax.nn.sigmoid(o)


_row = lambda b: (b, 0)
_whole = lambda b: (0, 0)

_prep_kernel = pl.pallas_call(
    _prep_body,
    grid=(N // RN,),
    in_specs=[
        pl.BlockSpec((RN, 1), _row),
        pl.BlockSpec((RN, 1), _row),
        pl.BlockSpec((RN, C), _row),
    ],
    out_specs=[
        pl.BlockSpec((RN, 1), _row),
        pl.BlockSpec((RN, C), _row),
    ],
    out_shape=[
        jax.ShapeDtypeStruct((N, 1), jnp.float32),
        jax.ShapeDtypeStruct((N, C), jnp.float32),
    ],
)

_mid_kernel = pl.pallas_call(
    _mid_body,
    grid=(N // RN,),
    in_specs=[
        pl.BlockSpec((RN, C), _row),
        pl.BlockSpec((RN, C), _row),
        pl.BlockSpec((RN, C), _row),
        pl.BlockSpec((RN, 1), _row),
        pl.BlockSpec((C, C), _whole),
        pl.BlockSpec((1, C), _whole),
    ],
    out_specs=pl.BlockSpec((RN, C), _row),
    out_shape=jax.ShapeDtypeStruct((N, C), jnp.float32),
)

_final_kernel = pl.pallas_call(
    _final_body,
    grid=(N // RN,),
    in_specs=[
        pl.BlockSpec((RN, C), _row),
        pl.BlockSpec((RN, C), _row),
        pl.BlockSpec((RN, C), _row),
        pl.BlockSpec((RN, 1), _row),
        pl.BlockSpec((RN, 1), _row),
        pl.BlockSpec((C, C), _whole),
        pl.BlockSpec((1, C), _whole),
        pl.BlockSpec((C, C), _whole),
        pl.BlockSpec((1, C), _whole),
        pl.BlockSpec((C, 1), _whole),
        pl.BlockSpec((1, 1), _whole),
    ],
    out_specs=pl.BlockSpec((G, 1), _whole),
    out_shape=jax.ShapeDtypeStruct((G, 1), jnp.float32),
    scratch_shapes=[
        pltpu.VMEM((G, C), jnp.float32),
        pltpu.VMEM((G, C), jnp.float32),
    ],
)




def kernel(x, edge_index, e, i, W1, b1, W2, b2, Wd, bd, Wo, bo):
    del e
    src2 = edge_index[0].reshape(EROWS, B)
    dst2 = edge_index[1].reshape(EROWS, B)
    zvec = jnp.zeros((TPW,), jnp.float32)
    ovec = jnp.ones((B,), jnp.float32)
    zrows = jnp.zeros((QTPW, C), jnp.float32)

    deg = _deg_kernel()(dst2, zvec, ovec)
    da = deg[:N].reshape(N, 1)
    db = deg[NPAD:NPAD + N].reshape(N, 1)
    rdeg, xs1 = _prep_kernel(da, db, x)

    s1 = _scatter_kernel()(xs1, src2, dst2, zrows)
    xs2 = _mid_kernel(s1[:N], s1[NPAD:NPAD + N], xs1, rdeg,
                      W1, b1.reshape(1, C))

    s2 = _scatter_kernel()(xs2, src2, dst2, zrows)
    out = _final_kernel(s2[:N], s2[NPAD:NPAD + N], xs2, rdeg,
                        i.reshape(N, 1), W2, b2.reshape(1, C),
                        Wd, bd.reshape(1, C), Wo.reshape(C, 1),
                        bo.reshape(1, 1))
    return out

# --- scband reference (transcript-rebuilt; emitter-appended) ---
"""Pipeline reference for scband-gcnmodel-42709154791630 (READ-ONLY COPY).

The authoritative reference and input builder live on the scoring server;
editing this copy changes nothing except your own understanding.
"""

import jax, jax.numpy as jnp
import numpy as np

N = 10000
E = 320000
F = 128
C = 128
G = 16
N_OUT = 1
D_E = 4

def _leaky(h):
    return jnp.where(h > 0, h, 0.01 * h)

def setup_inputs(seed: int = 0) -> dict:
    key = jax.random.key(seed)
    ks = jax.random.split(key, 12)
    x = jax.random.normal(ks[0], (N, F), dtype=jnp.float32)
    edge_index = jax.random.randint(ks[1], (2, E), 0, N, dtype=jnp.int32)
    e = jax.random.normal(ks[2], (E, D_E), dtype=jnp.float32)
    i = jnp.sort(jax.random.randint(ks[3], (N,), 0, G, dtype=jnp.int32))
    s1 = 1.0 / np.sqrt(F)
    s2 = 1.0 / np.sqrt(C)
    W1 = jax.random.normal(ks[4], (F, C), dtype=jnp.float32) * s1
    b1 = jnp.zeros((C,), dtype=jnp.float32)
    W2 = jax.random.normal(ks[5], (C, C), dtype=jnp.float32) * s2
    b2 = jnp.zeros((C,), dtype=jnp.float32)
    Wd = jax.random.normal(ks[6], (C, C), dtype=jnp.float32) * s2
    bd = jnp.zeros((C,), dtype=jnp.float32)
    Wo = jax.random.normal(ks[7], (C, N_OUT), dtype=jnp.float32) * s2
    bo = jnp.zeros((N_OUT,), dtype=jnp.float32)
    return {"x": x, "edge_index": edge_index, "e": e, "i": i,
            "W1": W1, "b1": b1, "W2": W2, "b2": b2,
            "Wd": Wd, "bd": bd, "Wo": Wo, "bo": bo}

def _gcn_layer(h, src, dst, norm, W, b):
    msg = h[src] * norm[:, None]
    agg = jnp.zeros((h.shape[0], h.shape[1]), dtype=h.dtype).at[dst].add(msg)
    return _leaky(agg @ W + b)

def reference(x, edge_index, e, i, W1, b1, W2, b2, Wd, bd, Wo, bo):
    n = x.shape[0]
    loops = jnp.arange(n, dtype=edge_index.dtype)
    src = jnp.concatenate([edge_index[0], loops])
    dst = jnp.concatenate([edge_index[1], loops])
    deg = jnp.zeros((n,), dtype=x.dtype).at[dst].add(1.0)
    norm = jax.lax.rsqrt(deg[src]) * jax.lax.rsqrt(deg[dst])
    h = _gcn_layer(x, src, dst, norm, W1, b1)
    h = _gcn_layer(h, src, dst, norm, W2, b2)
    sums = jax.ops.segment_sum(h, i, num_segments=G)
    counts = jax.ops.segment_sum(jnp.ones((n, 1), dtype=h.dtype), i, num_segments=G)
    pooled = sums / jnp.maximum(counts, 1.0)
    d = _leaky(pooled @ Wd + bd)
    # Dropout(0.5) is identity at inference time
    out = jax.nn.sigmoid(d @ Wo + bo)
    return out

if __name__ == "__main__":
    import jax
    _d = setup_inputs()
    print(jax.jit(kernel)(*tuple(_d.values())))

</pallas_src>

<mosaic_0001>
#map = affine_map<(d0, d1) -> (0, 0)>
module attributes {stable_mosaic.version = 14 : i64} {
  func.func @_scatter_body(%arg0: i32, %arg1: i32, %arg2: memref<10000x128xf32, #tpu.memory_space<hbm>>, %arg3: memref<2560x125xi32, #tpu.memory_space<hbm>>, %arg4: memref<2560x125xi32, #tpu.memory_space<hbm>>, %arg5: memref<80x128xf32, #tpu.memory_space<hbm>>, %arg6: memref<20480x128xf32, #tpu.memory_space<hbm>>, %arg7: memref<10240x128xf32, #tpu.memory_space<vmem_shared>>, %arg8: memref<40x125xi32, #tpu.memory_space<vmem>>, %arg9: memref<40x125xi32, #tpu.memory_space<vmem>>, %arg10: memref<125x128xf32, #tpu.memory_space<vmem>>, %arg11: memref<125x128xf32, #tpu.memory_space<vmem>>, %arg12: memref<!tpu.dma_semaphore, #tpu.memory_space<semaphore_mem>>, %arg13: memref<!tpu.dma_semaphore, #tpu.memory_space<semaphore_mem>>, %arg14: memref<!tpu.dma_semaphore, #tpu.memory_space<semaphore_mem>>, %arg15: memref<!tpu.dma_semaphore, #tpu.memory_space<semaphore_mem>>) attributes {dimension_semantics = [#tpu.dimension_semantics<core_parallel>, #tpu.dimension_semantics<subcore_parallel>], iteration_bounds = array<i64: 2, 16>, scalar_prefetch = 0 : i64, scratch_operands = 9 : i64, tpu.core_type = #tpu.core_type<sc_vector_subcore>, window_params = [{transform_indices = #map}, {transform_indices = #map}, {transform_indices = #map}, {transform_indices = #map}, {transform_indices = #map}]} {
    %mul3A = arith.constant 16 : i32
    %mul3A_0 = arith.muli %arg0, %mul3A : i32
    %add3A = arith.addi %mul3A_0, %arg1 : i32
    %mul3A_1 = arith.constant 640 : i32
    %mul3A_2 = arith.muli %arg1, %mul3A_1 : i32
    "tpu.region"() ({
      %run_scoped3A = tpu.sem_alloc : memref<!tpu.dma_semaphore, #tpu.memory_space<semaphore_mem>>
      %dma_start3A_121 = arith.constant 0 : i32
      %dma_start3A_122 = arith.constant 0 : i32
      %dma_start3A_123 = tpu.memref_slice %arg10[%dma_start3A_121, %dma_start3A_122] : memref<125x128xf32, #tpu.memory_space<vmem>> -> memref<80x128xf32, #tpu.memory_space<vmem>>
      %dma_start3A_124 = arith.constant 0 : i32
      %dma_start3A_125 = arith.constant 0 : i32
      %dma_start3A_126 = tpu.memref_slice %arg10[%dma_start3A_124, %dma_start3A_125] : memref<125x128xf32, #tpu.memory_space<vmem>> -> memref<80x128xf32, #tpu.memory_space<vmem>>
      tpu.enqueue_dma source(%arg5 : memref<80x128xf32, #tpu.memory_space<hbm>>) target(%dma_start3A_126 : memref<80x128xf32, #tpu.memory_space<vmem>>) target_semaphore(%run_scoped3A : memref<!tpu.dma_semaphore, #tpu.memory_space<semaphore_mem>>)
      %dma_wait3A_127 = arith.constant 0 : i32
      %dma_wait3A_128 = arith.constant 0 : i32
      %dma_wait3A_129 = tpu.memref_slice %arg10[%dma_wait3A_127, %dma_wait3A_128] : memref<125x128xf32, #tpu.memory_space<vmem>> -> memref<80x128xf32, #tpu.memory_space<vmem>>
      %dma_wait3A_130 = arith.constant 0 : i32
      %dma_wait3A_131 = arith.constant 0 : i32
      %dma_wait3A_132 = tpu.memref_slice %arg10[%dma_wait3A_130, %dma_wait3A_131] : memref<125x128xf32, #tpu.memory_space<vmem>> -> memref<80x128xf32, #tpu.memory_space<vmem>>
      tpu.wait_dma2 semaphore(%run_scoped3A : memref<!tpu.dma_semaphore, #tpu.memory_space<semaphore_mem>>) src(%arg5 : memref<80x128xf32, #tpu.memory_space<hbm>>) dst(%dma_wait3A_132 : memref<80x128xf32, #tpu.memory_space<vmem>>)
      tpu.yield
    }) : () -> ()
    %add3A_3 = arith.constant 0 : i32
    %add3A_4 = arith.addi %mul3A_2, %add3A_3 : i32
    "tpu.region"() ({
      %run_scoped3A = tpu.sem_alloc : memref<!tpu.dma_semaphore, #tpu.memory_space<semaphore_mem>>
      %dma_start3A_121 = arith.constant 0 : i32
      %dma_start3A_122 = arith.constant 0 : i32
      %dma_start3A_123 = tpu.memref_slice %arg10[%dma_start3A_121, %dma_start3A_122] : memref<125x128xf32, #tpu.memory_space<vmem>> -> memref<80x128xf32, #tpu.memory_space<vmem>>
      %dma_start3A_124 = arith.constant 0 : i32
      %dma_start3A_125 = tpu.memref_slice %arg7[%add3A_4, %dma_start3A_124] : memref<10240x128xf32, #tpu.memory_space<vmem_shared>> -> memref<80x128xf32, #tpu.memory_space<vmem_shared>>
      %dma_start3A_126 = arith.constant 0 : i32
      %dma_start3A_127 = tpu.memref_slice %arg7[%add3A_4, %dma_start3A_126] : memref<10240x128xf32, #tpu.memory_space<vmem_shared>> -> memref<80x128xf32, #tpu.memory_space<vmem_shared>>
      %dma_start3A_128 = arith.constant 0 : i32
      %dma_start3A_129 = arith.constant 0 : i32
      %dma_start3A_130 = tpu.memref_slice %arg10[%dma_start3A_128, %dma_start3A_129] : memref<125x128xf32, #tpu.memory_space<vmem>> -> memref<80x128xf32, #tpu.memory_space<vmem>>
      tpu.enqueue_dma source(%dma_start3A_130 : memref<80x128xf32, #tpu.memory_space<vmem>>) target(%dma_start3A_127 : memref<80x128xf32, #tpu.memory_space<vmem_shared>>) target_semaphore(%run_scoped3A : memref<!tpu.dma_semaphore, #tpu.memory_space<semaphore_mem>>)
      %dma_wait3A_131 = arith.constant 0 : i32
      %dma_wait3A_132 = arith.constant 0 : i32
      %dma_wait3A_133 = tpu.memref_slice %arg10[%dma_wait3A_131, %dma_wait3A_132] : memref<125x128xf32, #tpu.memory_space<vmem>> -> memref<80x128xf32, #tpu.memory_space<vmem>>
      %dma_wait3A_134 = arith.constant 0 : i32
      %dma_wait3A_135 = tpu.memref_slice %arg7[%add3A_4, %dma_wait3A_134] : memref<10240x128xf32, #tpu.memory_space<vmem_shared>> -> memref<80x128xf32, #tpu.memory_space<vmem_shared>>
      %dma_wait3A_136 = arith.constant 0 : i32
      %dma_wait3A_137 = tpu.memref_slice %arg7[%add3A_4, %dma_wait3A_136] : memref<10240x128xf32, #tpu.memory_space<vmem_shared>> -> memref<80x128xf32, #tpu.memory_space<vmem_shared>>
      %dma_wait3A_138 = arith.constant 0 : i32
      %dma_wait3A_139 = arith.constant 0 : i32
      %dma_wait3A_140 = tpu.memref_slice %arg10[%dma_wait3A_138, %dma_wait3A_139] : memref<125x128xf32, #tpu.memory_space<vmem>> -> memref<80x128xf32, #tpu.memory_space<vmem>>
      tpu.wait_dma2 semaphore(%run_scoped3A : memref<!tpu.dma_semaphore, #tpu.memory_space<semaphore_mem>>) src(%dma_wait3A_140 : memref<80x128xf32, #tpu.memory_space<vmem>>) dst(%dma_wait3A_137 : memref<80x128xf32, #tpu.memory_space<vmem_shared>>)
      tpu.yield
    }) : () -> ()
    %add3A_5 = arith.constant 80 : i32
    %add3A_6 = arith.addi %mul3A_2, %add3A_5 : i32
    "tpu.region"() ({
      %run_scoped3A = tpu.sem_alloc : memref<!tpu.dma_semaphore, #tpu.memory_space<semaphore_mem>>
      %dma_start3A_121 = arith.constant 0 : i32
      %dma_start3A_122 = arith.constant 0 : i32
      %dma_start3A_123 = tpu.memref_slice %arg10[%dma_start3A_121, %dma_start3A_122] : memref<125x128xf32, #tpu.memory_space<vmem>> -> memref<80x128xf32, #tpu.memory_space<vmem>>
      %dma_start3A_124 = arith.constant 0 : i32
      %dma_start3A_125 = tpu.memref_slice %arg7[%add3A_6, %dma_start3A_124] : memref<10240x128xf32, #tpu.memory_space<vmem_shared>> -> memref<80x128xf32, #tpu.memory_space<vmem_shared>>
      %dma_start3A_126 = arith.constant 0 : i32
      %dma_start3A_127 = tpu.memref_slice %arg7[%add3A_6, %dma_start3A_126] : memref<10240x128xf32, #tpu.memory_space<vmem_shared>> -> memref<80x128xf32, #tpu.memory_space<vmem_shared>>
      %dma_start3A_128 = arith.constant 0 : i32
      %dma_start3A_129 = arith.constant 0 : i32
      %dma_start3A_130 = tpu.memref_slice %arg10[%dma_start3A_128, %dma_start3A_129] : memref<125x128xf32, #tpu.memory_space<vmem>> -> memref<80x128xf32, #tpu.memory_space<vmem>>
      tpu.enqueue_dma source(%dma_start3A_130 : memref<80x128xf32, #tpu.memory_space<vmem>>) target(%dma_start3A_127 : memref<80x128xf32, #tpu.memory_space<vmem_shared>>) target_semaphore(%run_scoped3A : memref<!tpu.dma_semaphore, #tpu.memory_space<semaphore_mem>>)
      %dma_wait3A_131 = arith.constant 0 : i32
      %dma_wait3A_132 = arith.constant 0 : i32
      %dma_wait3A_133 = tpu.memref_slice %arg10[%dma_wait3A_131, %dma_wait3A_132] : memref<125x128xf32, #tpu.memory_space<vmem>> -> memref<80x128xf32, #tpu.memory_space<vmem>>
      %dma_wait3A_134 = arith.constant 0 : i32
      %dma_wait3A_135 = tpu.memref_slice %arg7[%add3A_6, %dma_wait3A_134] : memref<10240x128xf32, #tpu.memory_space<vmem_shared>> -> memref<80x128xf32, #tpu.memory_space<vmem_shared>>
      %dma_wait3A_136 = arith.constant 0 : i32
      %dma_wait3A_137 = tpu.memref_slice %arg7[%add3A_6, %dma_wait3A_136] : memref<10240x128xf32, #tpu.memory_space<vmem_shared>> -> memref<80x128xf32, #tpu.memory_space<vmem_shared>>
      %dma_wait3A_138 = arith.constant 0 : i32
      %dma_wait3A_139 = arith.constant 0 : i32
      %dma_wait3A_140 = tpu.memref_slice %arg10[%dma_wait3A_138, %dma_wait3A_139] : memref<125x128xf32, #tpu.memory_space<vmem>> -> memref<80x128xf32, #tpu.memory_space<vmem>>
      tpu.wait_dma2 semaphore(%run_scoped3A : memref<!tpu.dma_semaphore, #tpu.memory_space<semaphore_mem>>) src(%dma_wait3A_140 : memref<80x128xf32, #tpu.memory_space<vmem>>) dst(%dma_wait3A_137 : memref<80x128xf32, #tpu.memory_space<vmem_shared>>)
      tpu.yield
    }) : () -> ()
    %add3A_7 = arith.constant 160 : i32
    %add3A_8 = arith.addi %mul3A_2, %add3A_7 : i32
    "tpu.region"() ({
      %run_scoped3A = tpu.sem_alloc : memref<!tpu.dma_semaphore, #tpu.memory_space<semaphore_mem>>
      %dma_start3A_121 = arith.constant 0 : i32
      %dma_start3A_122 = arith.constant 0 : i32
      %dma_start3A_123 = tpu.memref_slice %arg10[%dma_start3A_121, %dma_start3A_122] : memref<125x128xf32, #tpu.memory_space<vmem>> -> memref<80x128xf32, #tpu.memory_space<vmem>>
      %dma_start3A_124 = arith.constant 0 : i32
      %dma_start3A_125 = tpu.memref_slice %arg7[%add3A_8, %dma_start3A_124] : memref<10240x128xf32, #tpu.memory_space<vmem_shared>> -> memref<80x128xf32, #tpu.memory_space<vmem_shared>>
      %dma_start3A_126 = arith.constant 0 : i32
      %dma_start3A_127 = tpu.memref_slice %arg7[%add3A_8, %dma_start3A_126] : memref<10240x128xf32, #tpu.memory_space<vmem_shared>> -> memref<80x128xf32, #tpu.memory_space<vmem_shared>>
      %dma_start3A_128 = arith.constant 0 : i32
      %dma_start3A_129 = arith.constant 0 : i32
      %dma_start3A_130 = tpu.memref_slice %arg10[%dma_start3A_128, %dma_start3A_129] : memref<125x128xf32, #tpu.memory_space<vmem>> -> memref<80x128xf32, #tpu.memory_space<vmem>>
      tpu.enqueue_dma source(%dma_start3A_130 : memref<80x128xf32, #tpu.memory_space<vmem>>) target(%dma_start3A_127 : memref<80x128xf32, #tpu.memory_space<vmem_shared>>) target_semaphore(%run_scoped3A : memref<!tpu.dma_semaphore, #tpu.memory_space<semaphore_mem>>)
      %dma_wait3A_131 = arith.constant 0 : i32
      %dma_wait3A_132 = arith.constant 0 : i32
      %dma_wait3A_133 = tpu.memref_slice %arg10[%dma_wait3A_131, %dma_wait3A_132] : memref<125x128xf32, #tpu.memory_space<vmem>> -> memref<80x128xf32, #tpu.memory_space<vmem>>
      %dma_wait3A_134 = arith.constant 0 : i32
      %dma_wait3A_135 = tpu.memref_slice %arg7[%add3A_8, %dma_wait3A_134] : memref<10240x128xf32, #tpu.memory_space<vmem_shared>> -> memref<80x128xf32, #tpu.memory_space<vmem_shared>>
      %dma_wait3A_136 = arith.constant 0 : i32
      %dma_wait3A_137 = tpu.memref_slice %arg7[%add3A_8, %dma_wait3A_136] : memref<10240x128xf32, #tpu.memory_space<vmem_shared>> -> memref<80x128xf32, #tpu.memory_space<vmem_shared>>
      %dma_wait3A_138 = arith.constant 0 : i32
      %dma_wait3A_139 = arith.constant 0 : i32
      %dma_wait3A_140 = tpu.memref_slice %arg10[%dma_wait3A_138, %dma_wait3A_139] : memref<125x128xf32, #tpu.memory_space<vmem>> -> memref<80x128xf32, #tpu.memory_space<vmem>>
      tpu.wait_dma2 semaphore(%run_scoped3A : memref<!tpu.dma_semaphore, #tpu.memory_space<semaphore_mem>>) src(%dma_wait3A_140 : memref<80x128xf32, #tpu.memory_space<vmem>>) dst(%dma_wait3A_137 : memref<80x128xf32, #tpu.memory_space<vmem_shared>>)
      tpu.yield
    }) : () -> ()
    %add3A_9 = arith.constant 240 : i32
    %add3A_10 = arith.addi %mul3A_2, %add3A_9 : i32
    "tpu.region"() ({
      %run_scoped3A = tpu.sem_alloc : memref<!tpu.dma_semaphore, #tpu.memory_space<semaphore_mem>>
      %dma_start3A_121 = arith.constant 0 : i32
      %dma_start3A_122 = arith.constant 0 : i32
      %dma_start3A_123 = tpu.memref_slice %arg10[%dma_start3A_121, %dma_start3A_122] : memref<125x128xf32, #tpu.memory_space<vmem>> -> memref<80x128xf32, #tpu.memory_space<vmem>>
      %dma_start3A_124 = arith.constant 0 : i32
      %dma_start3A_125 = tpu.memref_slice %arg7[%add3A_10, %dma_start3A_124] : memref<10240x128xf32, #tpu.memory_space<vmem_shared>> -> memref<80x128xf32, #tpu.memory_space<vmem_shared>>
      %dma_start3A_126 = arith.constant 0 : i32
      %dma_start3A_127 = tpu.memref_slice %arg7[%add3A_10, %dma_start3A_126] : memref<10240x128xf32, #tpu.memory_space<vmem_shared>> -> memref<80x128xf32, #tpu.memory_space<vmem_shared>>
      %dma_start3A_128 = arith.constant 0 : i32
      %dma_start3A_129 = arith.constant 0 : i32
      %dma_start3A_130 = tpu.memref_slice %arg10[%dma_start3A_128, %dma_start3A_129] : memref<125x128xf32, #tpu.memory_space<vmem>> -> memref<80x128xf32, #tpu.memory_space<vmem>>
      tpu.enqueue_dma source(%dma_start3A_130 : memref<80x128xf32, #tpu.memory_space<vmem>>) target(%dma_start3A_127 : memref<80x128xf32, #tpu.memory_space<vmem_shared>>) target_semaphore(%run_scoped3A : memref<!tpu.dma_semaphore, #tpu.memory_space<semaphore_mem>>)
      %dma_wait3A_131 = arith.constant 0 : i32
      %dma_wait3A_132 = arith.constant 0 : i32
      %dma_wait3A_133 = tpu.memref_slice %arg10[%dma_wait3A_131, %dma_wait3A_132] : memref<125x128xf32, #tpu.memory_space<vmem>> -> memref<80x128xf32, #tpu.memory_space<vmem>>
      %dma_wait3A_134 = arith.constant 0 : i32
      %dma_wait3A_135 = tpu.memref_slice %arg7[%add3A_10, %dma_wait3A_134] : memref<10240x128xf32, #tpu.memory_space<vmem_shared>> -> memref<80x128xf32, #tpu.memory_space<vmem_shared>>
      %dma_wait3A_136 = arith.constant 0 : i32
      %dma_wait3A_137 = tpu.memref_slice %arg7[%add3A_10, %dma_wait3A_136] : memref<10240x128xf32, #tpu.memory_space<vmem_shared>> -> memref<80x128xf32, #tpu.memory_space<vmem_shared>>
      %dma_wait3A_138 = arith.constant 0 : i32
      %dma_wait3A_139 = arith.constant 0 : i32
      %dma_wait3A_140 = tpu.memref_slice %arg10[%dma_wait3A_138, %dma_wait3A_139] : memref<125x128xf32, #tpu.memory_space<vmem>> -> memref<80x128xf32, #tpu.memory_space<vmem>>
      tpu.wait_dma2 semaphore(%run_scoped3A : memref<!tpu.dma_semaphore, #tpu.memory_space<semaphore_mem>>) src(%dma_wait3A_140 : memref<80x128xf32, #tpu.memory_space<vmem>>) dst(%dma_wait3A_137 : memref<80x128xf32, #tpu.memory_space<vmem_shared>>)
      tpu.yield
    }) : () -> ()
    %add3A_11 = arith.constant 320 : i32
    %add3A_12 = arith.addi %mul3A_2, %add3A_11 : i32
    "tpu.region"() ({
      %run_scoped3A = tpu.sem_alloc : memref<!tpu.dma_semaphore, #tpu.memory_space<semaphore_mem>>
      %dma_start3A_121 = arith.constant 0 : i32
      %dma_start3A_122 = arith.constant 0 : i32
      %dma_start3A_123 = tpu.memref_slice %arg10[%dma_start3A_121, %dma_start3A_122] : memref<125x128xf32, #tpu.memory_space<vmem>> -> memref<80x128xf32, #tpu.memory_space<vmem>>
      %dma_start3A_124 = arith.constant 0 : i32
      %dma_start3A_125 = tpu.memref_slice %arg7[%add3A_12, %dma_start3A_124] : memref<10240x128xf32, #tpu.memory_space<vmem_shared>> -> memref<80x128xf32, #tpu.memory_space<vmem_shared>>
      %dma_start3A_126 = arith.constant 0 : i32
      %dma_start3A_127 = tpu.memref_slice %arg7[%add3A_12, %dma_start3A_126] : memref<10240x128xf32, #tpu.memory_space<vmem_shared>> -> memref<80x128xf32, #tpu.memory_space<vmem_shared>>
      %dma_start3A_128 = arith.constant 0 : i32
      %dma_start3A_129 = arith.constant 0 : i32
      %dma_start3A_130 = tpu.memref_slice %arg10[%dma_start3A_128, %dma_start3A_129] : memref<125x128xf32, #tpu.memory_space<vmem>> -> memref<80x128xf32, #tpu.memory_space<vmem>>
      tpu.enqueue_dma source(%dma_start3A_130 : memref<80x128xf32, #tpu.memory_space<vmem>>) target(%dma_start3A_127 : memref<80x128xf32, #tpu.memory_space<vmem_shared>>) target_semaphore(%run_scoped3A : memref<!tpu.dma_semaphore, #tpu.memory_space<semaphore_mem>>)
      %dma_wait3A_131 = arith.constant 0 : i32
      %dma_wait3A_132 = arith.constant 0 : i32
      %dma_wait3A_133 = tpu.memref_slice %arg10[%dma_wait3A_131, %dma_wait3A_132] : memref<125x128xf32, #tpu.memory_space<vmem>> -> memref<80x128xf32, #tpu.memory_space<vmem>>
      %dma_wait3A_134 = arith.constant 0 : i32
      %dma_wait3A_135 = tpu.memref_slice %arg7[%add3A_12, %dma_wait3A_134] : memref<10240x128xf32, #tpu.memory_space<vmem_shared>> -> memref<80x128xf32, #tpu.memory_space<vmem_shared>>
      %dma_wait3A_136 = arith.constant 0 : i32
      %dma_wait3A_137 = tpu.memref_slice %arg7[%add3A_12, %dma_wait3A_136] : memref<10240x128xf32, #tpu.memory_space<vmem_shared>> -> memref<80x128xf32, #tpu.memory_space<vmem_shared>>
      %dma_wait3A_138 = arith.constant 0 : i32
      %dma_wait3A_139 = arith.constant 0 : i32
      %dma_wait3A_140 = tpu.memref_slice %arg10[%dma_wait3A_138, %dma_wait3A_139] : memref<125x128xf32, #tpu.memory_space<vmem>> -> memref<80x128xf32, #tpu.memory_space<vmem>>
      tpu.wait_dma2 semaphore(%run_scoped3A : memref<!tpu.dma_semaphore, #tpu.memory_space<semaphore_mem>>) src(%dma_wait3A_140 : memref<80x128xf32, #tpu.memory_space<vmem>>) dst(%dma_wait3A_137 : memref<80x128xf32, #tpu.memory_space<vmem_shared>>)
      tpu.yield
    }) : () -> ()
    %add3A_13 = arith.constant 400 : i32
    %add3A_14 = arith.addi %mul3A_2, %add3A_13 : i32
    "tpu.region"() ({
      %run_scoped3A = tpu.sem_alloc : memref<!tpu.dma_semaphore, #tpu.memory_space<semaphore_mem>>
      %dma_start3A_121 = arith.constant 0 : i32
      %dma_start3A_122 = arith.constant 0 : i32
      %dma_start3A_123 = tpu.memref_slice %arg10[%dma_start3A_121, %dma_start3A_122] : memref<125x128xf32, #tpu.memory_space<vmem>> -> memref<80x128xf32, #tpu.memory_space<vmem>>
      %dma_start3A_124 = arith.constant 0 : i32
      %dma_start3A_125 = tpu.memref_slice %arg7[%add3A_14, %dma_start3A_124] : memref<10240x128xf32, #tpu.memory_space<vmem_shared>> -> memref<80x128xf32, #tpu.memory_space<vmem_shared>>
      %dma_start3A_126 = arith.constant 0 : i32
      %dma_start3A_127 = tpu.memref_slice %arg7[%add3A_14, %dma_start3A_126] : memref<10240x128xf32, #tpu.memory_space<vmem_shared>> -> memref<80x128xf32, #tpu.memory_space<vmem_shared>>
      %dma_start3A_128 = arith.constant 0 : i32
      %dma_start3A_129 = arith.constant 0 : i32
      %dma_start3A_130 = tpu.memref_slice %arg10[%dma_start3A_128, %dma_start3A_129] : memref<125x128xf32, #tpu.memory_space<vmem>> -> memref<80x128xf32, #tpu.memory_space<vmem>>
      tpu.enqueue_dma source(%dma_start3A_130 : memref<80x128xf32, #tpu.memory_space<vmem>>) target(%dma_start3A_127 : memref<80x128xf32, #tpu.memory_space<vmem_shared>>) target_semaphore(%run_scoped3A : memref<!tpu.dma_semaphore, #tpu.memory_space<semaphore_mem>>)
      %dma_wait3A_131 = arith.constant 0 : i32
      %dma_wait3A_132 = arith.constant 0 : i32
      %dma_wait3A_133 = tpu.memref_slice %arg10[%dma_wait3A_131, %dma_wait3A_132] : memref<125x128xf32, #tpu.memory_space<vmem>> -> memref<80x128xf32, #tpu.memory_space<vmem>>
      %dma_wait3A_134 = arith.constant 0 : i32
      %dma_wait3A_135 = tpu.memref_slice %arg7[%add3A_14, %dma_wait3A_134] : memref<10240x128xf32, #tpu.memory_space<vmem_shared>> -> memref<80x128xf32, #tpu.memory_space<vmem_shared>>
      %dma_wait3A_136 = arith.constant 0 : i32
      %dma_wait3A_137 = tpu.memref_slice %arg7[%add3A_14, %dma_wait3A_136] : memref<10240x128xf32, #tpu.memory_space<vmem_shared>> -> memref<80x128xf32, #tpu.memory_space<vmem_shared>>
      %dma_wait3A_138 = arith.constant 0 : i32
      %dma_wait3A_139 = arith.constant 0 : i32
      %dma_wait3A_140 = tpu.memref_slice %arg10[%dma_wait3A_138, %dma_wait3A_139] : memref<125x128xf32, #tpu.memory_space<vmem>> -> memref<80x128xf32, #tpu.memory_space<vmem>>
      tpu.wait_dma2 semaphore(%run_scoped3A : memref<!tpu.dma_semaphore, #tpu.memory_space<semaphore_mem>>) src(%dma_wait3A_140 : memref<80x128xf32, #tpu.memory_space<vmem>>) dst(%dma_wait3A_137 : memref<80x128xf32, #tpu.memory_space<vmem_shared>>)
      tpu.yield
    }) : () -> ()
    %add3A_15 = arith.constant 480 : i32
    %add3A_16 = arith.addi %mul3A_2, %add3A_15 : i32
    "tpu.region"() ({
      %run_scoped3A = tpu.sem_alloc : memref<!tpu.dma_semaphore, #tpu.memory_space<semaphore_mem>>
      %dma_start3A_121 = arith.constant 0 : i32
      %dma_start3A_122 = arith.constant 0 : i32
      %dma_start3A_123 = tpu.memref_slice %arg10[%dma_start3A_121, %dma_start3A_122] : memref<125x128xf32, #tpu.memory_space<vmem>> -> memref<80x128xf32, #tpu.memory_space<vmem>>
      %dma_start3A_124 = arith.constant 0 : i32
      %dma_start3A_125 = tpu.memref_slice %arg7[%add3A_16, %dma_start3A_124] : memref<10240x128xf32, #tpu.memory_space<vmem_shared>> -> memref<80x128xf32, #tpu.memory_space<vmem_shared>>
      %dma_start3A_126 = arith.constant 0 : i32
      %dma_start3A_127 = tpu.memref_slice %arg7[%add3A_16, %dma_start3A_126] : memref<10240x128xf32, #tpu.memory_space<vmem_shared>> -> memref<80x128xf32, #tpu.memory_space<vmem_shared>>
      %dma_start3A_128 = arith.constant 0 : i32
      %dma_start3A_129 = arith.constant 0 : i32
      %dma_start3A_130 = tpu.memref_slice %arg10[%dma_start3A_128, %dma_start3A_129] : memref<125x128xf32, #tpu.memory_space<vmem>> -> memref<80x128xf32, #tpu.memory_space<vmem>>
      tpu.enqueue_dma source(%dma_start3A_130 : memref<80x128xf32, #tpu.memory_space<vmem>>) target(%dma_start3A_127 : memref<80x128xf32, #tpu.memory_space<vmem_shared>>) target_semaphore(%run_scoped3A : memref<!tpu.dma_semaphore, #tpu.memory_space<semaphore_mem>>)
      %dma_wait3A_131 = arith.constant 0 : i32
      %dma_wait3A_132 = arith.constant 0 : i32
      %dma_wait3A_133 = tpu.memref_slice %arg10[%dma_wait3A_131, %dma_wait3A_132] : memref<125x128xf32, #tpu.memory_space<vmem>> -> memref<80x128xf32, #tpu.memory_space<vmem>>
      %dma_wait3A_134 = arith.constant 0 : i32
      %dma_wait3A_135 = tpu.memref_slice %arg7[%add3A_16, %dma_wait3A_134] : memref<10240x128xf32, #tpu.memory_space<vmem_shared>> -> memref<80x128xf32, #tpu.memory_space<vmem_shared>>
      %dma_wait3A_136 = arith.constant 0 : i32
      %dma_wait3A_137 = tpu.memref_slice %arg7[%add3A_16, %dma_wait3A_136] : memref<10240x128xf32, #tpu.memory_space<vmem_shared>> -> memref<80x128xf32, #tpu.memory_space<vmem_shared>>
      %dma_wait3A_138 = arith.constant 0 : i32
      %dma_wait3A_139 = arith.constant 0 : i32
      %dma_wait3A_140 = tpu.memref_slice %arg10[%dma_wait3A_138, %dma_wait3A_139] : memref<125x128xf32, #tpu.memory_space<vmem>> -> memref<80x128xf32, #tpu.memory_space<vmem>>
      tpu.wait_dma2 semaphore(%run_scoped3A : memref<!tpu.dma_semaphore, #tpu.memory_space<semaphore_mem>>) src(%dma_wait3A_140 : memref<80x128xf32, #tpu.memory_space<vmem>>) dst(%dma_wait3A_137 : memref<80x128xf32, #tpu.memory_space<vmem_shared>>)
      tpu.yield
    }) : () -> ()
    %add3A_17 = arith.constant 560 : i32
    %add3A_18 = arith.addi %mul3A_2, %add3A_17 : i32
    "tpu.region"() ({
      %run_scoped3A = tpu.sem_alloc : memref<!tpu.dma_semaphore, #tpu.memory_space<semaphore_mem>>
      %dma_start3A_121 = arith.constant 0 : i32
      %dma_start3A_122 = arith.constant 0 : i32
      %dma_start3A_123 = tpu.memref_slice %arg10[%dma_start3A_121, %dma_start3A_122] : memref<125x128xf32, #tpu.memory_space<vmem>> -> memref<80x128xf32, #tpu.memory_space<vmem>>
      %dma_start3A_124 = arith.constant 0 : i32
      %dma_start3A_125 = tpu.memref_slice %arg7[%add3A_18, %dma_start3A_124] : memref<10240x128xf32, #tpu.memory_space<vmem_shared>> -> memref<80x128xf32, #tpu.memory_space<vmem_shared>>
      %dma_start3A_126 = arith.constant 0 : i32
      %dma_start3A_127 = tpu.memref_slice %arg7[%add3A_18, %dma_start3A_126] : memref<10240x128xf32, #tpu.memory_space<vmem_shared>> -> memref<80x128xf32, #tpu.memory_space<vmem_shared>>
      %dma_start3A_128 = arith.constant 0 : i32
      %dma_start3A_129 = arith.constant 0 : i32
      %dma_start3A_130 = tpu.memref_slice %arg10[%dma_start3A_128, %dma_start3A_129] : memref<125x128xf32, #tpu.memory_space<vmem>> -> memref<80x128xf32, #tpu.memory_space<vmem>>
      tpu.enqueue_dma source(%dma_start3A_130 : memref<80x128xf32, #tpu.memory_space<vmem>>) target(%dma_start3A_127 : memref<80x128xf32, #tpu.memory_space<vmem_shared>>) target_semaphore(%run_scoped3A : memref<!tpu.dma_semaphore, #tpu.memory_space<semaphore_mem>>)
      %dma_wait3A_131 = arith.constant 0 : i32
      %dma_wait3A_132 = arith.constant 0 : i32
      %dma_wait3A_133 = tpu.memref_slice %arg10[%dma_wait3A_131, %dma_wait3A_132] : memref<125x128xf32, #tpu.memory_space<vmem>> -> memref<80x128xf32, #tpu.memory_space<vmem>>
      %dma_wait3A_134 = arith.constant 0 : i32
      %dma_wait3A_135 = tpu.memref_slice %arg7[%add3A_18, %dma_wait3A_134] : memref<10240x128xf32, #tpu.memory_space<vmem_shared>> -> memref<80x128xf32, #tpu.memory_space<vmem_shared>>
      %dma_wait3A_136 = arith.constant 0 : i32
      %dma_wait3A_137 = tpu.memref_slice %arg7[%add3A_18, %dma_wait3A_136] : memref<10240x128xf32, #tpu.memory_space<vmem_shared>> -> memref<80x128xf32, #tpu.memory_space<vmem_shared>>
      %dma_wait3A_138 = arith.constant 0 : i32
      %dma_wait3A_139 = arith.constant 0 : i32
      %dma_wait3A_140 = tpu.memref_slice %arg10[%dma_wait3A_138, %dma_wait3A_139] : memref<125x128xf32, #tpu.memory_space<vmem>> -> memref<80x128xf32, #tpu.memory_space<vmem>>
      tpu.wait_dma2 semaphore(%run_scoped3A : memref<!tpu.dma_semaphore, #tpu.memory_space<semaphore_mem>>) src(%dma_wait3A_140 : memref<80x128xf32, #tpu.memory_space<vmem>>) dst(%dma_wait3A_137 : memref<80x128xf32, #tpu.memory_space<vmem_shared>>)
      tpu.yield
    }) : () -> ()
    %barrier3A = arith.constant 0 : index
    tpu.barrier barrier_id(%barrier3A)
    %mul3A_19 = arith.constant 80 : i32
    %mul3A_20 = arith.muli %add3A, %mul3A_19 : i32
    %add3A_21 = arith.constant 0 : i32
    %add3A_22 = arith.addi %mul3A_20, %add3A_21 : i32
    "tpu.region"() ({
      %run_scoped3A = tpu.sem_alloc : memref<!tpu.dma_semaphore, #tpu.memory_space<semaphore_mem>>
      %dma_start3A_121 = arith.constant 0 : i32
      %dma_start3A_122 = tpu.memref_slice %arg3[%add3A_22, %dma_start3A_121] : memref<2560x125xi32, #tpu.memory_space<hbm>> -> memref<40x125xi32, #tpu.memory_space<hbm>>
      %dma_start3A_123 = arith.constant 0 : i32
      %dma_start3A_124 = tpu.memref_slice %arg3[%add3A_22, %dma_start3A_123] : memref<2560x125xi32, #tpu.memory_space<hbm>> -> memref<40x125xi32, #tpu.memory_space<hbm>>
      tpu.enqueue_dma source(%dma_start3A_124 : memref<40x125xi32, #tpu.memory_space<hbm>>) target(%arg8 : memref<40x125xi32, #tpu.memory_space<vmem>>) target_semaphore(%run_scoped3A : memref<!tpu.dma_semaphore, #tpu.memory_space<semaphore_mem>>)
      %dma_wait3A_125 = arith.constant 0 : i32
      %dma_wait3A_126 = tpu.memref_slice %arg3[%add3A_22, %dma_wait3A_125] : memref<2560x125xi32, #tpu.memory_space<hbm>> -> memref<40x125xi32, #tpu.memory_space<hbm>>
      %dma_wait3A_127 = arith.constant 0 : i32
      %dma_wait3A_128 = tpu.memref_slice %arg3[%add3A_22, %dma_wait3A_127] : memref<2560x125xi32, #tpu.memory_space<hbm>> -> memref<40x125xi32, #tpu.memory_space<hbm>>
      tpu.wait_dma2 semaphore(%run_scoped3A : memref<!tpu.dma_semaphore, #tpu.memory_space<semaphore_mem>>) src(%dma_wait3A_128 : memref<40x125xi32, #tpu.memory_space<hbm>>) dst(%arg8 : memref<40x125xi32, #tpu.memory_space<vmem>>)
      tpu.yield
    }) : () -> ()
    "tpu.region"() ({
      %run_scoped3A = tpu.sem_alloc : memref<!tpu.dma_semaphore, #tpu.memory_space<semaphore_mem>>
      %dma_start3A_121 = arith.constant 0 : i32
      %dma_start3A_122 = tpu.memref_slice %arg4[%add3A_22, %dma_start3A_121] : memref<2560x125xi32, #tpu.memory_space<hbm>> -> memref<40x125xi32, #tpu.memory_space<hbm>>
      %dma_start3A_123 = arith.constant 0 : i32
      %dma_start3A_124 = tpu.memref_slice %arg4[%add3A_22, %dma_start3A_123] : memref<2560x125xi32, #tpu.memory_space<hbm>> -> memref<40x125xi32, #tpu.memory_space<hbm>>
      tpu.enqueue_dma source(%dma_start3A_124 : memref<40x125xi32, #tpu.memory_space<hbm>>) target(%arg9 : memref<40x125xi32, #tpu.memory_space<vmem>>) target_semaphore(%run_scoped3A : memref<!tpu.dma_semaphore, #tpu.memory_space<semaphore_mem>>)
      %dma_wait3A_125 = arith.constant 0 : i32
      %dma_wait3A_126 = tpu.memref_slice %arg4[%add3A_22, %dma_wait3A_125] : memref<2560x125xi32, #tpu.memory_space<hbm>> -> memref<40x125xi32, #tpu.memory_space<hbm>>
      %dma_wait3A_127 = arith.constant 0 : i32
      %dma_wait3A_128 = tpu.memref_slice %arg4[%add3A_22, %dma_wait3A_127] : memref<2560x125xi32, #tpu.memory_space<hbm>> -> memref<40x125xi32, #tpu.memory_space<hbm>>
      tpu.wait_dma2 semaphore(%run_scoped3A : memref<!tpu.dma_semaphore, #tpu.memory_space<semaphore_mem>>) src(%dma_wait3A_128 : memref<40x125xi32, #tpu.memory_space<hbm>>) dst(%arg9 : memref<40x125xi32, #tpu.memory_space<vmem>>)
      tpu.yield
    }) : () -> ()
    %dma_start3A = arith.constant 0 : i32
    %dma_start3A_23 = arith.constant 0 : i32
    %dma_start3A_24 = tpu.memref_slice %arg8[%dma_start3A, %dma_start3A_23] : memref<40x125xi32, #tpu.memory_space<vmem>> -> memref<1x125xi32, #tpu.memory_space<vmem>>
    %dma_start3A_25 = tpu.memref_squeeze %dma_start3A_24 : memref<1x125xi32, #tpu.memory_space<vmem>> -> memref<125xi32, #tpu.memory_space<vmem>>
    %dma_start3A_26 = arith.constant 0 : i32
    %dma_start3A_27 = arith.constant 0 : i32
    %dma_start3A_28 = tpu.memref_slice %arg2[%dma_start3A_26, %dma_start3A_27] : memref<10000x128xf32, #tpu.memory_space<hbm>> -> memref<10000x128xf32, #tpu.memory_space<hbm>>
    tpu.enqueue_indirect_dma source(%dma_start3A_28 : memref<10000x128xf32, #tpu.memory_space<hbm>>) target(%arg10 : memref<125x128xf32, #tpu.memory_space<vmem>>) offsets(%dma_start3A_25 : memref<125xi32, #tpu.memory_space<vmem>>) semaphore(%arg12 : memref<!tpu.dma_semaphore, #tpu.memory_space<semaphore_mem>>)
    %scan3A = arith.constant 0 : i32
    %scan3A_29 = arith.constant 0 : i32
    %scan3A_30 = arith.constant 20 : i32
    %scan3A_31 = arith.addi %scan3A_29, %scan3A_30 : i32
    %scan3A_32 = arith.constant 1 : i32
    scf.for %scan3A_121 = %scan3A_29 to %scan3A_31 step %scan3A_32  : i32 {
      %mul3A_122 = arith.constant 2 : i32
      %mul3A_123 = arith.muli %mul3A_122, %scan3A_121 : i32
      %add3A_124 = arith.constant 0 : i32
      %add3A_125 = arith.addi %mul3A_123, %add3A_124 : i32
      %ge3A = arith.constant 1 : i32
      %ge3A_126 = arith.cmpi sge, %add3A_125, %ge3A : i32
      %convert_element_type3A = arith.extui %ge3A_126 : i1 to i32
      %cond3A = arith.constant 0 : i32
      %cond3A_127 = arith.cmpi ne, %convert_element_type3A, %cond3A : i32
      scf.if %cond3A_127 {
        %sub3A = arith.constant 1 : i32
        %sub3A_174 = arith.subi %add3A_125, %sub3A : i32
        %dma_wait3A_175 = arith.constant 0 : i32
        %dma_wait3A_176 = tpu.memref_slice %arg9[%sub3A_174, %dma_wait3A_175] : memref<40x125xi32, #tpu.memory_space<vmem>> -> memref<1x125xi32, #tpu.memory_space<vmem>>
        %dma_wait3A_177 = tpu.memref_squeeze %dma_wait3A_176 : memref<1x125xi32, #tpu.memory_space<vmem>> -> memref<125xi32, #tpu.memory_space<vmem>>
        %dma_wait3A_178 = arith.constant 0 : i32
        %dma_wait3A_179 = arith.constant 0 : i32
        %dma_wait3A_180 = tpu.memref_slice %arg7[%dma_wait3A_178, %dma_wait3A_179] : memref<10240x128xf32, #tpu.memory_space<vmem_shared>> -> memref<10240x128xf32, #tpu.memory_space<vmem_shared>>
        tpu.wait_indirect_dma semaphore(%arg15 : memref<!tpu.dma_semaphore, #tpu.memory_space<semaphore_mem>>) src(%arg11 : memref<125x128xf32, #tpu.memory_space<vmem>>) dst(%dma_wait3A_180 : memref<10240x128xf32, #tpu.memory_space<vmem_shared>>)
      } else {
      }
      %add3A_128 = arith.constant 1 : i32
      %add3A_129 = arith.addi %add3A_125, %add3A_128 : i32
      %lt3A = arith.constant 40 : i32
      %lt3A_130 = arith.cmpi slt, %add3A_129, %lt3A : i32
      %convert_element_type3A_131 = arith.extui %lt3A_130 : i1 to i32
      %cond3A_132 = arith.constant 0 : i32
      %cond3A_133 = arith.cmpi ne, %convert_element_type3A_131, %cond3A_132 : i32
      scf.if %cond3A_133 {
        %add3A_174 = arith.constant 1 : i32
        %add3A_175 = arith.addi %add3A_125, %add3A_174 : i32
        %dma_start3A_176 = arith.constant 0 : i32
        %dma_start3A_177 = tpu.memref_slice %arg8[%add3A_175, %dma_start3A_176] : memref<40x125xi32, #tpu.memory_space<vmem>> -> memref<1x125xi32, #tpu.memory_space<vmem>>
        %dma_start3A_178 = tpu.memref_squeeze %dma_start3A_177 : memref<1x125xi32, #tpu.memory_space<vmem>> -> memref<125xi32, #tpu.memory_space<vmem>>
        %dma_start3A_179 = arith.constant 0 : i32
        %dma_start3A_180 = arith.constant 0 : i32
        %dma_start3A_181 = tpu.memref_slice %arg2[%dma_start3A_179, %dma_start3A_180] : memref<10000x128xf32, #tpu.memory_space<hbm>> -> memref<10000x128xf32, #tpu.memory_space<hbm>>
        tpu.enqueue_indirect_dma source(%dma_start3A_181 : memref<10000x128xf32, #tpu.memory_space<hbm>>) target(%arg11 : memref<125x128xf32, #tpu.memory_space<vmem>>) offsets(%dma_start3A_178 : memref<125xi32, #tpu.memory_space<vmem>>) semaphore(%arg13 : memref<!tpu.dma_semaphore, #tpu.memory_space<semaphore_mem>>)
      } else {
      }
      %dma_wait3A_134 = arith.constant 0 : i32
      %dma_wait3A_135 = tpu.memref_slice %arg8[%add3A_125, %dma_wait3A_134] : memref<40x125xi32, #tpu.memory_space<vmem>> -> memref<1x125xi32, #tpu.memory_space<vmem>>
      %dma_wait3A_136 = tpu.memref_squeeze %dma_wait3A_135 : memref<1x125xi32, #tpu.memory_space<vmem>> -> memref<125xi32, #tpu.memory_space<vmem>>
      %dma_wait3A_137 = arith.constant 0 : i32
      %dma_wait3A_138 = arith.constant 0 : i32
      %dma_wait3A_139 = tpu.memref_slice %arg2[%dma_wait3A_137, %dma_wait3A_138] : memref<10000x128xf32, #tpu.memory_space<hbm>> -> memref<10000x128xf32, #tpu.memory_space<hbm>>
      tpu.wait_indirect_dma semaphore(%arg12 : memref<!tpu.dma_semaphore, #tpu.memory_space<semaphore_mem>>) src(%dma_wait3A_139 : memref<10000x128xf32, #tpu.memory_space<hbm>>) dst(%arg10 : memref<125x128xf32, #tpu.memory_space<vmem>>)
      %dma_start3A_140 = arith.constant 0 : i32
      %dma_start3A_141 = tpu.memref_slice %arg9[%add3A_125, %dma_start3A_140] : memref<40x125xi32, #tpu.memory_space<vmem>> -> memref<1x125xi32, #tpu.memory_space<vmem>>
      %dma_start3A_142 = tpu.memref_squeeze %dma_start3A_141 : memref<1x125xi32, #tpu.memory_space<vmem>> -> memref<125xi32, #tpu.memory_space<vmem>>
      %dma_start3A_143 = arith.constant 0 : i32
      %dma_start3A_144 = arith.constant 0 : i32
      %dma_start3A_145 = tpu.memref_slice %arg7[%dma_start3A_143, %dma_start3A_144] : memref<10240x128xf32, #tpu.memory_space<vmem_shared>> -> memref<10240x128xf32, #tpu.memory_space<vmem_shared>>
      tpu.enqueue_indirect_dma source(%arg10 : memref<125x128xf32, #tpu.memory_space<vmem>>) target(%dma_start3A_145 : memref<10240x128xf32, #tpu.memory_space<vmem_shared>>) offsets(%dma_start3A_142 : memref<125xi32, #tpu.memory_space<vmem>>) semaphore(%arg14 : memref<!tpu.dma_semaphore, #tpu.memory_space<semaphore_mem>>) {add = true}
      %mul3A_146 = arith.constant 2 : i32
      %mul3A_147 = arith.muli %mul3A_146, %scan3A_121 : i32
      %add3A_148 = arith.constant 1 : i32
      %add3A_149 = arith.addi %mul3A_147, %add3A_148 : i32
      %ge3A_150 = arith.constant 1 : i32
      %ge3A_151 = arith.cmpi sge, %add3A_149, %ge3A_150 : i32
      %convert_element_type3A_152 = arith.extui %ge3A_151 : i1 to i32
      %cond3A_153 = arith.constant 0 : i32
      %cond3A_154 = arith.cmpi ne, %convert_element_type3A_152, %cond3A_153 : i32
      scf.if %cond3A_154 {
        %sub3A = arith.constant 1 : i32
        %sub3A_174 = arith.subi %add3A_149, %sub3A : i32
        %dma_wait3A_175 = arith.constant 0 : i32
        %dma_wait3A_176 = tpu.memref_slice %arg9[%sub3A_174, %dma_wait3A_175] : memref<40x125xi32, #tpu.memory_space<vmem>> -> memref<1x125xi32, #tpu.memory_space<vmem>>
        %dma_wait3A_177 = tpu.memref_squeeze %dma_wait3A_176 : memref<1x125xi32, #tpu.memory_space<vmem>> -> memref<125xi32, #tpu.memory_space<vmem>>
        %dma_wait3A_178 = arith.constant 0 : i32
        %dma_wait3A_179 = arith.constant 0 : i32
        %dma_wait3A_180 = tpu.memref_slice %arg7[%dma_wait3A_178, %dma_wait3A_179] : memref<10240x128xf32, #tpu.memory_space<vmem_shared>> -> memref<10240x128xf32, #tpu.memory_space<vmem_shared>>
        tpu.wait_indirect_dma semaphore(%arg14 : memref<!tpu.dma_semaphore, #tpu.memory_space<semaphore_mem>>) src(%arg10 : memref<125x128xf32, #tpu.memory_space<vmem>>) dst(%dma_wait3A_180 : memref<10240x128xf32, #tpu.memory_space<vmem_shared>>)
      } else {
      }
      %add3A_155 = arith.constant 1 : i32
      %add3A_156 = arith.addi %add3A_149, %add3A_155 : i32
      %lt3A_157 = arith.constant 40 : i32
      %lt3A_158 = arith.cmpi slt, %add3A_156, %lt3A_157 : i32
      %convert_element_type3A_159 = arith.extui %lt3A_158 : i1 to i32
      %cond3A_160 = arith.constant 0 : i32
      %cond3A_161 = arith.cmpi ne, %convert_element_type3A_159, %cond3A_160 : i32
      scf.if %cond3A_161 {
        %add3A_174 = arith.constant 1 : i32
        %add3A_175 = arith.addi %add3A_149, %add3A_174 : i32
        %dma_start3A_176 = arith.constant 0 : i32
        %dma_start3A_177 = tpu.memref_slice %arg8[%add3A_175, %dma_start3A_176] : memref<40x125xi32, #tpu.memory_space<vmem>> -> memref<1x125xi32, #tpu.memory_space<vmem>>
        %dma_start3A_178 = tpu.memref_squeeze %dma_start3A_177 : memref<1x125xi32, #tpu.memory_space<vmem>> -> memref<125xi32, #tpu.memory_space<vmem>>
        %dma_start3A_179 = arith.constant 0 : i32
        %dma_start3A_180 = arith.constant 0 : i32
        %dma_start3A_181 = tpu.memref_slice %arg2[%dma_start3A_179, %dma_start3A_180] : memref<10000x128xf32, #tpu.memory_space<hbm>> -> memref<10000x128xf32, #tpu.memory_space<hbm>>
        tpu.enqueue_indirect_dma source(%dma_start3A_181 : memref<10000x128xf32, #tpu.memory_space<hbm>>) target(%arg10 : memref<125x128xf32, #tpu.memory_space<vmem>>) offsets(%dma_start3A_178 : memref<125xi32, #tpu.memory_space<vmem>>) semaphore(%arg12 : memref<!tpu.dma_semaphore, #tpu.memory_space<semaphore_mem>>)
      } else {
      }
      %dma_wait3A_162 = arith.constant 0 : i32
      %dma_wait3A_163 = tpu.memref_slice %arg8[%add3A_149, %dma_wait3A_162] : memref<40x125xi32, #tpu.memory_space<vmem>> -> memref<1x125xi32, #tpu.memory_space<vmem>>
      %dma_wait3A_164 = tpu.memref_squeeze %dma_wait3A_163 : memref<1x125xi32, #tpu.memory_space<vmem>> -> memref<125xi32, #tpu.memory_space<vmem>>
      %dma_wait3A_165 = arith.constant 0 : i32
      %dma_wait3A_166 = arith.constant 0 : i32
      %dma_wait3A_167 = tpu.memref_slice %arg2[%dma_wait3A_165, %dma_wait3A_166] : memref<10000x128xf32, #tpu.memory_space<hbm>> -> memref<10000x128xf32, #tpu.memory_space<hbm>>
      tpu.wait_indirect_dma semaphore(%arg13 : memref<!tpu.dma_semaphore, #tpu.memory_space<semaphore_mem>>) src(%dma_wait3A_167 : memref<10000x128xf32, #tpu.memory_space<hbm>>) dst(%arg11 : memref<125x128xf32, #tpu.memory_space<vmem>>)
      %dma_start3A_168 = arith.constant 0 : i32
      %dma_start3A_169 = tpu.memref_slice %arg9[%add3A_149, %dma_start3A_168] : memref<40x125xi32, #tpu.memory_space<vmem>> -> memref<1x125xi32, #tpu.memory_space<vmem>>
      %dma_start3A_170 = tpu.memref_squeeze %dma_start3A_169 : memref<1x125xi32, #tpu.memory_space<vmem>> -> memref<125xi32, #tpu.memory_space<vmem>>
      %dma_start3A_171 = arith.constant 0 : i32
      %dma_start3A_172 = arith.constant 0 : i32
      %dma_start3A_173 = tpu.memref_slice %arg7[%dma_start3A_171, %dma_start3A_172] : memref<10240x128xf32, #tpu.memory_space<vmem_shared>> -> memref<10240x128xf32, #tpu.memory_space<vmem_shared>>
      tpu.enqueue_indirect_dma source(%arg11 : memref<125x128xf32, #tpu.memory_space<vmem>>) target(%dma_start3A_173 : memref<10240x128xf32, #tpu.memory_space<vmem_shared>>) offsets(%dma_start3A_170 : memref<125xi32, #tpu.memory_space<vmem>>) semaphore(%arg15 : memref<!tpu.dma_semaphore, #tpu.memory_space<semaphore_mem>>) {add = true}
    }
    %scan3A_33 = arith.constant 20 : i32
    %dma_wait3A = arith.constant 39 : i32
    %dma_wait3A_34 = arith.constant 0 : i32
    %dma_wait3A_35 = tpu.memref_slice %arg9[%dma_wait3A, %dma_wait3A_34] : memref<40x125xi32, #tpu.memory_space<vmem>> -> memref<1x125xi32, #tpu.memory_space<vmem>>
    %dma_wait3A_36 = tpu.memref_squeeze %dma_wait3A_35 : memref<1x125xi32, #tpu.memory_space<vmem>> -> memref<125xi32, #tpu.memory_space<vmem>>
    %dma_wait3A_37 = arith.constant 0 : i32
    %dma_wait3A_38 = arith.constant 0 : i32
    %dma_wait3A_39 = tpu.memref_slice %arg7[%dma_wait3A_37, %dma_wait3A_38] : memref<10240x128xf32, #tpu.memory_space<vmem_shared>> -> memref<10240x128xf32, #tpu.memory_space<vmem_shared>>
    tpu.wait_indirect_dma semaphore(%arg15 : memref<!tpu.dma_semaphore, #tpu.memory_space<semaphore_mem>>) src(%arg11 : memref<125x128xf32, #tpu.memory_space<vmem>>) dst(%dma_wait3A_39 : memref<10240x128xf32, #tpu.memory_space<vmem_shared>>)
    %mul3A_40 = arith.constant 80 : i32
    %mul3A_41 = arith.muli %add3A, %mul3A_40 : i32
    %add3A_42 = arith.constant 40 : i32
    %add3A_43 = arith.addi %mul3A_41, %add3A_42 : i32
    "tpu.region"() ({
      %run_scoped3A = tpu.sem_alloc : memref<!tpu.dma_semaphore, #tpu.memory_space<semaphore_mem>>
      %dma_start3A_121 = arith.constant 0 : i32
      %dma_start3A_122 = tpu.memref_slice %arg3[%add3A_43, %dma_start3A_121] : memref<2560x125xi32, #tpu.memory_space<hbm>> -> memref<40x125xi32, #tpu.memory_space<hbm>>
      %dma_start3A_123 = arith.constant 0 : i32
      %dma_start3A_124 = tpu.memref_slice %arg3[%add3A_43, %dma_start3A_123] : memref<2560x125xi32, #tpu.memory_space<hbm>> -> memref<40x125xi32, #tpu.memory_space<hbm>>
      tpu.enqueue_dma source(%dma_start3A_124 : memref<40x125xi32, #tpu.memory_space<hbm>>) target(%arg8 : memref<40x125xi32, #tpu.memory_space<vmem>>) target_semaphore(%run_scoped3A : memref<!tpu.dma_semaphore, #tpu.memory_space<semaphore_mem>>)
      %dma_wait3A_125 = arith.constant 0 : i32
      %dma_wait3A_126 = tpu.memref_slice %arg3[%add3A_43, %dma_wait3A_125] : memref<2560x125xi32, #tpu.memory_space<hbm>> -> memref<40x125xi32, #tpu.memory_space<hbm>>
      %dma_wait3A_127 = arith.constant 0 : i32
      %dma_wait3A_128 = tpu.memref_slice %arg3[%add3A_43, %dma_wait3A_127] : memref<2560x125xi32, #tpu.memory_space<hbm>> -> memref<40x125xi32, #tpu.memory_space<hbm>>
      tpu.wait_dma2 semaphore(%run_scoped3A : memref<!tpu.dma_semaphore, #tpu.memory_space<semaphore_mem>>) src(%dma_wait3A_128 : memref<40x125xi32, #tpu.memory_space<hbm>>) dst(%arg8 : memref<40x125xi32, #tpu.memory_space<vmem>>)
      tpu.yield
    }) : () -> ()
    "tpu.region"() ({
      %run_scoped3A = tpu.sem_alloc : memref<!tpu.dma_semaphore, #tpu.memory_space<semaphore_mem>>
      %dma_start3A_121 = arith.constant 0 : i32
      %dma_start3A_122 = tpu.memref_slice %arg4[%add3A_43, %dma_start3A_121] : memref<2560x125xi32, #tpu.memory_space<hbm>> -> memref<40x125xi32, #tpu.memory_space<hbm>>
      %dma_start3A_123 = arith.constant 0 : i32
      %dma_start3A_124 = tpu.memref_slice %arg4[%add3A_43, %dma_start3A_123] : memref<2560x125xi32, #tpu.memory_space<hbm>> -> memref<40x125xi32, #tpu.memory_space<hbm>>
      tpu.enqueue_dma source(%dma_start3A_124 : memref<40x125xi32, #tpu.memory_space<hbm>>) target(%arg9 : memref<40x125xi32, #tpu.memory_space<vmem>>) target_semaphore(%run_scoped3A : memref<!tpu.dma_semaphore, #tpu.memory_space<semaphore_mem>>)
      %dma_wait3A_125 = arith.constant 0 : i32
      %dma_wait3A_126 = tpu.memref_slice %arg4[%add3A_43, %dma_wait3A_125] : memref<2560x125xi32, #tpu.memory_space<hbm>> -> memref<40x125xi32, #tpu.memory_space<hbm>>
      %dma_wait3A_127 = arith.constant 0 : i32
      %dma_wait3A_128 = tpu.memref_slice %arg4[%add3A_43, %dma_wait3A_127] : memref<2560x125xi32, #tpu.memory_space<hbm>> -> memref<40x125xi32, #tpu.memory_space<hbm>>
      tpu.wait_dma2 semaphore(%run_scoped3A : memref<!tpu.dma_semaphore, #tpu.memory_space<semaphore_mem>>) src(%dma_wait3A_128 : memref<40x125xi32, #tpu.memory_space<hbm>>) dst(%arg9 : memref<40x125xi32, #tpu.memory_space<vmem>>)
      tpu.yield
    }) : () -> ()
    %dma_start3A_44 = arith.constant 0 : i32
    %dma_start3A_45 = arith.constant 0 : i32
    %dma_start3A_46 = tpu.memref_slice %arg8[%dma_start3A_44, %dma_start3A_45] : memref<40x125xi32, #tpu.memory_space<vmem>> -> memref<1x125xi32, #tpu.memory_space<vmem>>
    %dma_start3A_47 = tpu.memref_squeeze %dma_start3A_46 : memref<1x125xi32, #tpu.memory_space<vmem>> -> memref<125xi32, #tpu.memory_space<vmem>>
    %dma_start3A_48 = arith.constant 0 : i32
    %dma_start3A_49 = arith.constant 0 : i32
    %dma_start3A_50 = tpu.memref_slice %arg2[%dma_start3A_48, %dma_start3A_49] : memref<10000x128xf32, #tpu.memory_space<hbm>> -> memref<10000x128xf32, #tpu.memory_space<hbm>>
    tpu.enqueue_indirect_dma source(%dma_start3A_50 : memref<10000x128xf32, #tpu.memory_space<hbm>>) target(%arg10 : memref<125x128xf32, #tpu.memory_space<vmem>>) offsets(%dma_start3A_47 : memref<125xi32, #tpu.memory_space<vmem>>) semaphore(%arg12 : memref<!tpu.dma_semaphore, #tpu.memory_space<semaphore_mem>>)
    %scan3A_51 = arith.constant 0 : i32
    %scan3A_52 = arith.constant 0 : i32
    %scan3A_53 = arith.constant 20 : i32
    %scan3A_54 = arith.addi %scan3A_52, %scan3A_53 : i32
    %scan3A_55 = arith.constant 1 : i32
    scf.for %scan3A_121 = %scan3A_52 to %scan3A_54 step %scan3A_55  : i32 {
      %mul3A_122 = arith.constant 2 : i32
      %mul3A_123 = arith.muli %mul3A_122, %scan3A_121 : i32
      %add3A_124 = arith.constant 0 : i32
      %add3A_125 = arith.addi %mul3A_123, %add3A_124 : i32
      %ge3A = arith.constant 1 : i32
      %ge3A_126 = arith.cmpi sge, %add3A_125, %ge3A : i32
      %convert_element_type3A = arith.extui %ge3A_126 : i1 to i32
      %cond3A = arith.constant 0 : i32
      %cond3A_127 = arith.cmpi ne, %convert_element_type3A, %cond3A : i32
      scf.if %cond3A_127 {
        %sub3A = arith.constant 1 : i32
        %sub3A_174 = arith.subi %add3A_125, %sub3A : i32
        %dma_wait3A_175 = arith.constant 0 : i32
        %dma_wait3A_176 = tpu.memref_slice %arg9[%sub3A_174, %dma_wait3A_175] : memref<40x125xi32, #tpu.memory_space<vmem>> -> memref<1x125xi32, #tpu.memory_space<vmem>>
        %dma_wait3A_177 = tpu.memref_squeeze %dma_wait3A_176 : memref<1x125xi32, #tpu.memory_space<vmem>> -> memref<125xi32, #tpu.memory_space<vmem>>
        %dma_wait3A_178 = arith.constant 0 : i32
        %dma_wait3A_179 = arith.constant 0 : i32
        %dma_wait3A_180 = tpu.memref_slice %arg7[%dma_wait3A_178, %dma_wait3A_179] : memref<10240x128xf32, #tpu.memory_space<vmem_shared>> -> memref<10240x128xf32, #tpu.memory_space<vmem_shared>>
        tpu.wait_indirect_dma semaphore(%arg15 : memref<!tpu.dma_semaphore, #tpu.memory_space<semaphore_mem>>) src(%arg11 : memref<125x128xf32, #tpu.memory_space<vmem>>) dst(%dma_wait3A_180 : memref<10240x128xf32, #tpu.memory_space<vmem_shared>>)
      } else {
      }
      %add3A_128 = arith.constant 1 : i32
      %add3A_129 = arith.addi %add3A_125, %add3A_128 : i32
      %lt3A = arith.constant 40 : i32
      %lt3A_130 = arith.cmpi slt, %add3A_129, %lt3A : i32
      %convert_element_type3A_131 = arith.extui %lt3A_130 : i1 to i32
      %cond3A_132 = arith.constant 0 : i32
      %cond3A_133 = arith.cmpi ne, %convert_element_type3A_131, %cond3A_132 : i32
      scf.if %cond3A_133 {
        %add3A_174 = arith.constant 1 : i32
        %add3A_175 = arith.addi %add3A_125, %add3A_174 : i32
        %dma_start3A_176 = arith.constant 0 : i32
        %dma_start3A_177 = tpu.memref_slice %arg8[%add3A_175, %dma_start3A_176] : memref<40x125xi32, #tpu.memory_space<vmem>> -> memref<1x125xi32, #tpu.memory_space<vmem>>
        %dma_start3A_178 = tpu.memref_squeeze %dma_start3A_177 : memref<1x125xi32, #tpu.memory_space<vmem>> -> memref<125xi32, #tpu.memory_space<vmem>>
        %dma_start3A_179 = arith.constant 0 : i32
        %dma_start3A_180 = arith.constant 0 : i32
        %dma_start3A_181 = tpu.memref_slice %arg2[%dma_start3A_179, %dma_start3A_180] : memref<10000x128xf32, #tpu.memory_space<hbm>> -> memref<10000x128xf32, #tpu.memory_space<hbm>>
        tpu.enqueue_indirect_dma source(%dma_start3A_181 : memref<10000x128xf32, #tpu.memory_space<hbm>>) target(%arg11 : memref<125x128xf32, #tpu.memory_space<vmem>>) offsets(%dma_start3A_178 : memref<125xi32, #tpu.memory_space<vmem>>) semaphore(%arg13 : memref<!tpu.dma_semaphore, #tpu.memory_space<semaphore_mem>>)
      } else {
      }
      %dma_wait3A_134 = arith.constant 0 : i32
      %dma_wait3A_135 = tpu.memref_slice %arg8[%add3A_125, %dma_wait3A_134] : memref<40x125xi32, #tpu.memory_space<vmem>> -> memref<1x125xi32, #tpu.memory_space<vmem>>
      %dma_wait3A_136 = tpu.memref_squeeze %dma_wait3A_135 : memref<1x125xi32, #tpu.memory_space<vmem>> -> memref<125xi32, #tpu.memory_space<vmem>>
      %dma_wait3A_137 = arith.constant 0 : i32
      %dma_wait3A_138 = arith.constant 0 : i32
      %dma_wait3A_139 = tpu.memref_slice %arg2[%dma_wait3A_137, %dma_wait3A_138] : memref<10000x128xf32, #tpu.memory_space<hbm>> -> memref<10000x128xf32, #tpu.memory_space<hbm>>
      tpu.wait_indirect_dma semaphore(%arg12 : memref<!tpu.dma_semaphore, #tpu.memory_space<semaphore_mem>>) src(%dma_wait3A_139 : memref<10000x128xf32, #tpu.memory_space<hbm>>) dst(%arg10 : memref<125x128xf32, #tpu.memory_space<vmem>>)
      %dma_start3A_140 = arith.constant 0 : i32
      %dma_start3A_141 = tpu.memref_slice %arg9[%add3A_125, %dma_start3A_140] : memref<40x125xi32, #tpu.memory_space<vmem>> -> memref<1x125xi32, #tpu.memory_space<vmem>>
      %dma_start3A_142 = tpu.memref_squeeze %dma_start3A_141 : memref<1x125xi32, #tpu.memory_space<vmem>> -> memref<125xi32, #tpu.memory_space<vmem>>
      %dma_start3A_143 = arith.constant 0 : i32
      %dma_start3A_144 = arith.constant 0 : i32
      %dma_start3A_145 = tpu.memref_slice %arg7[%dma_start3A_143, %dma_start3A_144] : memref<10240x128xf32, #tpu.memory_space<vmem_shared>> -> memref<10240x128xf32, #tpu.memory_space<vmem_shared>>
      tpu.enqueue_indirect_dma source(%arg10 : memref<125x128xf32, #tpu.memory_space<vmem>>) target(%dma_start3A_145 : memref<10240x128xf32, #tpu.memory_space<vmem_shared>>) offsets(%dma_start3A_142 : memref<125xi32, #tpu.memory_space<vmem>>) semaphore(%arg14 : memref<!tpu.dma_semaphore, #tpu.memory_space<semaphore_mem>>) {add = true}
      %mul3A_146 = arith.constant 2 : i32
      %mul3A_147 = arith.muli %mul3A_146, %scan3A_121 : i32
      %add3A_148 = arith.constant 1 : i32
      %add3A_149 = arith.addi %mul3A_147, %add3A_148 : i32
      %ge3A_150 = arith.constant 1 : i32
      %ge3A_151 = arith.cmpi sge, %add3A_149, %ge3A_150 : i32
      %convert_element_type3A_152 = arith.extui %ge3A_151 : i1 to i32
      %cond3A_153 = arith.constant 0 : i32
      %cond3A_154 = arith.cmpi ne, %convert_element_type3A_152, %cond3A_153 : i32
      scf.if %cond3A_154 {
        %sub3A = arith.constant 1 : i32
        %sub3A_174 = arith.subi %add3A_149, %sub3A : i32
        %dma_wait3A_175 = arith.constant 0 : i32
        %dma_wait3A_176 = tpu.memref_slice %arg9[%sub3A_174, %dma_wait3A_175] : memref<40x125xi32, #tpu.memory_space<vmem>> -> memref<1x125xi32, #tpu.memory_space<vmem>>
        %dma_wait3A_177 = tpu.memref_squeeze %dma_wait3A_176 : memref<1x125xi32, #tpu.memory_space<vmem>> -> memref<125xi32, #tpu.memory_space<vmem>>
        %dma_wait3A_178 = arith.constant 0 : i32
        %dma_wait3A_179 = arith.constant 0 : i32
        %dma_wait3A_180 = tpu.memref_slice %arg7[%dma_wait3A_178, %dma_wait3A_179] : memref<10240x128xf32, #tpu.memory_space<vmem_shared>> -> memref<10240x128xf32, #tpu.memory_space<vmem_shared>>
        tpu.wait_indirect_dma semaphore(%arg14 : memref<!tpu.dma_semaphore, #tpu.memory_space<semaphore_mem>>) src(%arg10 : memref<125x128xf32, #tpu.memory_space<vmem>>) dst(%dma_wait3A_180 : memref<10240x128xf32, #tpu.memory_space<vmem_shared>>)
      } else {
      }
      %add3A_155 = arith.constant 1 : i32
      %add3A_156 = arith.addi %add3A_149, %add3A_155 : i32
      %lt3A_157 = arith.constant 40 : i32
      %lt3A_158 = arith.cmpi slt, %add3A_156, %lt3A_157 : i32
      %convert_element_type3A_159 = arith.extui %lt3A_158 : i1 to i32
      %cond3A_160 = arith.constant 0 : i32
      %cond3A_161 = arith.cmpi ne, %convert_element_type3A_159, %cond3A_160 : i32
      scf.if %cond3A_161 {
        %add3A_174 = arith.constant 1 : i32
        %add3A_175 = arith.addi %add3A_149, %add3A_174 : i32
        %dma_start3A_176 = arith.constant 0 : i32
        %dma_start3A_177 = tpu.memref_slice %arg8[%add3A_175, %dma_start3A_176] : memref<40x125xi32, #tpu.memory_space<vmem>> -> memref<1x125xi32, #tpu.memory_space<vmem>>
        %dma_start3A_178 = tpu.memref_squeeze %dma_start3A_177 : memref<1x125xi32, #tpu.memory_space<vmem>> -> memref<125xi32, #tpu.memory_space<vmem>>
        %dma_start3A_179 = arith.constant 0 : i32
        %dma_start3A_180 = arith.constant 0 : i32
        %dma_start3A_181 = tpu.memref_slice %arg2[%dma_start3A_179, %dma_start3A_180] : memref<10000x128xf32, #tpu.memory_space<hbm>> -> memref<10000x128xf32, #tpu.memory_space<hbm>>
        tpu.enqueue_indirect_dma source(%dma_start3A_181 : memref<10000x128xf32, #tpu.memory_space<hbm>>) target(%arg10 : memref<125x128xf32, #tpu.memory_space<vmem>>) offsets(%dma_start3A_178 : memref<125xi32, #tpu.memory_space<vmem>>) semaphore(%arg12 : memref<!tpu.dma_semaphore, #tpu.memory_space<semaphore_mem>>)
      } else {
      }
      %dma_wait3A_162 = arith.constant 0 : i32
      %dma_wait3A_163 = tpu.memref_slice %arg8[%add3A_149, %dma_wait3A_162] : memref<40x125xi32, #tpu.memory_space<vmem>> -> memref<1x125xi32, #tpu.memory_space<vmem>>
      %dma_wait3A_164 = tpu.memref_squeeze %dma_wait3A_163 : memref<1x125xi32, #tpu.memory_space<vmem>> -> memref<125xi32, #tpu.memory_space<vmem>>
      %dma_wait3A_165 = arith.constant 0 : i32
      %dma_wait3A_166 = arith.constant 0 : i32
      %dma_wait3A_167 = tpu.memref_slice %arg2[%dma_wait3A_165, %dma_wait3A_166] : memref<10000x128xf32, #tpu.memory_space<hbm>> -> memref<10000x128xf32, #tpu.memory_space<hbm>>
      tpu.wait_indirect_dma semaphore(%arg13 : memref<!tpu.dma_semaphore, #tpu.memory_space<semaphore_mem>>) src(%dma_wait3A_167 : memref<10000x128xf32, #tpu.memory_space<hbm>>) dst(%arg11 : memref<125x128xf32, #tpu.memory_space<vmem>>)
      %dma_start3A_168 = arith.constant 0 : i32
      %dma_start3A_169 = tpu.memref_slice %arg9[%add3A_149, %dma_start3A_168] : memref<40x125xi32, #tpu.memory_space<vmem>> -> memref<1x125xi32, #tpu.memory_space<vmem>>
      %dma_start3A_170 = tpu.memref_squeeze %dma_start3A_169 : memref<1x125xi32, #tpu.memory_space<vmem>> -> memref<125xi32, #tpu.memory_space<vmem>>
      %dma_start3A_171 = arith.constant 0 : i32
      %dma_start3A_172 = arith.constant 0 : i32
      %dma_start3A_173 = tpu.memref_slice %arg7[%dma_start3A_171, %dma_start3A_172] : memref<10240x128xf32, #tpu.memory_space<vmem_shared>> -> memref<10240x128xf32, #tpu.memory_space<vmem_shared>>
      tpu.enqueue_indirect_dma source(%arg11 : memref<125x128xf32, #tpu.memory_space<vmem>>) target(%dma_start3A_173 : memref<10240x128xf32, #tpu.memory_space<vmem_shared>>) offsets(%dma_start3A_170 : memref<125xi32, #tpu.memory_space<vmem>>) semaphore(%arg15 : memref<!tpu.dma_semaphore, #tpu.memory_space<semaphore_mem>>) {add = true}
    }
    %scan3A_56 = arith.constant 20 : i32
    %dma_wait3A_57 = arith.constant 39 : i32
    %dma_wait3A_58 = arith.constant 0 : i32
    %dma_wait3A_59 = tpu.memref_slice %arg9[%dma_wait3A_57, %dma_wait3A_58] : memref<40x125xi32, #tpu.memory_space<vmem>> -> memref<1x125xi32, #tpu.memory_space<vmem>>
    %dma_wait3A_60 = tpu.memref_squeeze %dma_wait3A_59 : memref<1x125xi32, #tpu.memory_space<vmem>> -> memref<125xi32, #tpu.memory_space<vmem>>
    %dma_wait3A_61 = arith.constant 0 : i32
    %dma_wait3A_62 = arith.constant 0 : i32
    %dma_wait3A_63 = tpu.memref_slice %arg7[%dma_wait3A_61, %dma_wait3A_62] : memref<10240x128xf32, #tpu.memory_space<vmem_shared>> -> memref<10240x128xf32, #tpu.memory_space<vmem_shared>>
    tpu.wait_indirect_dma semaphore(%arg15 : memref<!tpu.dma_semaphore, #tpu.memory_space<semaphore_mem>>) src(%arg11 : memref<125x128xf32, #tpu.memory_space<vmem>>) dst(%dma_wait3A_63 : memref<10240x128xf32, #tpu.memory_space<vmem_shared>>)
    %barrier3A_64 = arith.constant 0 : index
    tpu.barrier barrier_id(%barrier3A_64)
    %add3A_65 = arith.constant 0 : i32
    %add3A_66 = arith.addi %mul3A_2, %add3A_65 : i32
    "tpu.region"() ({
      %run_scoped3A = tpu.sem_alloc : memref<!tpu.dma_semaphore, #tpu.memory_space<semaphore_mem>>
      %dma_start3A_121 = arith.constant 0 : i32
      %dma_start3A_122 = arith.constant 0 : i32
      %dma_start3A_123 = tpu.memref_slice %arg10[%dma_start3A_121, %dma_start3A_122] : memref<125x128xf32, #tpu.memory_space<vmem>> -> memref<80x128xf32, #tpu.memory_space<vmem>>
      %dma_start3A_124 = arith.constant 0 : i32
      %dma_start3A_125 = tpu.memref_slice %arg7[%add3A_66, %dma_start3A_124] : memref<10240x128xf32, #tpu.memory_space<vmem_shared>> -> memref<80x128xf32, #tpu.memory_space<vmem_shared>>
      %dma_start3A_126 = arith.constant 0 : i32
      %dma_start3A_127 = arith.constant 0 : i32
      %dma_start3A_128 = tpu.memref_slice %arg10[%dma_start3A_126, %dma_start3A_127] : memref<125x128xf32, #tpu.memory_space<vmem>> -> memref<80x128xf32, #tpu.memory_space<vmem>>
      %dma_start3A_129 = arith.constant 0 : i32
      %dma_start3A_130 = tpu.memref_slice %arg7[%add3A_66, %dma_start3A_129] : memref<10240x128xf32, #tpu.memory_space<vmem_shared>> -> memref<80x128xf32, #tpu.memory_space<vmem_shared>>
      tpu.enqueue_dma source(%dma_start3A_130 : memref<80x128xf32, #tpu.memory_space<vmem_shared>>) target(%dma_start3A_128 : memref<80x128xf32, #tpu.memory_space<vmem>>) target_semaphore(%run_scoped3A : memref<!tpu.dma_semaphore, #tpu.memory_space<semaphore_mem>>)
      %dma_wait3A_131 = arith.constant 0 : i32
      %dma_wait3A_132 = arith.constant 0 : i32
      %dma_wait3A_133 = tpu.memref_slice %arg10[%dma_wait3A_131, %dma_wait3A_132] : memref<125x128xf32, #tpu.memory_space<vmem>> -> memref<80x128xf32, #tpu.memory_space<vmem>>
      %dma_wait3A_134 = arith.constant 0 : i32
      %dma_wait3A_135 = tpu.memref_slice %arg7[%add3A_66, %dma_wait3A_134] : memref<10240x128xf32, #tpu.memory_space<vmem_shared>> -> memref<80x128xf32, #tpu.memory_space<vmem_shared>>
      %dma_wait3A_136 = arith.constant 0 : i32
      %dma_wait3A_137 = arith.constant 0 : i32
      %dma_wait3A_138 = tpu.memref_slice %arg10[%dma_wait3A_136, %dma_wait3A_137] : memref<125x128xf32, #tpu.memory_space<vmem>> -> memref<80x128xf32, #tpu.memory_space<vmem>>
      %dma_wait3A_139 = arith.constant 0 : i32
      %dma_wait3A_140 = tpu.memref_slice %arg7[%add3A_66, %dma_wait3A_139] : memref<10240x128xf32, #tpu.memory_space<vmem_shared>> -> memref<80x128xf32, #tpu.memory_space<vmem_shared>>
      tpu.wait_dma2 semaphore(%run_scoped3A : memref<!tpu.dma_semaphore, #tpu.memory_space<semaphore_mem>>) src(%dma_wait3A_140 : memref<80x128xf32, #tpu.memory_space<vmem_shared>>) dst(%dma_wait3A_138 : memref<80x128xf32, #tpu.memory_space<vmem>>)
      tpu.yield
    }) : () -> ()
    %mul3A_67 = arith.constant 10240 : i32
    %mul3A_68 = arith.muli %arg0, %mul3A_67 : i32
    %add3A_69 = arith.addi %mul3A_68, %mul3A_2 : i32
    %add3A_70 = arith.constant 0 : i32
    %add3A_71 = arith.addi %add3A_69, %add3A_70 : i32
    "tpu.region"() ({
      %run_scoped3A = tpu.sem_alloc : memref<!tpu.dma_semaphore, #tpu.memory_space<semaphore_mem>>
      %dma_start3A_121 = arith.constant 0 : i32
      %dma_start3A_122 = arith.constant 0 : i32
      %dma_start3A_123 = tpu.memref_slice %arg10[%dma_start3A_121, %dma_start3A_122] : memref<125x128xf32, #tpu.memory_space<vmem>> -> memref<80x128xf32, #tpu.memory_space<vmem>>
      %dma_start3A_124 = arith.constant 0 : i32
      %dma_start3A_125 = tpu.memref_slice %arg6[%add3A_71, %dma_start3A_124] : memref<20480x128xf32, #tpu.memory_space<hbm>> -> memref<80x128xf32, #tpu.memory_space<hbm>>
      %dma_start3A_126 = arith.constant 0 : i32
      %dma_start3A_127 = tpu.memref_slice %arg6[%add3A_71, %dma_start3A_126] : memref<20480x128xf32, #tpu.memory_space<hbm>> -> memref<80x128xf32, #tpu.memory_space<hbm>>
      %dma_start3A_128 = arith.constant 0 : i32
      %dma_start3A_129 = arith.constant 0 : i32
      %dma_start3A_130 = tpu.memref_slice %arg10[%dma_start3A_128, %dma_start3A_129] : memref<125x128xf32, #tpu.memory_space<vmem>> -> memref<80x128xf32, #tpu.memory_space<vmem>>
      tpu.enqueue_dma source(%dma_start3A_130 : memref<80x128xf32, #tpu.memory_space<vmem>>) target(%dma_start3A_127 : memref<80x128xf32, #tpu.memory_space<hbm>>) target_semaphore(%run_scoped3A : memref<!tpu.dma_semaphore, #tpu.memory_space<semaphore_mem>>)
      %dma_wait3A_131 = arith.constant 0 : i32
      %dma_wait3A_132 = arith.constant 0 : i32
      %dma_wait3A_133 = tpu.memref_slice %arg10[%dma_wait3A_131, %dma_wait3A_132] : memref<125x128xf32, #tpu.memory_space<vmem>> -> memref<80x128xf32, #tpu.memory_space<vmem>>
      %dma_wait3A_134 = arith.constant 0 : i32
      %dma_wait3A_135 = tpu.memref_slice %arg6[%add3A_71, %dma_wait3A_134] : memref<20480x128xf32, #tpu.memory_space<hbm>> -> memref<80x128xf32, #tpu.memory_space<hbm>>
      %dma_wait3A_136 = arith.constant 0 : i32
      %dma_wait3A_137 = tpu.memref_slice %arg6[%add3A_71, %dma_wait3A_136] : memref<20480x128xf32, #tpu.memory_space<hbm>> -> memref<80x128xf32, #tpu.memory_space<hbm>>
      %dma_wait3A_138 = arith.constant 0 : i32
      %dma_wait3A_139 = arith.constant 0 : i32
      %dma_wait3A_140 = tpu.memref_slice %arg10[%dma_wait3A_138, %dma_wait3A_139] : memref<125x128xf32, #tpu.memory_space<vmem>> -> memref<80x128xf32, #tpu.memory_space<vmem>>
      tpu.wait_dma2 semaphore(%run_scoped3A : memref<!tpu.dma_semaphore, #tpu.memory_space<semaphore_mem>>) src(%dma_wait3A_140 : memref<80x128xf32, #tpu.memory_space<vmem>>) dst(%dma_wait3A_137 : memref<80x128xf32, #tpu.memory_space<hbm>>)
      tpu.yield
    }) : () -> ()
    %add3A_72 = arith.constant 80 : i32
    %add3A_73 = arith.addi %mul3A_2, %add3A_72 : i32
    "tpu.region"() ({
      %run_scoped3A = tpu.sem_alloc : memref<!tpu.dma_semaphore, #tpu.memory_space<semaphore_mem>>
      %dma_start3A_121 = arith.constant 0 : i32
      %dma_start3A_122 = arith.constant 0 : i32
      %dma_start3A_123 = tpu.memref_slice %arg10[%dma_start3A_121, %dma_start3A_122] : memref<125x128xf32, #tpu.memory_space<vmem>> -> memref<80x128xf32, #tpu.memory_space<vmem>>
      %dma_start3A_124 = arith.constant 0 : i32
      %dma_start3A_125 = tpu.memref_slice %arg7[%add3A_73, %dma_start3A_124] : memref<10240x128xf32, #tpu.memory_space<vmem_shared>> -> memref<80x128xf32, #tpu.memory_space<vmem_shared>>
      %dma_start3A_126 = arith.constant 0 : i32
      %dma_start3A_127 = arith.constant 0 : i32
      %dma_start3A_128 = tpu.memref_slice %arg10[%dma_start3A_126, %dma_start3A_127] : memref<125x128xf32, #tpu.memory_space<vmem>> -> memref<80x128xf32, #tpu.memory_space<vmem>>
      %dma_start3A_129 = arith.constant 0 : i32
      %dma_start3A_130 = tpu.memref_slice %arg7[%add3A_73, %dma_start3A_129] : memref<10240x128xf32, #tpu.memory_space<vmem_shared>> -> memref<80x128xf32, #tpu.memory_space<vmem_shared>>
      tpu.enqueue_dma source(%dma_start3A_130 : memref<80x128xf32, #tpu.memory_space<vmem_shared>>) target(%dma_start3A_128 : memref<80x128xf32, #tpu.memory_space<vmem>>) target_semaphore(%run_scoped3A : memref<!tpu.dma_semaphore, #tpu.memory_space<semaphore_mem>>)
      %dma_wait3A_131 = arith.constant 0 : i32
      %dma_wait3A_132 = arith.constant 0 : i32
      %dma_wait3A_133 = tpu.memref_slice %arg10[%dma_wait3A_131, %dma_wait3A_132] : memref<125x128xf32, #tpu.memory_space<vmem>> -> memref<80x128xf32, #tpu.memory_space<vmem>>
      %dma_wait3A_134 = arith.constant 0 : i32
      %dma_wait3A_135 = tpu.memref_slice %arg7[%add3A_73, %dma_wait3A_134] : memref<10240x128xf32, #tpu.memory_space<vmem_shared>> -> memref<80x128xf32, #tpu.memory_space<vmem_shared>>
      %dma_wait3A_136 = arith.constant 0 : i32
      %dma_wait3A_137 = arith.constant 0 : i32
      %dma_wait3A_138 = tpu.memref_slice %arg10[%dma_wait3A_136, %dma_wait3A_137] : memref<125x128xf32, #tpu.memory_space<vmem>> -> memref<80x128xf32, #tpu.memory_space<vmem>>
      %dma_wait3A_139 = arith.constant 0 : i32
      %dma_wait3A_140 = tpu.memref_slice %arg7[%add3A_73, %dma_wait3A_139] : memref<10240x128xf32, #tpu.memory_space<vmem_shared>> -> memref<80x128xf32, #tpu.memory_space<vmem_shared>>
      tpu.wait_dma2 semaphore(%run_scoped3A : memref<!tpu.dma_semaphore, #tpu.memory_space<semaphore_mem>>) src(%dma_wait3A_140 : memref<80x128xf32, #tpu.memory_space<vmem_shared>>) dst(%dma_wait3A_138 : memref<80x128xf32, #tpu.memory_space<vmem>>)
      tpu.yield
    }) : () -> ()
    %mul3A_74 = arith.constant 10240 : i32
    %mul3A_75 = arith.muli %arg0, %mul3A_74 : i32
    %add3A_76 = arith.addi %mul3A_75, %mul3A_2 : i32
    %add3A_77 = arith.constant 80 : i32
    %add3A_78 = arith.addi %add3A_76, %add3A_77 : i32
    "tpu.region"() ({
      %run_scoped3A = tpu.sem_alloc : memref<!tpu.dma_semaphore, #tpu.memory_space<semaphore_mem>>
      %dma_start3A_121 = arith.constant 0 : i32
      %dma_start3A_122 = arith.constant 0 : i32
      %dma_start3A_123 = tpu.memref_slice %arg10[%dma_start3A_121, %dma_start3A_122] : memref<125x128xf32, #tpu.memory_space<vmem>> -> memref<80x128xf32, #tpu.memory_space<vmem>>
      %dma_start3A_124 = arith.constant 0 : i32
      %dma_start3A_125 = tpu.memref_slice %arg6[%add3A_78, %dma_start3A_124] : memref<20480x128xf32, #tpu.memory_space<hbm>> -> memref<80x128xf32, #tpu.memory_space<hbm>>
      %dma_start3A_126 = arith.constant 0 : i32
      %dma_start3A_127 = tpu.memref_slice %arg6[%add3A_78, %dma_start3A_126] : memref<20480x128xf32, #tpu.memory_space<hbm>> -> memref<80x128xf32, #tpu.memory_space<hbm>>
      %dma_start3A_128 = arith.constant 0 : i32
      %dma_start3A_129 = arith.constant 0 : i32
      %dma_start3A_130 = tpu.memref_slice %arg10[%dma_start3A_128, %dma_start3A_129] : memref<125x128xf32, #tpu.memory_space<vmem>> -> memref<80x128xf32, #tpu.memory_space<vmem>>
      tpu.enqueue_dma source(%dma_start3A_130 : memref<80x128xf32, #tpu.memory_space<vmem>>) target(%dma_start3A_127 : memref<80x128xf32, #tpu.memory_space<hbm>>) target_semaphore(%run_scoped3A : memref<!tpu.dma_semaphore, #tpu.memory_space<semaphore_mem>>)
      %dma_wait3A_131 = arith.constant 0 : i32
      %dma_wait3A_132 = arith.constant 0 : i32
      %dma_wait3A_133 = tpu.memref_slice %arg10[%dma_wait3A_131, %dma_wait3A_132] : memref<125x128xf32, #tpu.memory_space<vmem>> -> memref<80x128xf32, #tpu.memory_space<vmem>>
      %dma_wait3A_134 = arith.constant 0 : i32
      %dma_wait3A_135 = tpu.memref_slice %arg6[%add3A_78, %dma_wait3A_134] : memref<20480x128xf32, #tpu.memory_space<hbm>> -> memref<80x128xf32, #tpu.memory_space<hbm>>
      %dma_wait3A_136 = arith.constant 0 : i32
      %dma_wait3A_137 = tpu.memref_slice %arg6[%add3A_78, %dma_wait3A_136] : memref<20480x128xf32, #tpu.memory_space<hbm>> -> memref<80x128xf32, #tpu.memory_space<hbm>>
      %dma_wait3A_138 = arith.constant 0 : i32
      %dma_wait3A_139 = arith.constant 0 : i32
      %dma_wait3A_140 = tpu.memref_slice %arg10[%dma_wait3A_138, %dma_wait3A_139] : memref<125x128xf32, #tpu.memory_space<vmem>> -> memref<80x128xf32, #tpu.memory_space<vmem>>
      tpu.wait_dma2 semaphore(%run_scoped3A : memref<!tpu.dma_semaphore, #tpu.memory_space<semaphore_mem>>) src(%dma_wait3A_140 : memref<80x128xf32, #tpu.memory_space<vmem>>) dst(%dma_wait3A_137 : memref<80x128xf32, #tpu.memory_space<hbm>>)
      tpu.yield
    }) : () -> ()
    %add3A_79 = arith.constant 160 : i32
    %add3A_80 = arith.addi %mul3A_2, %add3A_79 : i32
    "tpu.region"() ({
      %run_scoped3A = tpu.sem_alloc : memref<!tpu.dma_semaphore, #tpu.memory_space<semaphore_mem>>
      %dma_start3A_121 = arith.constant 0 : i32
      %dma_start3A_122 = arith.constant 0 : i32
      %dma_start3A_123 = tpu.memref_slice %arg10[%dma_start3A_121, %dma_start3A_122] : memref<125x128xf32, #tpu.memory_space<vmem>> -> memref<80x128xf32, #tpu.memory_space<vmem>>
      %dma_start3A_124 = arith.constant 0 : i32
      %dma_start3A_125 = tpu.memref_slice %arg7[%add3A_80, %dma_start3A_124] : memref<10240x128xf32, #tpu.memory_space<vmem_shared>> -> memref<80x128xf32, #tpu.memory_space<vmem_shared>>
      %dma_start3A_126 = arith.constant 0 : i32
      %dma_start3A_127 = arith.constant 0 : i32
      %dma_start3A_128 = tpu.memref_slice %arg10[%dma_start3A_126, %dma_start3A_127] : memref<125x128xf32, #tpu.memory_space<vmem>> -> memref<80x128xf32, #tpu.memory_space<vmem>>
      %dma_start3A_129 = arith.constant 0 : i32
      %dma_start3A_130 = tpu.memref_slice %arg7[%add3A_80, %dma_start3A_129] : memref<10240x128xf32, #tpu.memory_space<vmem_shared>> -> memref<80x128xf32, #tpu.memory_space<vmem_shared>>
      tpu.enqueue_dma source(%dma_start3A_130 : memref<80x128xf32, #tpu.memory_space<vmem_shared>>) target(%dma_start3A_128 : memref<80x128xf32, #tpu.memory_space<vmem>>) target_semaphore(%run_scoped3A : memref<!tpu.dma_semaphore, #tpu.memory_space<semaphore_mem>>)
      %dma_wait3A_131 = arith.constant 0 : i32
      %dma_wait3A_132 = arith.constant 0 : i32
      %dma_wait3A_133 = tpu.memref_slice %arg10[%dma_wait3A_131, %dma_wait3A_132] : memref<125x128xf32, #tpu.memory_space<vmem>> -> memref<80x128xf32, #tpu.memory_space<vmem>>
      %dma_wait3A_134 = arith.constant 0 : i32
      %dma_wait3A_135 = tpu.memref_slice %arg7[%add3A_80, %dma_wait3A_134] : memref<10240x128xf32, #tpu.memory_space<vmem_shared>> -> memref<80x128xf32, #tpu.memory_space<vmem_shared>>
      %dma_wait3A_136 = arith.constant 0 : i32
      %dma_wait3A_137 = arith.constant 0 : i32
      %dma_wait3A_138 = tpu.memref_slice %arg10[%dma_wait3A_136, %dma_wait3A_137] : memref<125x128xf32, #tpu.memory_space<vmem>> -> memref<80x128xf32, #tpu.memory_space<vmem>>
      %dma_wait3A_139 = arith.constant 0 : i32
      %dma_wait3A_140 = tpu.memref_slice %arg7[%add3A_80, %dma_wait3A_139] : memref<10240x128xf32, #tpu.memory_space<vmem_shared>> -> memref<80x128xf32, #tpu.memory_space<vmem_shared>>
      tpu.wait_dma2 semaphore(%run_scoped3A : memref<!tpu.dma_semaphore, #tpu.memory_space<semaphore_mem>>) src(%dma_wait3A_140 : memref<80x128xf32, #tpu.memory_space<vmem_shared>>) dst(%dma_wait3A_138 : memref<80x128xf32, #tpu.memory_space<vmem>>)
      tpu.yield
    }) : () -> ()
    %mul3A_81 = arith.constant 10240 : i32
    %mul3A_82 = arith.muli %arg0, %mul3A_81 : i32
    %add3A_83 = arith.addi %mul3A_82, %mul3A_2 : i32
    %add3A_84 = arith.constant 160 : i32
    %add3A_85 = arith.addi %add3A_83, %add3A_84 : i32
    "tpu.region"() ({
      %run_scoped3A = tpu.sem_alloc : memref<!tpu.dma_semaphore, #tpu.memory_space<semaphore_mem>>
      %dma_start3A_121 = arith.constant 0 : i32
      %dma_start3A_122 = arith.constant 0 : i32
      %dma_start3A_123 = tpu.memref_slice %arg10[%dma_start3A_121, %dma_start3A_122] : memref<125x128xf32, #tpu.memory_space<vmem>> -> memref<80x128xf32, #tpu.memory_space<vmem>>
      %dma_start3A_124 = arith.constant 0 : i32
      %dma_start3A_125 = tpu.memref_slice %arg6[%add3A_85, %dma_start3A_124] : memref<20480x128xf32, #tpu.memory_space<hbm>> -> memref<80x128xf32, #tpu.memory_space<hbm>>
      %dma_start3A_126 = arith.constant 0 : i32
      %dma_start3A_127 = tpu.memref_slice %arg6[%add3A_85, %dma_start3A_126] : memref<20480x128xf32, #tpu.memory_space<hbm>> -> memref<80x128xf32, #tpu.memory_space<hbm>>
      %dma_start3A_128 = arith.constant 0 : i32
      %dma_start3A_129 = arith.constant 0 : i32
      %dma_start3A_130 = tpu.memref_slice %arg10[%dma_start3A_128, %dma_start3A_129] : memref<125x128xf32, #tpu.memory_space<vmem>> -> memref<80x128xf32, #tpu.memory_space<vmem>>
      tpu.enqueue_dma source(%dma_start3A_130 : memref<80x128xf32, #tpu.memory_space<vmem>>) target(%dma_start3A_127 : memref<80x128xf32, #tpu.memory_space<hbm>>) target_semaphore(%run_scoped3A : memref<!tpu.dma_semaphore, #tpu.memory_space<semaphore_mem>>)
      %dma_wait3A_131 = arith.constant 0 : i32
      %dma_wait3A_132 = arith.constant 0 : i32
      %dma_wait3A_133 = tpu.memref_slice %arg10[%dma_wait3A_131, %dma_wait3A_132] : memref<125x128xf32, #tpu.memory_space<vmem>> -> memref<80x128xf32, #tpu.memory_space<vmem>>
      %dma_wait3A_134 = arith.constant 0 : i32
      %dma_wait3A_135 = tpu.memref_slice %arg6[%add3A_85, %dma_wait3A_134] : memref<20480x128xf32, #tpu.memory_space<hbm>> -> memref<80x128xf32, #tpu.memory_space<hbm>>
      %dma_wait3A_136 = arith.constant 0 : i32
      %dma_wait3A_137 = tpu.memref_slice %arg6[%add3A_85, %dma_wait3A_136] : memref<20480x128xf32, #tpu.memory_space<hbm>> -> memref<80x128xf32, #tpu.memory_space<hbm>>
      %dma_wait3A_138 = arith.constant 0 : i32
      %dma_wait3A_139 = arith.constant 0 : i32
      %dma_wait3A_140 = tpu.memref_slice %arg10[%dma_wait3A_138, %dma_wait3A_139] : memref<125x128xf32, #tpu.memory_space<vmem>> -> memref<80x128xf32, #tpu.memory_space<vmem>>
      tpu.wait_dma2 semaphore(%run_scoped3A : memref<!tpu.dma_semaphore, #tpu.memory_space<semaphore_mem>>) src(%dma_wait3A_140 : memref<80x128xf32, #tpu.memory_space<vmem>>) dst(%dma_wait3A_137 : memref<80x128xf32, #tpu.memory_space<hbm>>)
      tpu.yield
    }) : () -> ()
    %add3A_86 = arith.constant 240 : i32
    %add3A_87 = arith.addi %mul3A_2, %add3A_86 : i32
    "tpu.region"() ({
      %run_scoped3A = tpu.sem_alloc : memref<!tpu.dma_semaphore, #tpu.memory_space<semaphore_mem>>
      %dma_start3A_121 = arith.constant 0 : i32
      %dma_start3A_122 = arith.constant 0 : i32
      %dma_start3A_123 = tpu.memref_slice %arg10[%dma_start3A_121, %dma_start3A_122] : memref<125x128xf32, #tpu.memory_space<vmem>> -> memref<80x128xf32, #tpu.memory_space<vmem>>
      %dma_start3A_124 = arith.constant 0 : i32
      %dma_start3A_125 = tpu.memref_slice %arg7[%add3A_87, %dma_start3A_124] : memref<10240x128xf32, #tpu.memory_space<vmem_shared>> -> memref<80x128xf32, #tpu.memory_space<vmem_shared>>
      %dma_start3A_126 = arith.constant 0 : i32
      %dma_start3A_127 = arith.constant 0 : i32
      %dma_start3A_128 = tpu.memref_slice %arg10[%dma_start3A_126, %dma_start3A_127] : memref<125x128xf32, #tpu.memory_space<vmem>> -> memref<80x128xf32, #tpu.memory_space<vmem>>
      %dma_start3A_129 = arith.constant 0 : i32
      %dma_start3A_130 = tpu.memref_slice %arg7[%add3A_87, %dma_start3A_129] : memref<10240x128xf32, #tpu.memory_space<vmem_shared>> -> memref<80x128xf32, #tpu.memory_space<vmem_shared>>
      tpu.enqueue_dma source(%dma_start3A_130 : memref<80x128xf32, #tpu.memory_space<vmem_shared>>) target(%dma_start3A_128 : memref<80x128xf32, #tpu.memory_space<vmem>>) target_semaphore(%run_scoped3A : memref<!tpu.dma_semaphore, #tpu.memory_space<semaphore_mem>>)
      %dma_wait3A_131 = arith.constant 0 : i32
      %dma_wait3A_132 = arith.constant 0 : i32
      %dma_wait3A_133 = tpu.memref_slice %arg10[%dma_wait3A_131, %dma_wait3A_132] : memref<125x128xf32, #tpu.memory_space<vmem>> -> memref<80x128xf32, #tpu.memory_space<vmem>>
      %dma_wait3A_134 = arith.constant 0 : i32
      %dma_wait3A_135 = tpu.memref_slice %arg7[%add3A_87, %dma_wait3A_134] : memref<10240x128xf32, #tpu.memory_space<vmem_shared>> -> memref<80x128xf32, #tpu.memory_space<vmem_shared>>
      %dma_wait3A_136 = arith.constant 0 : i32
      %dma_wait3A_137 = arith.constant 0 : i32
      %dma_wait3A_138 = tpu.memref_slice %arg10[%dma_wait3A_136, %dma_wait3A_137] : memref<125x128xf32, #tpu.memory_space<vmem>> -> memref<80x128xf32, #tpu.memory_space<vmem>>
      %dma_wait3A_139 = arith.constant 0 : i32
      %dma_wait3A_140 = tpu.memref_slice %arg7[%add3A_87, %dma_wait3A_139] : memref<10240x128xf32, #tpu.memory_space<vmem_shared>> -> memref<80x128xf32, #tpu.memory_space<vmem_shared>>
      tpu.wait_dma2 semaphore(%run_scoped3A : memref<!tpu.dma_semaphore, #tpu.memory_space<semaphore_mem>>) src(%dma_wait3A_140 : memref<80x128xf32, #tpu.memory_space<vmem_shared>>) dst(%dma_wait3A_138 : memref<80x128xf32, #tpu.memory_space<vmem>>)
      tpu.yield
    }) : () -> ()
    %mul3A_88 = arith.constant 10240 : i32
    %mul3A_89 = arith.muli %arg0, %mul3A_88 : i32
    %add3A_90 = arith.addi %mul3A_89, %mul3A_2 : i32
    %add3A_91 = arith.constant 240 : i32
    %add3A_92 = arith.addi %add3A_90, %add3A_91 : i32
    "tpu.region"() ({
      %run_scoped3A = tpu.sem_alloc : memref<!tpu.dma_semaphore, #tpu.memory_space<semaphore_mem>>
      %dma_start3A_121 = arith.constant 0 : i32
      %dma_start3A_122 = arith.constant 0 : i32
      %dma_start3A_123 = tpu.memref_slice %arg10[%dma_start3A_121, %dma_start3A_122] : memref<125x128xf32, #tpu.memory_space<vmem>> -> memref<80x128xf32, #tpu.memory_space<vmem>>
      %dma_start3A_124 = arith.constant 0 : i32
      %dma_start3A_125 = tpu.memref_slice %arg6[%add3A_92, %dma_start3A_124] : memref<20480x128xf32, #tpu.memory_space<hbm>> -> memref<80x128xf32, #tpu.memory_space<hbm>>
      %dma_start3A_126 = arith.constant 0 : i32
      %dma_start3A_127 = tpu.memref_slice %arg6[%add3A_92, %dma_start3A_126] : memref<20480x128xf32, #tpu.memory_space<hbm>> -> memref<80x128xf32, #tpu.memory_space<hbm>>
      %dma_start3A_128 = arith.constant 0 : i32
      %dma_start3A_129 = arith.constant 0 : i32
      %dma_start3A_130 = tpu.memref_slice %arg10[%dma_start3A_128, %dma_start3A_129] : memref<125x128xf32, #tpu.memory_space<vmem>> -> memref<80x128xf32, #tpu.memory_space<vmem>>
      tpu.enqueue_dma source(%dma_start3A_130 : memref<80x128xf32, #tpu.memory_space<vmem>>) target(%dma_start3A_127 : memref<80x128xf32, #tpu.memory_space<hbm>>) target_semaphore(%run_scoped3A : memref<!tpu.dma_semaphore, #tpu.memory_space<semaphore_mem>>)
      %dma_wait3A_131 = arith.constant 0 : i32
      %dma_wait3A_132 = arith.constant 0 : i32
      %dma_wait3A_133 = tpu.memref_slice %arg10[%dma_wait3A_131, %dma_wait3A_132] : memref<125x128xf32, #tpu.memory_space<vmem>> -> memref<80x128xf32, #tpu.memory_space<vmem>>
      %dma_wait3A_134 = arith.constant 0 : i32
      %dma_wait3A_135 = tpu.memref_slice %arg6[%add3A_92, %dma_wait3A_134] : memref<20480x128xf32, #tpu.memory_space<hbm>> -> memref<80x128xf32, #tpu.memory_space<hbm>>
      %dma_wait3A_136 = arith.constant 0 : i32
      %dma_wait3A_137 = tpu.memref_slice %arg6[%add3A_92, %dma_wait3A_136] : memref<20480x128xf32, #tpu.memory_space<hbm>> -> memref<80x128xf32, #tpu.memory_space<hbm>>
      %dma_wait3A_138 = arith.constant 0 : i32
      %dma_wait3A_139 = arith.constant 0 : i32
      %dma_wait3A_140 = tpu.memref_slice %arg10[%dma_wait3A_138, %dma_wait3A_139] : memref<125x128xf32, #tpu.memory_space<vmem>> -> memref<80x128xf32, #tpu.memory_space<vmem>>
      tpu.wait_dma2 semaphore(%run_scoped3A : memref<!tpu.dma_semaphore, #tpu.memory_space<semaphore_mem>>) src(%dma_wait3A_140 : memref<80x128xf32, #tpu.memory_space<vmem>>) dst(%dma_wait3A_137 : memref<80x128xf32, #tpu.memory_space<hbm>>)
      tpu.yield
    }) : () -> ()
    %add3A_93 = arith.constant 320 : i32
    %add3A_94 = arith.addi %mul3A_2, %add3A_93 : i32
    "tpu.region"() ({
      %run_scoped3A = tpu.sem_alloc : memref<!tpu.dma_semaphore, #tpu.memory_space<semaphore_mem>>
      %dma_start3A_121 = arith.constant 0 : i32
      %dma_start3A_122 = arith.constant 0 : i32
      %dma_start3A_123 = tpu.memref_slice %arg10[%dma_start3A_121, %dma_start3A_122] : memref<125x128xf32, #tpu.memory_space<vmem>> -> memref<80x128xf32, #tpu.memory_space<vmem>>
      %dma_start3A_124 = arith.constant 0 : i32
      %dma_start3A_125 = tpu.memref_slice %arg7[%add3A_94, %dma_start3A_124] : memref<10240x128xf32, #tpu.memory_space<vmem_shared>> -> memref<80x128xf32, #tpu.memory_space<vmem_shared>>
      %dma_start3A_126 = arith.constant 0 : i32
      %dma_start3A_127 = arith.constant 0 : i32
      %dma_start3A_128 = tpu.memref_slice %arg10[%dma_start3A_126, %dma_start3A_127] : memref<125x128xf32, #tpu.memory_space<vmem>> -> memref<80x128xf32, #tpu.memory_space<vmem>>
      %dma_start3A_129 = arith.constant 0 : i32
      %dma_start3A_130 = tpu.memref_slice %arg7[%add3A_94, %dma_start3A_129] : memref<10240x128xf32, #tpu.memory_space<vmem_shared>> -> memref<80x128xf32, #tpu.memory_space<vmem_shared>>
      tpu.enqueue_dma source(%dma_start3A_130 : memref<80x128xf32, #tpu.memory_space<vmem_shared>>) target(%dma_start3A_128 : memref<80x128xf32, #tpu.memory_space<vmem>>) target_semaphore(%run_scoped3A : memref<!tpu.dma_semaphore, #tpu.memory_space<semaphore_mem>>)
      %dma_wait3A_131 = arith.constant 0 : i32
      %dma_wait3A_132 = arith.constant 0 : i32
      %dma_wait3A_133 = tpu.memref_slice %arg10[%dma_wait3A_131, %dma_wait3A_132] : memref<125x128xf32, #tpu.memory_space<vmem>> -> memref<80x128xf32, #tpu.memory_space<vmem>>
      %dma_wait3A_134 = arith.constant 0 : i32
      %dma_wait3A_135 = tpu.memref_slice %arg7[%add3A_94, %dma_wait3A_134] : memref<10240x128xf32, #tpu.memory_space<vmem_shared>> -> memref<80x128xf32, #tpu.memory_space<vmem_shared>>
      %dma_wait3A_136 = arith.constant 0 : i32
      %dma_wait3A_137 = arith.constant 0 : i32
      %dma_wait3A_138 = tpu.memref_slice %arg10[%dma_wait3A_136, %dma_wait3A_137] : memref<125x128xf32, #tpu.memory_space<vmem>> -> memref<80x128xf32, #tpu.memory_space<vmem>>
      %dma_wait3A_139 = arith.constant 0 : i32
      %dma_wait3A_140 = tpu.memref_slice %arg7[%add3A_94, %dma_wait3A_139] : memref<10240x128xf32, #tpu.memory_space<vmem_shared>> -> memref<80x128xf32, #tpu.memory_space<vmem_shared>>
      tpu.wait_dma2 semaphore(%run_scoped3A : memref<!tpu.dma_semaphore, #tpu.memory_space<semaphore_mem>>) src(%dma_wait3A_140 : memref<80x128xf32, #tpu.memory_space<vmem_shared>>) dst(%dma_wait3A_138 : memref<80x128xf32, #tpu.memory_space<vmem>>)
      tpu.yield
    }) : () -> ()
    %mul3A_95 = arith.constant 10240 : i32
    %mul3A_96 = arith.muli %arg0, %mul3A_95 : i32
    %add3A_97 = arith.addi %mul3A_96, %mul3A_2 : i32
    %add3A_98 = arith.constant 320 : i32
    %add3A_99 = arith.addi %add3A_97, %add3A_98 : i32
    "tpu.region"() ({
      %run_scoped3A = tpu.sem_alloc : memref<!tpu.dma_semaphore, #tpu.memory_space<semaphore_mem>>
      %dma_start3A_121 = arith.constant 0 : i32
      %dma_start3A_122 = arith.constant 0 : i32
      %dma_start3A_123 = tpu.memref_slice %arg10[%dma_start3A_121, %dma_start3A_122] : memref<125x128xf32, #tpu.memory_space<vmem>> -> memref<80x128xf32, #tpu.memory_space<vmem>>
      %dma_start3A_124 = arith.constant 0 : i32
      %dma_start3A_125 = tpu.memref_slice %arg6[%add3A_99, %dma_start3A_124] : memref<20480x128xf32, #tpu.memory_space<hbm>> -> memref<80x128xf32, #tpu.memory_space<hbm>>
      %dma_start3A_126 = arith.constant 0 : i32
      %dma_start3A_127 = tpu.memref_slice %arg6[%add3A_99, %dma_start3A_126] : memref<20480x128xf32, #tpu.memory_space<hbm>> -> memref<80x128xf32, #tpu.memory_space<hbm>>
      %dma_start3A_128 = arith.constant 0 : i32
      %dma_start3A_129 = arith.constant 0 : i32
      %dma_start3A_130 = tpu.memref_slice %arg10[%dma_start3A_128, %dma_start3A_129] : memref<125x128xf32, #tpu.memory_space<vmem>> -> memref<80x128xf32, #tpu.memory_space<vmem>>
      tpu.enqueue_dma source(%dma_start3A_130 : memref<80x128xf32, #tpu.memory_space<vmem>>) target(%dma_start3A_127 : memref<80x128xf32, #tpu.memory_space<hbm>>) target_semaphore(%run_scoped3A : memref<!tpu.dma_semaphore, #tpu.memory_space<semaphore_mem>>)
      %dma_wait3A_131 = arith.constant 0 : i32
      %dma_wait3A_132 = arith.constant 0 : i32
      %dma_wait3A_133 = tpu.memref_slice %arg10[%dma_wait3A_131, %dma_wait3A_132] : memref<125x128xf32, #tpu.memory_space<vmem>> -> memref<80x128xf32, #tpu.memory_space<vmem>>
      %dma_wait3A_134 = arith.constant 0 : i32
      %dma_wait3A_135 = tpu.memref_slice %arg6[%add3A_99, %dma_wait3A_134] : memref<20480x128xf32, #tpu.memory_space<hbm>> -> memref<80x128xf32, #tpu.memory_space<hbm>>
      %dma_wait3A_136 = arith.constant 0 : i32
      %dma_wait3A_137 = tpu.memref_slice %arg6[%add3A_99, %dma_wait3A_136] : memref<20480x128xf32, #tpu.memory_space<hbm>> -> memref<80x128xf32, #tpu.memory_space<hbm>>
      %dma_wait3A_138 = arith.constant 0 : i32
      %dma_wait3A_139 = arith.constant 0 : i32
      %dma_wait3A_140 = tpu.memref_slice %arg10[%dma_wait3A_138, %dma_wait3A_139] : memref<125x128xf32, #tpu.memory_space<vmem>> -> memref<80x128xf32, #tpu.memory_space<vmem>>
      tpu.wait_dma2 semaphore(%run_scoped3A : memref<!tpu.dma_semaphore, #tpu.memory_space<semaphore_mem>>) src(%dma_wait3A_140 : memref<80x128xf32, #tpu.memory_space<vmem>>) dst(%dma_wait3A_137 : memref<80x128xf32, #tpu.memory_space<hbm>>)
      tpu.yield
    }) : () -> ()
    %add3A_100 = arith.constant 400 : i32
    %add3A_101 = arith.addi %mul3A_2, %add3A_100 : i32
    "tpu.region"() ({
      %run_scoped3A = tpu.sem_alloc : memref<!tpu.dma_semaphore, #tpu.memory_space<semaphore_mem>>
      %dma_start3A_121 = arith.constant 0 : i32
      %dma_start3A_122 = arith.constant 0 : i32
      %dma_start3A_123 = tpu.memref_slice %arg10[%dma_start3A_121, %dma_start3A_122] : memref<125x128xf32, #tpu.memory_space<vmem>> -> memref<80x128xf32, #tpu.memory_space<vmem>>
      %dma_start3A_124 = arith.constant 0 : i32
      %dma_start3A_125 = tpu.memref_slice %arg7[%add3A_101, %dma_start3A_124] : memref<10240x128xf32, #tpu.memory_space<vmem_shared>> -> memref<80x128xf32, #tpu.memory_space<vmem_shared>>
      %dma_start3A_126 = arith.constant 0 : i32
      %dma_start3A_127 = arith.constant 0 : i32
      %dma_start3A_128 = tpu.memref_slice %arg10[%dma_start3A_126, %dma_start3A_127] : memref<125x128xf32, #tpu.memory_space<vmem>> -> memref<80x128xf32, #tpu.memory_space<vmem>>
      %dma_start3A_129 = arith.constant 0 : i32
      %dma_start3A_130 = tpu.memref_slice %arg7[%add3A_101, %dma_start3A_129] : memref<10240x128xf32, #tpu.memory_space<vmem_shared>> -> memref<80x128xf32, #tpu.memory_space<vmem_shared>>
      tpu.enqueue_dma source(%dma_start3A_130 : memref<80x128xf32, #tpu.memory_space<vmem_shared>>) target(%dma_start3A_128 : memref<80x128xf32, #tpu.memory_space<vmem>>) target_semaphore(%run_scoped3A : memref<!tpu.dma_semaphore, #tpu.memory_space<semaphore_mem>>)
      %dma_wait3A_131 = arith.constant 0 : i32
      %dma_wait3A_132 = arith.constant 0 : i32
      %dma_wait3A_133 = tpu.memref_slice %arg10[%dma_wait3A_131, %dma_wait3A_132] : memref<125x128xf32, #tpu.memory_space<vmem>> -> memref<80x128xf32, #tpu.memory_space<vmem>>
      %dma_wait3A_134 = arith.constant 0 : i32
      %dma_wait3A_135 = tpu.memref_slice %arg7[%add3A_101, %dma_wait3A_134] : memref<10240x128xf32, #tpu.memory_space<vmem_shared>> -> memref<80x128xf32, #tpu.memory_space<vmem_shared>>
      %dma_wait3A_136 = arith.constant 0 : i32
      %dma_wait3A_137 = arith.constant 0 : i32
      %dma_wait3A_138 = tpu.memref_slice %arg10[%dma_wait3A_136, %dma_wait3A_137] : memref<125x128xf32, #tpu.memory_space<vmem>> -> memref<80x128xf32, #tpu.memory_space<vmem>>
      %dma_wait3A_139 = arith.constant 0 : i32
      %dma_wait3A_140 = tpu.memref_slice %arg7[%add3A_101, %dma_wait3A_139] : memref<10240x128xf32, #tpu.memory_space<vmem_shared>> -> memref<80x128xf32, #tpu.memory_space<vmem_shared>>
      tpu.wait_dma2 semaphore(%run_scoped3A : memref<!tpu.dma_semaphore, #tpu.memory_space<semaphore_mem>>) src(%dma_wait3A_140 : memref<80x128xf32, #tpu.memory_space<vmem_shared>>) dst(%dma_wait3A_138 : memref<80x128xf32, #tpu.memory_space<vmem>>)
      tpu.yield
    }) : () -> ()
    %mul3A_102 = arith.constant 10240 : i32
    %mul3A_103 = arith.muli %arg0, %mul3A_102 : i32
    %add3A_104 = arith.addi %mul3A_103, %mul3A_2 : i32
    %add3A_105 = arith.constant 400 : i32
    %add3A_106 = arith.addi %add3A_104, %add3A_105 : i32
    "tpu.region"() ({
      %run_scoped3A = tpu.sem_alloc : memref<!tpu.dma_semaphore, #tpu.memory_space<semaphore_mem>>
      %dma_start3A_121 = arith.constant 0 : i32
      %dma_start3A_122 = arith.constant 0 : i32
      %dma_start3A_123 = tpu.memref_slice %arg10[%dma_start3A_121, %dma_start3A_122] : memref<125x128xf32, #tpu.memory_space<vmem>> -> memref<80x128xf32, #tpu.memory_space<vmem>>
      %dma_start3A_124 = arith.constant 0 : i32
      %dma_start3A_125 = tpu.memref_slice %arg6[%add3A_106, %dma_start3A_124] : memref<20480x128xf32, #tpu.memory_space<hbm>> -> memref<80x128xf32, #tpu.memory_space<hbm>>
      %dma_start3A_126 = arith.constant 0 : i32
      %dma_start3A_127 = tpu.memref_slice %arg6[%add3A_106, %dma_start3A_126] : memref<20480x128xf32, #tpu.memory_space<hbm>> -> memref<80x128xf32, #tpu.memory_space<hbm>>
      %dma_start3A_128 = arith.constant 0 : i32
      %dma_start3A_129 = arith.constant 0 : i32
      %dma_start3A_130 = tpu.memref_slice %arg10[%dma_start3A_128, %dma_start3A_129] : memref<125x128xf32, #tpu.memory_space<vmem>> -> memref<80x128xf32, #tpu.memory_space<vmem>>
      tpu.enqueue_dma source(%dma_start3A_130 : memref<80x128xf32, #tpu.memory_space<vmem>>) target(%dma_start3A_127 : memref<80x128xf32, #tpu.memory_space<hbm>>) target_semaphore(%run_scoped3A : memref<!tpu.dma_semaphore, #tpu.memory_space<semaphore_mem>>)
      %dma_wait3A_131 = arith.constant 0 : i32
      %dma_wait3A_132 = arith.constant 0 : i32
      %dma_wait3A_133 = tpu.memref_slice %arg10[%dma_wait3A_131, %dma_wait3A_132] : memref<125x128xf32, #tpu.memory_space<vmem>> -> memref<80x128xf32, #tpu.memory_space<vmem>>
      %dma_wait3A_134 = arith.constant 0 : i32
      %dma_wait3A_135 = tpu.memref_slice %arg6[%add3A_106, %dma_wait3A_134] : memref<20480x128xf32, #tpu.memory_space<hbm>> -> memref<80x128xf32, #tpu.memory_space<hbm>>
      %dma_wait3A_136 = arith.constant 0 : i32
      %dma_wait3A_137 = tpu.memref_slice %arg6[%add3A_106, %dma_wait3A_136] : memref<20480x128xf32, #tpu.memory_space<hbm>> -> memref<80x128xf32, #tpu.memory_space<hbm>>
      %dma_wait3A_138 = arith.constant 0 : i32
      %dma_wait3A_139 = arith.constant 0 : i32
      %dma_wait3A_140 = tpu.memref_slice %arg10[%dma_wait3A_138, %dma_wait3A_139] : memref<125x128xf32, #tpu.memory_space<vmem>> -> memref<80x128xf32, #tpu.memory_space<vmem>>
      tpu.wait_dma2 semaphore(%run_scoped3A : memref<!tpu.dma_semaphore, #tpu.memory_space<semaphore_mem>>) src(%dma_wait3A_140 : memref<80x128xf32, #tpu.memory_space<vmem>>) dst(%dma_wait3A_137 : memref<80x128xf32, #tpu.memory_space<hbm>>)
      tpu.yield
    }) : () -> ()
    %add3A_107 = arith.constant 480 : i32
    %add3A_108 = arith.addi %mul3A_2, %add3A_107 : i32
    "tpu.region"() ({
      %run_scoped3A = tpu.sem_alloc : memref<!tpu.dma_semaphore, #tpu.memory_space<semaphore_mem>>
      %dma_start3A_121 = arith.constant 0 : i32
      %dma_start3A_122 = arith.constant 0 : i32
      %dma_start3A_123 = tpu.memref_slice %arg10[%dma_start3A_121, %dma_start3A_122] : memref<125x128xf32, #tpu.memory_space<vmem>> -> memref<80x128xf32, #tpu.memory_space<vmem>>
      %dma_start3A_124 = arith.constant 0 : i32
      %dma_start3A_125 = tpu.memref_slice %arg7[%add3A_108, %dma_start3A_124] : memref<10240x128xf32, #tpu.memory_space<vmem_shared>> -> memref<80x128xf32, #tpu.memory_space<vmem_shared>>
      %dma_start3A_126 = arith.constant 0 : i32
      %dma_start3A_127 = arith.constant 0 : i32
      %dma_start3A_128 = tpu.memref_slice %arg10[%dma_start3A_126, %dma_start3A_127] : memref<125x128xf32, #tpu.memory_space<vmem>> -> memref<80x128xf32, #tpu.memory_space<vmem>>
      %dma_start3A_129 = arith.constant 0 : i32
      %dma_start3A_130 = tpu.memref_slice %arg7[%add3A_108, %dma_start3A_129] : memref<10240x128xf32, #tpu.memory_space<vmem_shared>> -> memref<80x128xf32, #tpu.memory_space<vmem_shared>>
      tpu.enqueue_dma source(%dma_start3A_130 : memref<80x128xf32, #tpu.memory_space<vmem_shared>>) target(%dma_start3A_128 : memref<80x128xf32, #tpu.memory_space<vmem>>) target_semaphore(%run_scoped3A : memref<!tpu.dma_semaphore, #tpu.memory_space<semaphore_mem>>)
      %dma_wait3A_131 = arith.constant 0 : i32
      %dma_wait3A_132 = arith.constant 0 : i32
      %dma_wait3A_133 = tpu.memref_slice %arg10[%dma_wait3A_131, %dma_wait3A_132] : memref<125x128xf32, #tpu.memory_space<vmem>> -> memref<80x128xf32, #tpu.memory_space<vmem>>
      %dma_wait3A_134 = arith.constant 0 : i32
      %dma_wait3A_135 = tpu.memref_slice %arg7[%add3A_108, %dma_wait3A_134] : memref<10240x128xf32, #tpu.memory_space<vmem_shared>> -> memref<80x128xf32, #tpu.memory_space<vmem_shared>>
      %dma_wait3A_136 = arith.constant 0 : i32
      %dma_wait3A_137 = arith.constant 0 : i32
      %dma_wait3A_138 = tpu.memref_slice %arg10[%dma_wait3A_136, %dma_wait3A_137] : memref<125x128xf32, #tpu.memory_space<vmem>> -> memref<80x128xf32, #tpu.memory_space<vmem>>
      %dma_wait3A_139 = arith.constant 0 : i32
      %dma_wait3A_140 = tpu.memref_slice %arg7[%add3A_108, %dma_wait3A_139] : memref<10240x128xf32, #tpu.memory_space<vmem_shared>> -> memref<80x128xf32, #tpu.memory_space<vmem_shared>>
      tpu.wait_dma2 semaphore(%run_scoped3A : memref<!tpu.dma_semaphore, #tpu.memory_space<semaphore_mem>>) src(%dma_wait3A_140 : memref<80x128xf32, #tpu.memory_space<vmem_shared>>) dst(%dma_wait3A_138 : memref<80x128xf32, #tpu.memory_space<vmem>>)
      tpu.yield
    }) : () -> ()
    %mul3A_109 = arith.constant 10240 : i32
    %mul3A_110 = arith.muli %arg0, %mul3A_109 : i32
    %add3A_111 = arith.addi %mul3A_110, %mul3A_2 : i32
    %add3A_112 = arith.constant 480 : i32
    %add3A_113 = arith.addi %add3A_111, %add3A_112 : i32
    "tpu.region"() ({
      %run_scoped3A = tpu.sem_alloc : memref<!tpu.dma_semaphore, #tpu.memory_space<semaphore_mem>>
      %dma_start3A_121 = arith.constant 0 : i32
      %dma_start3A_122 = arith.constant 0 : i32
      %dma_start3A_123 = tpu.memref_slice %arg10[%dma_start3A_121, %dma_start3A_122] : memref<125x128xf32, #tpu.memory_space<vmem>> -> memref<80x128xf32, #tpu.memory_space<vmem>>
      %dma_start3A_124 = arith.constant 0 : i32
      %dma_start3A_125 = tpu.memref_slice %arg6[%add3A_113, %dma_start3A_124] : memref<20480x128xf32, #tpu.memory_space<hbm>> -> memref<80x128xf32, #tpu.memory_space<hbm>>
      %dma_start3A_126 = arith.constant 0 : i32
      %dma_start3A_127 = tpu.memref_slice %arg6[%add3A_113, %dma_start3A_126] : memref<20480x128xf32, #tpu.memory_space<hbm>> -> memref<80x128xf32, #tpu.memory_space<hbm>>
      %dma_start3A_128 = arith.constant 0 : i32
      %dma_start3A_129 = arith.constant 0 : i32
      %dma_start3A_130 = tpu.memref_slice %arg10[%dma_start3A_128, %dma_start3A_129] : memref<125x128xf32, #tpu.memory_space<vmem>> -> memref<80x128xf32, #tpu.memory_space<vmem>>
      tpu.enqueue_dma source(%dma_start3A_130 : memref<80x128xf32, #tpu.memory_space<vmem>>) target(%dma_start3A_127 : memref<80x128xf32, #tpu.memory_space<hbm>>) target_semaphore(%run_scoped3A : memref<!tpu.dma_semaphore, #tpu.memory_space<semaphore_mem>>)
      %dma_wait3A_131 = arith.constant 0 : i32
      %dma_wait3A_132 = arith.constant 0 : i32
      %dma_wait3A_133 = tpu.memref_slice %arg10[%dma_wait3A_131, %dma_wait3A_132] : memref<125x128xf32, #tpu.memory_space<vmem>> -> memref<80x128xf32, #tpu.memory_space<vmem>>
      %dma_wait3A_134 = arith.constant 0 : i32
      %dma_wait3A_135 = tpu.memref_slice %arg6[%add3A_113, %dma_wait3A_134] : memref<20480x128xf32, #tpu.memory_space<hbm>> -> memref<80x128xf32, #tpu.memory_space<hbm>>
      %dma_wait3A_136 = arith.constant 0 : i32
      %dma_wait3A_137 = tpu.memref_slice %arg6[%add3A_113, %dma_wait3A_136] : memref<20480x128xf32, #tpu.memory_space<hbm>> -> memref<80x128xf32, #tpu.memory_space<hbm>>
      %dma_wait3A_138 = arith.constant 0 : i32
      %dma_wait3A_139 = arith.constant 0 : i32
      %dma_wait3A_140 = tpu.memref_slice %arg10[%dma_wait3A_138, %dma_wait3A_139] : memref<125x128xf32, #tpu.memory_space<vmem>> -> memref<80x128xf32, #tpu.memory_space<vmem>>
      tpu.wait_dma2 semaphore(%run_scoped3A : memref<!tpu.dma_semaphore, #tpu.memory_space<semaphore_mem>>) src(%dma_wait3A_140 : memref<80x128xf32, #tpu.memory_space<vmem>>) dst(%dma_wait3A_137 : memref<80x128xf32, #tpu.memory_space<hbm>>)
      tpu.yield
    }) : () -> ()
    %add3A_114 = arith.constant 560 : i32
    %add3A_115 = arith.addi %mul3A_2, %add3A_114 : i32
    "tpu.region"() ({
      %run_scoped3A = tpu.sem_alloc : memref<!tpu.dma_semaphore, #tpu.memory_space<semaphore_mem>>
      %dma_start3A_121 = arith.constant 0 : i32
      %dma_start3A_122 = arith.constant 0 : i32
      %dma_start3A_123 = tpu.memref_slice %arg10[%dma_start3A_121, %dma_start3A_122] : memref<125x128xf32, #tpu.memory_space<vmem>> -> memref<80x128xf32, #tpu.memory_space<vmem>>
      %dma_start3A_124 = arith.constant 0 : i32
      %dma_start3A_125 = tpu.memref_slice %arg7[%add3A_115, %dma_start3A_124] : memref<10240x128xf32, #tpu.memory_space<vmem_shared>> -> memref<80x128xf32, #tpu.memory_space<vmem_shared>>
      %dma_start3A_126 = arith.constant 0 : i32
      %dma_start3A_127 = arith.constant 0 : i32
      %dma_start3A_128 = tpu.memref_slice %arg10[%dma_start3A_126, %dma_start3A_127] : memref<125x128xf32, #tpu.memory_space<vmem>> -> memref<80x128xf32, #tpu.memory_space<vmem>>
      %dma_start3A_129 = arith.constant 0 : i32
      %dma_start3A_130 = tpu.memref_slice %arg7[%add3A_115, %dma_start3A_129] : memref<10240x128xf32, #tpu.memory_space<vmem_shared>> -> memref<80x128xf32, #tpu.memory_space<vmem_shared>>
      tpu.enqueue_dma source(%dma_start3A_130 : memref<80x128xf32, #tpu.memory_space<vmem_shared>>) target(%dma_start3A_128 : memref<80x128xf32, #tpu.memory_space<vmem>>) target_semaphore(%run_scoped3A : memref<!tpu.dma_semaphore, #tpu.memory_space<semaphore_mem>>)
      %dma_wait3A_131 = arith.constant 0 : i32
      %dma_wait3A_132 = arith.constant 0 : i32
      %dma_wait3A_133 = tpu.memref_slice %arg10[%dma_wait3A_131, %dma_wait3A_132] : memref<125x128xf32, #tpu.memory_space<vmem>> -> memref<80x128xf32, #tpu.memory_space<vmem>>
      %dma_wait3A_134 = arith.constant 0 : i32
      %dma_wait3A_135 = tpu.memref_slice %arg7[%add3A_115, %dma_wait3A_134] : memref<10240x128xf32, #tpu.memory_space<vmem_shared>> -> memref<80x128xf32, #tpu.memory_space<vmem_shared>>
      %dma_wait3A_136 = arith.constant 0 : i32
      %dma_wait3A_137 = arith.constant 0 : i32
      %dma_wait3A_138 = tpu.memref_slice %arg10[%dma_wait3A_136, %dma_wait3A_137] : memref<125x128xf32, #tpu.memory_space<vmem>> -> memref<80x128xf32, #tpu.memory_space<vmem>>
      %dma_wait3A_139 = arith.constant 0 : i32
      %dma_wait3A_140 = tpu.memref_slice %arg7[%add3A_115, %dma_wait3A_139] : memref<10240x128xf32, #tpu.memory_space<vmem_shared>> -> memref<80x128xf32, #tpu.memory_space<vmem_shared>>
      tpu.wait_dma2 semaphore(%run_scoped3A : memref<!tpu.dma_semaphore, #tpu.memory_space<semaphore_mem>>) src(%dma_wait3A_140 : memref<80x128xf32, #tpu.memory_space<vmem_shared>>) dst(%dma_wait3A_138 : memref<80x128xf32, #tpu.memory_space<vmem>>)
      tpu.yield
    }) : () -> ()
    %mul3A_116 = arith.constant 10240 : i32
    %mul3A_117 = arith.muli %arg0, %mul3A_116 : i32
    %add3A_118 = arith.addi %mul3A_117, %mul3A_2 : i32
    %add3A_119 = arith.constant 560 : i32
    %add3A_120 = arith.addi %add3A_118, %add3A_119 : i32
    "tpu.region"() ({
      %run_scoped3A = tpu.sem_alloc : memref<!tpu.dma_semaphore, #tpu.memory_space<semaphore_mem>>
      %dma_start3A_121 = arith.constant 0 : i32
      %dma_start3A_122 = arith.constant 0 : i32
      %dma_start3A_123 = tpu.memref_slice %arg10[%dma_start3A_121, %dma_start3A_122] : memref<125x128xf32, #tpu.memory_space<vmem>> -> memref<80x128xf32, #tpu.memory_space<vmem>>
      %dma_start3A_124 = arith.constant 0 : i32
      %dma_start3A_125 = tpu.memref_slice %arg6[%add3A_120, %dma_start3A_124] : memref<20480x128xf32, #tpu.memory_space<hbm>> -> memref<80x128xf32, #tpu.memory_space<hbm>>
      %dma_start3A_126 = arith.constant 0 : i32
      %dma_start3A_127 = tpu.memref_slice %arg6[%add3A_120, %dma_start3A_126] : memref<20480x128xf32, #tpu.memory_space<hbm>> -> memref<80x128xf32, #tpu.memory_space<hbm>>
      %dma_start3A_128 = arith.constant 0 : i32
      %dma_start3A_129 = arith.constant 0 : i32
      %dma_start3A_130 = tpu.memref_slice %arg10[%dma_start3A_128, %dma_start3A_129] : memref<125x128xf32, #tpu.memory_space<vmem>> -> memref<80x128xf32, #tpu.memory_space<vmem>>
      tpu.enqueue_dma source(%dma_start3A_130 : memref<80x128xf32, #tpu.memory_space<vmem>>) target(%dma_start3A_127 : memref<80x128xf32, #tpu.memory_space<hbm>>) target_semaphore(%run_scoped3A : memref<!tpu.dma_semaphore, #tpu.memory_space<semaphore_mem>>)
      %dma_wait3A_131 = arith.constant 0 : i32
      %dma_wait3A_132 = arith.constant 0 : i32
      %dma_wait3A_133 = tpu.memref_slice %arg10[%dma_wait3A_131, %dma_wait3A_132] : memref<125x128xf32, #tpu.memory_space<vmem>> -> memref<80x128xf32, #tpu.memory_space<vmem>>
      %dma_wait3A_134 = arith.constant 0 : i32
      %dma_wait3A_135 = tpu.memref_slice %arg6[%add3A_120, %dma_wait3A_134] : memref<20480x128xf32, #tpu.memory_space<hbm>> -> memref<80x128xf32, #tpu.memory_space<hbm>>
      %dma_wait3A_136 = arith.constant 0 : i32
      %dma_wait3A_137 = tpu.memref_slice %arg6[%add3A_120, %dma_wait3A_136] : memref<20480x128xf32, #tpu.memory_space<hbm>> -> memref<80x128xf32, #tpu.memory_space<hbm>>
      %dma_wait3A_138 = arith.constant 0 : i32
      %dma_wait3A_139 = arith.constant 0 : i32
      %dma_wait3A_140 = tpu.memref_slice %arg10[%dma_wait3A_138, %dma_wait3A_139] : memref<125x128xf32, #tpu.memory_space<vmem>> -> memref<80x128xf32, #tpu.memory_space<vmem>>
      tpu.wait_dma2 semaphore(%run_scoped3A : memref<!tpu.dma_semaphore, #tpu.memory_space<semaphore_mem>>) src(%dma_wait3A_140 : memref<80x128xf32, #tpu.memory_space<vmem>>) dst(%dma_wait3A_137 : memref<80x128xf32, #tpu.memory_space<hbm>>)
      tpu.yield
    }) : () -> ()
    return
  }
}

#map = affine_map<(d0, d1) -> (0, 0)>
#map1 = affine_map<(d0, d1) -> (0)>
module attributes {stable_mosaic.version = 14 : i64} {
  func.func @_deg_body(%arg0: i32, %arg1: i32, %arg2: memref<2560x125xi32, #tpu.memory_space<hbm>>, %arg3: memref<640xf32, #tpu.memory_space<hbm>>, %arg4: memref<125xf32, #tpu.memory_space<hbm>>, %arg5: memref<20480xf32, #tpu.memory_space<hbm>>, %arg6: memref<10240xf32, #tpu.memory_space<vmem_shared>>, %arg7: memref<8x125xi32, #tpu.memory_space<vmem>>, %arg8: memref<125xf32, #tpu.memory_space<vmem>>, %arg9: memref<640xf32, #tpu.memory_space<vmem>>) attributes {dimension_semantics = [#tpu.dimension_semantics<core_parallel>, #tpu.dimension_semantics<subcore_parallel>], iteration_bounds = array<i64: 2, 16>, scalar_prefetch = 0 : i64, scratch_operands = 4 : i64, tpu.core_type = #tpu.core_type<sc_vector_subcore>, window_params = [{transform_indices = #map}, {transform_indices = #map1}, {transform_indices = #map1}, {transform_indices = #map1}]} {
    %mul3A = arith.constant 16 : i32
    %mul3A_0 = arith.muli %arg0, %mul3A : i32
    %add3A = arith.addi %mul3A_0, %arg1 : i32
    "tpu.region"() ({
      %run_scoped3A = tpu.sem_alloc : memref<!tpu.dma_semaphore, #tpu.memory_space<semaphore_mem>>
      tpu.enqueue_dma source(%arg3 : memref<640xf32, #tpu.memory_space<hbm>>) target(%arg9 : memref<640xf32, #tpu.memory_space<vmem>>) target_semaphore(%run_scoped3A : memref<!tpu.dma_semaphore, #tpu.memory_space<semaphore_mem>>)
      tpu.wait_dma2 semaphore(%run_scoped3A : memref<!tpu.dma_semaphore, #tpu.memory_space<semaphore_mem>>) src(%arg3 : memref<640xf32, #tpu.memory_space<hbm>>) dst(%arg9 : memref<640xf32, #tpu.memory_space<vmem>>)
      tpu.yield
    }) : () -> ()
    "tpu.region"() ({
      %run_scoped3A = tpu.sem_alloc : memref<!tpu.dma_semaphore, #tpu.memory_space<semaphore_mem>>
      tpu.enqueue_dma source(%arg4 : memref<125xf32, #tpu.memory_space<hbm>>) target(%arg8 : memref<125xf32, #tpu.memory_space<vmem>>) target_semaphore(%run_scoped3A : memref<!tpu.dma_semaphore, #tpu.memory_space<semaphore_mem>>)
      tpu.wait_dma2 semaphore(%run_scoped3A : memref<!tpu.dma_semaphore, #tpu.memory_space<semaphore_mem>>) src(%arg4 : memref<125xf32, #tpu.memory_space<hbm>>) dst(%arg8 : memref<125xf32, #tpu.memory_space<vmem>>)
      tpu.yield
    }) : () -> ()
    %mul3A_1 = arith.constant 640 : i32
    %mul3A_2 = arith.muli %arg1, %mul3A_1 : i32
    "tpu.region"() ({
      %run_scoped3A = tpu.sem_alloc : memref<!tpu.dma_semaphore, #tpu.memory_space<semaphore_mem>>
      %dma_start3A = tpu.memref_slice %arg6[%mul3A_2] : memref<10240xf32, #tpu.memory_space<vmem_shared>> -> memref<640xf32, #tpu.memory_space<vmem_shared>>
      %dma_start3A_16 = tpu.memref_slice %arg6[%mul3A_2] : memref<10240xf32, #tpu.memory_space<vmem_shared>> -> memref<640xf32, #tpu.memory_space<vmem_shared>>
      tpu.enqueue_dma source(%arg9 : memref<640xf32, #tpu.memory_space<vmem>>) target(%dma_start3A_16 : memref<640xf32, #tpu.memory_space<vmem_shared>>) target_semaphore(%run_scoped3A : memref<!tpu.dma_semaphore, #tpu.memory_space<semaphore_mem>>)
      %dma_wait3A = tpu.memref_slice %arg6[%mul3A_2] : memref<10240xf32, #tpu.memory_space<vmem_shared>> -> memref<640xf32, #tpu.memory_space<vmem_shared>>
      %dma_wait3A_17 = tpu.memref_slice %arg6[%mul3A_2] : memref<10240xf32, #tpu.memory_space<vmem_shared>> -> memref<640xf32, #tpu.memory_space<vmem_shared>>
      tpu.wait_dma2 semaphore(%run_scoped3A : memref<!tpu.dma_semaphore, #tpu.memory_space<semaphore_mem>>) src(%arg9 : memref<640xf32, #tpu.memory_space<vmem>>) dst(%dma_wait3A_17 : memref<640xf32, #tpu.memory_space<vmem_shared>>)
      tpu.yield
    }) : () -> ()
    %barrier3A = arith.constant 0 : index
    tpu.barrier barrier_id(%barrier3A)
    %scan3A = arith.constant 0 : i32
    %scan3A_3 = arith.constant 0 : i32
    %scan3A_4 = arith.constant 10 : i32
    %scan3A_5 = arith.addi %scan3A_3, %scan3A_4 : i32
    %scan3A_6 = arith.constant 1 : i32
    scf.for %scan3A_16 = %scan3A_3 to %scan3A_5 step %scan3A_6  : i32 {
      %mul3A_17 = arith.constant 32 : i32
      %mul3A_18 = arith.muli %scan3A_16, %mul3A_17 : i32
      %add3A_19 = arith.addi %mul3A_18, %add3A : i32
      %mul3A_20 = arith.constant 8 : i32
      %mul3A_21 = arith.muli %add3A_19, %mul3A_20 : i32
      "tpu.region"() ({
        %run_scoped3A_29 = tpu.sem_alloc : memref<!tpu.dma_semaphore, #tpu.memory_space<semaphore_mem>>
        %dma_start3A = arith.constant 0 : i32
        %dma_start3A_30 = tpu.memref_slice %arg2[%mul3A_21, %dma_start3A] : memref<2560x125xi32, #tpu.memory_space<hbm>> -> memref<8x125xi32, #tpu.memory_space<hbm>>
        %dma_start3A_31 = arith.constant 0 : i32
        %dma_start3A_32 = tpu.memref_slice %arg2[%mul3A_21, %dma_start3A_31] : memref<2560x125xi32, #tpu.memory_space<hbm>> -> memref<8x125xi32, #tpu.memory_space<hbm>>
        tpu.enqueue_dma source(%dma_start3A_32 : memref<8x125xi32, #tpu.memory_space<hbm>>) target(%arg7 : memref<8x125xi32, #tpu.memory_space<vmem>>) target_semaphore(%run_scoped3A_29 : memref<!tpu.dma_semaphore, #tpu.memory_space<semaphore_mem>>)
        %dma_wait3A = arith.constant 0 : i32
        %dma_wait3A_33 = tpu.memref_slice %arg2[%mul3A_21, %dma_wait3A] : memref<2560x125xi32, #tpu.memory_space<hbm>> -> memref<8x125xi32, #tpu.memory_space<hbm>>
        %dma_wait3A_34 = arith.constant 0 : i32
        %dma_wait3A_35 = tpu.memref_slice %arg2[%mul3A_21, %dma_wait3A_34] : memref<2560x125xi32, #tpu.memory_space<hbm>> -> memref<8x125xi32, #tpu.memory_space<hbm>>
        tpu.wait_dma2 semaphore(%run_scoped3A_29 : memref<!tpu.dma_semaphore, #tpu.memory_space<semaphore_mem>>) src(%dma_wait3A_35 : memref<8x125xi32, #tpu.memory_space<hbm>>) dst(%arg7 : memref<8x125xi32, #tpu.memory_space<vmem>>)
        tpu.yield
      }) : () -> ()
      %run_scoped3A = arith.constant 0 : i32
      "tpu.region"() ({
        %run_scoped3A_29 = tpu.sem_alloc : memref<!tpu.dma_semaphore, #tpu.memory_space<semaphore_mem>>
        %dma_start3A = arith.constant 0 : i32
        %dma_start3A_30 = tpu.memref_slice %arg7[%run_scoped3A, %dma_start3A] : memref<8x125xi32, #tpu.memory_space<vmem>> -> memref<1x125xi32, #tpu.memory_space<vmem>>
        %dma_start3A_31 = tpu.memref_squeeze %dma_start3A_30 : memref<1x125xi32, #tpu.memory_space<vmem>> -> memref<125xi32, #tpu.memory_space<vmem>>
        %dma_start3A_32 = arith.constant 0 : i32
        %dma_start3A_33 = tpu.memref_slice %arg6[%dma_start3A_32] : memref<10240xf32, #tpu.memory_space<vmem_shared>> -> memref<10240xf32, #tpu.memory_space<vmem_shared>>
        tpu.enqueue_indirect_dma source(%arg8 : memref<125xf32, #tpu.memory_space<vmem>>) target(%dma_start3A_33 : memref<10240xf32, #tpu.memory_space<vmem_shared>>) offsets(%dma_start3A_31 : memref<125xi32, #tpu.memory_space<vmem>>) semaphore(%run_scoped3A_29 : memref<!tpu.dma_semaphore, #tpu.memory_space<semaphore_mem>>) {add = true}
        %dma_wait3A = arith.constant 0 : i32
        %dma_wait3A_34 = tpu.memref_slice %arg7[%run_scoped3A, %dma_wait3A] : memref<8x125xi32, #tpu.memory_space<vmem>> -> memref<1x125xi32, #tpu.memory_space<vmem>>
        %dma_wait3A_35 = tpu.memref_squeeze %dma_wait3A_34 : memref<1x125xi32, #tpu.memory_space<vmem>> -> memref<125xi32, #tpu.memory_space<vmem>>
        %dma_wait3A_36 = arith.constant 0 : i32
        %dma_wait3A_37 = tpu.memref_slice %arg6[%dma_wait3A_36] : memref<10240xf32, #tpu.memory_space<vmem_shared>> -> memref<10240xf32, #tpu.memory_space<vmem_shared>>
        tpu.wait_indirect_dma semaphore(%run_scoped3A_29 : memref<!tpu.dma_semaphore, #tpu.memory_space<semaphore_mem>>) src(%arg8 : memref<125xf32, #tpu.memory_space<vmem>>) dst(%dma_wait3A_37 : memref<10240xf32, #tpu.memory_space<vmem_shared>>)
        tpu.yield
      }) : () -> ()
      %run_scoped3A_22 = arith.constant 1 : i32
      "tpu.region"() ({
        %run_scoped3A_29 = tpu.sem_alloc : memref<!tpu.dma_semaphore, #tpu.memory_space<semaphore_mem>>
        %dma_start3A = arith.constant 0 : i32
        %dma_start3A_30 = tpu.memref_slice %arg7[%run_scoped3A_22, %dma_start3A] : memref<8x125xi32, #tpu.memory_space<vmem>> -> memref<1x125xi32, #tpu.memory_space<vmem>>
        %dma_start3A_31 = tpu.memref_squeeze %dma_start3A_30 : memref<1x125xi32, #tpu.memory_space<vmem>> -> memref<125xi32, #tpu.memory_space<vmem>>
        %dma_start3A_32 = arith.constant 0 : i32
        %dma_start3A_33 = tpu.memref_slice %arg6[%dma_start3A_32] : memref<10240xf32, #tpu.memory_space<vmem_shared>> -> memref<10240xf32, #tpu.memory_space<vmem_shared>>
        tpu.enqueue_indirect_dma source(%arg8 : memref<125xf32, #tpu.memory_space<vmem>>) target(%dma_start3A_33 : memref<10240xf32, #tpu.memory_space<vmem_shared>>) offsets(%dma_start3A_31 : memref<125xi32, #tpu.memory_space<vmem>>) semaphore(%run_scoped3A_29 : memref<!tpu.dma_semaphore, #tpu.memory_space<semaphore_mem>>) {add = true}
        %dma_wait3A = arith.constant 0 : i32
        %dma_wait3A_34 = tpu.memref_slice %arg7[%run_scoped3A_22, %dma_wait3A] : memref<8x125xi32, #tpu.memory_space<vmem>> -> memref<1x125xi32, #tpu.memory_space<vmem>>
        %dma_wait3A_35 = tpu.memref_squeeze %dma_wait3A_34 : memref<1x125xi32, #tpu.memory_space<vmem>> -> memref<125xi32, #tpu.memory_space<vmem>>
        %dma_wait3A_36 = arith.constant 0 : i32
        %dma_wait3A_37 = tpu.memref_slice %arg6[%dma_wait3A_36] : memref<10240xf32, #tpu.memory_space<vmem_shared>> -> memref<10240xf32, #tpu.memory_space<vmem_shared>>
        tpu.wait_indirect_dma semaphore(%run_scoped3A_29 : memref<!tpu.dma_semaphore, #tpu.memory_space<semaphore_mem>>) src(%arg8 : memref<125xf32, #tpu.memory_space<vmem>>) dst(%dma_wait3A_37 : memref<10240xf32, #tpu.memory_space<vmem_shared>>)
        tpu.yield
      }) : () -> ()
      %run_scoped3A_23 = arith.constant 2 : i32
      "tpu.region"() ({
        %run_scoped3A_29 = tpu.sem_alloc : memref<!tpu.dma_semaphore, #tpu.memory_space<semaphore_mem>>
        %dma_start3A = arith.constant 0 : i32
        %dma_start3A_30 = tpu.memref_slice %arg7[%run_scoped3A_23, %dma_start3A] : memref<8x125xi32, #tpu.memory_space<vmem>> -> memref<1x125xi32, #tpu.memory_space<vmem>>
        %dma_start3A_31 = tpu.memref_squeeze %dma_start3A_30 : memref<1x125xi32, #tpu.memory_space<vmem>> -> memref<125xi32, #tpu.memory_space<vmem>>
        %dma_start3A_32 = arith.constant 0 : i32
        %dma_start3A_33 = tpu.memref_slice %arg6[%dma_start3A_32] : memref<10240xf32, #tpu.memory_space<vmem_shared>> -> memref<10240xf32, #tpu.memory_space<vmem_shared>>
        tpu.enqueue_indirect_dma source(%arg8 : memref<125xf32, #tpu.memory_space<vmem>>) target(%dma_start3A_33 : memref<10240xf32, #tpu.memory_space<vmem_shared>>) offsets(%dma_start3A_31 : memref<125xi32, #tpu.memory_space<vmem>>) semaphore(%run_scoped3A_29 : memref<!tpu.dma_semaphore, #tpu.memory_space<semaphore_mem>>) {add = true}
        %dma_wait3A = arith.constant 0 : i32
        %dma_wait3A_34 = tpu.memref_slice %arg7[%run_scoped3A_23, %dma_wait3A] : memref<8x125xi32, #tpu.memory_space<vmem>> -> memref<1x125xi32, #tpu.memory_space<vmem>>
        %dma_wait3A_35 = tpu.memref_squeeze %dma_wait3A_34 : memref<1x125xi32, #tpu.memory_space<vmem>> -> memref<125xi32, #tpu.memory_space<vmem>>
        %dma_wait3A_36 = arith.constant 0 : i32
        %dma_wait3A_37 = tpu.memref_slice %arg6[%dma_wait3A_36] : memref<10240xf32, #tpu.memory_space<vmem_shared>> -> memref<10240xf32, #tpu.memory_space<vmem_shared>>
        tpu.wait_indirect_dma semaphore(%run_scoped3A_29 : memref<!tpu.dma_semaphore, #tpu.memory_space<semaphore_mem>>) src(%arg8 : memref<125xf32, #tpu.memory_space<vmem>>) dst(%dma_wait3A_37 : memref<10240xf32, #tpu.memory_space<vmem_shared>>)
        tpu.yield
      }) : () -> ()
      %run_scoped3A_24 = arith.constant 3 : i32
      "tpu.region"() ({
        %run_scoped3A_29 = tpu.sem_alloc : memref<!tpu.dma_semaphore, #tpu.memory_space<semaphore_mem>>
        %dma_start3A = arith.constant 0 : i32
        %dma_start3A_30 = tpu.memref_slice %arg7[%run_scoped3A_24, %dma_start3A] : memref<8x125xi32, #tpu.memory_space<vmem>> -> memref<1x125xi32, #tpu.memory_space<vmem>>
        %dma_start3A_31 = tpu.memref_squeeze %dma_start3A_30 : memref<1x125xi32, #tpu.memory_space<vmem>> -> memref<125xi32, #tpu.memory_space<vmem>>
        %dma_start3A_32 = arith.constant 0 : i32
        %dma_start3A_33 = tpu.memref_slice %arg6[%dma_start3A_32] : memref<10240xf32, #tpu.memory_space<vmem_shared>> -> memref<10240xf32, #tpu.memory_space<vmem_shared>>
        tpu.enqueue_indirect_dma source(%arg8 : memref<125xf32, #tpu.memory_space<vmem>>) target(%dma_start3A_33 : memref<10240xf32, #tpu.memory_space<vmem_shared>>) offsets(%dma_start3A_31 : memref<125xi32, #tpu.memory_space<vmem>>) semaphore(%run_scoped3A_29 : memref<!tpu.dma_semaphore, #tpu.memory_space<semaphore_mem>>) {add = true}
        %dma_wait3A = arith.constant 0 : i32
        %dma_wait3A_34 = tpu.memref_slice %arg7[%run_scoped3A_24, %dma_wait3A] : memref<8x125xi32, #tpu.memory_space<vmem>> -> memref<1x125xi32, #tpu.memory_space<vmem>>
        %dma_wait3A_35 = tpu.memref_squeeze %dma_wait3A_34 : memref<1x125xi32, #tpu.memory_space<vmem>> -> memref<125xi32, #tpu.memory_space<vmem>>
        %dma_wait3A_36 = arith.constant 0 : i32
        %dma_wait3A_37 = tpu.memref_slice %arg6[%dma_wait3A_36] : memref<10240xf32, #tpu.memory_space<vmem_shared>> -> memref<10240xf32, #tpu.memory_space<vmem_shared>>
        tpu.wait_indirect_dma semaphore(%run_scoped3A_29 : memref<!tpu.dma_semaphore, #tpu.memory_space<semaphore_mem>>) src(%arg8 : memref<125xf32, #tpu.memory_space<vmem>>) dst(%dma_wait3A_37 : memref<10240xf32, #tpu.memory_space<vmem_shared>>)
        tpu.yield
      }) : () -> ()
      %run_scoped3A_25 = arith.constant 4 : i32
      "tpu.region"() ({
        %run_scoped3A_29 = tpu.sem_alloc : memref<!tpu.dma_semaphore, #tpu.memory_space<semaphore_mem>>
        %dma_start3A = arith.constant 0 : i32
        %dma_start3A_30 = tpu.memref_slice %arg7[%run_scoped3A_25, %dma_start3A] : memref<8x125xi32, #tpu.memory_space<vmem>> -> memref<1x125xi32, #tpu.memory_space<vmem>>
        %dma_start3A_31 = tpu.memref_squeeze %dma_start3A_30 : memref<1x125xi32, #tpu.memory_space<vmem>> -> memref<125xi32, #tpu.memory_space<vmem>>
        %dma_start3A_32 = arith.constant 0 : i32
        %dma_start3A_33 = tpu.memref_slice %arg6[%dma_start3A_32] : memref<10240xf32, #tpu.memory_space<vmem_shared>> -> memref<10240xf32, #tpu.memory_space<vmem_shared>>
        tpu.enqueue_indirect_dma source(%arg8 : memref<125xf32, #tpu.memory_space<vmem>>) target(%dma_start3A_33 : memref<10240xf32, #tpu.memory_space<vmem_shared>>) offsets(%dma_start3A_31 : memref<125xi32, #tpu.memory_space<vmem>>) semaphore(%run_scoped3A_29 : memref<!tpu.dma_semaphore, #tpu.memory_space<semaphore_mem>>) {add = true}
        %dma_wait3A = arith.constant 0 : i32
        %dma_wait3A_34 = tpu.memref_slice %arg7[%run_scoped3A_25, %dma_wait3A] : memref<8x125xi32, #tpu.memory_space<vmem>> -> memref<1x125xi32, #tpu.memory_space<vmem>>
        %dma_wait3A_35 = tpu.memref_squeeze %dma_wait3A_34 : memref<1x125xi32, #tpu.memory_space<vmem>> -> memref<125xi32, #tpu.memory_space<vmem>>
        %dma_wait3A_36 = arith.constant 0 : i32
        %dma_wait3A_37 = tpu.memref_slice %arg6[%dma_wait3A_36] : memref<10240xf32, #tpu.memory_space<vmem_shared>> -> memref<10240xf32, #tpu.memory_space<vmem_shared>>
        tpu.wait_indirect_dma semaphore(%run_scoped3A_29 : memref<!tpu.dma_semaphore, #tpu.memory_space<semaphore_mem>>) src(%arg8 : memref<125xf32, #tpu.memory_space<vmem>>) dst(%dma_wait3A_37 : memref<10240xf32, #tpu.memory_space<vmem_shared>>)
        tpu.yield
      }) : () -> ()
      %run_scoped3A_26 = arith.constant 5 : i32
      "tpu.region"() ({
        %run_scoped3A_29 = tpu.sem_alloc : memref<!tpu.dma_semaphore, #tpu.memory_space<semaphore_mem>>
        %dma_start3A = arith.constant 0 : i32
        %dma_start3A_30 = tpu.memref_slice %arg7[%run_scoped3A_26, %dma_start3A] : memref<8x125xi32, #tpu.memory_space<vmem>> -> memref<1x125xi32, #tpu.memory_space<vmem>>
        %dma_start3A_31 = tpu.memref_squeeze %dma_start3A_30 : memref<1x125xi32, #tpu.memory_space<vmem>> -> memref<125xi32, #tpu.memory_space<vmem>>
        %dma_start3A_32 = arith.constant 0 : i32
        %dma_start3A_33 = tpu.memref_slice %arg6[%dma_start3A_32] : memref<10240xf32, #tpu.memory_space<vmem_shared>> -> memref<10240xf32, #tpu.memory_space<vmem_shared>>
        tpu.enqueue_indirect_dma source(%arg8 : memref<125xf32, #tpu.memory_space<vmem>>) target(%dma_start3A_33 : memref<10240xf32, #tpu.memory_space<vmem_shared>>) offsets(%dma_start3A_31 : memref<125xi32, #tpu.memory_space<vmem>>) semaphore(%run_scoped3A_29 : memref<!tpu.dma_semaphore, #tpu.memory_space<semaphore_mem>>) {add = true}
        %dma_wait3A = arith.constant 0 : i32
        %dma_wait3A_34 = tpu.memref_slice %arg7[%run_scoped3A_26, %dma_wait3A] : memref<8x125xi32, #tpu.memory_space<vmem>> -> memref<1x125xi32, #tpu.memory_space<vmem>>
        %dma_wait3A_35 = tpu.memref_squeeze %dma_wait3A_34 : memref<1x125xi32, #tpu.memory_space<vmem>> -> memref<125xi32, #tpu.memory_space<vmem>>
        %dma_wait3A_36 = arith.constant 0 : i32
        %dma_wait3A_37 = tpu.memref_slice %arg6[%dma_wait3A_36] : memref<10240xf32, #tpu.memory_space<vmem_shared>> -> memref<10240xf32, #tpu.memory_space<vmem_shared>>
        tpu.wait_indirect_dma semaphore(%run_scoped3A_29 : memref<!tpu.dma_semaphore, #tpu.memory_space<semaphore_mem>>) src(%arg8 : memref<125xf32, #tpu.memory_space<vmem>>) dst(%dma_wait3A_37 : memref<10240xf32, #tpu.memory_space<vmem_shared>>)
        tpu.yield
      }) : () -> ()
      %run_scoped3A_27 = arith.constant 6 : i32
      "tpu.region"() ({
        %run_scoped3A_29 = tpu.sem_alloc : memref<!tpu.dma_semaphore, #tpu.memory_space<semaphore_mem>>
        %dma_start3A = arith.constant 0 : i32
        %dma_start3A_30 = tpu.memref_slice %arg7[%run_scoped3A_27, %dma_start3A] : memref<8x125xi32, #tpu.memory_space<vmem>> -> memref<1x125xi32, #tpu.memory_space<vmem>>
        %dma_start3A_31 = tpu.memref_squeeze %dma_start3A_30 : memref<1x125xi32, #tpu.memory_space<vmem>> -> memref<125xi32, #tpu.memory_space<vmem>>
        %dma_start3A_32 = arith.constant 0 : i32
        %dma_start3A_33 = tpu.memref_slice %arg6[%dma_start3A_32] : memref<10240xf32, #tpu.memory_space<vmem_shared>> -> memref<10240xf32, #tpu.memory_space<vmem_shared>>
        tpu.enqueue_indirect_dma source(%arg8 : memref<125xf32, #tpu.memory_space<vmem>>) target(%dma_start3A_33 : memref<10240xf32, #tpu.memory_space<vmem_shared>>) offsets(%dma_start3A_31 : memref<125xi32, #tpu.memory_space<vmem>>) semaphore(%run_scoped3A_29 : memref<!tpu.dma_semaphore, #tpu.memory_space<semaphore_mem>>) {add = true}
        %dma_wait3A = arith.constant 0 : i32
        %dma_wait3A_34 = tpu.memref_slice %arg7[%run_scoped3A_27, %dma_wait3A] : memref<8x125xi32, #tpu.memory_space<vmem>> -> memref<1x125xi32, #tpu.memory_space<vmem>>
        %dma_wait3A_35 = tpu.memref_squeeze %dma_wait3A_34 : memref<1x125xi32, #tpu.memory_space<vmem>> -> memref<125xi32, #tpu.memory_space<vmem>>
        %dma_wait3A_36 = arith.constant 0 : i32
        %dma_wait3A_37 = tpu.memref_slice %arg6[%dma_wait3A_36] : memref<10240xf32, #tpu.memory_space<vmem_shared>> -> memref<10240xf32, #tpu.memory_space<vmem_shared>>
        tpu.wait_indirect_dma semaphore(%run_scoped3A_29 : memref<!tpu.dma_semaphore, #tpu.memory_space<semaphore_mem>>) src(%arg8 : memref<125xf32, #tpu.memory_space<vmem>>) dst(%dma_wait3A_37 : memref<10240xf32, #tpu.memory_space<vmem_shared>>)
        tpu.yield
      }) : () -> ()
      %run_scoped3A_28 = arith.constant 7 : i32
      "tpu.region"() ({
        %run_scoped3A_29 = tpu.sem_alloc : memref<!tpu.dma_semaphore, #tpu.memory_space<semaphore_mem>>
        %dma_start3A = arith.constant 0 : i32
        %dma_start3A_30 = tpu.memref_slice %arg7[%run_scoped3A_28, %dma_start3A] : memref<8x125xi32, #tpu.memory_space<vmem>> -> memref<1x125xi32, #tpu.memory_space<vmem>>
        %dma_start3A_31 = tpu.memref_squeeze %dma_start3A_30 : memref<1x125xi32, #tpu.memory_space<vmem>> -> memref<125xi32, #tpu.memory_space<vmem>>
        %dma_start3A_32 = arith.constant 0 : i32
        %dma_start3A_33 = tpu.memref_slice %arg6[%dma_start3A_32] : memref<10240xf32, #tpu.memory_space<vmem_shared>> -> memref<10240xf32, #tpu.memory_space<vmem_shared>>
        tpu.enqueue_indirect_dma source(%arg8 : memref<125xf32, #tpu.memory_space<vmem>>) target(%dma_start3A_33 : memref<10240xf32, #tpu.memory_space<vmem_shared>>) offsets(%dma_start3A_31 : memref<125xi32, #tpu.memory_space<vmem>>) semaphore(%run_scoped3A_29 : memref<!tpu.dma_semaphore, #tpu.memory_space<semaphore_mem>>) {add = true}
        %dma_wait3A = arith.constant 0 : i32
        %dma_wait3A_34 = tpu.memref_slice %arg7[%run_scoped3A_28, %dma_wait3A] : memref<8x125xi32, #tpu.memory_space<vmem>> -> memref<1x125xi32, #tpu.memory_space<vmem>>
        %dma_wait3A_35 = tpu.memref_squeeze %dma_wait3A_34 : memref<1x125xi32, #tpu.memory_space<vmem>> -> memref<125xi32, #tpu.memory_space<vmem>>
        %dma_wait3A_36 = arith.constant 0 : i32
        %dma_wait3A_37 = tpu.memref_slice %arg6[%dma_wait3A_36] : memref<10240xf32, #tpu.memory_space<vmem_shared>> -> memref<10240xf32, #tpu.memory_space<vmem_shared>>
        tpu.wait_indirect_dma semaphore(%run_scoped3A_29 : memref<!tpu.dma_semaphore, #tpu.memory_space<semaphore_mem>>) src(%arg8 : memref<125xf32, #tpu.memory_space<vmem>>) dst(%dma_wait3A_37 : memref<10240xf32, #tpu.memory_space<vmem_shared>>)
        tpu.yield
      }) : () -> ()
    }
    %scan3A_7 = arith.constant 10 : i32
    %barrier3A_8 = arith.constant 0 : index
    tpu.barrier barrier_id(%barrier3A_8)
    %mul3A_9 = arith.constant 640 : i32
    %mul3A_10 = arith.muli %arg1, %mul3A_9 : i32
    "tpu.region"() ({
      %run_scoped3A = tpu.sem_alloc : memref<!tpu.dma_semaphore, #tpu.memory_space<semaphore_mem>>
      %dma_start3A = tpu.memref_slice %arg6[%mul3A_10] : memref<10240xf32, #tpu.memory_space<vmem_shared>> -> memref<640xf32, #tpu.memory_space<vmem_shared>>
      %dma_start3A_16 = tpu.memref_slice %arg6[%mul3A_10] : memref<10240xf32, #tpu.memory_space<vmem_shared>> -> memref<640xf32, #tpu.memory_space<vmem_shared>>
      tpu.enqueue_dma source(%dma_start3A_16 : memref<640xf32, #tpu.memory_space<vmem_shared>>) target(%arg9 : memref<640xf32, #tpu.memory_space<vmem>>) target_semaphore(%run_scoped3A : memref<!tpu.dma_semaphore, #tpu.memory_space<semaphore_mem>>)
      %dma_wait3A = tpu.memref_slice %arg6[%mul3A_10] : memref<10240xf32, #tpu.memory_space<vmem_shared>> -> memref<640xf32, #tpu.memory_space<vmem_shared>>
      %dma_wait3A_17 = tpu.memref_slice %arg6[%mul3A_10] : memref<10240xf32, #tpu.memory_space<vmem_shared>> -> memref<640xf32, #tpu.memory_space<vmem_shared>>
      tpu.wait_dma2 semaphore(%run_scoped3A : memref<!tpu.dma_semaphore, #tpu.memory_space<semaphore_mem>>) src(%dma_wait3A_17 : memref<640xf32, #tpu.memory_space<vmem_shared>>) dst(%arg9 : memref<640xf32, #tpu.memory_space<vmem>>)
      tpu.yield
    }) : () -> ()
    %mul3A_11 = arith.constant 10240 : i32
    %mul3A_12 = arith.muli %arg0, %mul3A_11 : i32
    %mul3A_13 = arith.constant 640 : i32
    %mul3A_14 = arith.muli %arg1, %mul3A_13 : i32
    %add3A_15 = arith.addi %mul3A_12, %mul3A_14 : i32
    "tpu.region"() ({
      %run_scoped3A = tpu.sem_alloc : memref<!tpu.dma_semaphore, #tpu.memory_space<semaphore_mem>>
      %dma_start3A = tpu.memref_slice %arg5[%add3A_15] : memref<20480xf32, #tpu.memory_space<hbm>> -> memref<640xf32, #tpu.memory_space<hbm>>
      %dma_start3A_16 = tpu.memref_slice %arg5[%add3A_15] : memref<20480xf32, #tpu.memory_space<hbm>> -> memref<640xf32, #tpu.memory_space<hbm>>
      tpu.enqueue_dma source(%arg9 : memref<640xf32, #tpu.memory_space<vmem>>) target(%dma_start3A_16 : memref<640xf32, #tpu.memory_space<hbm>>) target_semaphore(%run_scoped3A : memref<!tpu.dma_semaphore, #tpu.memory_space<semaphore_mem>>)
      %dma_wait3A = tpu.memref_slice %arg5[%add3A_15] : memref<20480xf32, #tpu.memory_space<hbm>> -> memref<640xf32, #tpu.memory_space<hbm>>
      %dma_wait3A_17 = tpu.memref_slice %arg5[%add3A_15] : memref<20480xf32, #tpu.memory_space<hbm>> -> memref<640xf32, #tpu.memory_space<hbm>>
      tpu.wait_dma2 semaphore(%run_scoped3A : memref<!tpu.dma_semaphore, #tpu.memory_space<semaphore_mem>>) src(%arg9 : memref<640xf32, #tpu.memory_space<vmem>>) dst(%dma_wait3A_17 : memref<640xf32, #tpu.memory_space<hbm>>)
      tpu.yield
    }) : () -> ()
    return
  }
}

#map = affine_map<(d0, d1) -> (0, 0)>
module attributes {stable_mosaic.version = 14 : i64} {
  func.func @_scatter_body(%arg0: i32, %arg1: i32, %arg2: memref<10000x128xf32, #tpu.memory_space<hbm>>, %arg3: memref<2560x125xi32, #tpu.memory_space<hbm>>, %arg4: memref<2560x125xi32, #tpu.memory_space<hbm>>, %arg5: memref<80x128xf32, #tpu.memory_space<hbm>>, %arg6: memref<20480x128xf32, #tpu.memory_space<hbm>>, %arg7: memref<10240x128xf32, #tpu.memory_space<vmem_shared>>, %arg8: memref<40x125xi32, #tpu.memory_space<vmem>>, %arg9: memref<40x125xi32, #tpu.memory_space<vmem>>, %arg10: memref<125x128xf32, #tpu.memory_space<vmem>>, %arg11: memref<125x128xf32, #tpu.memory_space<vmem>>, %arg12: memref<!tpu.dma_semaphore, #tpu.memory_space<semaphore_mem>>, %arg13: memref<!tpu.dma_semaphore, #tpu.memory_space<semaphore_mem>>, %arg14: memref<!tpu.dma_semaphore, #tpu.memory_space<semaphore_mem>>, %arg15: memref<!tpu.dma_semaphore, #tpu.memory_space<semaphore_mem>>) attributes {dimension_semantics = [#tpu.dimension_semantics<core_parallel>, #tpu.dimension_semantics<subcore_parallel>], iteration_bounds = array<i64: 2, 16>, scalar_prefetch = 0 : i64, scratch_operands = 9 : i64, tpu.core_type = #tpu.core_type<sc_vector_subcore>, window_params = [{transform_indices = #map}, {transform_indices = #map}, {transform_indices = #map}, {transform_indices = #map}, {transform_indices = #map}]} {
    %mul3A = arith.constant 16 : i32
    %mul3A_0 = arith.muli %arg0, %mul3A : i32
    %add3A = arith.addi %mul3A_0, %arg1 : i32
    %mul3A_1 = arith.constant 640 : i32
    %mul3A_2 = arith.muli %arg1, %mul3A_1 : i32
    "tpu.region"() ({
      %run_scoped3A = tpu.sem_alloc : memref<!tpu.dma_semaphore, #tpu.memory_space<semaphore_mem>>
      %dma_start3A_121 = arith.constant 0 : i32
      %dma_start3A_122 = arith.constant 0 : i32
      %dma_start3A_123 = tpu.memref_slice %arg10[%dma_start3A_121, %dma_start3A_122] : memref<125x128xf32, #tpu.memory_space<vmem>> -> memref<80x128xf32, #tpu.memory_space<vmem>>
      %dma_start3A_124 = arith.constant 0 : i32
      %dma_start3A_125 = arith.constant 0 : i32
      %dma_start3A_126 = tpu.memref_slice %arg10[%dma_start3A_124, %dma_start3A_125] : memref<125x128xf32, #tpu.memory_space<vmem>> -> memref<80x128xf32, #tpu.memory_space<vmem>>
      tpu.enqueue_dma source(%arg5 : memref<80x128xf32, #tpu.memory_space<hbm>>) target(%dma_start3A_126 : memref<80x128xf32, #tpu.memory_space<vmem>>) target_semaphore(%run_scoped3A : memref<!tpu.dma_semaphore, #tpu.memory_space<semaphore_mem>>)
      %dma_wait3A_127 = arith.constant 0 : i32
      %dma_wait3A_128 = arith.constant 0 : i32
      %dma_wait3A_129 = tpu.memref_slice %arg10[%dma_wait3A_127, %dma_wait3A_128] : memref<125x128xf32, #tpu.memory_space<vmem>> -> memref<80x128xf32, #tpu.memory_space<vmem>>
      %dma_wait3A_130 = arith.constant 0 : i32
      %dma_wait3A_131 = arith.constant 0 : i32
      %dma_wait3A_132 = tpu.memref_slice %arg10[%dma_wait3A_130, %dma_wait3A_131] : memref<125x128xf32, #tpu.memory_space<vmem>> -> memref<80x128xf32, #tpu.memory_space<vmem>>
      tpu.wait_dma2 semaphore(%run_scoped3A : memref<!tpu.dma_semaphore, #tpu.memory_space<semaphore_mem>>) src(%arg5 : memref<80x128xf32, #tpu.memory_space<hbm>>) dst(%dma_wait3A_132 : memref<80x128xf32, #tpu.memory_space<vmem>>)
      tpu.yield
    }) : () -> ()
    %add3A_3 = arith.constant 0 : i32
    %add3A_4 = arith.addi %mul3A_2, %add3A_3 : i32
    "tpu.region"() ({
      %run_scoped3A = tpu.sem_alloc : memref<!tpu.dma_semaphore, #tpu.memory_space<semaphore_mem>>
      %dma_start3A_121 = arith.constant 0 : i32
      %dma_start3A_122 = arith.constant 0 : i32
      %dma_start3A_123 = tpu.memref_slice %arg10[%dma_start3A_121, %dma_start3A_122] : memref<125x128xf32, #tpu.memory_space<vmem>> -> memref<80x128xf32, #tpu.memory_space<vmem>>
      %dma_start3A_124 = arith.constant 0 : i32
      %dma_start3A_125 = tpu.memref_slice %arg7[%add3A_4, %dma_start3A_124] : memref<10240x128xf32, #tpu.memory_space<vmem_shared>> -> memref<80x128xf32, #tpu.memory_space<vmem_shared>>
      %dma_start3A_126 = arith.constant 0 : i32
      %dma_start3A_127 = tpu.memref_slice %arg7[%add3A_4, %dma_start3A_126] : memref<10240x128xf32, #tpu.memory_space<vmem_shared>> -> memref<80x128xf32, #tpu.memory_space<vmem_shared>>
      %dma_start3A_128 = arith.constant 0 : i32
      %dma_start3A_129 = arith.constant 0 : i32
      %dma_start3A_130 = tpu.memref_slice %arg10[%dma_start3A_128, %dma_start3A_129] : memref<125x128xf32, #tpu.memory_space<vmem>> -> memref<80x128xf32, #tpu.memory_space<vmem>>
      tpu.enqueue_dma source(%dma_start3A_130 : memref<80x128xf32, #tpu.memory_space<vmem>>) target(%dma_start3A_127 : memref<80x128xf32, #tpu.memory_space<vmem_shared>>) target_semaphore(%run_scoped3A : memref<!tpu.dma_semaphore, #tpu.memory_space<semaphore_mem>>)
      %dma_wait3A_131 = arith.constant 0 : i32
      %dma_wait3A_132 = arith.constant 0 : i32
      %dma_wait3A_133 = tpu.memref_slice %arg10[%dma_wait3A_131, %dma_wait3A_132] : memref<125x128xf32, #tpu.memory_space<vmem>> -> memref<80x128xf32, #tpu.memory_space<vmem>>
      %dma_wait3A_134 = arith.constant 0 : i32
      %dma_wait3A_135 = tpu.memref_slice %arg7[%add3A_4, %dma_wait3A_134] : memref<10240x128xf32, #tpu.memory_space<vmem_shared>> -> memref<80x128xf32, #tpu.memory_space<vmem_shared>>
      %dma_wait3A_136 = arith.constant 0 : i32
      %dma_wait3A_137 = tpu.memref_slice %arg7[%add3A_4, %dma_wait3A_136] : memref<10240x128xf32, #tpu.memory_space<vmem_shared>> -> memref<80x128xf32, #tpu.memory_space<vmem_shared>>
      %dma_wait3A_138 = arith.constant 0 : i32
      %dma_wait3A_139 = arith.constant 0 : i32
      %dma_wait3A_140 = tpu.memref_slice %arg10[%dma_wait3A_138, %dma_wait3A_139] : memref<125x128xf32, #tpu.memory_space<vmem>> -> memref<80x128xf32, #tpu.memory_space<vmem>>
      tpu.wait_dma2 semaphore(%run_scoped3A : memref<!tpu.dma_semaphore, #tpu.memory_space<semaphore_mem>>) src(%dma_wait3A_140 : memref<80x128xf32, #tpu.memory_space<vmem>>) dst(%dma_wait3A_137 : memref<80x128xf32, #tpu.memory_space<vmem_shared>>)
      tpu.yield
    }) : () -> ()
    %add3A_5 = arith.constant 80 : i32
    %add3A_6 = arith.addi %mul3A_2, %add3A_5 : i32
    "tpu.region"() ({
      %run_scoped3A = tpu.sem_alloc : memref<!tpu.dma_semaphore, #tpu.memory_space<semaphore_mem>>
      %dma_start3A_121 = arith.constant 0 : i32
      %dma_start3A_122 = arith.constant 0 : i32
      %dma_start3A_123 = tpu.memref_slice %arg10[%dma_start3A_121, %dma_start3A_122] : memref<125x128xf32, #tpu.memory_space<vmem>> -> memref<80x128xf32, #tpu.memory_space<vmem>>
      %dma_start3A_124 = arith.constant 0 : i32
      %dma_start3A_125 = tpu.memref_slice %arg7[%add3A_6, %dma_start3A_124] : memref<10240x128xf32, #tpu.memory_space<vmem_shared>> -> memref<80x128xf32, #tpu.memory_space<vmem_shared>>
      %dma_start3A_126 = arith.constant 0 : i32
      %dma_start3A_127 = tpu.memref_slice %arg7[%add3A_6, %dma_start3A_126] : memref<10240x128xf32, #tpu.memory_space<vmem_shared>> -> memref<80x128xf32, #tpu.memory_space<vmem_shared>>
      %dma_start3A_128 = arith.constant 0 : i32
      %dma_start3A_129 = arith.constant 0 : i32
      %dma_start3A_130 = tpu.memref_slice %arg10[%dma_start3A_128, %dma_start3A_129] : memref<125x128xf32, #tpu.memory_space<vmem>> -> memref<80x128xf32, #tpu.memory_space<vmem>>
      tpu.enqueue_dma source(%dma_start3A_130 : memref<80x128xf32, #tpu.memory_space<vmem>>) target(%dma_start3A_127 : memref<80x128xf32, #tpu.memory_space<vmem_shared>>) target_semaphore(%run_scoped3A : memref<!tpu.dma_semaphore, #tpu.memory_space<semaphore_mem>>)
      %dma_wait3A_131 = arith.constant 0 : i32
      %dma_wait3A_132 = arith.constant 0 : i32
      %dma_wait3A_133 = tpu.memref_slice %arg10[%dma_wait3A_131, %dma_wait3A_132] : memref<125x128xf32, #tpu.memory_space<vmem>> -> memref<80x128xf32, #tpu.memory_space<vmem>>
      %dma_wait3A_134 = arith.constant 0 : i32
      %dma_wait3A_135 = tpu.memref_slice %arg7[%add3A_6, %dma_wait3A_134] : memref<10240x128xf32, #tpu.memory_space<vmem_shared>> -> memref<80x128xf32, #tpu.memory_space<vmem_shared>>
      %dma_wait3A_136 = arith.constant 0 : i32
      %dma_wait3A_137 = tpu.memref_slice %arg7[%add3A_6, %dma_wait3A_136] : memref<10240x128xf32, #tpu.memory_space<vmem_shared>> -> memref<80x128xf32, #tpu.memory_space<vmem_shared>>
      %dma_wait3A_138 = arith.constant 0 : i32
      %dma_wait3A_139 = arith.constant 0 : i32
      %dma_wait3A_140 = tpu.memref_slice %arg10[%dma_wait3A_138, %dma_wait3A_139] : memref<125x128xf32, #tpu.memory_space<vmem>> -> memref<80x128xf32, #tpu.memory_space<vmem>>
      tpu.wait_dma2 semaphore(%run_scoped3A : memref<!tpu.dma_semaphore, #tpu.memory_space<semaphore_mem>>) src(%dma_wait3A_140 : memref<80x128xf32, #tpu.memory_space<vmem>>) dst(%dma_wait3A_137 : memref<80x128xf32, #tpu.memory_space<vmem_shared>>)
      tpu.yield
    }) : () -> ()
    %add3A_7 = arith.constant 160 : i32
    %add3A_8 = arith.addi %mul3A_2, %add3A_7 : i32
    "tpu.region"() ({
      %run_scoped3A = tpu.sem_alloc : memref<!tpu.dma_semaphore, #tpu.memory_space<semaphore_mem>>
      %dma_start3A_121 = arith.constant 0 : i32
      %dma_start3A_122 = arith.constant 0 : i32
      %dma_start3A_123 = tpu.memref_slice %arg10[%dma_start3A_121, %dma_start3A_122] : memref<125x128xf32, #tpu.memory_space<vmem>> -> memref<80x128xf32, #tpu.memory_space<vmem>>
      %dma_start3A_124 = arith.constant 0 : i32
      %dma_start3A_125 = tpu.memref_slice %arg7[%add3A_8, %dma_start3A_124] : memref<10240x128xf32, #tpu.memory_space<vmem_shared>> -> memref<80x128xf32, #tpu.memory_space<vmem_shared>>
      %dma_start3A_126 = arith.constant 0 : i32
      %dma_start3A_127 = tpu.memref_slice %arg7[%add3A_8, %dma_start3A_126] : memref<10240x128xf32, #tpu.memory_space<vmem_shared>> -> memref<80x128xf32, #tpu.memory_space<vmem_shared>>
      %dma_start3A_128 = arith.constant 0 : i32
      %dma_start3A_129 = arith.constant 0 : i32
      %dma_start3A_130 = tpu.memref_slice %arg10[%dma_start3A_128, %dma_start3A_129] : memref<125x128xf32, #tpu.memory_space<vmem>> -> memref<80x128xf32, #tpu.memory_space<vmem>>
      tpu.enqueue_dma source(%dma_start3A_130 : memref<80x128xf32, #tpu.memory_space<vmem>>) target(%dma_start3A_127 : memref<80x128xf32, #tpu.memory_space<vmem_shared>>) target_semaphore(%run_scoped3A : memref<!tpu.dma_semaphore, #tpu.memory_space<semaphore_mem>>)
      %dma_wait3A_131 = arith.constant 0 : i32
      %dma_wait3A_132 = arith.constant 0 : i32
      %dma_wait3A_133 = tpu.memref_slice %arg10[%dma_wait3A_131, %dma_wait3A_132] : memref<125x128xf32, #tpu.memory_space<vmem>> -> memref<80x128xf32, #tpu.memory_space<vmem>>
      %dma_wait3A_134 = arith.constant 0 : i32
      %dma_wait3A_135 = tpu.memref_slice %arg7[%add3A_8, %dma_wait3A_134] : memref<10240x128xf32, #tpu.memory_space<vmem_shared>> -> memref<80x128xf32, #tpu.memory_space<vmem_shared>>
      %dma_wait3A_136 = arith.constant 0 : i32
      %dma_wait3A_137 = tpu.memref_slice %arg7[%add3A_8, %dma_wait3A_136] : memref<10240x128xf32, #tpu.memory_space<vmem_shared>> -> memref<80x128xf32, #tpu.memory_space<vmem_shared>>
      %dma_wait3A_138 = arith.constant 0 : i32
      %dma_wait3A_139 = arith.constant 0 : i32
      %dma_wait3A_140 = tpu.memref_slice %arg10[%dma_wait3A_138, %dma_wait3A_139] : memref<125x128xf32, #tpu.memory_space<vmem>> -> memref<80x128xf32, #tpu.memory_space<vmem>>
      tpu.wait_dma2 semaphore(%run_scoped3A : memref<!tpu.dma_semaphore, #tpu.memory_space<semaphore_mem>>) src(%dma_wait3A_140 : memref<80x128xf32, #tpu.memory_space<vmem>>) dst(%dma_wait3A_137 : memref<80x128xf32, #tpu.memory_space<vmem_shared>>)
      tpu.yield
    }) : () -> ()
    %add3A_9 = arith.constant 240 : i32
    %add3A_10 = arith.addi %mul3A_2, %add3A_9 : i32
    "tpu.region"() ({
      %run_scoped3A = tpu.sem_alloc : memref<!tpu.dma_semaphore, #tpu.memory_space<semaphore_mem>>
      %dma_start3A_121 = arith.constant 0 : i32
      %dma_start3A_122 = arith.constant 0 : i32
      %dma_start3A_123 = tpu.memref_slice %arg10[%dma_start3A_121, %dma_start3A_122] : memref<125x128xf32, #tpu.memory_space<vmem>> -> memref<80x128xf32, #tpu.memory_space<vmem>>
      %dma_start3A_124 = arith.constant 0 : i32
      %dma_start3A_125 = tpu.memref_slice %arg7[%add3A_10, %dma_start3A_124] : memref<10240x128xf32, #tpu.memory_space<vmem_shared>> -> memref<80x128xf32, #tpu.memory_space<vmem_shared>>
      %dma_start3A_126 = arith.constant 0 : i32
      %dma_start3A_127 = tpu.memref_slice %arg7[%add3A_10, %dma_start3A_126] : memref<10240x128xf32, #tpu.memory_space<vmem_shared>> -> memref<80x128xf32, #tpu.memory_space<vmem_shared>>
      %dma_start3A_128 = arith.constant 0 : i32
      %dma_start3A_129 = arith.constant 0 : i32
      %dma_start3A_130 = tpu.memref_slice %arg10[%dma_start3A_128, %dma_start3A_129] : memref<125x128xf32, #tpu.memory_space<vmem>> -> memref<80x128xf32, #tpu.memory_space<vmem>>
      tpu.enqueue_dma source(%dma_start3A_130 : memref<80x128xf32, #tpu.memory_space<vmem>>) target(%dma_start3A_127 : memref<80x128xf32, #tpu.memory_space<vmem_shared>>) target_semaphore(%run_scoped3A : memref<!tpu.dma_semaphore, #tpu.memory_space<semaphore_mem>>)
      %dma_wait3A_131 = arith.constant 0 : i32
      %dma_wait3A_132 = arith.constant 0 : i32
      %dma_wait3A_133 = tpu.memref_slice %arg10[%dma_wait3A_131, %dma_wait3A_132] : memref<125x128xf32, #tpu.memory_space<vmem>> -> memref<80x128xf32, #tpu.memory_space<vmem>>
      %dma_wait3A_134 = arith.constant 0 : i32
      %dma_wait3A_135 = tpu.memref_slice %arg7[%add3A_10, %dma_wait3A_134] : memref<10240x128xf32, #tpu.memory_space<vmem_shared>> -> memref<80x128xf32, #tpu.memory_space<vmem_shared>>
      %dma_wait3A_136 = arith.constant 0 : i32
      %dma_wait3A_137 = tpu.memref_slice %arg7[%add3A_10, %dma_wait3A_136] : memref<10240x128xf32, #tpu.memory_space<vmem_shared>> -> memref<80x128xf32, #tpu.memory_space<vmem_shared>>
      %dma_wait3A_138 = arith.constant 0 : i32
      %dma_wait3A_139 = arith.constant 0 : i32
      %dma_wait3A_140 = tpu.memref_slice %arg10[%dma_wait3A_138, %dma_wait3A_139] : memref<125x128xf32, #tpu.memory_space<vmem>> -> memref<80x128xf32, #tpu.memory_space<vmem>>
      tpu.wait_dma2 semaphore(%run_scoped3A : memref<!tpu.dma_semaphore, #tpu.memory_space<semaphore_mem>>) src(%dma_wait3A_140 : memref<80x128xf32, #tpu.memory_space<vmem>>) dst(%dma_wait3A_137 : memref<80x128xf32, #tpu.memory_space<vmem_shared>>)
      tpu.yield
    }) : () -> ()
    %add3A_11 = arith.constant 320 : i32
    %add3A_12 = arith.addi %mul3A_2, %add3A_11 : i32
    "tpu.region"() ({
      %run_scoped3A = tpu.sem_alloc : memref<!tpu.dma_semaphore, #tpu.memory_space<semaphore_mem>>
      %dma_start3A_121 = arith.constant 0 : i32
      %dma_start3A_122 = arith.constant 0 : i32
      %dma_start3A_123 = tpu.memref_slice %arg10[%dma_start3A_121, %dma_start3A_122] : memref<125x128xf32, #tpu.memory_space<vmem>> -> memref<80x128xf32, #tpu.memory_space<vmem>>
      %dma_start3A_124 = arith.constant 0 : i32
      %dma_start3A_125 = tpu.memref_slice %arg7[%add3A_12, %dma_start3A_124] : memref<10240x128xf32, #tpu.memory_space<vmem_shared>> -> memref<80x128xf32, #tpu.memory_space<vmem_shared>>
      %dma_start3A_126 = arith.constant 0 : i32
      %dma_start3A_127 = tpu.memref_slice %arg7[%add3A_12, %dma_start3A_126] : memref<10240x128xf32, #tpu.memory_space<vmem_shared>> -> memref<80x128xf32, #tpu.memory_space<vmem_shared>>
      %dma_start3A_128 = arith.constant 0 : i32
      %dma_start3A_129 = arith.constant 0 : i32
      %dma_start3A_130 = tpu.memref_slice %arg10[%dma_start3A_128, %dma_start3A_129] : memref<125x128xf32, #tpu.memory_space<vmem>> -> memref<80x128xf32, #tpu.memory_space<vmem>>
      tpu.enqueue_dma source(%dma_start3A_130 : memref<80x128xf32, #tpu.memory_space<vmem>>) target(%dma_start3A_127 : memref<80x128xf32, #tpu.memory_space<vmem_shared>>) target_semaphore(%run_scoped3A : memref<!tpu.dma_semaphore, #tpu.memory_space<semaphore_mem>>)
      %dma_wait3A_131 = arith.constant 0 : i32
      %dma_wait3A_132 = arith.constant 0 : i32
      %dma_wait3A_133 = tpu.memref_slice %arg10[%dma_wait3A_131, %dma_wait3A_132] : memref<125x128xf32, #tpu.memory_space<vmem>> -> memref<80x128xf32, #tpu.memory_space<vmem>>
      %dma_wait3A_134 = arith.constant 0 : i32
      %dma_wait3A_135 = tpu.memref_slice %arg7[%add3A_12, %dma_wait3A_134] : memref<10240x128xf32, #tpu.memory_space<vmem_shared>> -> memref<80x128xf32, #tpu.memory_space<vmem_shared>>
      %dma_wait3A_136 = arith.constant 0 : i32
      %dma_wait3A_137 = tpu.memref_slice %arg7[%add3A_12, %dma_wait3A_136] : memref<10240x128xf32, #tpu.memory_space<vmem_shared>> -> memref<80x128xf32, #tpu.memory_space<vmem_shared>>
      %dma_wait3A_138 = arith.constant 0 : i32
      %dma_wait3A_139 = arith.constant 0 : i32
      %dma_wait3A_140 = tpu.memref_slice %arg10[%dma_wait3A_138, %dma_wait3A_139] : memref<125x128xf32, #tpu.memory_space<vmem>> -> memref<80x128xf32, #tpu.memory_space<vmem>>
      tpu.wait_dma2 semaphore(%run_scoped3A : memref<!tpu.dma_semaphore, #tpu.memory_space<semaphore_mem>>) src(%dma_wait3A_140 : memref<80x128xf32, #tpu.memory_space<vmem>>) dst(%dma_wait3A_137 : memref<80x128xf32, #tpu.memory_space<vmem_shared>>)
      tpu.yield
    }) : () -> ()
    %add3A_13 = arith.constant 400 : i32
    %add3A_14 = arith.addi %mul3A_2, %add3A_13 : i32
    "tpu.region"() ({
      %run_scoped3A = tpu.sem_alloc : memref<!tpu.dma_semaphore, #tpu.memory_space<semaphore_mem>>
      %dma_start3A_121 = arith.constant 0 : i32
      %dma_start3A_122 = arith.constant 0 : i32
      %dma_start3A_123 = tpu.memref_slice %arg10[%dma_start3A_121, %dma_start3A_122] : memref<125x128xf32, #tpu.memory_space<vmem>> -> memref<80x128xf32, #tpu.memory_space<vmem>>
      %dma_start3A_124 = arith.constant 0 : i32
      %dma_start3A_125 = tpu.memref_slice %arg7[%add3A_14, %dma_start3A_124] : memref<10240x128xf32, #tpu.memory_space<vmem_shared>> -> memref<80x128xf32, #tpu.memory_space<vmem_shared>>
      %dma_start3A_126 = arith.constant 0 : i32
      %dma_start3A_127 = tpu.memref_slice %arg7[%add3A_14, %dma_start3A_126] : memref<10240x128xf32, #tpu.memory_space<vmem_shared>> -> memref<80x128xf32, #tpu.memory_space<vmem_shared>>
      %dma_start3A_128 = arith.constant 0 : i32
      %dma_start3A_129 = arith.constant 0 : i32
      %dma_start3A_130 = tpu.memref_slice %arg10[%dma_start3A_128, %dma_start3A_129] : memref<125x128xf32, #tpu.memory_space<vmem>> -> memref<80x128xf32, #tpu.memory_space<vmem>>
      tpu.enqueue_dma source(%dma_start3A_130 : memref<80x128xf32, #tpu.memory_space<vmem>>) target(%dma_start3A_127 : memref<80x128xf32, #tpu.memory_space<vmem_shared>>) target_semaphore(%run_scoped3A : memref<!tpu.dma_semaphore, #tpu.memory_space<semaphore_mem>>)
      %dma_wait3A_131 = arith.constant 0 : i32
      %dma_wait3A_132 = arith.constant 0 : i32
      %dma_wait3A_133 = tpu.memref_slice %arg10[%dma_wait3A_131, %dma_wait3A_132] : memref<125x128xf32, #tpu.memory_space<vmem>> -> memref<80x128xf32, #tpu.memory_space<vmem>>
      %dma_wait3A_134 = arith.constant 0 : i32
      %dma_wait3A_135 = tpu.memref_slice %arg7[%add3A_14, %dma_wait3A_134] : memref<10240x128xf32, #tpu.memory_space<vmem_shared>> -> memref<80x128xf32, #tpu.memory_space<vmem_shared>>
      %dma_wait3A_136 = arith.constant 0 : i32
      %dma_wait3A_137 = tpu.memref_slice %arg7[%add3A_14, %dma_wait3A_136] : memref<10240x128xf32, #tpu.memory_space<vmem_shared>> -> memref<80x128xf32, #tpu.memory_space<vmem_shared>>
      %dma_wait3A_138 = arith.constant 0 : i32
      %dma_wait3A_139 = arith.constant 0 : i32
      %dma_wait3A_140 = tpu.memref_slice %arg10[%dma_wait3A_138, %dma_wait3A_139] : memref<125x128xf32, #tpu.memory_space<vmem>> -> memref<80x128xf32, #tpu.memory_space<vmem>>
      tpu.wait_dma2 semaphore(%run_scoped3A : memref<!tpu.dma_semaphore, #tpu.memory_space<semaphore_mem>>) src(%dma_wait3A_140 : memref<80x128xf32, #tpu.memory_space<vmem>>) dst(%dma_wait3A_137 : memref<80x128xf32, #tpu.memory_space<vmem_shared>>)
      tpu.yield
    }) : () -> ()
    %add3A_15 = arith.constant 480 : i32
    %add3A_16 = arith.addi %mul3A_2, %add3A_15 : i32
    "tpu.region"() ({
      %run_scoped3A = tpu.sem_alloc : memref<!tpu.dma_semaphore, #tpu.memory_space<semaphore_mem>>
      %dma_start3A_121 = arith.constant 0 : i32
      %dma_start3A_122 = arith.constant 0 : i32
      %dma_start3A_123 = tpu.memref_slice %arg10[%dma_start3A_121, %dma_start3A_122] : memref<125x128xf32, #tpu.memory_space<vmem>> -> memref<80x128xf32, #tpu.memory_space<vmem>>
      %dma_start3A_124 = arith.constant 0 : i32
      %dma_start3A_125 = tpu.memref_slice %arg7[%add3A_16, %dma_start3A_124] : memref<10240x128xf32, #tpu.memory_space<vmem_shared>> -> memref<80x128xf32, #tpu.memory_space<vmem_shared>>
      %dma_start3A_126 = arith.constant 0 : i32
      %dma_start3A_127 = tpu.memref_slice %arg7[%add3A_16, %dma_start3A_126] : memref<10240x128xf32, #tpu.memory_space<vmem_shared>> -> memref<80x128xf32, #tpu.memory_space<vmem_shared>>
      %dma_start3A_128 = arith.constant 0 : i32
      %dma_start3A_129 = arith.constant 0 : i32
      %dma_start3A_130 = tpu.memref_slice %arg10[%dma_start3A_128, %dma_start3A_129] : memref<125x128xf32, #tpu.memory_space<vmem>> -> memref<80x128xf32, #tpu.memory_space<vmem>>
      tpu.enqueue_dma source(%dma_start3A_130 : memref<80x128xf32, #tpu.memory_space<vmem>>) target(%dma_start3A_127 : memref<80x128xf32, #tpu.memory_space<vmem_shared>>) target_semaphore(%run_scoped3A : memref<!tpu.dma_semaphore, #tpu.memory_space<semaphore_mem>>)
      %dma_wait3A_131 = arith.constant 0 : i32
      %dma_wait3A_132 = arith.constant 0 : i32
      %dma_wait3A_133 = tpu.memref_slice %arg10[%dma_wait3A_131, %dma_wait3A_132] : memref<125x128xf32, #tpu.memory_space<vmem>> -> memref<80x128xf32, #tpu.memory_space<vmem>>
      %dma_wait3A_134 = arith.constant 0 : i32
      %dma_wait3A_135 = tpu.memref_slice %arg7[%add3A_16, %dma_wait3A_134] : memref<10240x128xf32, #tpu.memory_space<vmem_shared>> -> memref<80x128xf32, #tpu.memory_space<vmem_shared>>
      %dma_wait3A_136 = arith.constant 0 : i32
      %dma_wait3A_137 = tpu.memref_slice %arg7[%add3A_16, %dma_wait3A_136] : memref<10240x128xf32, #tpu.memory_space<vmem_shared>> -> memref<80x128xf32, #tpu.memory_space<vmem_shared>>
      %dma_wait3A_138 = arith.constant 0 : i32
      %dma_wait3A_139 = arith.constant 0 : i32
      %dma_wait3A_140 = tpu.memref_slice %arg10[%dma_wait3A_138, %dma_wait3A_139] : memref<125x128xf32, #tpu.memory_space<vmem>> -> memref<80x128xf32, #tpu.memory_space<vmem>>
      tpu.wait_dma2 semaphore(%run_scoped3A : memref<!tpu.dma_semaphore, #tpu.memory_space<semaphore_mem>>) src(%dma_wait3A_140 : memref<80x128xf32, #tpu.memory_space<vmem>>) dst(%dma_wait3A_137 : memref<80x128xf32, #tpu.memory_space<vmem_shared>>)
      tpu.yield
    }) : () -> ()
    %add3A_17 = arith.constant 560 : i32
    %add3A_18 = arith.addi %mul3A_2, %add3A_17 : i32
    "tpu.region"() ({
      %run_scoped3A = tpu.sem_alloc : memref<!tpu.dma_semaphore, #tpu.memory_space<semaphore_mem>>
      %dma_start3A_121 = arith.constant 0 : i32
      %dma_start3A_122 = arith.constant 0 : i32
      %dma_start3A_123 = tpu.memref_slice %arg10[%dma_start3A_121, %dma_start3A_122] : memref<125x128xf32, #tpu.memory_space<vmem>> -> memref<80x128xf32, #tpu.memory_space<vmem>>
      %dma_start3A_124 = arith.constant 0 : i32
      %dma_start3A_125 = tpu.memref_slice %arg7[%add3A_18, %dma_start3A_124] : memref<10240x128xf32, #tpu.memory_space<vmem_shared>> -> memref<80x128xf32, #tpu.memory_space<vmem_shared>>
      %dma_start3A_126 = arith.constant 0 : i32
      %dma_start3A_127 = tpu.memref_slice %arg7[%add3A_18, %dma_start3A_126] : memref<10240x128xf32, #tpu.memory_space<vmem_shared>> -> memref<80x128xf32, #tpu.memory_space<vmem_shared>>
      %dma_start3A_128 = arith.constant 0 : i32
      %dma_start3A_129 = arith.constant 0 : i32
      %dma_start3A_130 = tpu.memref_slice %arg10[%dma_start3A_128, %dma_start3A_129] : memref<125x128xf32, #tpu.memory_space<vmem>> -> memref<80x128xf32, #tpu.memory_space<vmem>>
      tpu.enqueue_dma source(%dma_start3A_130 : memref<80x128xf32, #tpu.memory_space<vmem>>) target(%dma_start3A_127 : memref<80x128xf32, #tpu.memory_space<vmem_shared>>) target_semaphore(%run_scoped3A : memref<!tpu.dma_semaphore, #tpu.memory_space<semaphore_mem>>)
      %dma_wait3A_131 = arith.constant 0 : i32
      %dma_wait3A_132 = arith.constant 0 : i32
      %dma_wait3A_133 = tpu.memref_slice %arg10[%dma_wait3A_131, %dma_wait3A_132] : memref<125x128xf32, #tpu.memory_space<vmem>> -> memref<80x128xf32, #tpu.memory_space<vmem>>
      %dma_wait3A_134 = arith.constant 0 : i32
      %dma_wait3A_135 = tpu.memref_slice %arg7[%add3A_18, %dma_wait3A_134] : memref<10240x128xf32, #tpu.memory_space<vmem_shared>> -> memref<80x128xf32, #tpu.memory_space<vmem_shared>>
      %dma_wait3A_136 = arith.constant 0 : i32
      %dma_wait3A_137 = tpu.memref_slice %arg7[%add3A_18, %dma_wait3A_136] : memref<10240x128xf32, #tpu.memory_space<vmem_shared>> -> memref<80x128xf32, #tpu.memory_space<vmem_shared>>
      %dma_wait3A_138 = arith.constant 0 : i32
      %dma_wait3A_139 = arith.constant 0 : i32
      %dma_wait3A_140 = tpu.memref_slice %arg10[%dma_wait3A_138, %dma_wait3A_139] : memref<125x128xf32, #tpu.memory_space<vmem>> -> memref<80x128xf32, #tpu.memory_space<vmem>>
      tpu.wait_dma2 semaphore(%run_scoped3A : memref<!tpu.dma_semaphore, #tpu.memory_space<semaphore_mem>>) src(%dma_wait3A_140 : memref<80x128xf32, #tpu.memory_space<vmem>>) dst(%dma_wait3A_137 : memref<80x128xf32, #tpu.memory_space<vmem_shared>>)
      tpu.yield
    }) : () -> ()
    %barrier3A = arith.constant 0 : index
    tpu.barrier barrier_id(%barrier3A)
    %mul3A_19 = arith.constant 80 : i32
    %mul3A_20 = arith.muli %add3A, %mul3A_19 : i32
    %add3A_21 = arith.constant 0 : i32
    %add3A_22 = arith.addi %mul3A_20, %add3A_21 : i32
    "tpu.region"() ({
      %run_scoped3A = tpu.sem_alloc : memref<!tpu.dma_semaphore, #tpu.memory_space<semaphore_mem>>
      %dma_start3A_121 = arith.constant 0 : i32
      %dma_start3A_122 = tpu.memref_slice %arg3[%add3A_22, %dma_start3A_121] : memref<2560x125xi32, #tpu.memory_space<hbm>> -> memref<40x125xi32, #tpu.memory_space<hbm>>
      %dma_start3A_123 = arith.constant 0 : i32
      %dma_start3A_124 = tpu.memref_slice %arg3[%add3A_22, %dma_start3A_123] : memref<2560x125xi32, #tpu.memory_space<hbm>> -> memref<40x125xi32, #tpu.memory_space<hbm>>
      tpu.enqueue_dma source(%dma_start3A_124 : memref<40x125xi32, #tpu.memory_space<hbm>>) target(%arg8 : memref<40x125xi32, #tpu.memory_space<vmem>>) target_semaphore(%run_scoped3A : memref<!tpu.dma_semaphore, #tpu.memory_space<semaphore_mem>>)
      %dma_wait3A_125 = arith.constant 0 : i32
      %dma_wait3A_126 = tpu.memref_slice %arg3[%add3A_22, %dma_wait3A_125] : memref<2560x125xi32, #tpu.memory_space<hbm>> -> memref<40x125xi32, #tpu.memory_space<hbm>>
      %dma_wait3A_127 = arith.constant 0 : i32
      %dma_wait3A_128 = tpu.memref_slice %arg3[%add3A_22, %dma_wait3A_127] : memref<2560x125xi32, #tpu.memory_space<hbm>> -> memref<40x125xi32, #tpu.memory_space<hbm>>
      tpu.wait_dma2 semaphore(%run_scoped3A : memref<!tpu.dma_semaphore, #tpu.memory_space<semaphore_mem>>) src(%dma_wait3A_128 : memref<40x125xi32, #tpu.memory_space<hbm>>) dst(%arg8 : memref<40x125xi32, #tpu.memory_space<vmem>>)
      tpu.yield
    }) : () -> ()
    "tpu.region"() ({
      %run_scoped3A = tpu.sem_alloc : memref<!tpu.dma_semaphore, #tpu.memory_space<semaphore_mem>>
      %dma_start3A_121 = arith.constant 0 : i32
      %dma_start3A_122 = tpu.memref_slice %arg4[%add3A_22, %dma_start3A_121] : memref<2560x125xi32, #tpu.memory_space<hbm>> -> memref<40x125xi32, #tpu.memory_space<hbm>>
      %dma_start3A_123 = arith.constant 0 : i32
      %dma_start3A_124 = tpu.memref_slice %arg4[%add3A_22, %dma_start3A_123] : memref<2560x125xi32, #tpu.memory_space<hbm>> -> memref<40x125xi32, #tpu.memory_space<hbm>>
      tpu.enqueue_dma source(%dma_start3A_124 : memref<40x125xi32, #tpu.memory_space<hbm>>) target(%arg9 : memref<40x125xi32, #tpu.memory_space<vmem>>) target_semaphore(%run_scoped3A : memref<!tpu.dma_semaphore, #tpu.memory_space<semaphore_mem>>)
      %dma_wait3A_125 = arith.constant 0 : i32
      %dma_wait3A_126 = tpu.memref_slice %arg4[%add3A_22, %dma_wait3A_125] : memref<2560x125xi32, #tpu.memory_space<hbm>> -> memref<40x125xi32, #tpu.memory_space<hbm>>
      %dma_wait3A_127 = arith.constant 0 : i32
      %dma_wait3A_128 = tpu.memref_slice %arg4[%add3A_22, %dma_wait3A_127] : memref<2560x125xi32, #tpu.memory_space<hbm>> -> memref<40x125xi32, #tpu.memory_space<hbm>>
      tpu.wait_dma2 semaphore(%run_scoped3A : memref<!tpu.dma_semaphore, #tpu.memory_space<semaphore_mem>>) src(%dma_wait3A_128 : memref<40x125xi32, #tpu.memory_space<hbm>>) dst(%arg9 : memref<40x125xi32, #tpu.memory_space<vmem>>)
      tpu.yield
    }) : () -> ()
    %dma_start3A = arith.constant 0 : i32
    %dma_start3A_23 = arith.constant 0 : i32
    %dma_start3A_24 = tpu.memref_slice %arg8[%dma_start3A, %dma_start3A_23] : memref<40x125xi32, #tpu.memory_space<vmem>> -> memref<1x125xi32, #tpu.memory_space<vmem>>
    %dma_start3A_25 = tpu.memref_squeeze %dma_start3A_24 : memref<1x125xi32, #tpu.memory_space<vmem>> -> memref<125xi32, #tpu.memory_space<vmem>>
    %dma_start3A_26 = arith.constant 0 : i32
    %dma_start3A_27 = arith.constant 0 : i32
    %dma_start3A_28 = tpu.memref_slice %arg2[%dma_start3A_26, %dma_start3A_27] : memref<10000x128xf32, #tpu.memory_space<hbm>> -> memref<10000x128xf32, #tpu.memory_space<hbm>>
    tpu.enqueue_indirect_dma source(%dma_start3A_28 : memref<10000x128xf32, #tpu.memory_space<hbm>>) target(%arg10 : memref<125x128xf32, #tpu.memory_space<vmem>>) offsets(%dma_start3A_25 : memref<125xi32, #tpu.memory_space<vmem>>) semaphore(%arg12 : memref<!tpu.dma_semaphore, #tpu.memory_space<semaphore_mem>>)
    %scan3A = arith.constant 0 : i32
    %scan3A_29 = arith.constant 0 : i32
    %scan3A_30 = arith.constant 20 : i32
    %scan3A_31 = arith.addi %scan3A_29, %scan3A_30 : i32
    %scan3A_32 = arith.constant 1 : i32
    scf.for %scan3A_121 = %scan3A_29 to %scan3A_31 step %scan3A_32  : i32 {
      %mul3A_122 = arith.constant 2 : i32
      %mul3A_123 = arith.muli %mul3A_122, %scan3A_121 : i32
      %add3A_124 = arith.constant 0 : i32
      %add3A_125 = arith.addi %mul3A_123, %add3A_124 : i32
      %ge3A = arith.constant 1 : i32
      %ge3A_126 = arith.cmpi sge, %add3A_125, %ge3A : i32
      %convert_element_type3A = arith.extui %ge3A_126 : i1 to i32
      %cond3A = arith.constant 0 : i32
      %cond3A_127 = arith.cmpi ne, %convert_element_type3A, %cond3A : i32
      scf.if %cond3A_127 {
        %sub3A = arith.constant 1 : i32
        %sub3A_174 = arith.subi %add3A_125, %sub3A : i32
        %dma_wait3A_175 = arith.constant 0 : i32
        %dma_wait3A_176 = tpu.memref_slice %arg9[%sub3A_174, %dma_wait3A_175] : memref<40x125xi32, #tpu.memory_space<vmem>> -> memref<1x125xi32, #tpu.memory_space<vmem>>
        %dma_wait3A_177 = tpu.memref_squeeze %dma_wait3A_176 : memref<1x125xi32, #tpu.memory_space<vmem>> -> memref<125xi32, #tpu.memory_space<vmem>>
        %dma_wait3A_178 = arith.constant 0 : i32
        %dma_wait3A_179 = arith.constant 0 : i32
        %dma_wait3A_180 = tpu.memref_slice %arg7[%dma_wait3A_178, %dma_wait3A_179] : memref<10240x128xf32, #tpu.memory_space<vmem_shared>> -> memref<10240x128xf32, #tpu.memory_space<vmem_shared>>
        tpu.wait_indirect_dma semaphore(%arg15 : memref<!tpu.dma_semaphore, #tpu.memory_space<semaphore_mem>>) src(%arg11 : memref<125x128xf32, #tpu.memory_space<vmem>>) dst(%dma_wait3A_180 : memref<10240x128xf32, #tpu.memory_space<vmem_shared>>)
      } else {
      }
      %add3A_128 = arith.constant 1 : i32
      %add3A_129 = arith.addi %add3A_125, %add3A_128 : i32
      %lt3A = arith.constant 40 : i32
      %lt3A_130 = arith.cmpi slt, %add3A_129, %lt3A : i32
      %convert_element_type3A_131 = arith.extui %lt3A_130 : i1 to i32
      %cond3A_132 = arith.constant 0 : i32
      %cond3A_133 = arith.cmpi ne, %convert_element_type3A_131, %cond3A_132 : i32
      scf.if %cond3A_133 {
        %add3A_174 = arith.constant 1 : i32
        %add3A_175 = arith.addi %add3A_125, %add3A_174 : i32
        %dma_start3A_176 = arith.constant 0 : i32
        %dma_start3A_177 = tpu.memref_slice %arg8[%add3A_175, %dma_start3A_176] : memref<40x125xi32, #tpu.memory_space<vmem>> -> memref<1x125xi32, #tpu.memory_space<vmem>>
        %dma_start3A_178 = tpu.memref_squeeze %dma_start3A_177 : memref<1x125xi32, #tpu.memory_space<vmem>> -> memref<125xi32, #tpu.memory_space<vmem>>
        %dma_start3A_179 = arith.constant 0 : i32
        %dma_start3A_180 = arith.constant 0 : i32
        %dma_start3A_181 = tpu.memref_slice %arg2[%dma_start3A_179, %dma_start3A_180] : memref<10000x128xf32, #tpu.memory_space<hbm>> -> memref<10000x128xf32, #tpu.memory_space<hbm>>
        tpu.enqueue_indirect_dma source(%dma_start3A_181 : memref<10000x128xf32, #tpu.memory_space<hbm>>) target(%arg11 : memref<125x128xf32, #tpu.memory_space<vmem>>) offsets(%dma_start3A_178 : memref<125xi32, #tpu.memory_space<vmem>>) semaphore(%arg13 : memref<!tpu.dma_semaphore, #tpu.memory_space<semaphore_mem>>)
      } else {
      }
      %dma_wait3A_134 = arith.constant 0 : i32
      %dma_wait3A_135 = tpu.memref_slice %arg8[%add3A_125, %dma_wait3A_134] : memref<40x125xi32, #tpu.memory_space<vmem>> -> memref<1x125xi32, #tpu.memory_space<vmem>>
      %dma_wait3A_136 = tpu.memref_squeeze %dma_wait3A_135 : memref<1x125xi32, #tpu.memory_space<vmem>> -> memref<125xi32, #tpu.memory_space<vmem>>
      %dma_wait3A_137 = arith.constant 0 : i32
      %dma_wait3A_138 = arith.constant 0 : i32
      %dma_wait3A_139 = tpu.memref_slice %arg2[%dma_wait3A_137, %dma_wait3A_138] : memref<10000x128xf32, #tpu.memory_space<hbm>> -> memref<10000x128xf32, #tpu.memory_space<hbm>>
      tpu.wait_indirect_dma semaphore(%arg12 : memref<!tpu.dma_semaphore, #tpu.memory_space<semaphore_mem>>) src(%dma_wait3A_139 : memref<10000x128xf32, #tpu.memory_space<hbm>>) dst(%arg10 : memref<125x128xf32, #tpu.memory_space<vmem>>)
      %dma_start3A_140 = arith.constant 0 : i32
      %dma_start3A_141 = tpu.memref_slice %arg9[%add3A_125, %dma_start3A_140] : memref<40x125xi32, #tpu.memory_space<vmem>> -> memref<1x125xi32, #tpu.memory_space<vmem>>
      %dma_start3A_142 = tpu.memref_squeeze %dma_start3A_141 : memref<1x125xi32, #tpu.memory_space<vmem>> -> memref<125xi32, #tpu.memory_space<vmem>>
      %dma_start3A_143 = arith.constant 0 : i32
      %dma_start3A_144 = arith.constant 0 : i32
      %dma_start3A_145 = tpu.memref_slice %arg7[%dma_start3A_143, %dma_start3A_144] : memref<10240x128xf32, #tpu.memory_space<vmem_shared>> -> memref<10240x128xf32, #tpu.memory_space<vmem_shared>>
      tpu.enqueue_indirect_dma source(%arg10 : memref<125x128xf32, #tpu.memory_space<vmem>>) target(%dma_start3A_145 : memref<10240x128xf32, #tpu.memory_space<vmem_shared>>) offsets(%dma_start3A_142 : memref<125xi32, #tpu.memory_space<vmem>>) semaphore(%arg14 : memref<!tpu.dma_semaphore, #tpu.memory_space<semaphore_mem>>) {add = true}
      %mul3A_146 = arith.constant 2 : i32
      %mul3A_147 = arith.muli %mul3A_146, %scan3A_121 : i32
      %add3A_148 = arith.constant 1 : i32
      %add3A_149 = arith.addi %mul3A_147, %add3A_148 : i32
      %ge3A_150 = arith.constant 1 : i32
      %ge3A_151 = arith.cmpi sge, %add3A_149, %ge3A_150 : i32
      %convert_element_type3A_152 = arith.extui %ge3A_151 : i1 to i32
      %cond3A_153 = arith.constant 0 : i32
      %cond3A_154 = arith.cmpi ne, %convert_element_type3A_152, %cond3A_153 : i32
      scf.if %cond3A_154 {
        %sub3A = arith.constant 1 : i32
        %sub3A_174 = arith.subi %add3A_149, %sub3A : i32
        %dma_wait3A_175 = arith.constant 0 : i32
        %dma_wait3A_176 = tpu.memref_slice %arg9[%sub3A_174, %dma_wait3A_175] : memref<40x125xi32, #tpu.memory_space<vmem>> -> memref<1x125xi32, #tpu.memory_space<vmem>>
        %dma_wait3A_177 = tpu.memref_squeeze %dma_wait3A_176 : memref<1x125xi32, #tpu.memory_space<vmem>> -> memref<125xi32, #tpu.memory_space<vmem>>
        %dma_wait3A_178 = arith.constant 0 : i32
        %dma_wait3A_179 = arith.constant 0 : i32
        %dma_wait3A_180 = tpu.memref_slice %arg7[%dma_wait3A_178, %dma_wait3A_179] : memref<10240x128xf32, #tpu.memory_space<vmem_shared>> -> memref<10240x128xf32, #tpu.memory_space<vmem_shared>>
        tpu.wait_indirect_dma semaphore(%arg14 : memref<!tpu.dma_semaphore, #tpu.memory_space<semaphore_mem>>) src(%arg10 : memref<125x128xf32, #tpu.memory_space<vmem>>) dst(%dma_wait3A_180 : memref<10240x128xf32, #tpu.memory_space<vmem_shared>>)
      } else {
      }
      %add3A_155 = arith.constant 1 : i32
      %add3A_156 = arith.addi %add3A_149, %add3A_155 : i32
      %lt3A_157 = arith.constant 40 : i32
      %lt3A_158 = arith.cmpi slt, %add3A_156, %lt3A_157 : i32
      %convert_element_type3A_159 = arith.extui %lt3A_158 : i1 to i32
      %cond3A_160 = arith.constant 0 : i32
      %cond3A_161 = arith.cmpi ne, %convert_element_type3A_159, %cond3A_160 : i32
      scf.if %cond3A_161 {
        %add3A_174 = arith.constant 1 : i32
        %add3A_175 = arith.addi %add3A_149, %add3A_174 : i32
        %dma_start3A_176 = arith.constant 0 : i32
        %dma_start3A_177 = tpu.memref_slice %arg8[%add3A_175, %dma_start3A_176] : memref<40x125xi32, #tpu.memory_space<vmem>> -> memref<1x125xi32, #tpu.memory_space<vmem>>
        %dma_start3A_178 = tpu.memref_squeeze %dma_start3A_177 : memref<1x125xi32, #tpu.memory_space<vmem>> -> memref<125xi32, #tpu.memory_space<vmem>>
        %dma_start3A_179 = arith.constant 0 : i32
        %dma_start3A_180 = arith.constant 0 : i32
        %dma_start3A_181 = tpu.memref_slice %arg2[%dma_start3A_179, %dma_start3A_180] : memref<10000x128xf32, #tpu.memory_space<hbm>> -> memref<10000x128xf32, #tpu.memory_space<hbm>>
        tpu.enqueue_indirect_dma source(%dma_start3A_181 : memref<10000x128xf32, #tpu.memory_space<hbm>>) target(%arg10 : memref<125x128xf32, #tpu.memory_space<vmem>>) offsets(%dma_start3A_178 : memref<125xi32, #tpu.memory_space<vmem>>) semaphore(%arg12 : memref<!tpu.dma_semaphore, #tpu.memory_space<semaphore_mem>>)
      } else {
      }
      %dma_wait3A_162 = arith.constant 0 : i32
      %dma_wait3A_163 = tpu.memref_slice %arg8[%add3A_149, %dma_wait3A_162] : memref<40x125xi32, #tpu.memory_space<vmem>> -> memref<1x125xi32, #tpu.memory_space<vmem>>
      %dma_wait3A_164 = tpu.memref_squeeze %dma_wait3A_163 : memref<1x125xi32, #tpu.memory_space<vmem>> -> memref<125xi32, #tpu.memory_space<vmem>>
      %dma_wait3A_165 = arith.constant 0 : i32
      %dma_wait3A_166 = arith.constant 0 : i32
      %dma_wait3A_167 = tpu.memref_slice %arg2[%dma_wait3A_165, %dma_wait3A_166] : memref<10000x128xf32, #tpu.memory_space<hbm>> -> memref<10000x128xf32, #tpu.memory_space<hbm>>
      tpu.wait_indirect_dma semaphore(%arg13 : memref<!tpu.dma_semaphore, #tpu.memory_space<semaphore_mem>>) src(%dma_wait3A_167 : memref<10000x128xf32, #tpu.memory_space<hbm>>) dst(%arg11 : memref<125x128xf32, #tpu.memory_space<vmem>>)
      %dma_start3A_168 = arith.constant 0 : i32
      %dma_start3A_169 = tpu.memref_slice %arg9[%add3A_149, %dma_start3A_168] : memref<40x125xi32, #tpu.memory_space<vmem>> -> memref<1x125xi32, #tpu.memory_space<vmem>>
      %dma_start3A_170 = tpu.memref_squeeze %dma_start3A_169 : memref<1x125xi32, #tpu.memory_space<vmem>> -> memref<125xi32, #tpu.memory_space<vmem>>
      %dma_start3A_171 = arith.constant 0 : i32
      %dma_start3A_172 = arith.constant 0 : i32
      %dma_start3A_173 = tpu.memref_slice %arg7[%dma_start3A_171, %dma_start3A_172] : memref<10240x128xf32, #tpu.memory_space<vmem_shared>> -> memref<10240x128xf32, #tpu.memory_space<vmem_shared>>
      tpu.enqueue_indirect_dma source(%arg11 : memref<125x128xf32, #tpu.memory_space<vmem>>) target(%dma_start3A_173 : memref<10240x128xf32, #tpu.memory_space<vmem_shared>>) offsets(%dma_start3A_170 : memref<125xi32, #tpu.memory_space<vmem>>) semaphore(%arg15 : memref<!tpu.dma_semaphore, #tpu.memory_space<semaphore_mem>>) {add = true}
    }
    %scan3A_33 = arith.constant 20 : i32
    %dma_wait3A = arith.constant 39 : i32
    %dma_wait3A_34 = arith.constant 0 : i32
    %dma_wait3A_35 = tpu.memref_slice %arg9[%dma_wait3A, %dma_wait3A_34] : memref<40x125xi32, #tpu.memory_space<vmem>> -> memref<1x125xi32, #tpu.memory_space<vmem>>
    %dma_wait3A_36 = tpu.memref_squeeze %dma_wait3A_35 : memref<1x125xi32, #tpu.memory_space<vmem>> -> memref<125xi32, #tpu.memory_space<vmem>>
    %dma_wait3A_37 = arith.constant 0 : i32
    %dma_wait3A_38 = arith.constant 0 : i32
    %dma_wait3A_39 = tpu.memref_slice %arg7[%dma_wait3A_37, %dma_wait3A_38] : memref<10240x128xf32, #tpu.memory_space<vmem_shared>> -> memref<10240x128xf32, #tpu.memory_space<vmem_shared>>
    tpu.wait_indirect_dma semaphore(%arg15 : memref<!tpu.dma_semaphore, #tpu.memory_space<semaphore_mem>>) src(%arg11 : memref<125x128xf32, #tpu.memory_space<vmem>>) dst(%dma_wait3A_39 : memref<10240x128xf32, #tpu.memory_space<vmem_shared>>)
    %mul3A_40 = arith.constant 80 : i32
    %mul3A_41 = arith.muli %add3A, %mul3A_40 : i32
    %add3A_42 = arith.constant 40 : i32
    %add3A_43 = arith.addi %mul3A_41, %add3A_42 : i32
    "tpu.region"() ({
      %run_scoped3A = tpu.sem_alloc : memref<!tpu.dma_semaphore, #tpu.memory_space<semaphore_mem>>
      %dma_start3A_121 = arith.constant 0 : i32
      %dma_start3A_122 = tpu.memref_slice %arg3[%add3A_43, %dma_start3A_121] : memref<2560x125xi32, #tpu.memory_space<hbm>> -> memref<40x125xi32, #tpu.memory_space<hbm>>
      %dma_start3A_123 = arith.constant 0 : i32
      %dma_start3A_124 = tpu.memref_slice %arg3[%add3A_43, %dma_start3A_123] : memref<2560x125xi32, #tpu.memory_space<hbm>> -> memref<40x125xi32, #tpu.memory_space<hbm>>
      tpu.enqueue_dma source(%dma_start3A_124 : memref<40x125xi32, #tpu.memory_space<hbm>>) target(%arg8 : memref<40x125xi32, #tpu.memory_space<vmem>>) target_semaphore(%run_scoped3A : memref<!tpu.dma_semaphore, #tpu.memory_space<semaphore_mem>>)
      %dma_wait3A_125 = arith.constant 0 : i32
      %dma_wait3A_126 = tpu.memref_slice %arg3[%add3A_43, %dma_wait3A_125] : memref<2560x125xi32, #tpu.memory_space<hbm>> -> memref<40x125xi32, #tpu.memory_space<hbm>>
      %dma_wait3A_127 = arith.constant 0 : i32
      %dma_wait3A_128 = tpu.memref_slice %arg3[%add3A_43, %dma_wait3A_127] : memref<2560x125xi32, #tpu.memory_space<hbm>> -> memref<40x125xi32, #tpu.memory_space<hbm>>
      tpu.wait_dma2 semaphore(%run_scoped3A : memref<!tpu.dma_semaphore, #tpu.memory_space<semaphore_mem>>) src(%dma_wait3A_128 : memref<40x125xi32, #tpu.memory_space<hbm>>) dst(%arg8 : memref<40x125xi32, #tpu.memory_space<vmem>>)
      tpu.yield
    }) : () -> ()
    "tpu.region"() ({
      %run_scoped3A = tpu.sem_alloc : memref<!tpu.dma_semaphore, #tpu.memory_space<semaphore_mem>>
      %dma_start3A_121 = arith.constant 0 : i32
      %dma_start3A_122 = tpu.memref_slice %arg4[%add3A_43, %dma_start3A_121] : memref<2560x125xi32, #tpu.memory_space<hbm>> -> memref<40x125xi32, #tpu.memory_space<hbm>>
      %dma_start3A_123 = arith.constant 0 : i32
      %dma_start3A_124 = tpu.memref_slice %arg4[%add3A_43, %dma_start3A_123] : memref<2560x125xi32, #tpu.memory_space<hbm>> -> memref<40x125xi32, #tpu.memory_space<hbm>>
      tpu.enqueue_dma source(%dma_start3A_124 : memref<40x125xi32, #tpu.memory_space<hbm>>) target(%arg9 : memref<40x125xi32, #tpu.memory_space<vmem>>) target_semaphore(%run_scoped3A : memref<!tpu.dma_semaphore, #tpu.memory_space<semaphore_mem>>)
      %dma_wait3A_125 = arith.constant 0 : i32
      %dma_wait3A_126 = tpu.memref_slice %arg4[%add3A_43, %dma_wait3A_125] : memref<2560x125xi32, #tpu.memory_space<hbm>> -> memref<40x125xi32, #tpu.memory_space<hbm>>
      %dma_wait3A_127 = arith.constant 0 : i32
      %dma_wait3A_128 = tpu.memref_slice %arg4[%add3A_43, %dma_wait3A_127] : memref<2560x125xi32, #tpu.memory_space<hbm>> -> memref<40x125xi32, #tpu.memory_space<hbm>>
      tpu.wait_dma2 semaphore(%run_scoped3A : memref<!tpu.dma_semaphore, #tpu.memory_space<semaphore_mem>>) src(%dma_wait3A_128 : memref<40x125xi32, #tpu.memory_space<hbm>>) dst(%arg9 : memref<40x125xi32, #tpu.memory_space<vmem>>)
      tpu.yield
    }) : () -> ()
    %dma_start3A_44 = arith.constant 0 : i32
    %dma_start3A_45 = arith.constant 0 : i32
    %dma_start3A_46 = tpu.memref_slice %arg8[%dma_start3A_44, %dma_start3A_45] : memref<40x125xi32, #tpu.memory_space<vmem>> -> memref<1x125xi32, #tpu.memory_space<vmem>>
    %dma_start3A_47 = tpu.memref_squeeze %dma_start3A_46 : memref<1x125xi32, #tpu.memory_space<vmem>> -> memref<125xi32, #tpu.memory_space<vmem>>
    %dma_start3A_48 = arith.constant 0 : i32
    %dma_start3A_49 = arith.constant 0 : i32
    %dma_start3A_50 = tpu.memref_slice %arg2[%dma_start3A_48, %dma_start3A_49] : memref<10000x128xf32, #tpu.memory_space<hbm>> -> memref<10000x128xf32, #tpu.memory_space<hbm>>
    tpu.enqueue_indirect_dma source(%dma_start3A_50 : memref<10000x128xf32, #tpu.memory_space<hbm>>) target(%arg10 : memref<125x128xf32, #tpu.memory_space<vmem>>) offsets(%dma_start3A_47 : memref<125xi32, #tpu.memory_space<vmem>>) semaphore(%arg12 : memref<!tpu.dma_semaphore, #tpu.memory_space<semaphore_mem>>)
    %scan3A_51 = arith.constant 0 : i32
    %scan3A_52 = arith.constant 0 : i32
    %scan3A_53 = arith.constant 20 : i32
    %scan3A_54 = arith.addi %scan3A_52, %scan3A_53 : i32
    %scan3A_55 = arith.constant 1 : i32
    scf.for %scan3A_121 = %scan3A_52 to %scan3A_54 step %scan3A_55  : i32 {
      %mul3A_122 = arith.constant 2 : i32
      %mul3A_123 = arith.muli %mul3A_122, %scan3A_121 : i32
      %add3A_124 = arith.constant 0 : i32
      %add3A_125 = arith.addi %mul3A_123, %add3A_124 : i32
      %ge3A = arith.constant 1 : i32
      %ge3A_126 = arith.cmpi sge, %add3A_125, %ge3A : i32
      %convert_element_type3A = arith.extui %ge3A_126 : i1 to i32
      %cond3A = arith.constant 0 : i32
      %cond3A_127 = arith.cmpi ne, %convert_element_type3A, %cond3A : i32
      scf.if %cond3A_127 {
        %sub3A = arith.constant 1 : i32
        %sub3A_174 = arith.subi %add3A_125, %sub3A : i32
        %dma_wait3A_175 = arith.constant 0 : i32
        %dma_wait3A_176 = tpu.memref_slice %arg9[%sub3A_174, %dma_wait3A_175] : memref<40x125xi32, #tpu.memory_space<vmem>> -> memref<1x125xi32, #tpu.memory_space<vmem>>
        %dma_wait3A_177 = tpu.memref_squeeze %dma_wait3A_176 : memref<1x125xi32, #tpu.memory_space<vmem>> -> memref<125xi32, #tpu.memory_space<vmem>>
        %dma_wait3A_178 = arith.constant 0 : i32
        %dma_wait3A_179 = arith.constant 0 : i32
        %dma_wait3A_180 = tpu.memref_slice %arg7[%dma_wait3A_178, %dma_wait3A_179] : memref<10240x128xf32, #tpu.memory_space<vmem_shared>> -> memref<10240x128xf32, #tpu.memory_space<vmem_shared>>
        tpu.wait_indirect_dma semaphore(%arg15 : memref<!tpu.dma_semaphore, #tpu.memory_space<semaphore_mem>>) src(%arg11 : memref<125x128xf32, #tpu.memory_space<vmem>>) dst(%dma_wait3A_180 : memref<10240x128xf32, #tpu.memory_space<vmem_shared>>)
      } else {
      }
      %add3A_128 = arith.constant 1 : i32
      %add3A_129 = arith.addi %add3A_125, %add3A_128 : i32
      %lt3A = arith.constant 40 : i32
      %lt3A_130 = arith.cmpi slt, %add3A_129, %lt3A : i32
      %convert_element_type3A_131 = arith.extui %lt3A_130 : i1 to i32
      %cond3A_132 = arith.constant 0 : i32
      %cond3A_133 = arith.cmpi ne, %convert_element_type3A_131, %cond3A_132 : i32
      scf.if %cond3A_133 {
        %add3A_174 = arith.constant 1 : i32
        %add3A_175 = arith.addi %add3A_125, %add3A_174 : i32
        %dma_start3A_176 = arith.constant 0 : i32
        %dma_start3A_177 = tpu.memref_slice %arg8[%add3A_175, %dma_start3A_176] : memref<40x125xi32, #tpu.memory_space<vmem>> -> memref<1x125xi32, #tpu.memory_space<vmem>>
        %dma_start3A_178 = tpu.memref_squeeze %dma_start3A_177 : memref<1x125xi32, #tpu.memory_space<vmem>> -> memref<125xi32, #tpu.memory_space<vmem>>
        %dma_start3A_179 = arith.constant 0 : i32
        %dma_start3A_180 = arith.constant 0 : i32
        %dma_start3A_181 = tpu.memref_slice %arg2[%dma_start3A_179, %dma_start3A_180] : memref<10000x128xf32, #tpu.memory_space<hbm>> -> memref<10000x128xf32, #tpu.memory_space<hbm>>
        tpu.enqueue_indirect_dma source(%dma_start3A_181 : memref<10000x128xf32, #tpu.memory_space<hbm>>) target(%arg11 : memref<125x128xf32, #tpu.memory_space<vmem>>) offsets(%dma_start3A_178 : memref<125xi32, #tpu.memory_space<vmem>>) semaphore(%arg13 : memref<!tpu.dma_semaphore, #tpu.memory_space<semaphore_mem>>)
      } else {
      }
      %dma_wait3A_134 = arith.constant 0 : i32
      %dma_wait3A_135 = tpu.memref_slice %arg8[%add3A_125, %dma_wait3A_134] : memref<40x125xi32, #tpu.memory_space<vmem>> -> memref<1x125xi32, #tpu.memory_space<vmem>>
      %dma_wait3A_136 = tpu.memref_squeeze %dma_wait3A_135 : memref<1x125xi32, #tpu.memory_space<vmem>> -> memref<125xi32, #tpu.memory_space<vmem>>
      %dma_wait3A_137 = arith.constant 0 : i32
      %dma_wait3A_138 = arith.constant 0 : i32
      %dma_wait3A_139 = tpu.memref_slice %arg2[%dma_wait3A_137, %dma_wait3A_138] : memref<10000x128xf32, #tpu.memory_space<hbm>> -> memref<10000x128xf32, #tpu.memory_space<hbm>>
      tpu.wait_indirect_dma semaphore(%arg12 : memref<!tpu.dma_semaphore, #tpu.memory_space<semaphore_mem>>) src(%dma_wait3A_139 : memref<10000x128xf32, #tpu.memory_space<hbm>>) dst(%arg10 : memref<125x128xf32, #tpu.memory_space<vmem>>)
      %dma_start3A_140 = arith.constant 0 : i32
      %dma_start3A_141 = tpu.memref_slice %arg9[%add3A_125, %dma_start3A_140] : memref<40x125xi32, #tpu.memory_space<vmem>> -> memref<1x125xi32, #tpu.memory_space<vmem>>
      %dma_start3A_142 = tpu.memref_squeeze %dma_start3A_141 : memref<1x125xi32, #tpu.memory_space<vmem>> -> memref<125xi32, #tpu.memory_space<vmem>>
      %dma_start3A_143 = arith.constant 0 : i32
      %dma_start3A_144 = arith.constant 0 : i32
      %dma_start3A_145 = tpu.memref_slice %arg7[%dma_start3A_143, %dma_start3A_144] : memref<10240x128xf32, #tpu.memory_space<vmem_shared>> -> memref<10240x128xf32, #tpu.memory_space<vmem_shared>>
      tpu.enqueue_indirect_dma source(%arg10 : memref<125x128xf32, #tpu.memory_space<vmem>>) target(%dma_start3A_145 : memref<10240x128xf32, #tpu.memory_space<vmem_shared>>) offsets(%dma_start3A_142 : memref<125xi32, #tpu.memory_space<vmem>>) semaphore(%arg14 : memref<!tpu.dma_semaphore, #tpu.memory_space<semaphore_mem>>) {add = true}
      %mul3A_146 = arith.constant 2 : i32
      %mul3A_147 = arith.muli %mul3A_146, %scan3A_121 : i32
      %add3A_148 = arith.constant 1 : i32
      %add3A_149 = arith.addi %mul3A_147, %add3A_148 : i32
      %ge3A_150 = arith.constant 1 : i32
      %ge3A_151 = arith.cmpi sge, %add3A_149, %ge3A_150 : i32
      %convert_element_type3A_152 = arith.extui %ge3A_151 : i1 to i32
      %cond3A_153 = arith.constant 0 : i32
      %cond3A_154 = arith.cmpi ne, %convert_element_type3A_152, %cond3A_153 : i32
      scf.if %cond3A_154 {
        %sub3A = arith.constant 1 : i32
        %sub3A_174 = arith.subi %add3A_149, %sub3A : i32
        %dma_wait3A_175 = arith.constant 0 : i32
        %dma_wait3A_176 = tpu.memref_slice %arg9[%sub3A_174, %dma_wait3A_175] : memref<40x125xi32, #tpu.memory_space<vmem>> -> memref<1x125xi32, #tpu.memory_space<vmem>>
        %dma_wait3A_177 = tpu.memref_squeeze %dma_wait3A_176 : memref<1x125xi32, #tpu.memory_space<vmem>> -> memref<125xi32, #tpu.memory_space<vmem>>
        %dma_wait3A_178 = arith.constant 0 : i32
        %dma_wait3A_179 = arith.constant 0 : i32
        %dma_wait3A_180 = tpu.memref_slice %arg7[%dma_wait3A_178, %dma_wait3A_179] : memref<10240x128xf32, #tpu.memory_space<vmem_shared>> -> memref<10240x128xf32, #tpu.memory_space<vmem_shared>>
        tpu.wait_indirect_dma semaphore(%arg14 : memref<!tpu.dma_semaphore, #tpu.memory_space<semaphore_mem>>) src(%arg10 : memref<125x128xf32, #tpu.memory_space<vmem>>) dst(%dma_wait3A_180 : memref<10240x128xf32, #tpu.memory_space<vmem_shared>>)
      } else {
      }
      %add3A_155 = arith.constant 1 : i32
      %add3A_156 = arith.addi %add3A_149, %add3A_155 : i32
      %lt3A_157 = arith.constant 40 : i32
      %lt3A_158 = arith.cmpi slt, %add3A_156, %lt3A_157 : i32
      %convert_element_type3A_159 = arith.extui %lt3A_158 : i1 to i32
      %cond3A_160 = arith.constant 0 : i32
      %cond3A_161 = arith.cmpi ne, %convert_element_type3A_159, %cond3A_160 : i32
      scf.if %cond3A_161 {
        %add3A_174 = arith.constant 1 : i32
        %add3A_175 = arith.addi %add3A_149, %add3A_174 : i32
        %dma_start3A_176 = arith.constant 0 : i32
        %dma_start3A_177 = tpu.memref_slice %arg8[%add3A_175, %dma_start3A_176] : memref<40x125xi32, #tpu.memory_space<vmem>> -> memref<1x125xi32, #tpu.memory_space<vmem>>
        %dma_start3A_178 = tpu.memref_squeeze %dma_start3A_177 : memref<1x125xi32, #tpu.memory_space<vmem>> -> memref<125xi32, #tpu.memory_space<vmem>>
        %dma_start3A_179 = arith.constant 0 : i32
        %dma_start3A_180 = arith.constant 0 : i32
        %dma_start3A_181 = tpu.memref_slice %arg2[%dma_start3A_179, %dma_start3A_180] : memref<10000x128xf32, #tpu.memory_space<hbm>> -> memref<10000x128xf32, #tpu.memory_space<hbm>>
        tpu.enqueue_indirect_dma source(%dma_start3A_181 : memref<10000x128xf32, #tpu.memory_space<hbm>>) target(%arg10 : memref<125x128xf32, #tpu.memory_space<vmem>>) offsets(%dma_start3A_178 : memref<125xi32, #tpu.memory_space<vmem>>) semaphore(%arg12 : memref<!tpu.dma_semaphore, #tpu.memory_space<semaphore_mem>>)
      } else {
      }
      %dma_wait3A_162 = arith.constant 0 : i32
      %dma_wait3A_163 = tpu.memref_slice %arg8[%add3A_149, %dma_wait3A_162] : memref<40x125xi32, #tpu.memory_space<vmem>> -> memref<1x125xi32, #tpu.memory_space<vmem>>
      %dma_wait3A_164 = tpu.memref_squeeze %dma_wait3A_163 : memref<1x125xi32, #tpu.memory_space<vmem>> -> memref<125xi32, #tpu.memory_space<vmem>>
      %dma_wait3A_165 = arith.constant 0 : i32
      %dma_wait3A_166 = arith.constant 0 : i32
      %dma_wait3A_167 = tpu.memref_slice %arg2[%dma_wait3A_165, %dma_wait3A_166] : memref<10000x128xf32, #tpu.memory_space<hbm>> -> memref<10000x128xf32, #tpu.memory_space<hbm>>
      tpu.wait_indirect_dma semaphore(%arg13 : memref<!tpu.dma_semaphore, #tpu.memory_space<semaphore_mem>>) src(%dma_wait3A_167 : memref<10000x128xf32, #tpu.memory_space<hbm>>) dst(%arg11 : memref<125x128xf32, #tpu.memory_space<vmem>>)
      %dma_start3A_168 = arith.constant 0 : i32
      %dma_start3A_169 = tpu.memref_slice %arg9[%add3A_149, %dma_start3A_168] : memref<40x125xi32, #tpu.memory_space<vmem>> -> memref<1x125xi32, #tpu.memory_space<vmem>>
      %dma_start3A_170 = tpu.memref_squeeze %dma_start3A_169 : memref<1x125xi32, #tpu.memory_space<vmem>> -> memref<125xi32, #tpu.memory_space<vmem>>
      %dma_start3A_171 = arith.constant 0 : i32
      %dma_start3A_172 = arith.constant 0 : i32
      %dma_start3A_173 = tpu.memref_slice %arg7[%dma_start3A_171, %dma_start3A_172] : memref<10240x128xf32, #tpu.memory_space<vmem_shared>> -> memref<10240x128xf32, #tpu.memory_space<vmem_shared>>
      tpu.enqueue_indirect_dma source(%arg11 : memref<125x128xf32, #tpu.memory_space<vmem>>) target(%dma_start3A_173 : memref<10240x128xf32, #tpu.memory_space<vmem_shared>>) offsets(%dma_start3A_170 : memref<125xi32, #tpu.memory_space<vmem>>) semaphore(%arg15 : memref<!tpu.dma_semaphore, #tpu.memory_space<semaphore_mem>>) {add = true}
    }
    %scan3A_56 = arith.constant 20 : i32
    %dma_wait3A_57 = arith.constant 39 : i32
    %dma_wait3A_58 = arith.constant 0 : i32
    %dma_wait3A_59 = tpu.memref_slice %arg9[%dma_wait3A_57, %dma_wait3A_58] : memref<40x125xi32, #tpu.memory_space<vmem>> -> memref<1x125xi32, #tpu.memory_space<vmem>>
    %dma_wait3A_60 = tpu.memref_squeeze %dma_wait3A_59 : memref<1x125xi32, #tpu.memory_space<vmem>> -> memref<125xi32, #tpu.memory_space<vmem>>
    %dma_wait3A_61 = arith.constant 0 : i32
    %dma_wait3A_62 = arith.constant 0 : i32
    %dma_wait3A_63 = tpu.memref_slice %arg7[%dma_wait3A_61, %dma_wait3A_62] : memref<10240x128xf32, #tpu.memory_space<vmem_shared>> -> memref<10240x128xf32, #tpu.memory_space<vmem_shared>>
    tpu.wait_indirect_dma semaphore(%arg15 : memref<!tpu.dma_semaphore, #tpu.memory_space<semaphore_mem>>) src(%arg11 : memref<125x128xf32, #tpu.memory_space<vmem>>) dst(%dma_wait3A_63 : memref<10240x128xf32, #tpu.memory_space<vmem_shared>>)
    %barrier3A_64 = arith.constant 0 : index
    tpu.barrier barrier_id(%barrier3A_64)
    %add3A_65 = arith.constant 0 : i32
    %add3A_66 = arith.addi %mul3A_2, %add3A_65 : i32
    "tpu.region"() ({
      %run_scoped3A = tpu.sem_alloc : memref<!tpu.dma_semaphore, #tpu.memory_space<semaphore_mem>>
      %dma_start3A_121 = arith.constant 0 : i32
      %dma_start3A_122 = arith.constant 0 : i32
      %dma_start3A_123 = tpu.memref_slice %arg10[%dma_start3A_121, %dma_start3A_122] : memref<125x128xf32, #tpu.memory_space<vmem>> -> memref<80x128xf32, #tpu.memory_space<vmem>>
      %dma_start3A_124 = arith.constant 0 : i32
      %dma_start3A_125 = tpu.memref_slice %arg7[%add3A_66, %dma_start3A_124] : memref<10240x128xf32, #tpu.memory_space<vmem_shared>> -> memref<80x128xf32, #tpu.memory_space<vmem_shared>>
      %dma_start3A_126 = arith.constant 0 : i32
      %dma_start3A_127 = arith.constant 0 : i32
      %dma_start3A_128 = tpu.memref_slice %arg10[%dma_start3A_126, %dma_start3A_127] : memref<125x128xf32, #tpu.memory_space<vmem>> -> memref<80x128xf32, #tpu.memory_space<vmem>>
      %dma_start3A_129 = arith.constant 0 : i32
      %dma_start3A_130 = tpu.memref_slice %arg7[%add3A_66, %dma_start3A_129] : memref<10240x128xf32, #tpu.memory_space<vmem_shared>> -> memref<80x128xf32, #tpu.memory_space<vmem_shared>>
      tpu.enqueue_dma source(%dma_start3A_130 : memref<80x128xf32, #tpu.memory_space<vmem_shared>>) target(%dma_start3A_128 : memref<80x128xf32, #tpu.memory_space<vmem>>) target_semaphore(%run_scoped3A : memref<!tpu.dma_semaphore, #tpu.memory_space<semaphore_mem>>)
      %dma_wait3A_131 = arith.constant 0 : i32
      %dma_wait3A_132 = arith.constant 0 : i32
      %dma_wait3A_133 = tpu.memref_slice %arg10[%dma_wait3A_131, %dma_wait3A_132] : memref<125x128xf32, #tpu.memory_space<vmem>> -> memref<80x128xf32, #tpu.memory_space<vmem>>
      %dma_wait3A_134 = arith.constant 0 : i32
      %dma_wait3A_135 = tpu.memref_slice %arg7[%add3A_66, %dma_wait3A_134] : memref<10240x128xf32, #tpu.memory_space<vmem_shared>> -> memref<80x128xf32, #tpu.memory_space<vmem_shared>>
      %dma_wait3A_136 = arith.constant 0 : i32
      %dma_wait3A_137 = arith.constant 0 : i32
      %dma_wait3A_138 = tpu.memref_slice %arg10[%dma_wait3A_136, %dma_wait3A_137] : memref<125x128xf32, #tpu.memory_space<vmem>> -> memref<80x128xf32, #tpu.memory_space<vmem>>
      %dma_wait3A_139 = arith.constant 0 : i32
      %dma_wait3A_140 = tpu.memref_slice %arg7[%add3A_66, %dma_wait3A_139] : memref<10240x128xf32, #tpu.memory_space<vmem_shared>> -> memref<80x128xf32, #tpu.memory_space<vmem_shared>>
      tpu.wait_dma2 semaphore(%run_scoped3A : memref<!tpu.dma_semaphore, #tpu.memory_space<semaphore_mem>>) src(%dma_wait3A_140 : memref<80x128xf32, #tpu.memory_space<vmem_shared>>) dst(%dma_wait3A_138 : memref<80x128xf32, #tpu.memory_space<vmem>>)
      tpu.yield
    }) : () -> ()
    %mul3A_67 = arith.constant 10240 : i32
    %mul3A_68 = arith.muli %arg0, %mul3A_67 : i32
    %add3A_69 = arith.addi %mul3A_68, %mul3A_2 : i32
    %add3A_70 = arith.constant 0 : i32
    %add3A_71 = arith.addi %add3A_69, %add3A_70 : i32
    "tpu.region"() ({
      %run_scoped3A = tpu.sem_alloc : memref<!tpu.dma_semaphore, #tpu.memory_space<semaphore_mem>>
      %dma_start3A_121 = arith.constant 0 : i32
      %dma_start3A_122 = arith.constant 0 : i32
      %dma_start3A_123 = tpu.memref_slice %arg10[%dma_start3A_121, %dma_start3A_122] : memref<125x128xf32, #tpu.memory_space<vmem>> -> memref<80x128xf32, #tpu.memory_space<vmem>>
      %dma_start3A_124 = arith.constant 0 : i32
      %dma_start3A_125 = tpu.memref_slice %arg6[%add3A_71, %dma_start3A_124] : memref<20480x128xf32, #tpu.memory_space<hbm>> -> memref<80x128xf32, #tpu.memory_space<hbm>>
      %dma_start3A_126 = arith.constant 0 : i32
      %dma_start3A_127 = tpu.memref_slice %arg6[%add3A_71, %dma_start3A_126] : memref<20480x128xf32, #tpu.memory_space<hbm>> -> memref<80x128xf32, #tpu.memory_space<hbm>>
      %dma_start3A_128 = arith.constant 0 : i32
      %dma_start3A_129 = arith.constant 0 : i32
      %dma_start3A_130 = tpu.memref_slice %arg10[%dma_start3A_128, %dma_start3A_129] : memref<125x128xf32, #tpu.memory_space<vmem>> -> memref<80x128xf32, #tpu.memory_space<vmem>>
      tpu.enqueue_dma source(%dma_start3A_130 : memref<80x128xf32, #tpu.memory_space<vmem>>) target(%dma_start3A_127 : memref<80x128xf32, #tpu.memory_space<hbm>>) target_semaphore(%run_scoped3A : memref<!tpu.dma_semaphore, #tpu.memory_space<semaphore_mem>>)
      %dma_wait3A_131 = arith.constant 0 : i32
      %dma_wait3A_132 = arith.constant 0 : i32
      %dma_wait3A_133 = tpu.memref_slice %arg10[%dma_wait3A_131, %dma_wait3A_132] : memref<125x128xf32, #tpu.memory_space<vmem>> -> memref<80x128xf32, #tpu.memory_space<vmem>>
      %dma_wait3A_134 = arith.constant 0 : i32
      %dma_wait3A_135 = tpu.memref_slice %arg6[%add3A_71, %dma_wait3A_134] : memref<20480x128xf32, #tpu.memory_space<hbm>> -> memref<80x128xf32, #tpu.memory_space<hbm>>
      %dma_wait3A_136 = arith.constant 0 : i32
      %dma_wait3A_137 = tpu.memref_slice %arg6[%add3A_71, %dma_wait3A_136] : memref<20480x128xf32, #tpu.memory_space<hbm>> -> memref<80x128xf32, #tpu.memory_space<hbm>>
      %dma_wait3A_138 = arith.constant 0 : i32
      %dma_wait3A_139 = arith.constant 0 : i32
      %dma_wait3A_140 = tpu.memref_slice %arg10[%dma_wait3A_138, %dma_wait3A_139] : memref<125x128xf32, #tpu.memory_space<vmem>> -> memref<80x128xf32, #tpu.memory_space<vmem>>
      tpu.wait_dma2 semaphore(%run_scoped3A : memref<!tpu.dma_semaphore, #tpu.memory_space<semaphore_mem>>) src(%dma_wait3A_140 : memref<80x128xf32, #tpu.memory_space<vmem>>) dst(%dma_wait3A_137 : memref<80x128xf32, #tpu.memory_space<hbm>>)
      tpu.yield
    }) : () -> ()
    %add3A_72 = arith.constant 80 : i32
    %add3A_73 = arith.addi %mul3A_2, %add3A_72 : i32
    "tpu.region"() ({
      %run_scoped3A = tpu.sem_alloc : memref<!tpu.dma_semaphore, #tpu.memory_space<semaphore_mem>>
      %dma_start3A_121 = arith.constant 0 : i32
      %dma_start3A_122 = arith.constant 0 : i32
      %dma_start3A_123 = tpu.memref_slice %arg10[%dma_start3A_121, %dma_start3A_122] : memref<125x128xf32, #tpu.memory_space<vmem>> -> memref<80x128xf32, #tpu.memory_space<vmem>>
      %dma_start3A_124 = arith.constant 0 : i32
      %dma_start3A_125 = tpu.memref_slice %arg7[%add3A_73, %dma_start3A_124] : memref<10240x128xf32, #tpu.memory_space<vmem_shared>> -> memref<80x128xf32, #tpu.memory_space<vmem_shared>>
      %dma_start3A_126 = arith.constant 0 : i32
      %dma_start3A_127 = arith.constant 0 : i32
      %dma_start3A_128 = tpu.memref_slice %arg10[%dma_start3A_126, %dma_start3A_127] : memref<125x128xf32, #tpu.memory_space<vmem>> -> memref<80x128xf32, #tpu.memory_space<vmem>>
      %dma_start3A_129 = arith.constant 0 : i32
      %dma_start3A_130 = tpu.memref_slice %arg7[%add3A_73, %dma_start3A_129] : memref<10240x128xf32, #tpu.memory_space<vmem_shared>> -> memref<80x128xf32, #tpu.memory_space<vmem_shared>>
      tpu.enqueue_dma source(%dma_start3A_130 : memref<80x128xf32, #tpu.memory_space<vmem_shared>>) target(%dma_start3A_128 : memref<80x128xf32, #tpu.memory_space<vmem>>) target_semaphore(%run_scoped3A : memref<!tpu.dma_semaphore, #tpu.memory_space<semaphore_mem>>)
      %dma_wait3A_131 = arith.constant 0 : i32
      %dma_wait3A_132 = arith.constant 0 : i32
      %dma_wait3A_133 = tpu.memref_slice %arg10[%dma_wait3A_131, %dma_wait3A_132] : memref<125x128xf32, #tpu.memory_space<vmem>> -> memref<80x128xf32, #tpu.memory_space<vmem>>
      %dma_wait3A_134 = arith.constant 0 : i32
      %dma_wait3A_135 = tpu.memref_slice %arg7[%add3A_73, %dma_wait3A_134] : memref<10240x128xf32, #tpu.memory_space<vmem_shared>> -> memref<80x128xf32, #tpu.memory_space<vmem_shared>>
      %dma_wait3A_136 = arith.constant 0 : i32
      %dma_wait3A_137 = arith.constant 0 : i32
      %dma_wait3A_138 = tpu.memref_slice %arg10[%dma_wait3A_136, %dma_wait3A_137] : memref<125x128xf32, #tpu.memory_space<vmem>> -> memref<80x128xf32, #tpu.memory_space<vmem>>
      %dma_wait3A_139 = arith.constant 0 : i32
      %dma_wait3A_140 = tpu.memref_slice %arg7[%add3A_73, %dma_wait3A_139] : memref<10240x128xf32, #tpu.memory_space<vmem_shared>> -> memref<80x128xf32, #tpu.memory_space<vmem_shared>>
      tpu.wait_dma2 semaphore(%run_scoped3A : memref<!tpu.dma_semaphore, #tpu.memory_space<semaphore_mem>>) src(%dma_wait3A_140 : memref<80x128xf32, #tpu.memory_space<vmem_shared>>) dst(%dma_wait3A_138 : memref<80x128xf32, #tpu.memory_space<vmem>>)
      tpu.yield
    }) : () -> ()
    %mul3A_74 = arith.constant 10240 : i32
    %mul3A_75 = arith.muli %arg0, %mul3A_74 : i32
    %add3A_76 = arith.addi %mul3A_75, %mul3A_2 : i32
    %add3A_77 = arith.constant 80 : i32
    %add3A_78 = arith.addi %add3A_76, %add3A_77 : i32
    "tpu.region"() ({
      %run_scoped3A = tpu.sem_alloc : memref<!tpu.dma_semaphore, #tpu.memory_space<semaphore_mem>>
      %dma_start3A_121 = arith.constant 0 : i32
      %dma_start3A_122 = arith.constant 0 : i32
      %dma_start3A_123 = tpu.memref_slice %arg10[%dma_start3A_121, %dma_start3A_122] : memref<125x128xf32, #tpu.memory_space<vmem>> -> memref<80x128xf32, #tpu.memory_space<vmem>>
      %dma_start3A_124 = arith.constant 0 : i32
      %dma_start3A_125 = tpu.memref_slice %arg6[%add3A_78, %dma_start3A_124] : memref<20480x128xf32, #tpu.memory_space<hbm>> -> memref<80x128xf32, #tpu.memory_space<hbm>>
      %dma_start3A_126 = arith.constant 0 : i32
      %dma_start3A_127 = tpu.memref_slice %arg6[%add3A_78, %dma_start3A_126] : memref<20480x128xf32, #tpu.memory_space<hbm>> -> memref<80x128xf32, #tpu.memory_space<hbm>>
      %dma_start3A_128 = arith.constant 0 : i32
      %dma_start3A_129 = arith.constant 0 : i32
      %dma_start3A_130 = tpu.memref_slice %arg10[%dma_start3A_128, %dma_start3A_129] : memref<125x128xf32, #tpu.memory_space<vmem>> -> memref<80x128xf32, #tpu.memory_space<vmem>>
      tpu.enqueue_dma source(%dma_start3A_130 : memref<80x128xf32, #tpu.memory_space<vmem>>) target(%dma_start3A_127 : memref<80x128xf32, #tpu.memory_space<hbm>>) target_semaphore(%run_scoped3A : memref<!tpu.dma_semaphore, #tpu.memory_space<semaphore_mem>>)
      %dma_wait3A_131 = arith.constant 0 : i32
      %dma_wait3A_132 = arith.constant 0 : i32
      %dma_wait3A_133 = tpu.memref_slice %arg10[%dma_wait3A_131, %dma_wait3A_132] : memref<125x128xf32, #tpu.memory_space<vmem>> -> memref<80x128xf32, #tpu.memory_space<vmem>>
      %dma_wait3A_134 = arith.constant 0 : i32
      %dma_wait3A_135 = tpu.memref_slice %arg6[%add3A_78, %dma_wait3A_134] : memref<20480x128xf32, #tpu.memory_space<hbm>> -> memref<80x128xf32, #tpu.memory_space<hbm>>
      %dma_wait3A_136 = arith.constant 0 : i32
      %dma_wait3A_137 = tpu.memref_slice %arg6[%add3A_78, %dma_wait3A_136] : memref<20480x128xf32, #tpu.memory_space<hbm>> -> memref<80x128xf32, #tpu.memory_space<hbm>>
      %dma_wait3A_138 = arith.constant 0 : i32
      %dma_wait3A_139 = arith.constant 0 : i32
      %dma_wait3A_140 = tpu.memref_slice %arg10[%dma_wait3A_138, %dma_wait3A_139] : memref<125x128xf32, #tpu.memory_space<vmem>> -> memref<80x128xf32, #tpu.memory_space<vmem>>
      tpu.wait_dma2 semaphore(%run_scoped3A : memref<!tpu.dma_semaphore, #tpu.memory_space<semaphore_mem>>) src(%dma_wait3A_140 : memref<80x128xf32, #tpu.memory_space<vmem>>) dst(%dma_wait3A_137 : memref<80x128xf32, #tpu.memory_space<hbm>>)
      tpu.yield
    }) : () -> ()
    %add3A_79 = arith.constant 160 : i32
    %add3A_80 = arith.addi %mul3A_2, %add3A_79 : i32
    "tpu.region"() ({
      %run_scoped3A = tpu.sem_alloc : memref<!tpu.dma_semaphore, #tpu.memory_space<semaphore_mem>>
      %dma_start3A_121 = arith.constant 0 : i32
      %dma_start3A_122 = arith.constant 0 : i32
      %dma_start3A_123 = tpu.memref_slice %arg10[%dma_start3A_121, %dma_start3A_122] : memref<125x128xf32, #tpu.memory_space<vmem>> -> memref<80x128xf32, #tpu.memory_space<vmem>>
      %dma_start3A_124 = arith.constant 0 : i32
      %dma_start3A_125 = tpu.memref_slice %arg7[%add3A_80, %dma_start3A_124] : memref<10240x128xf32, #tpu.memory_space<vmem_shared>> -> memref<80x128xf32, #tpu.memory_space<vmem_shared>>
      %dma_start3A_126 = arith.constant 0 : i32
      %dma_start3A_127 = arith.constant 0 : i32
      %dma_start3A_128 = tpu.memref_slice %arg10[%dma_start3A_126, %dma_start3A_127] : memref<125x128xf32, #tpu.memory_space<vmem>> -> memref<80x128xf32, #tpu.memory_space<vmem>>
      %dma_start3A_129 = arith.constant 0 : i32
      %dma_start3A_130 = tpu.memref_slice %arg7[%add3A_80, %dma_start3A_129] : memref<10240x128xf32, #tpu.memory_space<vmem_shared>> -> memref<80x128xf32, #tpu.memory_space<vmem_shared>>
      tpu.enqueue_dma source(%dma_start3A_130 : memref<80x128xf32, #tpu.memory_space<vmem_shared>>) target(%dma_start3A_128 : memref<80x128xf32, #tpu.memory_space<vmem>>) target_semaphore(%run_scoped3A : memref<!tpu.dma_semaphore, #tpu.memory_space<semaphore_mem>>)
      %dma_wait3A_131 = arith.constant 0 : i32
      %dma_wait3A_132 = arith.constant 0 : i32
      %dma_wait3A_133 = tpu.memref_slice %arg10[%dma_wait3A_131, %dma_wait3A_132] : memref<125x128xf32, #tpu.memory_space<vmem>> -> memref<80x128xf32, #tpu.memory_space<vmem>>
      %dma_wait3A_134 = arith.constant 0 : i32
      %dma_wait3A_135 = tpu.memref_slice %arg7[%add3A_80, %dma_wait3A_134] : memref<10240x128xf32, #tpu.memory_space<vmem_shared>> -> memref<80x128xf32, #tpu.memory_space<vmem_shared>>
      %dma_wait3A_136 = arith.constant 0 : i32
      %dma_wait3A_137 = arith.constant 0 : i32
      %dma_wait3A_138 = tpu.memref_slice %arg10[%dma_wait3A_136, %dma_wait3A_137] : memref<125x128xf32, #tpu.memory_space<vmem>> -> memref<80x128xf32, #tpu.memory_space<vmem>>
      %dma_wait3A_139 = arith.constant 0 : i32
      %dma_wait3A_140 = tpu.memref_slice %arg7[%add3A_80, %dma_wait3A_139] : memref<10240x128xf32, #tpu.memory_space<vmem_shared>> -> memref<80x128xf32, #tpu.memory_space<vmem_shared>>
      tpu.wait_dma2 semaphore(%run_scoped3A : memref<!tpu.dma_semaphore, #tpu.memory_space<semaphore_mem>>) src(%dma_wait3A_140 : memref<80x128xf32, #tpu.memory_space<vmem_shared>>) dst(%dma_wait3A_138 : memref<80x128xf32, #tpu.memory_space<vmem>>)
      tpu.yield
    }) : () -> ()
    %mul3A_81 = arith.constant 10240 : i32
    %mul3A_82 = arith.muli %arg0, %mul3A_81 : i32
    %add3A_83 = arith.addi %mul3A_82, %mul3A_2 : i32
    %add3A_84 = arith.constant 160 : i32
    %add3A_85 = arith.addi %add3A_83, %add3A_84 : i32
    "tpu.region"() ({
      %run_scoped3A = tpu.sem_alloc : memref<!tpu.dma_semaphore, #tpu.memory_space<semaphore_mem>>
      %dma_start3A_121 = arith.constant 0 : i32
      %dma_start3A_122 = arith.constant 0 : i32
      %dma_start3A_123 = tpu.memref_slice %arg10[%dma_start3A_121, %dma_start3A_122] : memref<125x128xf32, #tpu.memory_space<vmem>> -> memref<80x128xf32, #tpu.memory_space<vmem>>
      %dma_start3A_124 = arith.constant 0 : i32
      %dma_start3A_125 = tpu.memref_slice %arg6[%add3A_85, %dma_start3A_124] : memref<20480x128xf32, #tpu.memory_space<hbm>> -> memref<80x128xf32, #tpu.memory_space<hbm>>
      %dma_start3A_126 = arith.constant 0 : i32
      %dma_start3A_127 = tpu.memref_slice %arg6[%add3A_85, %dma_start3A_126] : memref<20480x128xf32, #tpu.memory_space<hbm>> -> memref<80x128xf32, #tpu.memory_space<hbm>>
      %dma_start3A_128 = arith.constant 0 : i32
      %dma_start3A_129 = arith.constant 0 : i32
      %dma_start3A_130 = tpu.memref_slice %arg10[%dma_start3A_128, %dma_start3A_129] : memref<125x128xf32, #tpu.memory_space<vmem>> -> memref<80x128xf32, #tpu.memory_space<vmem>>
      tpu.enqueue_dma source(%dma_start3A_130 : memref<80x128xf32, #tpu.memory_space<vmem>>) target(%dma_start3A_127 : memref<80x128xf32, #tpu.memory_space<hbm>>) target_semaphore(%run_scoped3A : memref<!tpu.dma_semaphore, #tpu.memory_space<semaphore_mem>>)
      %dma_wait3A_131 = arith.constant 0 : i32
      %dma_wait3A_132 = arith.constant 0 : i32
      %dma_wait3A_133 = tpu.memref_slice %arg10[%dma_wait3A_131, %dma_wait3A_132] : memref<125x128xf32, #tpu.memory_space<vmem>> -> memref<80x128xf32, #tpu.memory_space<vmem>>
      %dma_wait3A_134 = arith.constant 0 : i32
      %dma_wait3A_135 = tpu.memref_slice %arg6[%add3A_85, %dma_wait3A_134] : memref<20480x128xf32, #tpu.memory_space<hbm>> -> memref<80x128xf32, #tpu.memory_space<hbm>>
      %dma_wait3A_136 = arith.constant 0 : i32
      %dma_wait3A_137 = tpu.memref_slice %arg6[%add3A_85, %dma_wait3A_136] : memref<20480x128xf32, #tpu.memory_space<hbm>> -> memref<80x128xf32, #tpu.memory_space<hbm>>
      %dma_wait3A_138 = arith.constant 0 : i32
      %dma_wait3A_139 = arith.constant 0 : i32
      %dma_wait3A_140 = tpu.memref_slice %arg10[%dma_wait3A_138, %dma_wait3A_139] : memref<125x128xf32, #tpu.memory_space<vmem>> -> memref<80x128xf32, #tpu.memory_space<vmem>>
      tpu.wait_dma2 semaphore(%run_scoped3A : memref<!tpu.dma_semaphore, #tpu.memory_space<semaphore_mem>>) src(%dma_wait3A_140 : memref<80x128xf32, #tpu.memory_space<vmem>>) dst(%dma_wait3A_137 : memref<80x128xf32, #tpu.memory_space<hbm>>)
      tpu.yield
    }) : () -> ()
    %add3A_86 = arith.constant 240 : i32
    %add3A_87 = arith.addi %mul3A_2, %add3A_86 : i32
    "tpu.region"() ({
      %run_scoped3A = tpu.sem_alloc : memref<!tpu.dma_semaphore, #tpu.memory_space<semaphore_mem>>
      %dma_start3A_121 = arith.constant 0 : i32
      %dma_start3A_122 = arith.constant 0 : i32
      %dma_start3A_123 = tpu.memref_slice %arg10[%dma_start3A_121, %dma_start3A_122] : memref<125x128xf32, #tpu.memory_space<vmem>> -> memref<80x128xf32, #tpu.memory_space<vmem>>
      %dma_start3A_124 = arith.constant 0 : i32
      %dma_start3A_125 = tpu.memref_slice %arg7[%add3A_87, %dma_start3A_124] : memref<10240x128xf32, #tpu.memory_space<vmem_shared>> -> memref<80x128xf32, #tpu.memory_space<vmem_shared>>
      %dma_start3A_126 = arith.constant 0 : i32
      %dma_start3A_127 = arith.constant 0 : i32
      %dma_start3A_128 = tpu.memref_slice %arg10[%dma_start3A_126, %dma_start3A_127] : memref<125x128xf32, #tpu.memory_space<vmem>> -> memref<80x128xf32, #tpu.memory_space<vmem>>
      %dma_start3A_129 = arith.constant 0 : i32
      %dma_start3A_130 = tpu.memref_slice %arg7[%add3A_87, %dma_start3A_129] : memref<10240x128xf32, #tpu.memory_space<vmem_shared>> -> memref<80x128xf32, #tpu.memory_space<vmem_shared>>
      tpu.enqueue_dma source(%dma_start3A_130 : memref<80x128xf32, #tpu.memory_space<vmem_shared>>) target(%dma_start3A_128 : memref<80x128xf32, #tpu.memory_space<vmem>>) target_semaphore(%run_scoped3A : memref<!tpu.dma_semaphore, #tpu.memory_space<semaphore_mem>>)
      %dma_wait3A_131 = arith.constant 0 : i32
      %dma_wait3A_132 = arith.constant 0 : i32
      %dma_wait3A_133 = tpu.memref_slice %arg10[%dma_wait3A_131, %dma_wait3A_132] : memref<125x128xf32, #tpu.memory_space<vmem>> -> memref<80x128xf32, #tpu.memory_space<vmem>>
      %dma_wait3A_134 = arith.constant 0 : i32
      %dma_wait3A_135 = tpu.memref_slice %arg7[%add3A_87, %dma_wait3A_134] : memref<10240x128xf32, #tpu.memory_space<vmem_shared>> -> memref<80x128xf32, #tpu.memory_space<vmem_shared>>
      %dma_wait3A_136 = arith.constant 0 : i32
      %dma_wait3A_137 = arith.constant 0 : i32
      %dma_wait3A_138 = tpu.memref_slice %arg10[%dma_wait3A_136, %dma_wait3A_137] : memref<125x128xf32, #tpu.memory_space<vmem>> -> memref<80x128xf32, #tpu.memory_space<vmem>>
      %dma_wait3A_139 = arith.constant 0 : i32
      %dma_wait3A_140 = tpu.memref_slice %arg7[%add3A_87, %dma_wait3A_139] : memref<10240x128xf32, #tpu.memory_space<vmem_shared>> -> memref<80x128xf32, #tpu.memory_space<vmem_shared>>
      tpu.wait_dma2 semaphore(%run_scoped3A : memref<!tpu.dma_semaphore, #tpu.memory_space<semaphore_mem>>) src(%dma_wait3A_140 : memref<80x128xf32, #tpu.memory_space<vmem_shared>>) dst(%dma_wait3A_138 : memref<80x128xf32, #tpu.memory_space<vmem>>)
      tpu.yield
    }) : () -> ()
    %mul3A_88 = arith.constant 10240 : i32
    %mul3A_89 = arith.muli %arg0, %mul3A_88 : i32
    %add3A_90 = arith.addi %mul3A_89, %mul3A_2 : i32
    %add3A_91 = arith.constant 240 : i32
    %add3A_92 = arith.addi %add3A_90, %add3A_91 : i32
    "tpu.region"() ({
      %run_scoped3A = tpu.sem_alloc : memref<!tpu.dma_semaphore, #tpu.memory_space<semaphore_mem>>
      %dma_start3A_121 = arith.constant 0 : i32
      %dma_start3A_122 = arith.constant 0 : i32
      %dma_start3A_123 = tpu.memref_slice %arg10[%dma_start3A_121, %dma_start3A_122] : memref<125x128xf32, #tpu.memory_space<vmem>> -> memref<80x128xf32, #tpu.memory_space<vmem>>
      %dma_start3A_124 = arith.constant 0 : i32
      %dma_start3A_125 = tpu.memref_slice %arg6[%add3A_92, %dma_start3A_124] : memref<20480x128xf32, #tpu.memory_space<hbm>> -> memref<80x128xf32, #tpu.memory_space<hbm>>
      %dma_start3A_126 = arith.constant 0 : i32
      %dma_start3A_127 = tpu.memref_slice %arg6[%add3A_92, %dma_start3A_126] : memref<20480x128xf32, #tpu.memory_space<hbm>> -> memref<80x128xf32, #tpu.memory_space<hbm>>
      %dma_start3A_128 = arith.constant 0 : i32
      %dma_start3A_129 = arith.constant 0 : i32
      %dma_start3A_130 = tpu.memref_slice %arg10[%dma_start3A_128, %dma_start3A_129] : memref<125x128xf32, #tpu.memory_space<vmem>> -> memref<80x128xf32, #tpu.memory_space<vmem>>
      tpu.enqueue_dma source(%dma_start3A_130 : memref<80x128xf32, #tpu.memory_space<vmem>>) target(%dma_start3A_127 : memref<80x128xf32, #tpu.memory_space<hbm>>) target_semaphore(%run_scoped3A : memref<!tpu.dma_semaphore, #tpu.memory_space<semaphore_mem>>)
      %dma_wait3A_131 = arith.constant 0 : i32
      %dma_wait3A_132 = arith.constant 0 : i32
      %dma_wait3A_133 = tpu.memref_slice %arg10[%dma_wait3A_131, %dma_wait3A_132] : memref<125x128xf32, #tpu.memory_space<vmem>> -> memref<80x128xf32, #tpu.memory_space<vmem>>
      %dma_wait3A_134 = arith.constant 0 : i32
      %dma_wait3A_135 = tpu.memref_slice %arg6[%add3A_92, %dma_wait3A_134] : memref<20480x128xf32, #tpu.memory_space<hbm>> -> memref<80x128xf32, #tpu.memory_space<hbm>>
      %dma_wait3A_136 = arith.constant 0 : i32
      %dma_wait3A_137 = tpu.memref_slice %arg6[%add3A_92, %dma_wait3A_136] : memref<20480x128xf32, #tpu.memory_space<hbm>> -> memref<80x128xf32, #tpu.memory_space<hbm>>
      %dma_wait3A_138 = arith.constant 0 : i32
      %dma_wait3A_139 = arith.constant 0 : i32
      %dma_wait3A_140 = tpu.memref_slice %arg10[%dma_wait3A_138, %dma_wait3A_139] : memref<125x128xf32, #tpu.memory_space<vmem>> -> memref<80x128xf32, #tpu.memory_space<vmem>>
      tpu.wait_dma2 semaphore(%run_scoped3A : memref<!tpu.dma_semaphore, #tpu.memory_space<semaphore_mem>>) src(%dma_wait3A_140 : memref<80x128xf32, #tpu.memory_space<vmem>>) dst(%dma_wait3A_137 : memref<80x128xf32, #tpu.memory_space<hbm>>)
      tpu.yield
    }) : () -> ()
    %add3A_93 = arith.constant 320 : i32
    %add3A_94 = arith.addi %mul3A_2, %add3A_93 : i32
    "tpu.region"() ({
      %run_scoped3A = tpu.sem_alloc : memref<!tpu.dma_semaphore, #tpu.memory_space<semaphore_mem>>
      %dma_start3A_121 = arith.constant 0 : i32
      %dma_start3A_122 = arith.constant 0 : i32
      %dma_start3A_123 = tpu.memref_slice %arg10[%dma_start3A_121, %dma_start3A_122] : memref<125x128xf32, #tpu.memory_space<vmem>> -> memref<80x128xf32, #tpu.memory_space<vmem>>
      %dma_start3A_124 = arith.constant 0 : i32
      %dma_start3A_125 = tpu.memref_slice %arg7[%add3A_94, %dma_start3A_124] : memref<10240x128xf32, #tpu.memory_space<vmem_shared>> -> memref<80x128xf32, #tpu.memory_space<vmem_shared>>
      %dma_start3A_126 = arith.constant 0 : i32
      %dma_start3A_127 = arith.constant 0 : i32
      %dma_start3A_128 = tpu.memref_slice %arg10[%dma_start3A_126, %dma_start3A_127] : memref<125x128xf32, #tpu.memory_space<vmem>> -> memref<80x128xf32, #tpu.memory_space<vmem>>
      %dma_start3A_129 = arith.constant 0 : i32
      %dma_start3A_130 = tpu.memref_slice %arg7[%add3A_94, %dma_start3A_129] : memref<10240x128xf32, #tpu.memory_space<vmem_shared>> -> memref<80x128xf32, #tpu.memory_space<vmem_shared>>
      tpu.enqueue_dma source(%dma_start3A_130 : memref<80x128xf32, #tpu.memory_space<vmem_shared>>) target(%dma_start3A_128 : memref<80x128xf32, #tpu.memory_space<vmem>>) target_semaphore(%run_scoped3A : memref<!tpu.dma_semaphore, #tpu.memory_space<semaphore_mem>>)
      %dma_wait3A_131 = arith.constant 0 : i32
      %dma_wait3A_132 = arith.constant 0 : i32
      %dma_wait3A_133 = tpu.memref_slice %arg10[%dma_wait3A_131, %dma_wait3A_132] : memref<125x128xf32, #tpu.memory_space<vmem>> -> memref<80x128xf32, #tpu.memory_space<vmem>>
      %dma_wait3A_134 = arith.constant 0 : i32
      %dma_wait3A_135 = tpu.memref_slice %arg7[%add3A_94, %dma_wait3A_134] : memref<10240x128xf32, #tpu.memory_space<vmem_shared>> -> memref<80x128xf32, #tpu.memory_space<vmem_shared>>
      %dma_wait3A_136 = arith.constant 0 : i32
      %dma_wait3A_137 = arith.constant 0 : i32
      %dma_wait3A_138 = tpu.memref_slice %arg10[%dma_wait3A_136, %dma_wait3A_137] : memref<125x128xf32, #tpu.memory_space<vmem>> -> memref<80x128xf32, #tpu.memory_space<vmem>>
      %dma_wait3A_139 = arith.constant 0 : i32
      %dma_wait3A_140 = tpu.memref_slice %arg7[%add3A_94, %dma_wait3A_139] : memref<10240x128xf32, #tpu.memory_space<vmem_shared>> -> memref<80x128xf32, #tpu.memory_space<vmem_shared>>
      tpu.wait_dma2 semaphore(%run_scoped3A : memref<!tpu.dma_semaphore, #tpu.memory_space<semaphore_mem>>) src(%dma_wait3A_140 : memref<80x128xf32, #tpu.memory_space<vmem_shared>>) dst(%dma_wait3A_138 : memref<80x128xf32, #tpu.memory_space<vmem>>)
      tpu.yield
    }) : () -> ()
    %mul3A_95 = arith.constant 10240 : i32
    %mul3A_96 = arith.muli %arg0, %mul3A_95 : i32
    %add3A_97 = arith.addi %mul3A_96, %mul3A_2 : i32
    %add3A_98 = arith.constant 320 : i32
    %add3A_99 = arith.addi %add3A_97, %add3A_98 : i32
    "tpu.region"() ({
      %run_scoped3A = tpu.sem_alloc : memref<!tpu.dma_semaphore, #tpu.memory_space<semaphore_mem>>
      %dma_start3A_121 = arith.constant 0 : i32
      %dma_start3A_122 = arith.constant 0 : i32
      %dma_start3A_123 = tpu.memref_slice %arg10[%dma_start3A_121, %dma_start3A_122] : memref<125x128xf32, #tpu.memory_space<vmem>> -> memref<80x128xf32, #tpu.memory_space<vmem>>
      %dma_start3A_124 = arith.constant 0 : i32
      %dma_start3A_125 = tpu.memref_slice %arg6[%add3A_99, %dma_start3A_124] : memref<20480x128xf32, #tpu.memory_space<hbm>> -> memref<80x128xf32, #tpu.memory_space<hbm>>
      %dma_start3A_126 = arith.constant 0 : i32
      %dma_start3A_127 = tpu.memref_slice %arg6[%add3A_99, %dma_start3A_126] : memref<20480x128xf32, #tpu.memory_space<hbm>> -> memref<80x128xf32, #tpu.memory_space<hbm>>
      %dma_start3A_128 = arith.constant 0 : i32
      %dma_start3A_129 = arith.constant 0 : i32
      %dma_start3A_130 = tpu.memref_slice %arg10[%dma_start3A_128, %dma_start3A_129] : memref<125x128xf32, #tpu.memory_space<vmem>> -> memref<80x128xf32, #tpu.memory_space<vmem>>
      tpu.enqueue_dma source(%dma_start3A_130 : memref<80x128xf32, #tpu.memory_space<vmem>>) target(%dma_start3A_127 : memref<80x128xf32, #tpu.memory_space<hbm>>) target_semaphore(%run_scoped3A : memref<!tpu.dma_semaphore, #tpu.memory_space<semaphore_mem>>)
      %dma_wait3A_131 = arith.constant 0 : i32
      %dma_wait3A_132 = arith.constant 0 : i32
      %dma_wait3A_133 = tpu.memref_slice %arg10[%dma_wait3A_131, %dma_wait3A_132] : memref<125x128xf32, #tpu.memory_space<vmem>> -> memref<80x128xf32, #tpu.memory_space<vmem>>
      %dma_wait3A_134 = arith.constant 0 : i32
      %dma_wait3A_135 = tpu.memref_slice %arg6[%add3A_99, %dma_wait3A_134] : memref<20480x128xf32, #tpu.memory_space<hbm>> -> memref<80x128xf32, #tpu.memory_space<hbm>>
      %dma_wait3A_136 = arith.constant 0 : i32
      %dma_wait3A_137 = tpu.memref_slice %arg6[%add3A_99, %dma_wait3A_136] : memref<20480x128xf32, #tpu.memory_space<hbm>> -> memref<80x128xf32, #tpu.memory_space<hbm>>
      %dma_wait3A_138 = arith.constant 0 : i32
      %dma_wait3A_139 = arith.constant 0 : i32
      %dma_wait3A_140 = tpu.memref_slice %arg10[%dma_wait3A_138, %dma_wait3A_139] : memref<125x128xf32, #tpu.memory_space<vmem>> -> memref<80x128xf32, #tpu.memory_space<vmem>>
      tpu.wait_dma2 semaphore(%run_scoped3A : memref<!tpu.dma_semaphore, #tpu.memory_space<semaphore_mem>>) src(%dma_wait3A_140 : memref<80x128xf32, #tpu.memory_space<vmem>>) dst(%dma_wait3A_137 : memref<80x128xf32, #tpu.memory_space<hbm>>)
      tpu.yield
    }) : () -> ()
    %add3A_100 = arith.constant 400 : i32
    %add3A_101 = arith.addi %mul3A_2, %add3A_100 : i32
    "tpu.region"() ({
      %run_scoped3A = tpu.sem_alloc : memref<!tpu.dma_semaphore, #tpu.memory_space<semaphore_mem>>
      %dma_start3A_121 = arith.constant 0 : i32
      %dma_start3A_122 = arith.constant 0 : i32
      %dma_start3A_123 = tpu.memref_slice %arg10[%dma_start3A_121, %dma_start3A_122] : memref<125x128xf32, #tpu.memory_space<vmem>> -> memref<80x128xf32, #tpu.memory_space<vmem>>
      %dma_start3A_124 = arith.constant 0 : i32
      %dma_start3A_125 = tpu.memref_slice %arg7[%add3A_101, %dma_start3A_124] : memref<10240x128xf32, #tpu.memory_space<vmem_shared>> -> memref<80x128xf32, #tpu.memory_space<vmem_shared>>
      %dma_start3A_126 = arith.constant 0 : i32
      %dma_start3A_127 = arith.constant 0 : i32
      %dma_start3A_128 = tpu.memref_slice %arg10[%dma_start3A_126, %dma_start3A_127] : memref<125x128xf32, #tpu.memory_space<vmem>> -> memref<80x128xf32, #tpu.memory_space<vmem>>
      %dma_start3A_129 = arith.constant 0 : i32
      %dma_start3A_130 = tpu.memref_slice %arg7[%add3A_101, %dma_start3A_129] : memref<10240x128xf32, #tpu.memory_space<vmem_shared>> -> memref<80x128xf32, #tpu.memory_space<vmem_shared>>
      tpu.enqueue_dma source(%dma_start3A_130 : memref<80x128xf32, #tpu.memory_space<vmem_shared>>) target(%dma_start3A_128 : memref<80x128xf32, #tpu.memory_space<vmem>>) target_semaphore(%run_scoped3A : memref<!tpu.dma_semaphore, #tpu.memory_space<semaphore_mem>>)
      %dma_wait3A_131 = arith.constant 0 : i32
      %dma_wait3A_132 = arith.constant 0 : i32
      %dma_wait3A_133 = tpu.memref_slice %arg10[%dma_wait3A_131, %dma_wait3A_132] : memref<125x128xf32, #tpu.memory_space<vmem>> -> memref<80x128xf32, #tpu.memory_space<vmem>>
      %dma_wait3A_134 = arith.constant 0 : i32
      %dma_wait3A_135 = tpu.memref_slice %arg7[%add3A_101, %dma_wait3A_134] : memref<10240x128xf32, #tpu.memory_space<vmem_shared>> -> memref<80x128xf32, #tpu.memory_space<vmem_shared>>
      %dma_wait3A_136 = arith.constant 0 : i32
      %dma_wait3A_137 = arith.constant 0 : i32
      %dma_wait3A_138 = tpu.memref_slice %arg10[%dma_wait3A_136, %dma_wait3A_137] : memref<125x128xf32, #tpu.memory_space<vmem>> -> memref<80x128xf32, #tpu.memory_space<vmem>>
      %dma_wait3A_139 = arith.constant 0 : i32
      %dma_wait3A_140 = tpu.memref_slice %arg7[%add3A_101, %dma_wait3A_139] : memref<10240x128xf32, #tpu.memory_space<vmem_shared>> -> memref<80x128xf32, #tpu.memory_space<vmem_shared>>
      tpu.wait_dma2 semaphore(%run_scoped3A : memref<!tpu.dma_semaphore, #tpu.memory_space<semaphore_mem>>) src(%dma_wait3A_140 : memref<80x128xf32, #tpu.memory_space<vmem_shared>>) dst(%dma_wait3A_138 : memref<80x128xf32, #tpu.memory_space<vmem>>)
      tpu.yield
    }) : () -> ()
    %mul3A_102 = arith.constant 10240 : i32
    %mul3A_103 = arith.muli %arg0, %mul3A_102 : i32
    %add3A_104 = arith.addi %mul3A_103, %mul3A_2 : i32
    %add3A_105 = arith.constant 400 : i32
    %add3A_106 = arith.addi %add3A_104, %add3A_105 : i32
    "tpu.region"() ({
      %run_scoped3A = tpu.sem_alloc : memref<!tpu.dma_semaphore, #tpu.memory_space<semaphore_mem>>
      %dma_start3A_121 = arith.constant 0 : i32
      %dma_start3A_122 = arith.constant 0 : i32
      %dma_start3A_123 = tpu.memref_slice %arg10[%dma_start3A_121, %dma_start3A_122] : memref<125x128xf32, #tpu.memory_space<vmem>> -> memref<80x128xf32, #tpu.memory_space<vmem>>
      %dma_start3A_124 = arith.constant 0 : i32
      %dma_start3A_125 = tpu.memref_slice %arg6[%add3A_106, %dma_start3A_124] : memref<20480x128xf32, #tpu.memory_space<hbm>> -> memref<80x128xf32, #tpu.memory_space<hbm>>
      %dma_start3A_126 = arith.constant 0 : i32
      %dma_start3A_127 = tpu.memref_slice %arg6[%add3A_106, %dma_start3A_126] : memref<20480x128xf32, #tpu.memory_space<hbm>> -> memref<80x128xf32, #tpu.memory_space<hbm>>
      %dma_start3A_128 = arith.constant 0 : i32
      %dma_start3A_129 = arith.constant 0 : i32
      %dma_start3A_130 = tpu.memref_slice %arg10[%dma_start3A_128, %dma_start3A_129] : memref<125x128xf32, #tpu.memory_space<vmem>> -> memref<80x128xf32, #tpu.memory_space<vmem>>
      tpu.enqueue_dma source(%dma_start3A_130 : memref<80x128xf32, #tpu.memory_space<vmem>>) target(%dma_start3A_127 : memref<80x128xf32, #tpu.memory_space<hbm>>) target_semaphore(%run_scoped3A : memref<!tpu.dma_semaphore, #tpu.memory_space<semaphore_mem>>)
      %dma_wait3A_131 = arith.constant 0 : i32
      %dma_wait3A_132 = arith.constant 0 : i32
      %dma_wait3A_133 = tpu.memref_slice %arg10[%dma_wait3A_131, %dma_wait3A_132] : memref<125x128xf32, #tpu.memory_space<vmem>> -> memref<80x128xf32, #tpu.memory_space<vmem>>
      %dma_wait3A_134 = arith.constant 0 : i32
      %dma_wait3A_135 = tpu.memref_slice %arg6[%add3A_106, %dma_wait3A_134] : memref<20480x128xf32, #tpu.memory_space<hbm>> -> memref<80x128xf32, #tpu.memory_space<hbm>>
      %dma_wait3A_136 = arith.constant 0 : i32
      %dma_wait3A_137 = tpu.memref_slice %arg6[%add3A_106, %dma_wait3A_136] : memref<20480x128xf32, #tpu.memory_space<hbm>> -> memref<80x128xf32, #tpu.memory_space<hbm>>
      %dma_wait3A_138 = arith.constant 0 : i32
      %dma_wait3A_139 = arith.constant 0 : i32
      %dma_wait3A_140 = tpu.memref_slice %arg10[%dma_wait3A_138, %dma_wait3A_139] : memref<125x128xf32, #tpu.memory_space<vmem>> -> memref<80x128xf32, #tpu.memory_space<vmem>>
      tpu.wait_dma2 semaphore(%run_scoped3A : memref<!tpu.dma_semaphore, #tpu.memory_space<semaphore_mem>>) src(%dma_wait3A_140 : memref<80x128xf32, #tpu.memory_space<vmem>>) dst(%dma_wait3A_137 : memref<80x128xf32, #tpu.memory_space<hbm>>)
      tpu.yield
    }) : () -> ()
    %add3A_107 = arith.constant 480 : i32
    %add3A_108 = arith.addi %mul3A_2, %add3A_107 : i32
    "tpu.region"() ({
      %run_scoped3A = tpu.sem_alloc : memref<!tpu.dma_semaphore, #tpu.memory_space<semaphore_mem>>
      %dma_start3A_121 = arith.constant 0 : i32
      %dma_start3A_122 = arith.constant 0 : i32
      %dma_start3A_123 = tpu.memref_slice %arg10[%dma_start3A_121, %dma_start3A_122] : memref<125x128xf32, #tpu.memory_space<vmem>> -> memref<80x128xf32, #tpu.memory_space<vmem>>
      %dma_start3A_124 = arith.constant 0 : i32
      %dma_start3A_125 = tpu.memref_slice %arg7[%add3A_108, %dma_start3A_124] : memref<10240x128xf32, #tpu.memory_space<vmem_shared>> -> memref<80x128xf32, #tpu.memory_space<vmem_shared>>
      %dma_start3A_126 = arith.constant 0 : i32
      %dma_start3A_127 = arith.constant 0 : i32
      %dma_start3A_128 = tpu.memref_slice %arg10[%dma_start3A_126, %dma_start3A_127] : memref<125x128xf32, #tpu.memory_space<vmem>> -> memref<80x128xf32, #tpu.memory_space<vmem>>
      %dma_start3A_129 = arith.constant 0 : i32
      %dma_start3A_130 = tpu.memref_slice %arg7[%add3A_108, %dma_start3A_129] : memref<10240x128xf32, #tpu.memory_space<vmem_shared>> -> memref<80x128xf32, #tpu.memory_space<vmem_shared>>
      tpu.enqueue_dma source(%dma_start3A_130 : memref<80x128xf32, #tpu.memory_space<vmem_shared>>) target(%dma_start3A_128 : memref<80x128xf32, #tpu.memory_space<vmem>>) target_semaphore(%run_scoped3A : memref<!tpu.dma_semaphore, #tpu.memory_space<semaphore_mem>>)
      %dma_wait3A_131 = arith.constant 0 : i32
      %dma_wait3A_132 = arith.constant 0 : i32
      %dma_wait3A_133 = tpu.memref_slice %arg10[%dma_wait3A_131, %dma_wait3A_132] : memref<125x128xf32, #tpu.memory_space<vmem>> -> memref<80x128xf32, #tpu.memory_space<vmem>>
      %dma_wait3A_134 = arith.constant 0 : i32
      %dma_wait3A_135 = tpu.memref_slice %arg7[%add3A_108, %dma_wait3A_134] : memref<10240x128xf32, #tpu.memory_space<vmem_shared>> -> memref<80x128xf32, #tpu.memory_space<vmem_shared>>
      %dma_wait3A_136 = arith.constant 0 : i32
      %dma_wait3A_137 = arith.constant 0 : i32
      %dma_wait3A_138 = tpu.memref_slice %arg10[%dma_wait3A_136, %dma_wait3A_137] : memref<125x128xf32, #tpu.memory_space<vmem>> -> memref<80x128xf32, #tpu.memory_space<vmem>>
      %dma_wait3A_139 = arith.constant 0 : i32
      %dma_wait3A_140 = tpu.memref_slice %arg7[%add3A_108, %dma_wait3A_139] : memref<10240x128xf32, #tpu.memory_space<vmem_shared>> -> memref<80x128xf32, #tpu.memory_space<vmem_shared>>
      tpu.wait_dma2 semaphore(%run_scoped3A : memref<!tpu.dma_semaphore, #tpu.memory_space<semaphore_mem>>) src(%dma_wait3A_140 : memref<80x128xf32, #tpu.memory_space<vmem_shared>>) dst(%dma_wait3A_138 : memref<80x128xf32, #tpu.memory_space<vmem>>)
      tpu.yield
    }) : () -> ()
    %mul3A_109 = arith.constant 10240 : i32
    %mul3A_110 = arith.muli %arg0, %mul3A_109 : i32
    %add3A_111 = arith.addi %mul3A_110, %mul3A_2 : i32
    %add3A_112 = arith.constant 480 : i32
    %add3A_113 = arith.addi %add3A_111, %add3A_112 : i32
    "tpu.region"() ({
      %run_scoped3A = tpu.sem_alloc : memref<!tpu.dma_semaphore, #tpu.memory_space<semaphore_mem>>
      %dma_start3A_121 = arith.constant 0 : i32
      %dma_start3A_122 = arith.constant 0 : i32
      %dma_start3A_123 = tpu.memref_slice %arg10[%dma_start3A_121, %dma_start3A_122] : memref<125x128xf32, #tpu.memory_space<vmem>> -> memref<80x128xf32, #tpu.memory_space<vmem>>
      %dma_start3A_124 = arith.constant 0 : i32
      %dma_start3A_125 = tpu.memref_slice %arg6[%add3A_113, %dma_start3A_124] : memref<20480x128xf32, #tpu.memory_space<hbm>> -> memref<80x128xf32, #tpu.memory_space<hbm>>
      %dma_start3A_126 = arith.constant 0 : i32
      %dma_start3A_127 = tpu.memref_slice %arg6[%add3A_113, %dma_start3A_126] : memref<20480x128xf32, #tpu.memory_space<hbm>> -> memref<80x128xf32, #tpu.memory_space<hbm>>
      %dma_start3A_128 = arith.constant 0 : i32
      %dma_start3A_129 = arith.constant 0 : i32
      %dma_start3A_130 = tpu.memref_slice %arg10[%dma_start3A_128, %dma_start3A_129] : memref<125x128xf32, #tpu.memory_space<vmem>> -> memref<80x128xf32, #tpu.memory_space<vmem>>
      tpu.enqueue_dma source(%dma_start3A_130 : memref<80x128xf32, #tpu.memory_space<vmem>>) target(%dma_start3A_127 : memref<80x128xf32, #tpu.memory_space<hbm>>) target_semaphore(%run_scoped3A : memref<!tpu.dma_semaphore, #tpu.memory_space<semaphore_mem>>)
      %dma_wait3A_131 = arith.constant 0 : i32
      %dma_wait3A_132 = arith.constant 0 : i32
      %dma_wait3A_133 = tpu.memref_slice %arg10[%dma_wait3A_131, %dma_wait3A_132] : memref<125x128xf32, #tpu.memory_space<vmem>> -> memref<80x128xf32, #tpu.memory_space<vmem>>
      %dma_wait3A_134 = arith.constant 0 : i32
      %dma_wait3A_135 = tpu.memref_slice %arg6[%add3A_113, %dma_wait3A_134] : memref<20480x128xf32, #tpu.memory_space<hbm>> -> memref<80x128xf32, #tpu.memory_space<hbm>>
      %dma_wait3A_136 = arith.constant 0 : i32
      %dma_wait3A_137 = tpu.memref_slice %arg6[%add3A_113, %dma_wait3A_136] : memref<20480x128xf32, #tpu.memory_space<hbm>> -> memref<80x128xf32, #tpu.memory_space<hbm>>
      %dma_wait3A_138 = arith.constant 0 : i32
      %dma_wait3A_139 = arith.constant 0 : i32
      %dma_wait3A_140 = tpu.memref_slice %arg10[%dma_wait3A_138, %dma_wait3A_139] : memref<125x128xf32, #tpu.memory_space<vmem>> -> memref<80x128xf32, #tpu.memory_space<vmem>>
      tpu.wait_dma2 semaphore(%run_scoped3A : memref<!tpu.dma_semaphore, #tpu.memory_space<semaphore_mem>>) src(%dma_wait3A_140 : memref<80x128xf32, #tpu.memory_space<vmem>>) dst(%dma_wait3A_137 : memref<80x128xf32, #tpu.memory_space<hbm>>)
      tpu.yield
    }) : () -> ()
    %add3A_114 = arith.constant 560 : i32
    %add3A_115 = arith.addi %mul3A_2, %add3A_114 : i32
    "tpu.region"() ({
      %run_scoped3A = tpu.sem_alloc : memref<!tpu.dma_semaphore, #tpu.memory_space<semaphore_mem>>
      %dma_start3A_121 = arith.constant 0 : i32
      %dma_start3A_122 = arith.constant 0 : i32
      %dma_start3A_123 = tpu.memref_slice %arg10[%dma_start3A_121, %dma_start3A_122] : memref<125x128xf32, #tpu.memory_space<vmem>> -> memref<80x128xf32, #tpu.memory_space<vmem>>
      %dma_start3A_124 = arith.constant 0 : i32
      %dma_start3A_125 = tpu.memref_slice %arg7[%add3A_115, %dma_start3A_124] : memref<10240x128xf32, #tpu.memory_space<vmem_shared>> -> memref<80x128xf32, #tpu.memory_space<vmem_shared>>
      %dma_start3A_126 = arith.constant 0 : i32
      %dma_start3A_127 = arith.constant 0 : i32
      %dma_start3A_128 = tpu.memref_slice %arg10[%dma_start3A_126, %dma_start3A_127] : memref<125x128xf32, #tpu.memory_space<vmem>> -> memref<80x128xf32, #tpu.memory_space<vmem>>
      %dma_start3A_129 = arith.constant 0 : i32
      %dma_start3A_130 = tpu.memref_slice %arg7[%add3A_115, %dma_start3A_129] : memref<10240x128xf32, #tpu.memory_space<vmem_shared>> -> memref<80x128xf32, #tpu.memory_space<vmem_shared>>
      tpu.enqueue_dma source(%dma_start3A_130 : memref<80x128xf32, #tpu.memory_space<vmem_shared>>) target(%dma_start3A_128 : memref<80x128xf32, #tpu.memory_space<vmem>>) target_semaphore(%run_scoped3A : memref<!tpu.dma_semaphore, #tpu.memory_space<semaphore_mem>>)
      %dma_wait3A_131 = arith.constant 0 : i32
      %dma_wait3A_132 = arith.constant 0 : i32
      %dma_wait3A_133 = tpu.memref_slice %arg10[%dma_wait3A_131, %dma_wait3A_132] : memref<125x128xf32, #tpu.memory_space<vmem>> -> memref<80x128xf32, #tpu.memory_space<vmem>>
      %dma_wait3A_134 = arith.constant 0 : i32
      %dma_wait3A_135 = tpu.memref_slice %arg7[%add3A_115, %dma_wait3A_134] : memref<10240x128xf32, #tpu.memory_space<vmem_shared>> -> memref<80x128xf32, #tpu.memory_space<vmem_shared>>
      %dma_wait3A_136 = arith.constant 0 : i32
      %dma_wait3A_137 = arith.constant 0 : i32
      %dma_wait3A_138 = tpu.memref_slice %arg10[%dma_wait3A_136, %dma_wait3A_137] : memref<125x128xf32, #tpu.memory_space<vmem>> -> memref<80x128xf32, #tpu.memory_space<vmem>>
      %dma_wait3A_139 = arith.constant 0 : i32
      %dma_wait3A_140 = tpu.memref_slice %arg7[%add3A_115, %dma_wait3A_139] : memref<10240x128xf32, #tpu.memory_space<vmem_shared>> -> memref<80x128xf32, #tpu.memory_space<vmem_shared>>
      tpu.wait_dma2 semaphore(%run_scoped3A : memref<!tpu.dma_semaphore, #tpu.memory_space<semaphore_mem>>) src(%dma_wait3A_140 : memref<80x128xf32, #tpu.memory_space<vmem_shared>>) dst(%dma_wait3A_138 : memref<80x128xf32, #tpu.memory_space<vmem>>)
      tpu.yield
    }) : () -> ()
    %mul3A_116 = arith.constant 10240 : i32
    %mul3A_117 = arith.muli %arg0, %mul3A_116 : i32
    %add3A_118 = arith.addi %mul3A_117, %mul3A_2 : i32
    %add3A_119 = arith.constant 560 : i32
    %add3A_120 = arith.addi %add3A_118, %add3A_119 : i32
    "tpu.region"() ({
      %run_scoped3A = tpu.sem_alloc : memref<!tpu.dma_semaphore, #tpu.memory_space<semaphore_mem>>
      %dma_start3A_121 = arith.constant 0 : i32
      %dma_start3A_122 = arith.constant 0 : i32
      %dma_start3A_123 = tpu.memref_slice %arg10[%dma_start3A_121, %dma_start3A_122] : memref<125x128xf32, #tpu.memory_space<vmem>> -> memref<80x128xf32, #tpu.memory_space<vmem>>
      %dma_start3A_124 = arith.constant 0 : i32
      %dma_start3A_125 = tpu.memref_slice %arg6[%add3A_120, %dma_start3A_124] : memref<20480x128xf32, #tpu.memory_space<hbm>> -> memref<80x128xf32, #tpu.memory_space<hbm>>
      %dma_start3A_126 = arith.constant 0 : i32
      %dma_start3A_127 = tpu.memref_slice %arg6[%add3A_120, %dma_start3A_126] : memref<20480x128xf32, #tpu.memory_space<hbm>> -> memref<80x128xf32, #tpu.memory_space<hbm>>
      %dma_start3A_128 = arith.constant 0 : i32
      %dma_start3A_129 = arith.constant 0 : i32
      %dma_start3A_130 = tpu.memref_slice %arg10[%dma_start3A_128, %dma_start3A_129] : memref<125x128xf32, #tpu.memory_space<vmem>> -> memref<80x128xf32, #tpu.memory_space<vmem>>
      tpu.enqueue_dma source(%dma_start3A_130 : memref<80x128xf32, #tpu.memory_space<vmem>>) target(%dma_start3A_127 : memref<80x128xf32, #tpu.memory_space<hbm>>) target_semaphore(%run_scoped3A : memref<!tpu.dma_semaphore, #tpu.memory_space<semaphore_mem>>)
      %dma_wait3A_131 = arith.constant 0 : i32
      %dma_wait3A_132 = arith.constant 0 : i32
      %dma_wait3A_133 = tpu.memref_slice %arg10[%dma_wait3A_131, %dma_wait3A_132] : memref<125x128xf32, #tpu.memory_space<vmem>> -> memref<80x128xf32, #tpu.memory_space<vmem>>
      %dma_wait3A_134 = arith.constant 0 : i32
      %dma_wait3A_135 = tpu.memref_slice %arg6[%add3A_120, %dma_wait3A_134] : memref<20480x128xf32, #tpu.memory_space<hbm>> -> memref<80x128xf32, #tpu.memory_space<hbm>>
      %dma_wait3A_136 = arith.constant 0 : i32
      %dma_wait3A_137 = tpu.memref_slice %arg6[%add3A_120, %dma_wait3A_136] : memref<20480x128xf32, #tpu.memory_space<hbm>> -> memref<80x128xf32, #tpu.memory_space<hbm>>
      %dma_wait3A_138 = arith.constant 0 : i32
      %dma_wait3A_139 = arith.constant 0 : i32
      %dma_wait3A_140 = tpu.memref_slice %arg10[%dma_wait3A_138, %dma_wait3A_139] : memref<125x128xf32, #tpu.memory_space<vmem>> -> memref<80x128xf32, #tpu.memory_space<vmem>>
      tpu.wait_dma2 semaphore(%run_scoped3A : memref<!tpu.dma_semaphore, #tpu.memory_space<semaphore_mem>>) src(%dma_wait3A_140 : memref<80x128xf32, #tpu.memory_space<vmem>>) dst(%dma_wait3A_137 : memref<80x128xf32, #tpu.memory_space<hbm>>)
      tpu.yield
    }) : () -> ()
    return
  }
}

module attributes {stable_mosaic.version = 14 : i64} {
  func.func @_prep_body(%arg0: i32, %arg1: memref<2000x1xf32, #tpu.memory_space<vmem>>, %arg2: memref<2000x1xf32, #tpu.memory_space<vmem>>, %arg3: memref<2000x128xf32, #tpu.memory_space<vmem>>, %arg4: memref<2000x1xf32, #tpu.memory_space<vmem>>, %arg5: memref<2000x128xf32, #tpu.memory_space<vmem>>) attributes {dimension_semantics = [#tpu.dimension_semantics<arbitrary>], iteration_bounds = array<i64: 5>, scalar_prefetch = 0 : i64, scratch_operands = 0 : i64, tpu.core_type = #tpu.core_type<tc>, window_params = [{transform_indices = @transform_0, window_bounds = array<i64: 2000, 1>}, {transform_indices = @transform_1, window_bounds = array<i64: 2000, 1>}, {transform_indices = @transform_2, window_bounds = array<i64: 2000, 128>}, {transform_indices = @transform_3, window_bounds = array<i64: 2000, 1>}, {transform_indices = @transform_4, window_bounds = array<i64: 2000, 128>}]} {
    %get3A = arith.constant 0 : index
    %get3A_0 = arith.constant 0 : index
    %get3A_1 = vector.load %arg1[%get3A, %get3A_0] : memref<2000x1xf32, #tpu.memory_space<vmem>>, vector<2000x1xf32>
    %get3A_2 = arith.constant 0 : index
    %get3A_3 = arith.constant 0 : index
    %get3A_4 = vector.load %arg2[%get3A_2, %get3A_3] : memref<2000x1xf32, #tpu.memory_space<vmem>>, vector<2000x1xf32>
    %add3A = arith.addf %get3A_1, %get3A_4 : vector<2000x1xf32>
    %add3A_5 = arith.constant 1.000000e+00 : f32
    %add3A_6 = vector.broadcast %add3A_5 : f32 to vector<2000x1xf32>
    %add3A_7 = arith.addf %add3A, %add3A_6 : vector<2000x1xf32>
    %rsqrt3A = math.rsqrt %add3A_7 : vector<2000x1xf32>
    %swap3A = arith.constant 0 : index
    %swap3A_8 = arith.constant 0 : index
    %swap3A_9 = vector.load %arg4[%swap3A, %swap3A_8] : memref<2000x1xf32, #tpu.memory_space<vmem>>, vector<2000x1xf32>
    tpu.vector_store %arg4[%swap3A, %swap3A_8], %rsqrt3A {strides = array<i32>} : memref<2000x1xf32, #tpu.memory_space<vmem>>, vector<2000x1xf32>,
    %get3A_10 = arith.constant 0 : index
    %get3A_11 = arith.constant 0 : index
    %get3A_12 = vector.load %arg3[%get3A_10, %get3A_11] : memref<2000x128xf32, #tpu.memory_space<vmem>>, vector<2000x128xf32>
    %mul3A = vector.broadcast %rsqrt3A : vector<2000x1xf32> to vector<2000x128xf32>
    %mul3A_13 = arith.mulf %get3A_12, %mul3A : vector<2000x128xf32>
    %swap3A_14 = arith.constant 0 : index
    %swap3A_15 = arith.constant 0 : index
    %swap3A_16 = vector.load %arg5[%swap3A_14, %swap3A_15] : memref<2000x128xf32, #tpu.memory_space<vmem>>, vector<2000x128xf32>
    tpu.vector_store %arg5[%swap3A_14, %swap3A_15], %mul3A_13 {strides = array<i32>} : memref<2000x128xf32, #tpu.memory_space<vmem>>, vector<2000x128xf32>,
    return
  }
  func.func @transform_0(%arg0: i32) -> (i32, i32) {
    %c0_i32 = arith.constant 0 : i32
    %c0_i32_0 = arith.constant 0 : i32
    return %arg0, %c0_i32 : i32, i32
  }
  func.func @transform_1(%arg0: i32) -> (i32, i32) {
    %c0_i32 = arith.constant 0 : i32
    %c0_i32_0 = arith.constant 0 : i32
    return %arg0, %c0_i32 : i32, i32
  }
  func.func @transform_2(%arg0: i32) -> (i32, i32) {
    %c0_i32 = arith.constant 0 : i32
    %c0_i32_0 = arith.constant 0 : i32
    return %arg0, %c0_i32 : i32, i32
  }
  func.func @transform_3(%arg0: i32) -> (i32, i32) {
    %c0_i32 = arith.constant 0 : i32
    %c0_i32_0 = arith.constant 0 : i32
    return %arg0, %c0_i32 : i32, i32
  }
  func.func @transform_4(%arg0: i32) -> (i32, i32) {
    %c0_i32 = arith.constant 0 : i32
    %c0_i32_0 = arith.constant 0 : i32
    return %arg0, %c0_i32 : i32, i32
  }
}

module attributes {stable_mosaic.version = 14 : i64} {
  func.func @_mid_body(%arg0: i32, %arg1: memref<2000x128xf32, #tpu.memory_space<vmem>>, %arg2: memref<2000x128xf32, #tpu.memory_space<vmem>>, %arg3: memref<2000x128xf32, #tpu.memory_space<vmem>>, %arg4: memref<2000x1xf32, #tpu.memory_space<vmem>>, %arg5: memref<128x128xf32, #tpu.memory_space<vmem>>, %arg6: memref<1x128xf32, #tpu.memory_space<vmem>>, %arg7: memref<2000x128xf32, #tpu.memory_space<vmem>>) attributes {dimension_semantics = [#tpu.dimension_semantics<arbitrary>], iteration_bounds = array<i64: 5>, scalar_prefetch = 0 : i64, scratch_operands = 0 : i64, tpu.core_type = #tpu.core_type<tc>, window_params = [{transform_indices = @transform_0, window_bounds = array<i64: 2000, 128>}, {transform_indices = @transform_1, window_bounds = array<i64: 2000, 128>}, {transform_indices = @transform_2, window_bounds = array<i64: 2000, 128>}, {transform_indices = @transform_3, window_bounds = array<i64: 2000, 1>}, {pipeline_mode = #tpu.pipeline_mode<synchronous>, transform_indices = @transform_4, window_bounds = array<i64: 128, 128>}, {pipeline_mode = #tpu.pipeline_mode<synchronous>, transform_indices = @transform_5, window_bounds = array<i64: 1, 128>}, {transform_indices = @transform_6, window_bounds = array<i64: 2000, 128>}]} {
    %get3A = arith.constant 0 : index
    %get3A_0 = arith.constant 0 : index
    %get3A_1 = vector.load %arg4[%get3A, %get3A_0] : memref<2000x1xf32, #tpu.memory_space<vmem>>, vector<2000x1xf32>
    %get3A_2 = arith.constant 0 : index
    %get3A_3 = arith.constant 0 : index
    %get3A_4 = vector.load %arg1[%get3A_2, %get3A_3] : memref<2000x128xf32, #tpu.memory_space<vmem>>, vector<2000x128xf32>
    %get3A_5 = arith.constant 0 : index
    %get3A_6 = arith.constant 0 : index
    %get3A_7 = vector.load %arg2[%get3A_5, %get3A_6] : memref<2000x128xf32, #tpu.memory_space<vmem>>, vector<2000x128xf32>
    %add3A = arith.addf %get3A_4, %get3A_7 : vector<2000x128xf32>
    %get3A_8 = arith.constant 0 : index
    %get3A_9 = arith.constant 0 : index
    %get3A_10 = vector.load %arg3[%get3A_8, %get3A_9] : memref<2000x128xf32, #tpu.memory_space<vmem>>, vector<2000x128xf32>
    %add3A_11 = arith.addf %add3A, %get3A_10 : vector<2000x128xf32>
    %mul3A = vector.broadcast %get3A_1 : vector<2000x1xf32> to vector<2000x128xf32>
    %mul3A_12 = arith.mulf %add3A_11, %mul3A : vector<2000x128xf32>
    %get3A_13 = arith.constant 0 : index
    %get3A_14 = arith.constant 0 : index
    %get3A_15 = vector.load %arg5[%get3A_13, %get3A_14] : memref<128x128xf32, #tpu.memory_space<vmem>>, vector<128x128xf32>
    %dot_general3A = arith.constant dense<0.000000e+00> : vector<2000x128xf32>
    %dot_general3A_16 = tpu.matmul %mul3A_12, %get3A_15, %dot_general3A {dimension_numbers = #tpu.dot_dimension_numbers<[1], [0], [0], [1], [0, 0, 1, 1], [], []>, transpose_lhs_hint = false} : vector<2000x128xf32>, vector<128x128xf32>, vector<2000x128xf32> -> vector<2000x128xf32>
    %get3A_17 = arith.constant 0 : index
    %get3A_18 = arith.constant 0 : index
    %get3A_19 = vector.load %arg6[%get3A_17, %get3A_18] : memref<1x128xf32, #tpu.memory_space<vmem>>, vector<1x128xf32>
    %add3A_20 = vector.broadcast %get3A_19 : vector<1x128xf32> to vector<2000x128xf32>
    %add3A_21 = arith.addf %dot_general3A_16, %add3A_20 : vector<2000x128xf32>
    %gt3A = arith.constant 0.000000e+00 : f32
    %gt3A_22 = vector.broadcast %gt3A : f32 to vector<2000x128xf32>
    %gt3A_23 = arith.cmpf ogt, %add3A_21, %gt3A_22 : vector<2000x128xf32>
    %mul3A_24 = arith.constant 0.00999999977 : f32
    %mul3A_25 = vector.broadcast %mul3A_24 : f32 to vector<2000x128xf32>
    %mul3A_26 = arith.mulf %mul3A_25, %add3A_21 : vector<2000x128xf32>
    %select_n3A = arith.select %gt3A_23, %add3A_21, %mul3A_26 : vector<2000x128xi1>, vector<2000x128xf32>
    %mul3A_27 = vector.broadcast %get3A_1 : vector<2000x1xf32> to vector<2000x128xf32>
    %mul3A_28 = arith.mulf %select_n3A, %mul3A_27 : vector<2000x128xf32>
    %swap3A = arith.constant 0 : index
    %swap3A_29 = arith.constant 0 : index
    %swap3A_30 = vector.load %arg7[%swap3A, %swap3A_29] : memref<2000x128xf32, #tpu.memory_space<vmem>>, vector<2000x128xf32>
    tpu.vector_store %arg7[%swap3A, %swap3A_29], %mul3A_28 {strides = array<i32>} : memref<2000x128xf32, #tpu.memory_space<vmem>>, vector<2000x128xf32>,
    return
  }
  func.func @transform_0(%arg0: i32) -> (i32, i32) {
    %c0_i32 = arith.constant 0 : i32
    %c0_i32_0 = arith.constant 0 : i32
    return %arg0, %c0_i32 : i32, i32
  }
  func.func @transform_1(%arg0: i32) -> (i32, i32) {
    %c0_i32 = arith.constant 0 : i32
    %c0_i32_0 = arith.constant 0 : i32
    return %arg0, %c0_i32 : i32, i32
  }
  func.func @transform_2(%arg0: i32) -> (i32, i32) {
    %c0_i32 = arith.constant 0 : i32
    %c0_i32_0 = arith.constant 0 : i32
    return %arg0, %c0_i32 : i32, i32
  }
  func.func @transform_3(%arg0: i32) -> (i32, i32) {
    %c0_i32 = arith.constant 0 : i32
    %c0_i32_0 = arith.constant 0 : i32
    return %arg0, %c0_i32 : i32, i32
  }
  func.func @transform_4(%arg0: i32) -> (i32, i32) {
    %c0_i32 = arith.constant 0 : i32
    %c0_i32_0 = arith.constant 0 : i32
    %c0_i32_1 = arith.constant 0 : i32
    return %c0_i32, %c0_i32_0 : i32, i32
  }
  func.func @transform_5(%arg0: i32) -> (i32, i32) {
    %c0_i32 = arith.constant 0 : i32
    %c0_i32_0 = arith.constant 0 : i32
    %c0_i32_1 = arith.constant 0 : i32
    return %c0_i32, %c0_i32_0 : i32, i32
  }
  func.func @transform_6(%arg0: i32) -> (i32, i32) {
    %c0_i32 = arith.constant 0 : i32
    %c0_i32_0 = arith.constant 0 : i32
    return %arg0, %c0_i32 : i32, i32
  }
}

module attributes {stable_mosaic.version = 14 : i64} {
  func.func @_final_body(%arg0: i32, %arg1: memref<2000x128xf32, #tpu.memory_space<vmem>>, %arg2: memref<2000x128xf32, #tpu.memory_space<vmem>>, %arg3: memref<2000x128xf32, #tpu.memory_space<vmem>>, %arg4: memref<2000x1xf32, #tpu.memory_space<vmem>>, %arg5: memref<2000x1xi32, #tpu.memory_space<vmem>>, %arg6: memref<128x128xf32, #tpu.memory_space<vmem>>, %arg7: memref<1x128xf32, #tpu.memory_space<vmem>>, %arg8: memref<128x128xf32, #tpu.memory_space<vmem>>, %arg9: memref<1x128xf32, #tpu.memory_space<vmem>>, %arg10: memref<128x1xf32, #tpu.memory_space<vmem>>, %arg11: memref<1x1xf32, #tpu.memory_space<vmem>>, %arg12: memref<16x1xf32, #tpu.memory_space<vmem>>, %arg13: memref<16x128xf32, #tpu.memory_space<vmem>>, %arg14: memref<16x128xf32, #tpu.memory_space<vmem>>) attributes {dimension_semantics = [#tpu.dimension_semantics<arbitrary>], iteration_bounds = array<i64: 5>, scalar_prefetch = 0 : i64, scratch_operands = 2 : i64, tpu.core_type = #tpu.core_type<tc>, window_params = [{transform_indices = @transform_0, window_bounds = array<i64: 2000, 128>}, {transform_indices = @transform_1, window_bounds = array<i64: 2000, 128>}, {transform_indices = @transform_2, window_bounds = array<i64: 2000, 128>}, {transform_indices = @transform_3, window_bounds = array<i64: 2000, 1>}, {transform_indices = @transform_4, window_bounds = array<i64: 2000, 1>}, {pipeline_mode = #tpu.pipeline_mode<synchronous>, transform_indices = @transform_5, window_bounds = array<i64: 128, 128>}, {pipeline_mode = #tpu.pipeline_mode<synchronous>, transform_indices = @transform_6, window_bounds = array<i64: 1, 128>}, {pipeline_mode = #tpu.pipeline_mode<synchronous>, transform_indices = @transform_7, window_bounds = array<i64: 128, 128>}, {pipeline_mode = #tpu.pipeline_mode<synchronous>, transform_indices = @transform_8, window_bounds = array<i64: 1, 128>}, {pipeline_mode = #tpu.pipeline_mode<synchronous>, transform_indices = @transform_9, window_bounds = array<i64: 128, 1>}, {pipeline_mode = #tpu.pipeline_mode<synchronous>, transform_indices = @transform_10, window_bounds = array<i64: 1, 1>}, {pipeline_mode = #tpu.pipeline_mode<synchronous>, transform_indices = @transform_11, window_bounds = array<i64: 16, 1>}]} {
    %eq3A = arith.constant 0 : i32
    %eq3A_0 = arith.cmpi eq, %arg0, %eq3A : i32
    %convert_element_type3A = arith.extui %eq3A_0 : i1 to i32
    %cond3A = arith.constant 0 : i32
    %cond3A_1 = arith.cmpi ne, %convert_element_type3A, %cond3A : i32
    scf.if %cond3A_1 {
      %broadcast_in_dim3A_59 = arith.constant 0.000000e+00 : f32
      %broadcast_in_dim3A_60 = vector.broadcast %broadcast_in_dim3A_59 : f32 to vector<16x128xf32>
      %swap3A_61 = arith.constant 0 : index
      %swap3A_62 = arith.constant 0 : index
      %swap3A_63 = vector.load %arg13[%swap3A_61, %swap3A_62] : memref<16x128xf32, #tpu.memory_space<vmem>>, vector<16x128xf32>
      tpu.vector_store %arg13[%swap3A_61, %swap3A_62], %broadcast_in_dim3A_60 {strides = array<i32>} : memref<16x128xf32, #tpu.memory_space<vmem>>, vector<16x128xf32>,
      %broadcast_in_dim3A_64 = arith.constant 0.000000e+00 : f32
      %broadcast_in_dim3A_65 = vector.broadcast %broadcast_in_dim3A_64 : f32 to vector<16x128xf32>
      %swap3A_66 = arith.constant 0 : index
      %swap3A_67 = arith.constant 0 : index
      %swap3A_68 = vector.load %arg14[%swap3A_66, %swap3A_67] : memref<16x128xf32, #tpu.memory_space<vmem>>, vector<16x128xf32>
      tpu.vector_store %arg14[%swap3A_66, %swap3A_67], %broadcast_in_dim3A_65 {strides = array<i32>} : memref<16x128xf32, #tpu.memory_space<vmem>>, vector<16x128xf32>,
    } else {
    }
    %get3A = arith.constant 0 : index
    %get3A_2 = arith.constant 0 : index
    %get3A_3 = vector.load %arg1[%get3A, %get3A_2] : memref<2000x128xf32, #tpu.memory_space<vmem>>, vector<2000x128xf32>
    %get3A_4 = arith.constant 0 : index
    %get3A_5 = arith.constant 0 : index
    %get3A_6 = vector.load %arg2[%get3A_4, %get3A_5] : memref<2000x128xf32, #tpu.memory_space<vmem>>, vector<2000x128xf32>
    %add3A = arith.addf %get3A_3, %get3A_6 : vector<2000x128xf32>
    %get3A_7 = arith.constant 0 : index
    %get3A_8 = arith.constant 0 : index
    %get3A_9 = vector.load %arg3[%get3A_7, %get3A_8] : memref<2000x128xf32, #tpu.memory_space<vmem>>, vector<2000x128xf32>
    %add3A_10 = arith.addf %add3A, %get3A_9 : vector<2000x128xf32>
    %get3A_11 = arith.constant 0 : index
    %get3A_12 = arith.constant 0 : index
    %get3A_13 = vector.load %arg4[%get3A_11, %get3A_12] : memref<2000x1xf32, #tpu.memory_space<vmem>>, vector<2000x1xf32>
    %mul3A = vector.broadcast %get3A_13 : vector<2000x1xf32> to vector<2000x128xf32>
    %mul3A_14 = arith.mulf %add3A_10, %mul3A : vector<2000x128xf32>
    %get3A_15 = arith.constant 0 : index
    %get3A_16 = arith.constant 0 : index
    %get3A_17 = vector.load %arg6[%get3A_15, %get3A_16] : memref<128x128xf32, #tpu.memory_space<vmem>>, vector<128x128xf32>
    %dot_general3A = arith.constant dense<0.000000e+00> : vector<2000x128xf32>
    %dot_general3A_18 = tpu.matmul %mul3A_14, %get3A_17, %dot_general3A {dimension_numbers = #tpu.dot_dimension_numbers<[1], [0], [0], [1], [0, 0, 1, 1], [], []>, transpose_lhs_hint = false} : vector<2000x128xf32>, vector<128x128xf32>, vector<2000x128xf32> -> vector<2000x128xf32>
    %get3A_19 = arith.constant 0 : index
    %get3A_20 = arith.constant 0 : index
    %get3A_21 = vector.load %arg7[%get3A_19, %get3A_20] : memref<1x128xf32, #tpu.memory_space<vmem>>, vector<1x128xf32>
    %add3A_22 = vector.broadcast %get3A_21 : vector<1x128xf32> to vector<2000x128xf32>
    %add3A_23 = arith.addf %dot_general3A_18, %add3A_22 : vector<2000x128xf32>
    %gt3A = arith.constant 0.000000e+00 : f32
    %gt3A_24 = vector.broadcast %gt3A : f32 to vector<2000x128xf32>
    %gt3A_25 = arith.cmpf ogt, %add3A_23, %gt3A_24 : vector<2000x128xf32>
    %mul3A_26 = arith.constant 0.00999999977 : f32
    %mul3A_27 = vector.broadcast %mul3A_26 : f32 to vector<2000x128xf32>
    %mul3A_28 = arith.mulf %mul3A_27, %add3A_23 : vector<2000x128xf32>
    %select_n3A = arith.select %gt3A_25, %add3A_23, %mul3A_28 : vector<2000x128xi1>, vector<2000x128xf32>
    %iota3A = tpu.iota {dimensions = array<i32: 1>} : vector<2000x16xi32>
    %get3A_29 = arith.constant 0 : index
    %get3A_30 = arith.constant 0 : index
    %get3A_31 = vector.load %arg5[%get3A_29, %get3A_30] : memref<2000x1xi32, #tpu.memory_space<vmem>>, vector<2000x1xi32>
    %eq3A_32 = vector.broadcast %get3A_31 : vector<2000x1xi32> to vector<2000x16xi32>
    %eq3A_33 = arith.cmpi eq, %iota3A, %eq3A_32 : vector<2000x16xi32>
    %convert_element_type3A_34 = arith.extui %eq3A_33 : vector<2000x16xi1> to vector<2000x16xi32>
    %convert_element_type3A_35 = arith.sitofp %convert_element_type3A_34 : vector<2000x16xi32> to vector<2000x16xf32>
    %get3A_36 = arith.constant 0 : index
    %get3A_37 = arith.constant 0 : index
    %get3A_38 = vector.load %arg13[%get3A_36, %get3A_37] : memref<16x128xf32, #tpu.memory_space<vmem>>, vector<16x128xf32>
    %dot_general3A_39 = arith.constant dense<0.000000e+00> : vector<16x128xf32>
    %dot_general3A_40 = tpu.matmul %convert_element_type3A_35, %select_n3A, %dot_general3A_39 {dimension_numbers = #tpu.dot_dimension_numbers<[0], [0], [1], [1], [0, 1, 1, 1], [], []>, precision = #tpu.contract_precision<fp32>, transpose_lhs_hint = false} : vector<2000x16xf32>, vector<2000x128xf32>, vector<16x128xf32> -> vector<16x128xf32>
    %add3A_41 = arith.addf %get3A_38, %dot_general3A_40 : vector<16x128xf32>
    %swap3A = arith.constant 0 : index
    %swap3A_42 = arith.constant 0 : index
    %swap3A_43 = vector.load %arg13[%swap3A, %swap3A_42] : memref<16x128xf32, #tpu.memory_space<vmem>>, vector<16x128xf32>
    tpu.vector_store %arg13[%swap3A, %swap3A_42], %add3A_41 {strides = array<i32>} : memref<16x128xf32, #tpu.memory_space<vmem>>, vector<16x128xf32>,
    %get3A_44 = arith.constant 0 : index
    %get3A_45 = arith.constant 0 : index
    %get3A_46 = vector.load %arg14[%get3A_44, %get3A_45] : memref<16x128xf32, #tpu.memory_space<vmem>>, vector<16x128xf32>
    %broadcast_in_dim3A = arith.constant 1.000000e+00 : f32
    %broadcast_in_dim3A_47 = vector.broadcast %broadcast_in_dim3A : f32 to vector<2000x128xf32>
    %dot_general3A_48 = arith.constant dense<0.000000e+00> : vector<16x128xf32>
    %dot_general3A_49 = tpu.matmul %convert_element_type3A_35, %broadcast_in_dim3A_47, %dot_general3A_48 {dimension_numbers = #tpu.dot_dimension_numbers<[0], [0], [1], [1], [0, 1, 1, 1], [], []>, precision = #tpu.contract_precision<fp32>, transpose_lhs_hint = false} : vector<2000x16xf32>, vector<2000x128xf32>, vector<16x128xf32> -> vector<16x128xf32>
    %add3A_50 = arith.addf %get3A_46, %dot_general3A_49 : vector<16x128xf32>
    %swap3A_51 = arith.constant 0 : index
    %swap3A_52 = arith.constant 0 : index
    %swap3A_53 = vector.load %arg14[%swap3A_51, %swap3A_52] : memref<16x128xf32, #tpu.memory_space<vmem>>, vector<16x128xf32>
    tpu.vector_store %arg14[%swap3A_51, %swap3A_52], %add3A_50 {strides = array<i32>} : memref<16x128xf32, #tpu.memory_space<vmem>>, vector<16x128xf32>,
    %eq3A_54 = arith.constant 4 : i32
    %eq3A_55 = arith.cmpi eq, %arg0, %eq3A_54 : i32
    %convert_element_type3A_56 = arith.extui %eq3A_55 : i1 to i32
    %cond3A_57 = arith.constant 0 : i32
    %cond3A_58 = arith.cmpi ne, %convert_element_type3A_56, %cond3A_57 : i32
    scf.if %cond3A_58 {
      %get3A_59 = arith.constant 0 : index
      %get3A_60 = arith.constant 0 : index
      %get3A_61 = vector.load %arg13[%get3A_59, %get3A_60] : memref<16x128xf32, #tpu.memory_space<vmem>>, vector<16x128xf32>
      %get3A_62 = arith.constant 0 : index
      %get3A_63 = arith.constant 0 : index
      %get3A_64 = vector.load %arg14[%get3A_62, %get3A_63] : memref<16x128xf32, #tpu.memory_space<vmem>>, vector<16x128xf32>
      %max3A = arith.constant 1.000000e+00 : f32
      %max3A_65 = vector.broadcast %max3A : f32 to vector<16x128xf32>
      %max3A_66 = arith.maximumf %get3A_64, %max3A_65 : vector<16x128xf32>
      %div3A = arith.divf %get3A_61, %max3A_66 : vector<16x128xf32>
      %get3A_67 = arith.constant 0 : index
      %get3A_68 = arith.constant 0 : index
      %get3A_69 = vector.load %arg8[%get3A_67, %get3A_68] : memref<128x128xf32, #tpu.memory_space<vmem>>, vector<128x128xf32>
      %dot_general3A_70 = arith.constant dense<0.000000e+00> : vector<16x128xf32>
      %dot_general3A_71 = tpu.matmul %div3A, %get3A_69, %dot_general3A_70 {dimension_numbers = #tpu.dot_dimension_numbers<[1], [0], [0], [1], [0, 0, 1, 1], [], []>, transpose_lhs_hint = false} : vector<16x128xf32>, vector<128x128xf32>, vector<16x128xf32> -> vector<16x128xf32>
      %get3A_72 = arith.constant 0 : index
      %get3A_73 = arith.constant 0 : index
      %get3A_74 = vector.load %arg9[%get3A_72, %get3A_73] : memref<1x128xf32, #tpu.memory_space<vmem>>, vector<1x128xf32>
      %add3A_75 = vector.broadcast %get3A_74 : vector<1x128xf32> to vector<16x128xf32>
      %add3A_76 = arith.addf %dot_general3A_71, %add3A_75 : vector<16x128xf32>
      %gt3A_77 = arith.constant 0.000000e+00 : f32
      %gt3A_78 = vector.broadcast %gt3A_77 : f32 to vector<16x128xf32>
      %gt3A_79 = arith.cmpf ogt, %add3A_76, %gt3A_78 : vector<16x128xf32>
      %mul3A_80 = arith.constant 0.00999999977 : f32
      %mul3A_81 = vector.broadcast %mul3A_80 : f32 to vector<16x128xf32>
      %mul3A_82 = arith.mulf %mul3A_81, %add3A_76 : vector<16x128xf32>
      %select_n3A_83 = arith.select %gt3A_79, %add3A_76, %mul3A_82 : vector<16x128xi1>, vector<16x128xf32>
      %get3A_84 = arith.constant 0 : index
      %get3A_85 = arith.constant 0 : index
      %get3A_86 = vector.load %arg10[%get3A_84, %get3A_85] : memref<128x1xf32, #tpu.memory_space<vmem>>, vector<128x1xf32>
      %dot_general3A_87 = arith.constant dense<0.000000e+00> : vector<16x1xf32>
      %dot_general3A_88 = tpu.matmul %select_n3A_83, %get3A_86, %dot_general3A_87 {dimension_numbers = #tpu.dot_dimension_numbers<[1], [0], [0], [1], [0, 0, 1, 1], [], []>, transpose_lhs_hint = false} : vector<16x128xf32>, vector<128x1xf32>, vector<16x1xf32> -> vector<16x1xf32>
      %get3A_89 = arith.constant 0 : index
      %get3A_90 = arith.constant 0 : index
      %get3A_91 = vector.load %arg11[%get3A_89, %get3A_90] : memref<1x1xf32, #tpu.memory_space<vmem>>, vector<1x1xf32>
      %add3A_92 = vector.broadcast %get3A_91 : vector<1x1xf32> to vector<16x1xf32>
      %add3A_93 = arith.addf %dot_general3A_88, %add3A_92 : vector<16x1xf32>
      %logistic3A = arith.negf %add3A_93 : vector<16x1xf32>
      %logistic3A_94 = math.exp %logistic3A : vector<16x1xf32>
      %logistic3A_95 = arith.constant 1.000000e+00 : f32
      %logistic3A_96 = vector.broadcast %logistic3A_95 : f32 to vector<16x1xf32>
      %logistic3A_97 = arith.addf %logistic3A_96, %logistic3A_94 : vector<16x1xf32>
      %logistic3A_98 = arith.divf %logistic3A_96, %logistic3A_97 : vector<16x1xf32>
      %swap3A_99 = arith.constant 0 : index
      %swap3A_100 = arith.constant 0 : index
      %swap3A_101 = vector.load %arg12[%swap3A_99, %swap3A_100] : memref<16x1xf32, #tpu.memory_space<vmem>>, vector<16x1xf32>
      tpu.vector_store %arg12[%swap3A_99, %swap3A_100], %logistic3A_98 {strides = array<i32>} : memref<16x1xf32, #tpu.memory_space<vmem>>, vector<16x1xf32>,
    } else {
    }
    return
  }
  func.func @transform_0(%arg0: i32) -> (i32, i32) {
    %c0_i32 = arith.constant 0 : i32
    %c0_i32_0 = arith.constant 0 : i32
    return %arg0, %c0_i32 : i32, i32
  }
  func.func @transform_1(%arg0: i32) -> (i32, i32) {
    %c0_i32 = arith.constant 0 : i32
    %c0_i32_0 = arith.constant 0 : i32
    return %arg0, %c0_i32 : i32, i32
  }
  func.func @transform_2(%arg0: i32) -> (i32, i32) {
    %c0_i32 = arith.constant 0 : i32
    %c0_i32_0 = arith.constant 0 : i32
    return %arg0, %c0_i32 : i32, i32
  }
  func.func @transform_3(%arg0: i32) -> (i32, i32) {
    %c0_i32 = arith.constant 0 : i32
    %c0_i32_0 = arith.constant 0 : i32
    return %arg0, %c0_i32 : i32, i32
  }
  func.func @transform_4(%arg0: i32) -> (i32, i32) {
    %c0_i32 = arith.constant 0 : i32
    %c0_i32_0 = arith.constant 0 : i32
    return %arg0, %c0_i32 : i32, i32
  }
  func.func @transform_5(%arg0: i32) -> (i32, i32) {
    %c0_i32 = arith.constant 0 : i32
    %c0_i32_0 = arith.constant 0 : i32
    %c0_i32_1 = arith.constant 0 : i32
    return %c0_i32, %c0_i32_0 : i32, i32
  }
  func.func @transform_6(%arg0: i32) -> (i32, i32) {
    %c0_i32 = arith.constant 0 : i32
    %c0_i32_0 = arith.constant 0 : i32
    %c0_i32_1 = arith.constant 0 : i32
    return %c0_i32, %c0_i32_0 : i32, i32
  }
  func.func @transform_7(%arg0: i32) -> (i32, i32) {
    %c0_i32 = arith.constant 0 : i32
    %c0_i32_0 = arith.constant 0 : i32
    %c0_i32_1 = arith.constant 0 : i32
    return %c0_i32, %c0_i32_0 : i32, i32
  }
  func.func @transform_8(%arg0: i32) -> (i32, i32) {
    %c0_i32 = arith.constant 0 : i32
    %c0_i32_0 = arith.constant 0 : i32
    %c0_i32_1 = arith.constant 0 : i32
    return %c0_i32, %c0_i32_0 : i32, i32
  }
  func.func @transform_9(%arg0: i32) -> (i32, i32) {
    %c0_i32 = arith.constant 0 : i32
    %c0_i32_0 = arith.constant 0 : i32
    %c0_i32_1 = arith.constant 0 : i32
    return %c0_i32, %c0_i32_0 : i32, i32
  }
  func.func @transform_10(%arg0: i32) -> (i32, i32) {
    %c0_i32 = arith.constant 0 : i32
    %c0_i32_0 = arith.constant 0 : i32
    %c0_i32_1 = arith.constant 0 : i32
    return %c0_i32, %c0_i32_0 : i32, i32
  }
  func.func @transform_11(%arg0: i32) -> (i32, i32) {
    %c0_i32 = arith.constant 0 : i32
    %c0_i32_0 = arith.constant 0 : i32
    %c0_i32_1 = arith.constant 0 : i32
    return %c0_i32, %c0_i32_0 : i32, i32
  }
}

</mosaic_0001>

<sc_bundles>
// kernel: kernel.11.cloned.1.call-start
scs
__scs_entry_jumppad:
0x0: {  	(pc) =	sbr.rel $0x88, $3  }
0x1: {  	(tag) =	ssettag $0x0;
	lr =	simm.s32 $0x1  }
0x2: {  	[smem:$0x3F96] =	sst lr;
	_ =	strace $0xD0000000  }
0x3: {  	_ = 	snop  }
0x4: {  	_ = 	snop  }
0x5: {  	_ = 	snop  }
0x6: {  	_ = 	snop  }
0x7: {  	_ = 	snop  }
__scs_overlays_trampoline_lowered:
0x8: {  	[smem:$0x3FA5] =	sst s0  }
0x9: {  	[smem:$0x3FA6] =	sst s1  }
0xa: {  	[smem:$0x3FA7] =	sst s2  }
0xb: {  	[smem:$0x3FA8] =	sst s3  }
0xc: {  	[smem:$0x3FA9] =	sst s4  }
0xd: {  	[smem:$0x3FAA] =	sst s5  }
0xe: {  	[smem:$0x3FAB] =	sst s6  }
0xf: {  	[smem:$0x3FAC] =	sst s7  }
0x10: {  	[smem:$0x3FAD] =	sst s8  }
0x11: {  	[smem:$0x3FAE] =	sst s9;
	s0 =	simm.s32 @!p0 $0x0  }
0x12: {  	s1 =	sld [smem:$0x3F94];
	s0 =	simm.s32 @p0 $0x1  }
0x13: {  	[smem:$0x3FAF] =	sst s0;
	s0 =	simm.s32 @!p1 $0x0  }
0x14: {  	s2 =	sld [smem:$0x3F93];
	s0 =	simm.s32 @p1 $0x1  }
0x15: {  	[smem:$0x3FB0] =	sst s0;
	s0 =	simm.s32 @!p2 $0x0  }
0x16: {  	s3 =	sld [smem:$0x3FDB];
	s0 =	simm.s32 @p2 $0x1  }
0x17: {  	s4 =	simm.s32 $0x1BF5;
	[smem:$0x3FB2] =	sst s0  }
0x18: {  	s0 =	sld [smem:$0x3F95];
	_ =	swait.ge [sflag:s4], $0x0  }
0x19: {  	s7 =	sld [smem:$0x3F96]  }
0x1a: {  	s8 =	sadd.s32 $0xFFFFE003, lr  }
0x1b: {  	s9 =	sadd.s32 $0xFFFFFEF7, lr;
	s5 =	simm.s32 $0xFFFFFFFF;
	p2 =	slt.u32 s8, $0xFFFFF086  }
0x1c: {  	p1 =	slt.u32 s9, $0xF7A;
	s5 =	simm.s32 @!p2 $0x0  }
0x1d: {  	s5 =	simm.s32 @p1 $0x1;
	p0 =	seq.s32 s7, s2  }
0x1e: {  	s7 =	smul.u32 @!p0 $0xF7A, s2;
	p2 =	seq.s32 @!p0 s5, $0x0  }
0x1f: {  	s9 =	smul.u32 $0xF7A, s1;
	s8 =	simm.s32 @!p0 $0x1BF5;
	p2 =	por !p2, p0  }
0x20: {  	[sflag:s8] =	ssyncset.s32 @!p0 $0xFFFFF086;
	s6 =	sadd.s32 @!p0 s3, s7;
	s7 =	simm.s32 @!p0 $0x108  }
0x21: {  	s3 =	sadd.s32 s3, s9;
	s6 =	sadd.s32 @!p0 $0x88, s6;
	s7 =	simm.s32 @p2 $0x1082  }
0x22: {  	[simem:s7], [sflag:s8] =	dma.local @!p0 [hbm:s6], $0xF7A  }
0x23: {  	s9 =	sor.u32 $0xD0000000, s2;
	s6 =	simm.s32 $0x108;
	_ =	swait.ge @!p0 [sflag:s8], $0x0  }
0x24: {  	s3 =	sadd.s32 $0x88, s3;
	s6 =	simm.s32 @!p1 $0x1082;
	[sflag:s4] =	ssyncset.s32 $0xFFFFF086  }
0x25: {  	[simem:s6], [sflag:s4] =	dma.local [hbm:s3], $0xF7A  }
0x26: {  	[smem:$0x3F96] =	sst s1;
	(tag) =	ssettag s2;
	_ =	strace s9  }
0x27: {  	s1 =	sld [smem:$0x3FA6]  }
0x28: {  	s2 =	sld [smem:$0x3FA7]  }
0x29: {  	s4 =	sld [smem:$0x3FA9]  }
0x2a: {  	p0 =	seq.s32 s5, $0x0;
	s5 =	sld [smem:$0x3FAA]  }
0x2b: {  	s6 =	sld [smem:$0x3FAB]  }
0x2c: {  	s7 =	sld [smem:$0x3FAC]  }
0x2d: {  	s3 =	simm.s32 $0x108;
	s8 =	sld [smem:$0x3FAD]  }
0x2e: {  	s3 =	simm.s32 @!p0 $0x1082;
	s9 =	sld [smem:$0x3FAE]  }
0x2f: {  	lr =	sadd.s32 s0, s3;
	s0 =	sld [smem:$0x3FA5]  }
0x30: {  	s3 =	sld [smem:$0x3FA8]  }
0x31: {  	[smem:$0x3FB1] =	sst s10  }
0x32: {  	s10 =	sld [smem:$0x3FAF];
	_ =	sdelay $0x3  }
0x33: {  	p0 =	seq.s32 s10, $0x1;
	s10 =	sld [smem:$0x3FB1];
	_ =	sdelay $0x3  }
0x34: {  	[smem:$0x3FB1] =	sst s10  }
0x35: {  	s10 =	sld [smem:$0x3FB0];
	_ =	sdelay $0x3  }
0x36: {  	p1 =	seq.s32 s10, $0x1;
	s10 =	sld [smem:$0x3FB1];
	_ =	sdelay $0x3  }
0x37: {  	[smem:$0x3FB1] =	sst s10  }
0x38: {  	s10 =	sld [smem:$0x3FB2]  }
0x39: {  	_ = 	snop;
	(pc) =	sbr.ind lr, $3  }
0x3a: {  	_ = 	snop  }
0x3b: {  	_ = 	snop  }
0x3c: {  	p2 =	seq.s32 s10, $0x1;
	s10 =	sld [smem:$0x3FB1]  }
0x3d: {  	_ =	shalt  }
0x3e: {  	_ =	shalt  }
0x3f: {  	_ =	shalt  }
0x40: {  	_ =	shalt  }
0x41: {  	_ =	shalt  }
0x42: {  	_ =	shalt  }
0x43: {  	_ =	shalt  }
0x44: {  	_ =	shalt  }
0x45: {  	_ =	shalt  }
0x46: {  	_ =	shalt  }
0x47: {  	_ =	shalt  }
0x48: {  	_ =	shalt  }
0x49: {  	_ =	shalt  }
0x4a: {  	_ =	shalt  }
0x4b: {  	_ =	shalt  }
0x4c: {  	_ =	shalt  }
0x4d: {  	_ =	shalt  }
0x4e: {  	_ =	shalt  }
0x4f: {  	_ =	shalt  }
0x50: {  	_ =	shalt  }
0x51: {  	_ =	shalt  }
0x52: {  	_ =	shalt  }
0x53: {  	_ =	shalt  }
0x54: {  	_ =	shalt  }
0x55: {  	_ =	shalt  }
0x56: {  	_ =	shalt  }
0x57: {  	_ =	shalt  }
0x58: {  	_ =	shalt  }
0x59: {  	_ =	shalt  }
0x5a: {  	_ =	shalt  }
0x5b: {  	_ =	shalt  }
0x5c: {  	_ =	shalt  }
0x5d: {  	_ =	shalt  }
0x5e: {  	_ =	shalt  }
0x5f: {  	_ =	shalt  }
0x60: {  	_ =	shalt  }
0x61: {  	_ =	shalt  }
0x62: {  	_ =	shalt  }
0x63: {  	_ =	shalt  }
0x64: {  	_ =	shalt  }
0x65: {  	_ =	shalt  }
0x66: {  	_ =	shalt  }
0x67: {  	_ =	shalt  }
0x68: {  	_ =	shalt  }
0x69: {  	_ =	shalt  }
0x6a: {  	_ =	shalt  }
0x6b: {  	_ =	shalt  }
0x6c: {  	_ =	shalt  }
0x6d: {  	_ =	shalt  }
0x6e: {  	_ =	shalt  }
0x6f: {  	_ =	shalt  }
0x70: {  	_ =	shalt  }
0x71: {  	_ =	shalt  }
0x72: {  	_ =	shalt  }
0x73: {  	_ =	shalt  }
0x74: {  	_ =	shalt  }
0x75: {  	_ =	shalt  }
0x76: {  	_ =	shalt  }
0x77: {  	_ =	shalt  }
0x78: {  	_ =	shalt  }
0x79: {  	_ =	shalt  }
0x7a: {  	_ =	shalt  }
0x7b: {  	_ =	shalt  }
0x7c: {  	_ =	shalt  }
0x7d: {  	_ =	shalt  }
0x7e: {  	_ =	shalt  }
0x7f: {  	_ =	shalt  }
0x80: {  	_ =	shalt  }
0x81: {  	_ =	shalt  }
0x82: {  	_ =	shalt  }
0x83: {  	_ =	shalt  }
0x84: {  	_ =	shalt  }
0x85: {  	_ =	shalt  }
0x86: {  	_ =	shalt  }
0x87: {  	_ =	shalt  }
.Lfunc_end0:
.L_simem_size_0:
called_computation.1_lowered:
.L_overlay_start_0:
0x88: {  	s2 =	sld [smem:$0x3FD9]  }
0x89: {  	s3 =	sld [smem:$0x3FFE];
	_ =	sdelay $0x1  }
0x8a: {  	s1 =	srdreg.scid  }
0x8b: {  	s0 =	sand.u32 $0x1, s1  }
0x8c: {  	s16 =	sshll.u32 s0, $0xA;
	s2 =	sadd.s32 s3, s2  }
0x8d: {  	s2 =	sadd.s32 s2, s16  }
0x8e: {  	[smem:$0x3FBD] =	sst s2  }
0x8f: {  	_ = 	snop  }
0x90: {  	(tm) =	ssettm $0x1  }
0x91: {  	s17 =	sld [smem:$0x3FFB];
	_ =	sdelay $0x3  }
0x92: {  	_ =	strace s17  }
0x93: {  	s2 =	sld [smem:$0x3FFC];
	_ =	sdelay $0x3  }
0x94: {  	_ =	strace s2  }
0x95: {  	s2 =	sld [smem:$0x3FFD];
	_ =	sdelay $0x3  }
0x96: {  	_ =	strace s2  }
0x97: {  	_ =	strace $0x8FFFFFFF  }
0x98: {  	s18 =	sld [smem:$0x3FDB];
	_ =	sdelay $0x1  }
0x99: {  	s19 =	simm.s32 $_scs_section_size  }
0x9a: {  	s4 =	simm.s32 $_size__tile_overlayer_lowered;
	s5 =	simm.s32 $_tile_overlayer_lowered  }
0x9b: {  	s22 =	simm.s32 $0x1BFF;
	s21 =	sshll.u32 s5, $0x1;
	s2 =	sadd.s32 s19, s18  }
0x9c: {  	s6 =	simm.s32 $0x0;
	s20 =	sshll.u32 s4, $0x1;
	s4 =	sadd.s32 s21, s2  }
0x9d: {  	[timem:s6], [sflag:s22] =	dma.local [hbm:s4], s20  }
0x9e: {  	_ =	swait.ge [sflag:s22], s20  }
0x9f: {  	s3 =	ssub.s32 $0x0, s20;
	[sflag:s22] =	ssyncset.done $0x0  }
0xa0: {  	[sflag:s22] =	ssyncadd.s32 s3;
	_ =	sdelay $0x1  }
0xa1: {  	s23 =	simm.s32 $0x1B8B  }
0xa2: {  	_ =	swait.ge [sflag:s23], $0x1  }
0xa3: {  	[sflag:s23] =	ssyncset.done $0x0  }
0xa4: {  	s25 =	simm.s32 $0x1B8E;
	s24 =	sld [smem:$0x3FFE];
	[sflag:s23] =	ssyncadd.s32 $0xFFFFFFFF  }
0xa5: {  	s26 =	simm.s32 $execute0_lowered;
	[smem:$0x3FD2] =	sst s25  }
0xa6: {  	s4 =	sshll.u32 s26, $0x1;
	_ =	strace $0x80000049;
	[dreg:$0x1] =	wrdreg $0xFFFFFFFF  }
0xa7: {  	s28 =	simm.s32 $_size_execute0_lowered;
	s2 =	sadd.s32 s2, s4;
	[dreg:$0x0] =	wrdreg $0x0  }
0xa8: {  	s4 =	sshll.u32 s28, $0x1;
	[dreg:$0x2] =	wrdreg s2  }
0xa9: {  	[dreg:$0x3] =	wrdreg s4  }
0xaa: {  	[dreg:$0x4] =	wrdreg $0xC0  }
0xab: {  	_ =	task [dreg:s6], $0x5FFFF  }
0xac: {  	[dreg:$0x1] =	wrdreg $0xFFFFFFFF  }
0xad: {  	[dreg:$0x0] =	wrdreg $0x60  }
0xae: {  	[dreg:$0x2] =	wrdreg s24  }
0xaf: {  	[dreg:$0x3] =	wrdreg $0x0  }
0xb0: {  	[dreg:$0x4] =	wrdreg $0x9  }
0xb1: {  	_ =	task.clear_ibuf [dreg:s6], $0x5FFFF;
	_ =	strace $0x90000049  }
0xb2: {  	s29 =	simm.s32 $0x9;
	_ =	strace $0x8000004B  }
0xb3: {  	_ =	swait.ge [sflag:s29], $0x1  }
0xb4: {  	[sflag:s29] =	ssyncadd.s32 $0xFFFFFFFF  }
0xb5: {  	_ =	strace $0x9000004B  }
0xb6: {  	_ =	sfence  }
0xb7: {  	s30 =	sld [smem:$0x0];
	_ =	sdelay $0x2  }
0xb8: {  	s31 =	sshll.u32 s1, $0xD;
	s1 =	sshrl.u32 s1, $0x2  }
0xb9: {  	s3 =	sand.u32 $0x4000, s31;
	s1 =	sadd.s32 s1, s30  }
0xba: {  	s0 =	sor.u32 s3, s0;
	s1 =	sshll.u32 s1, $0x11  }
0xbb: {  	s0 =	sor.u32 s1, s0  }
0xbc: {  	s0 =	sadd.s32 $0x8F2B, s0  }
0xbd: {  	[sflag:s0] =	ssyncadd.remote.s32 $0x1  }
0xbe: {  	_ =	sfence.sel $0xFFFF  }
0xbf: {  	[dreg:$0x0] =	wrdreg $0xFFFFFFFF;
	(pc) =	sbr.abs _section_cstart, $3  }
0xc0: {  	[dreg:$0x1] =	wrdreg $0xFFFFFFFF  }
0xc1: {  	_ =	task.clear_ibuf [dreg:s6], $0x2FFFF;
	_ =	strace $0x9FFFFFFF  }
0xc2: {  	(tm) =	ssettm $0x7FFFFFFF  }
0xc3: {  	_ =	shalt  }
tec
execute0_lowered:
.L_overlay_start_1:
0x0: {  	(tag) =	ssettag $0x1  }
0x1: {  	s0 =	rddreg [dreg:$0x0];
	s1 =	srdreg.scid  }
0x2: {  	s8 =	stileid.u32;
	s2 =	rddreg [dreg:$0x1];
	s3 =	simm.s32 $0x0  }
0x3: {  	s28 =	simm.s32 $0x16800;
	s29 =	simm.s32 $0x5;
	s30 =	simm.s32 $0x14000  }
0x4: {  	s31 =	simm.s32 $0x15400;
	s1 =	sand.u32 $0x1, s1;
	s5 =	smul.u32 $0x280, s8  }
0x5: {  	[smem:$0x7FF] =	sst s3;
	s4 =	sadd.s32 $0x18600, s0;
	s13 =	sadd.s32 $0xE600, s0  }
0x6: {  	s12 =	smul.u32 $0x50000, s8;
	s14 =	sadd.s32 $0x3A00, s0;
	s7 =	sadd.s32 $0xDA00, s0  }
0x7: {  	s6 =	smul.u32 $0x2800, s1;
	s15 =	ssub.s32 $0x2, s1;
	s1 =	sshll.u32 s1, $0x4  }
0x8: {  	_ =	strace $0x8000004A;
	[dreg:$0x3] =	wrdreg s7;
	s1 =	sor.u32 s8, s1  }
0x9: {  	s5 =	sadd.s32 s5, s6;
	s6 =	sshrl.u32 s12, $0x2;
	s12 =	smul.u32 $0x2800, s1  }
0xa: {  	s16 =	sshrl.u32 s15, $0x1;
	s1 =	smul.u32 $0x500, s1;
	s5 =	sshll.u32 s5, $0x4  }
0xb: {  	s6 =	sadd.s32 s6, s2;
	s0 =	sadd.s32 s5, s0;
	s5 =	ssub.s32 s15, s16  }
0xc: {  	s7 =	sadd.s32 $0x2800, s6;
	s8 =	sadd.s32 $0x5000, s6;
	s16 =	sadd.s32 s13, s1  }
0xd: {  	s9 =	sadd.s32 $0x7800, s6;
	s1 =	sadd.s32 s14, s1;
	[dreg:$0x4] =	wrdreg s16  }
0xe: {  	s10 =	sadd.s32 $0xA000, s6;
	[dreg:$0x5] =	wrdreg s1;
	s19 =	sadd.s32 $0x66A00, s0  }
0xf: {  	s11 =	sadd.s32 $0xC800, s6;
	s20 =	sadd.s32 $0x66F00, s0;
	[dreg:$0x8] =	wrdreg s19  }
0x10: {  	s15 =	sshrl.u32 s12, $0x3;
	s21 =	sadd.s32 $0x67400, s0;
	[dreg:$0x9] =	wrdreg s20  }
0x11: {  	s12 =	sadd.s32 $0xF000, s6;
	s22 =	sadd.s32 $0x67900, s0;
	[dreg:$0xa] =	wrdreg s21  }
0x12: {  	s15 =	sadd.s32 $0x280, s15;
	s23 =	sadd.s32 $0x67E00, s0;
	[dreg:$0xb] =	wrdreg s22  }
0x13: {  	s24 =	sadd.s32 $0x68300, s0;
	s25 =	sadd.s32 $0x68800, s0;
	[dreg:$0xc] =	wrdreg s23  }
0x14: {  	s0 =	sadd.s32 $0x68D00, s0;
	s26 =	smax.u32 s5, $0x1;
	[dreg:$0xd] =	wrdreg s24  }
0x15: {  	s1 =	simm.s32 $0x7D;
	s5 =	simm.s32 $0x1A800;
	[dreg:$0xe] =	wrdreg s25  }
0x16: {  	s16 =	simm.s32 $0x2;
	s17 =	sadd.s32 s13, s15;
	[dreg:$0xf] =	wrdreg s0  }
0x17: {  	s18 =	sadd.s32 s14, s15;
	[dreg:$0x10] =	wrdreg s26;
	s26 =	sadd.s32 $0x11800, s6  }
0x18: {  	s0 =	simm.s32 $0x14080;
	s13 =	simm.s32 $0x1;
	s14 =	simm.s32 $0x3  }
0x19: {  	s15 =	simm.s32 $0x14100;
	s19 =	simm.s32 $0x15380;
	s20 =	simm.s32 $0x16700  }
0x1a: {  	s21 =	simm.s32 $0x16780;
	s22 =	simm.s32 $0x0;
	[dreg:$0x6] =	wrdreg s17  }
0x1b: {  	[dreg:$0x7] =	wrdreg s18;
	s17 =	simm.s32 $0x15480;
	s18 =	simm.s32 $0x4  }
.LBB2_1:
0x1c: {  	s23 =	rddreg [dreg:$0x3]  }
0x1d: {  	[tilespmem:s28], [sflag:$0x5] =	stream.linear.gather [hbm4b:s23+s3], $0x2800, $0x38;
	[tilespmem:$0x1E800] =	vst v63  }
0x1e: {  	_ =	swait.ge [sflag:s29], $0x2800  }
0x1f: {  	[sflag:s29] =	ssyncset.done $0x0  }
0x20: {  	[sflag:s29] =	ssyncadd.s32 $0xFFFFD800  }
0x21: {  	[spmem:s6] =	stream.linear.scatter [tilespmem:s28], [sflag:$0x5], $0x2800, $0x38;
	[tilespmem:$0x1E800] =	vst v63  }
0x22: {  	_ =	swait.ge [sflag:s29], $0x2800  }
0x23: {  	[sflag:s29] =	ssyncset.done $0x0  }
0x24: {  	[sflag:s29] =	ssyncadd.s32 $0xFFFFD800  }
0x25: {  	[spmem:s7] =	stream.linear.scatter [tilespmem:s28], [sflag:$0x5], $0x2800, $0x38;
	[tilespmem:$0x1E800] =	vst v63  }
0x26: {  	_ =	swait.ge [sflag:s29], $0x2800  }
0x27: {  	[sflag:s29] =	ssyncset.done $0x0  }
0x28: {  	[sflag:s29] =	ssyncadd.s32 $0xFFFFD800  }
0x29: {  	[spmem:s8] =	stream.linear.scatter [tilespmem:s28], [sflag:$0x5], $0x2800, $0x38;
	[tilespmem:$0x1E800] =	vst v63  }
0x2a: {  	_ =	swait.ge [sflag:s29], $0x2800  }
0x2b: {  	[sflag:s29] =	ssyncset.done $0x0  }
0x2c: {  	[sflag:s29] =	ssyncadd.s32 $0xFFFFD800  }
0x2d: {  	[spmem:s9] =	stream.linear.scatter [tilespmem:s28], [sflag:$0x5], $0x2800, $0x38;
	[tilespmem:$0x1E800] =	vst v63  }
0x2e: {  	_ =	swait.ge [sflag:s29], $0x2800  }
0x2f: {  	[sflag:s29] =	ssyncset.done $0x0  }
0x30: {  	[sflag:s29] =	ssyncadd.s32 $0xFFFFD800  }
0x31: {  	[spmem:s10] =	stream.linear.scatter [tilespmem:s28], [sflag:$0x5], $0x2800, $0x38;
	[tilespmem:$0x1E800] =	vst v63  }
0x32: {  	_ =	swait.ge [sflag:s29], $0x2800  }
0x33: {  	[sflag:s29] =	ssyncset.done $0x0  }
0x34: {  	[sflag:s29] =	ssyncadd.s32 $0xFFFFD800  }
0x35: {  	[spmem:s11] =	stream.linear.scatter [tilespmem:s28], [sflag:$0x5], $0x2800, $0x38;
	[tilespmem:$0x1E800] =	vst v63  }
0x36: {  	_ =	swait.ge [sflag:s29], $0x2800  }
0x37: {  	[sflag:s29] =	ssyncset.done $0x0  }
0x38: {  	[sflag:s29] =	ssyncadd.s32 $0xFFFFD800  }
0x39: {  	[spmem:s12] =	stream.linear.scatter [tilespmem:s28], [sflag:$0x5], $0x2800, $0x38;
	[tilespmem:$0x1E800] =	vst v63  }
0x3a: {  	_ =	swait.ge [sflag:s29], $0x2800  }
0x3b: {  	[sflag:s29] =	ssyncset.done $0x0  }
0x3c: {  	[sflag:s29] =	ssyncadd.s32 $0xFFFFD800  }
0x3d: {  	[spmem:s26] =	stream.linear.scatter [tilespmem:s28], [sflag:$0x5], $0x2800, $0x38;
	[tilespmem:$0x1E800] =	vst v63  }
0x3e: {  	_ =	swait.ge [sflag:s29], $0x2800  }
0x3f: {  	[sflag:s29] =	ssyncset.done $0x0  }
0x40: {  	[sflag:s29] =	ssyncadd.s32 $0xFFFFD800  }
0x41: {  	[bflag:$0x0] =	sbarrier.arrive $0xFFFF  }
0x42: {  	s25 =	rddreg [dreg:$0x4]  }
0x43: {  	[tilespmem:s30], [sflag:$0x5] =	stream.linear.gather [hbm4b:s25+s3], $0x1400, $0x38;
	[tilespmem:$0x1E800] =	vst v63  }
0x44: {  	_ =	swait.ge [sflag:s29], $0x1400  }
0x45: {  	[sflag:s29] =	ssyncset.done $0x0  }
0x46: {  	s24 =	rddreg [dreg:$0x5];
	[sflag:s29] =	ssyncadd.s32 $0xFFFFEC00  }
0x47: {  	[tilespmem:s31], [sflag:$0x5] =	stream.linear.gather [hbm4b:s24+s3], $0x1400, $0x38;
	[tilespmem:$0x1E800] =	vst v63  }
0x48: {  	_ =	swait.ge [sflag:s29], $0x1400  }
0x49: {  	[sflag:s29] =	ssyncset.done $0x0  }
0x4a: {  	[sflag:s29] =	ssyncadd.s32 $0xFFFFEC00  }
0x4b: {  	[tilespmem:s28], [sflag:$0x1] =	stream.indirect.gather [hbm4b:s4+s1], $0x80, s30, s1, $0xb8;
	[tilespmem:$0x1E800] =	vst v63  }
0x4c: {  	_ = 	snop  }
0x4d: {  	[tilespmem:s5], [sflag:$0x2] =	stream.indirect.gather [hbm4b:s4+s1], $0x80, s0, s1, $0xb8;
	[tilespmem:$0x1E800] =	vst v63  }
0x4e: {  	_ =	swait.ge [sflag:s13], $0x3E80  }
0x4f: {  	[sflag:s13] =	ssyncset.done $0x0  }
0x50: {  	[sflag:s13] =	ssyncadd.s32 $0xFFFFC180  }
0x51: {  	[spmem:s2] =	stream.indirect.scatter.add.f32 [tilespmem:s28], [sflag:$0x3], $0x80, s31, s1, $0xb8;
	[tilespmem:$0x1E800] =	vst v63  }
0x52: {  	_ =	swait.ge [sflag:s14], $0x3E80  }
0x53: {  	[sflag:s14] =	ssyncset.done $0x0  }
0x54: {  	[sflag:s14] =	ssyncadd.s32 $0xFFFFC180  }
0x55: {  	[tilespmem:s28], [sflag:$0x1] =	stream.indirect.gather [hbm4b:s4+s1], $0x80, s15, s1, $0xb8;
	[tilespmem:$0x1E800] =	vst v63  }
0x56: {  	_ =	swait.ge [sflag:s16], $0x3E80  }
0x57: {  	[sflag:s16] =	ssyncset.done $0x0  }
0x58: {  	[sflag:s16] =	ssyncadd.s32 $0xFFFFC180  }
0x59: {  	[spmem:s2] =	stream.indirect.scatter.add.f32 [tilespmem:s5], [sflag:$0x4], $0x80, s17, s1, $0xb8;
	[tilespmem:$0x1E800] =	vst v63  }
0x5a: {  	_ =	swait.ge [sflag:s18], $0x3E80  }
0x5b: {  	[sflag:s18] =	ssyncset.done $0x0  }
0x5c: {  	s25 =	simm.s32 $0x14180;
	[sflag:s18] =	ssyncadd.s32 $0xFFFFC180  }
0x5d: {  	[tilespmem:s5], [sflag:$0x2] =	stream.indirect.gather [hbm4b:s4+s1], $0x80, s25, s1, $0xb8;
	[tilespmem:$0x1E800] =	vst v63  }
0x5e: {  	_ =	swait.ge [sflag:s13], $0x3E80  }
0x5f: {  	[sflag:s13] =	ssyncset.done $0x0  }
0x60: {  	s24 =	simm.s32 $0x15500;
	[sflag:s13] =	ssyncadd.s32 $0xFFFFC180  }
0x61: {  	[spmem:s2] =	stream.indirect.scatter.add.f32 [tilespmem:s28], [sflag:$0x3], $0x80, s24, s1, $0xb8;
	[tilespmem:$0x1E800] =	vst v63  }
0x62: {  	_ =	swait.ge [sflag:s14], $0x3E80  }
0x63: {  	[sflag:s14] =	ssyncset.done $0x0  }
0x64: {  	s25 =	simm.s32 $0x14200;
	[sflag:s14] =	ssyncadd.s32 $0xFFFFC180  }
0x65: {  	[tilespmem:s28], [sflag:$0x1] =	stream.indirect.gather [hbm4b:s4+s1], $0x80, s25, s1, $0xb8;
	[tilespmem:$0x1E800] =	vst v63  }
0x66: {  	_ =	swait.ge [sflag:s16], $0x3E80  }
0x67: {  	[sflag:s16] =	ssyncset.done $0x0  }
0x68: {  	s23 =	simm.s32 $0xFFFFBC00;
	s24 =	simm.s32 $0x15580;
	[sflag:s16] =	ssyncadd.s32 $0xFFFFC180  }
.LBB2_2:
0x69: {  	[spmem:s2] =	stream.indirect.scatter.add.f32 [tilespmem:s5], [sflag:$0x4], $0x80, s24, s1, $0xb8;
	[tilespmem:$0x1E800] =	vst v63  }
0x6a: {  	s24 =	smov.u32 s23  }
0x6b: {  	p0 =	sne.s32 s23, $0xFFFFFC00;
	s23 =	sadd.s32 $0x400, s23;
	_ =	swait.ge [sflag:s18], $0x3E80  }
0x6c: {  	s24 =	sshra.s32 s24, $0x2;
	[sflag:s18] =	ssyncset.done $0x0  }
0x6d: {  	s25 =	sadd.s32 $0x15380, s24;
	[sflag:s18] =	ssyncadd.s32 $0xFFFFC180  }
0x6e: {  	[tilespmem:s5], [sflag:$0x2] =	stream.indirect.gather [hbm4b:s4+s1], $0x80, s25, s1, $0xb8;
	[tilespmem:$0x1E800] =	vst v63  }
0x6f: {  	_ =	swait.ge [sflag:s13], $0x3E80  }
0x70: {  	[sflag:s13] =	ssyncset.done $0x0  }
0x71: {  	s25 =	sadd.s32 $0x16700, s24;
	[sflag:s13] =	ssyncadd.s32 $0xFFFFC180  }
0x72: {  	[spmem:s2] =	stream.indirect.scatter.add.f32 [tilespmem:s28], [sflag:$0x3], $0x80, s25, s1, $0xb8;
	[tilespmem:$0x1E800] =	vst v63  }
0x73: {  	_ =	swait.ge [sflag:s14], $0x3E80  }
0x74: {  	[sflag:s14] =	ssyncset.done $0x0  }
.Ltmp0:
0x75: {  	s25 =	sadd.s32 $0x15400, s24;
	[sflag:s14] =	ssyncadd.s32 $0xFFFFC180;
	(pc) =	sbr.rel @p0 .LBB2_2-.Ltmp0, $4  }
0x76: {  	[tilespmem:s28], [sflag:$0x1] =	stream.indirect.gather [hbm4b:s4+s1], $0x80, s25, s1, $0xb8;
	[tilespmem:$0x1E800] =	vst v63  }
0x77: {  	_ =	swait.ge [sflag:s16], $0x3E80  }
0x78: {  	[sflag:s16] =	ssyncset.done $0x0  }
0x79: {  	s24 =	sadd.s32 $0x16780, s24;
	[sflag:s16] =	ssyncadd.s32 $0xFFFFC180  }
0x7a: {  	[spmem:s2] =	stream.indirect.scatter.add.f32 [tilespmem:s5], [sflag:$0x4], $0x80, s24, s1, $0xb8;
	[tilespmem:$0x1E800] =	vst v63  }
0x7b: {  	_ =	swait.ge [sflag:s18], $0x3E80  }
0x7c: {  	[sflag:s18] =	ssyncset.done $0x0  }
0x7d: {  	[sflag:s18] =	ssyncadd.s32 $0xFFFFC180  }
0x7e: {  	[tilespmem:s5], [sflag:$0x2] =	stream.indirect.gather [hbm4b:s4+s1], $0x80, s19, s1, $0xb8;
	[tilespmem:$0x1E800] =	vst v63  }
0x7f: {  	_ =	swait.ge [sflag:s13], $0x3E80  }
0x80: {  	[sflag:s13] =	ssyncset.done $0x0  }
0x81: {  	[sflag:s13] =	ssyncadd.s32 $0xFFFFC180  }
0x82: {  	[spmem:s2] =	stream.indirect.scatter.add.f32 [tilespmem:s28], [sflag:$0x3], $0x80, s20, s1, $0xb8;
	[tilespmem:$0x1E800] =	vst v63  }
0x83: {  	_ =	swait.ge [sflag:s14], $0x3E80  }
0x84: {  	[sflag:s14] =	ssyncset.done $0x0  }
0x85: {  	[sflag:s14] =	ssyncadd.s32 $0xFFFFC180  }
0x86: {  	_ =	swait.ge [sflag:s16], $0x3E80  }
0x87: {  	[sflag:s16] =	ssyncset.done $0x0  }
0x88: {  	[sflag:s16] =	ssyncadd.s32 $0xFFFFC180  }
0x89: {  	[spmem:s2] =	stream.indirect.scatter.add.f32 [tilespmem:s5], [sflag:$0x4], $0x80, s21, s1, $0xb8;
	[tilespmem:$0x1E800] =	vst v63  }
0x8a: {  	_ =	swait.ge [sflag:s18], $0x3E80  }
0x8b: {  	[sflag:s18] =	ssyncset.done $0x0  }
0x8c: {  	s23 =	rddreg [dreg:$0x6];
	[sflag:s18] =	ssyncadd.s32 $0xFFFFC180  }
0x8d: {  	[tilespmem:s30], [sflag:$0x5] =	stream.linear.gather [hbm4b:s23+s3], $0x1400, $0x38;
	[tilespmem:$0x1E800] =	vst v63  }
0x8e: {  	_ =	swait.ge [sflag:s29], $0x1400  }
0x8f: {  	[sflag:s29] =	ssyncset.done $0x0  }
0x90: {  	s24 =	rddreg [dreg:$0x7];
	[sflag:s29] =	ssyncadd.s32 $0xFFFFEC00  }
0x91: {  	[tilespmem:s31], [sflag:$0x5] =	stream.linear.gather [hbm4b:s24+s3], $0x1400, $0x38;
	[tilespmem:$0x1E800] =	vst v63  }
0x92: {  	_ =	swait.ge [sflag:s29], $0x1400  }
0x93: {  	[sflag:s29] =	ssyncset.done $0x0  }
0x94: {  	[sflag:s29] =	ssyncadd.s32 $0xFFFFEC00  }
0x95: {  	[tilespmem:s28], [sflag:$0x1] =	stream.indirect.gather [hbm4b:s4+s1], $0x80, s30, s1, $0xb8;
	[tilespmem:$0x1E800] =	vst v63  }
0x96: {  	_ = 	snop  }
0x97: {  	[tilespmem:s5], [sflag:$0x2] =	stream.indirect.gather [hbm4b:s4+s1], $0x80, s0, s1, $0xb8;
	[tilespmem:$0x1E800] =	vst v63  }
0x98: {  	_ =	swait.ge [sflag:s13], $0x3E80  }
0x99: {  	[sflag:s13] =	ssyncset.done $0x0  }
0x9a: {  	[sflag:s13] =	ssyncadd.s32 $0xFFFFC180  }
0x9b: {  	[spmem:s2] =	stream.indirect.scatter.add.f32 [tilespmem:s28], [sflag:$0x3], $0x80, s31, s1, $0xb8;
	[tilespmem:$0x1E800] =	vst v63  }
0x9c: {  	_ =	swait.ge [sflag:s14], $0x3E80  }
0x9d: {  	[sflag:s14] =	ssyncset.done $0x0  }
0x9e: {  	[sflag:s14] =	ssyncadd.s32 $0xFFFFC180  }
0x9f: {  	[tilespmem:s28], [sflag:$0x1] =	stream.indirect.gather [hbm4b:s4+s1], $0x80, s15, s1, $0xb8;
	[tilespmem:$0x1E800] =	vst v63  }
0xa0: {  	_ =	swait.ge [sflag:s16], $0x3E80  }
0xa1: {  	[sflag:s16] =	ssyncset.done $0x0  }
0xa2: {  	[sflag:s16] =	ssyncadd.s32 $0xFFFFC180  }
0xa3: {  	[spmem:s2] =	stream.indirect.scatter.add.f32 [tilespmem:s5], [sflag:$0x4], $0x80, s17, s1, $0xb8;
	[tilespmem:$0x1E800] =	vst v63  }
0xa4: {  	_ =	swait.ge [sflag:s18], $0x3E80  }
0xa5: {  	[sflag:s18] =	ssyncset.done $0x0  }
0xa6: {  	s25 =	simm.s32 $0x14180;
	[sflag:s18] =	ssyncadd.s32 $0xFFFFC180  }
0xa7: {  	[tilespmem:s5], [sflag:$0x2] =	stream.indirect.gather [hbm4b:s4+s1], $0x80, s25, s1, $0xb8;
	[tilespmem:$0x1E800] =	vst v63  }
0xa8: {  	_ =	swait.ge [sflag:s13], $0x3E80  }
0xa9: {  	[sflag:s13] =	ssyncset.done $0x0  }
0xaa: {  	s24 =	simm.s32 $0x15500;
	[sflag:s13] =	ssyncadd.s32 $0xFFFFC180  }
0xab: {  	[spmem:s2] =	stream.indirect.scatter.add.f32 [tilespmem:s28], [sflag:$0x3], $0x80, s24, s1, $0xb8;
	[tilespmem:$0x1E800] =	vst v63  }
0xac: {  	_ =	swait.ge [sflag:s14], $0x3E80  }
0xad: {  	[sflag:s14] =	ssyncset.done $0x0  }
0xae: {  	s25 =	simm.s32 $0x14200;
	[sflag:s14] =	ssyncadd.s32 $0xFFFFC180  }
0xaf: {  	[tilespmem:s28], [sflag:$0x1] =	stream.indirect.gather [hbm4b:s4+s1], $0x80, s25, s1, $0xb8;
	[tilespmem:$0x1E800] =	vst v63  }
0xb0: {  	_ =	swait.ge [sflag:s16], $0x3E80  }
0xb1: {  	[sflag:s16] =	ssyncset.done $0x0  }
0xb2: {  	s23 =	simm.s32 $0xFFFFBC00;
	s24 =	simm.s32 $0x15580;
	[sflag:s16] =	ssyncadd.s32 $0xFFFFC180  }
.LBB2_4:
0xb3: {  	[spmem:s2] =	stream.indirect.scatter.add.f32 [tilespmem:s5], [sflag:$0x4], $0x80, s24, s1, $0xb8;
	[tilespmem:$0x1E800] =	vst v63  }
0xb4: {  	s24 =	smov.u32 s23  }
0xb5: {  	p0 =	sne.s32 s23, $0xFFFFFC00;
	s23 =	sadd.s32 $0x400, s23;
	_ =	swait.ge [sflag:s18], $0x3E80  }
0xb6: {  	s24 =	sshra.s32 s24, $0x2;
	[sflag:s18] =	ssyncset.done $0x0  }
0xb7: {  	s25 =	sadd.s32 $0x15380, s24;
	[sflag:s18] =	ssyncadd.s32 $0xFFFFC180  }
0xb8: {  	[tilespmem:s5], [sflag:$0x2] =	stream.indirect.gather [hbm4b:s4+s1], $0x80, s25, s1, $0xb8;
	[tilespmem:$0x1E800] =	vst v63  }
0xb9: {  	_ =	swait.ge [sflag:s13], $0x3E80  }
0xba: {  	[sflag:s13] =	ssyncset.done $0x0  }
0xbb: {  	s25 =	sadd.s32 $0x16700, s24;
	[sflag:s13] =	ssyncadd.s32 $0xFFFFC180  }
0xbc: {  	[spmem:s2] =	stream.indirect.scatter.add.f32 [tilespmem:s28], [sflag:$0x3], $0x80, s25, s1, $0xb8;
	[tilespmem:$0x1E800] =	vst v63  }
0xbd: {  	_ =	swait.ge [sflag:s14], $0x3E80  }
0xbe: {  	[sflag:s14] =	ssyncset.done $0x0  }
.Ltmp1:
0xbf: {  	s25 =	sadd.s32 $0x15400, s24;
	[sflag:s14] =	ssyncadd.s32 $0xFFFFC180;
	(pc) =	sbr.rel @p0 .LBB2_4-.Ltmp1, $4  }
0xc0: {  	[tilespmem:s28], [sflag:$0x1] =	stream.indirect.gather [hbm4b:s4+s1], $0x80, s25, s1, $0xb8;
	[tilespmem:$0x1E800] =	vst v63  }
0xc1: {  	_ =	swait.ge [sflag:s16], $0x3E80  }
0xc2: {  	[sflag:s16] =	ssyncset.done $0x0  }
0xc3: {  	s24 =	sadd.s32 $0x16780, s24;
	[sflag:s16] =	ssyncadd.s32 $0xFFFFC180  }
0xc4: {  	[spmem:s2] =	stream.indirect.scatter.add.f32 [tilespmem:s5], [sflag:$0x4], $0x80, s24, s1, $0xb8;
	[tilespmem:$0x1E800] =	vst v63  }
0xc5: {  	_ =	swait.ge [sflag:s18], $0x3E80  }
0xc6: {  	[sflag:s18] =	ssyncset.done $0x0  }
0xc7: {  	[sflag:s18] =	ssyncadd.s32 $0xFFFFC180  }
0xc8: {  	[tilespmem:s5], [sflag:$0x2] =	stream.indirect.gather [hbm4b:s4+s1], $0x80, s19, s1, $0xb8;
	[tilespmem:$0x1E800] =	vst v63  }
0xc9: {  	_ =	swait.ge [sflag:s13], $0x3E80  }
0xca: {  	[sflag:s13] =	ssyncset.done $0x0  }
0xcb: {  	[sflag:s13] =	ssyncadd.s32 $0xFFFFC180  }
0xcc: {  	[spmem:s2] =	stream.indirect.scatter.add.f32 [tilespmem:s28], [sflag:$0x3], $0x80, s20, s1, $0xb8;
	[tilespmem:$0x1E800] =	vst v63  }
0xcd: {  	_ =	swait.ge [sflag:s14], $0x3E80  }
0xce: {  	[sflag:s14] =	ssyncset.done $0x0  }
0xcf: {  	[sflag:s14] =	ssyncadd.s32 $0xFFFFC180  }
0xd0: {  	_ =	swait.ge [sflag:s16], $0x3E80  }
0xd1: {  	[sflag:s16] =	ssyncset.done $0x0  }
0xd2: {  	[sflag:s16] =	ssyncadd.s32 $0xFFFFC180  }
0xd3: {  	[spmem:s2] =	stream.indirect.scatter.add.f32 [tilespmem:s5], [sflag:$0x4], $0x80, s21, s1, $0xb8;
	[tilespmem:$0x1E800] =	vst v63  }
0xd4: {  	_ =	swait.ge [sflag:s18], $0x3E80  }
0xd5: {  	[sflag:s18] =	ssyncset.done $0x0  }
0xd6: {  	[sflag:s18] =	ssyncadd.s32 $0xFFFFC180  }
0xd7: {  	[bflag:$0x0] =	sbarrier.arrive $0xFFFF  }
0xd8: {  	[tilespmem:s28], [sflag:$0x5] =	stream.linear.gather [spmem:s6], $0x2800, $0x38;
	[tilespmem:$0x1E800] =	vst v63  }
0xd9: {  	_ =	swait.ge [sflag:s29], $0x2800  }
0xda: {  	[sflag:s29] =	ssyncset.done $0x0  }
0xdb: {  	s23 =	rddreg [dreg:$0x8];
	[sflag:s29] =	ssyncadd.s32 $0xFFFFD800  }
0xdc: {  	[hbm4b:s23+s3] =	stream.linear.scatter [tilespmem:s28], [sflag:$0x5], $0x2800, $0x38;
	[tilespmem:$0x1E800] =	vst v63  }
0xdd: {  	_ =	swait.ge [sflag:s29], $0x2800  }
0xde: {  	[sflag:s29] =	ssyncset.done $0x0  }
0xdf: {  	[sflag:s29] =	ssyncadd.s32 $0xFFFFD800  }
0xe0: {  	[tilespmem:s28], [sflag:$0x5] =	stream.linear.gather [spmem:s7], $0x2800, $0x38;
	[tilespmem:$0x1E800] =	vst v63  }
0xe1: {  	_ =	swait.ge [sflag:s29], $0x2800  }
0xe2: {  	[sflag:s29] =	ssyncset.done $0x0  }
0xe3: {  	s24 =	rddreg [dreg:$0x9];
	[sflag:s29] =	ssyncadd.s32 $0xFFFFD800  }
0xe4: {  	[hbm4b:s24+s3] =	stream.linear.scatter [tilespmem:s28], [sflag:$0x5], $0x2800, $0x38;
	[tilespmem:$0x1E800] =	vst v63  }
0xe5: {  	_ =	swait.ge [sflag:s29], $0x2800  }
0xe6: {  	[sflag:s29] =	ssyncset.done $0x0  }
0xe7: {  	[sflag:s29] =	ssyncadd.s32 $0xFFFFD800  }
0xe8: {  	[tilespmem:s28], [sflag:$0x5] =	stream.linear.gather [spmem:s8], $0x2800, $0x38;
	[tilespmem:$0x1E800] =	vst v63  }
0xe9: {  	_ =	swait.ge [sflag:s29], $0x2800  }
0xea: {  	[sflag:s29] =	ssyncset.done $0x0  }
0xeb: {  	s25 =	rddreg [dreg:$0xa];
	[sflag:s29] =	ssyncadd.s32 $0xFFFFD800  }
0xec: {  	[hbm4b:s25+s3] =	stream.linear.scatter [tilespmem:s28], [sflag:$0x5], $0x2800, $0x38;
	[tilespmem:$0x1E800] =	vst v63  }
0xed: {  	_ =	swait.ge [sflag:s29], $0x2800  }
0xee: {  	[sflag:s29] =	ssyncset.done $0x0  }
0xef: {  	[sflag:s29] =	ssyncadd.s32 $0xFFFFD800  }
0xf0: {  	[tilespmem:s28], [sflag:$0x5] =	stream.linear.gather [spmem:s9], $0x2800, $0x38;
	[tilespmem:$0x1E800] =	vst v63  }
0xf1: {  	_ =	swait.ge [sflag:s29], $0x2800  }
0xf2: {  	[sflag:s29] =	ssyncset.done $0x0  }
0xf3: {  	s24 =	rddreg [dreg:$0xb];
	[sflag:s29] =	ssyncadd.s32 $0xFFFFD800  }
0xf4: {  	[hbm4b:s24+s3] =	stream.linear.scatter [tilespmem:s28], [sflag:$0x5], $0x2800, $0x38;
	[tilespmem:$0x1E800] =	vst v63  }
0xf5: {  	_ =	swait.ge [sflag:s29], $0x2800  }
0xf6: {  	[sflag:s29] =	ssyncset.done $0x0  }
0xf7: {  	[sflag:s29] =	ssyncadd.s32 $0xFFFFD800  }
0xf8: {  	[tilespmem:s28], [sflag:$0x5] =	stream.linear.gather [spmem:s10], $0x2800, $0x38;
	[tilespmem:$0x1E800] =	vst v63  }
0xf9: {  	_ =	swait.ge [sflag:s29], $0x2800  }
0xfa: {  	[sflag:s29] =	ssyncset.done $0x0  }
0xfb: {  	s25 =	rddreg [dreg:$0xc];
	[sflag:s29] =	ssyncadd.s32 $0xFFFFD800  }
0xfc: {  	[hbm4b:s25+s3] =	stream.linear.scatter [tilespmem:s28], [sflag:$0x5], $0x2800, $0x38;
	[tilespmem:$0x1E800] =	vst v63  }
0xfd: {  	_ =	swait.ge [sflag:s29], $0x2800  }
0xfe: {  	[sflag:s29] =	ssyncset.done $0x0  }
0xff: {  	[sflag:s29] =	ssyncadd.s32 $0xFFFFD800  }
0x100: {  	[tilespmem:s28], [sflag:$0x5] =	stream.linear.gather [spmem:s11], $0x2800, $0x38;
	[tilespmem:$0x1E800] =	vst v63  }
0x101: {  	_ =	swait.ge [sflag:s29], $0x2800  }
0x102: {  	[sflag:s29] =	ssyncset.done $0x0  }
0x103: {  	s24 =	rddreg [dreg:$0xd];
	[sflag:s29] =	ssyncadd.s32 $0xFFFFD800  }
0x104: {  	[hbm4b:s24+s3] =	stream.linear.scatter [tilespmem:s28], [sflag:$0x5], $0x2800, $0x38;
	[tilespmem:$0x1E800] =	vst v63  }
0x105: {  	_ =	swait.ge [sflag:s29], $0x2800  }
0x106: {  	[sflag:s29] =	ssyncset.done $0x0  }
0x107: {  	[sflag:s29] =	ssyncadd.s32 $0xFFFFD800  }
0x108: {  	[tilespmem:s28], [sflag:$0x5] =	stream.linear.gather [spmem:s12], $0x2800, $0x38;
	[tilespmem:$0x1E800] =	vst v63  }
0x109: {  	_ =	swait.ge [sflag:s29], $0x2800  }
0x10a: {  	[sflag:s29] =	ssyncset.done $0x0  }
0x10b: {  	s25 =	rddreg [dreg:$0xe];
	[sflag:s29] =	ssyncadd.s32 $0xFFFFD800  }
0x10c: {  	[hbm4b:s25+s3] =	stream.linear.scatter [tilespmem:s28], [sflag:$0x5], $0x2800, $0x38;
	[tilespmem:$0x1E800] =	vst v63  }
0x10d: {  	_ =	swait.ge [sflag:s29], $0x2800  }
0x10e: {  	[sflag:s29] =	ssyncset.done $0x0  }
0x10f: {  	[sflag:s29] =	ssyncadd.s32 $0xFFFFD800  }
0x110: {  	[tilespmem:s28], [sflag:$0x5] =	stream.linear.gather [spmem:s26], $0x2800, $0x38;
	[tilespmem:$0x1E800] =	vst v63  }
0x111: {  	_ =	swait.ge [sflag:s29], $0x2800  }
0x112: {  	[sflag:s29] =	ssyncset.done $0x0  }
0x113: {  	s24 =	rddreg [dreg:$0xf];
	[sflag:s29] =	ssyncadd.s32 $0xFFFFD800  }
0x114: {  	[hbm4b:s24+s3] =	stream.linear.scatter [tilespmem:s28], [sflag:$0x5], $0x2800, $0x38;
	[tilespmem:$0x1E800] =	vst v63  }
0x115: {  	_ =	swait.ge [sflag:s29], $0x2800  }
0x116: {  	s22 =	sadd.s32 $0x1, s22;
	s25 =	rddreg [dreg:$0x10]  }
0x117: {  	p0 =	sne.s32 s22, s25  }
.Ltmp2:
0x118: {  	_ = 	snop;
	(pc) =	sbr.rel @p0 .LBB2_1-.Ltmp2, $3  }
0x119: {  	_ =	sdelay $0x1  }
0x11a: {  	[sflag:s29] =	ssyncset.done $0x0  }
0x11b: {  	[sflag:s29] =	ssyncadd.s32 $0xFFFFD800  }
0x11c: {  	_ =	sfence.sel $0x180000  }
0x11d: {  	[bflag:$0x0] =	sbarrier.arrive $0xFFFF  }
0x11e: {  	_ =	strace $0x9000004A  }
0x11f: {  	s0 =	stileid.u32;
	[bflag:$0x2] =	sbarrier.arrive $0xFFFF  }
0x120: {  	p0 =	sne.s32 s0, $0x0;
	s0 =	rddreg [dreg:$0x2]  }
0x121: {  	s0 =	sadd.s32 @!p0 $0x100000, s0  }
0x122: {  	[sflag:s0] =	ssyncadd.tile.s32 @!p0 $0x1;
	_ =	shalt  }
.Lfunc_end2:
_tile_overlayer_lowered:
.L_overlay_start_2:
0x123: {  	(tag) =	ssettag $0x2  }
0x124: {  	s0 =	rddreg [dreg:$0x0];
	s2 =	stileid.u32  }
0x125: {  	s1 =	rddreg [dreg:$0x1];
	p0 =	sne.s32 s2, $0x0  }
0x126: {  	s3 =	rddreg [dreg:$0x2];
	[bflag:$0x3] =	sbarrier.arrive $0xFFFF;
	s2 =	simm.s32 @!p0 $0x1C05  }
0x127: {  	[timem:s3], [sflag:s2] =	dma.local @!p0 [hbm:s0], s1  }
0x128: {  	s0 =	simm.s32 @!p0 $0x5  }
0x129: {  	_ =	swait.ge @!p0 [sflag:s0], s1  }
0x12a: {  	s1 =	ssub.s32 @!p0 $0x0, s1;
	[sflag:s0] =	ssyncset.done @!p0 $0x0  }
0x12b: {  	[sflag:s0] =	ssyncadd.s32 @!p0 s1  }
0x12c: {  	[bflag:$0x3] =	sbarrier.arrive $0xFFFF  }
0x12d: {  	_ =	shalt  }

// kernel: kernel.14.cloned.1.call-start
scs
__scs_entry_jumppad:
0x0: {  	(pc) =	sbr.rel $0x88, $3  }
0x1: {  	(tag) =	ssettag $0x0;
	lr =	simm.s32 $0x1  }
0x2: {  	[smem:$0x3F96] =	sst lr;
	_ =	strace $0xD0000000  }
0x3: {  	_ = 	snop  }
0x4: {  	_ = 	snop  }
0x5: {  	_ = 	snop  }
0x6: {  	_ = 	snop  }
0x7: {  	_ = 	snop  }
__scs_overlays_trampoline_lowered:
0x8: {  	[smem:$0x3FA5] =	sst s0  }
0x9: {  	[smem:$0x3FA6] =	sst s1  }
0xa: {  	[smem:$0x3FA7] =	sst s2  }
0xb: {  	[smem:$0x3FA8] =	sst s3  }
0xc: {  	[smem:$0x3FA9] =	sst s4  }
0xd: {  	[smem:$0x3FAA] =	sst s5  }
0xe: {  	[smem:$0x3FAB] =	sst s6  }
0xf: {  	[smem:$0x3FAC] =	sst s7  }
0x10: {  	[smem:$0x3FAD] =	sst s8  }
0x11: {  	[smem:$0x3FAE] =	sst s9;
	s0 =	simm.s32 @!p0 $0x0  }
0x12: {  	s1 =	sld [smem:$0x3F94];
	s0 =	simm.s32 @p0 $0x1  }
0x13: {  	[smem:$0x3FAF] =	sst s0;
	s0 =	simm.s32 @!p1 $0x0  }
0x14: {  	s2 =	sld [smem:$0x3F93];
	s0 =	simm.s32 @p1 $0x1  }
0x15: {  	[smem:$0x3FB0] =	sst s0;
	s0 =	simm.s32 @!p2 $0x0  }
0x16: {  	s3 =	sld [smem:$0x3FDB];
	s0 =	simm.s32 @p2 $0x1  }
0x17: {  	s4 =	simm.s32 $0x1BF5;
	[smem:$0x3FB2] =	sst s0  }
0x18: {  	s0 =	sld [smem:$0x3F95];
	_ =	swait.ge [sflag:s4], $0x0  }
0x19: {  	s7 =	sld [smem:$0x3F96]  }
0x1a: {  	s8 =	sadd.s32 $0xFFFFE003, lr  }
0x1b: {  	s9 =	sadd.s32 $0xFFFFFEF7, lr;
	s5 =	simm.s32 $0xFFFFFFFF;
	p2 =	slt.u32 s8, $0xFFFFF086  }
0x1c: {  	p1 =	slt.u32 s9, $0xF7A;
	s5 =	simm.s32 @!p2 $0x0  }
0x1d: {  	s5 =	simm.s32 @p1 $0x1;
	p0 =	seq.s32 s7, s2  }
0x1e: {  	s7 =	smul.u32 @!p0 $0xF7A, s2;
	p2 =	seq.s32 @!p0 s5, $0x0  }
0x1f: {  	s9 =	smul.u32 $0xF7A, s1;
	s8 =	simm.s32 @!p0 $0x1BF5;
	p2 =	por !p2, p0  }
0x20: {  	[sflag:s8] =	ssyncset.s32 @!p0 $0xFFFFF086;
	s6 =	sadd.s32 @!p0 s3, s7;
	s7 =	simm.s32 @!p0 $0x108  }
0x21: {  	s3 =	sadd.s32 s3, s9;
	s6 =	sadd.s32 @!p0 $0x88, s6;
	s7 =	simm.s32 @p2 $0x1082  }
0x22: {  	[simem:s7], [sflag:s8] =	dma.local @!p0 [hbm:s6], $0xF7A  }
0x23: {  	s9 =	sor.u32 $0xD0000000, s2;
	s6 =	simm.s32 $0x108;
	_ =	swait.ge @!p0 [sflag:s8], $0x0  }
0x24: {  	s3 =	sadd.s32 $0x88, s3;
	s6 =	simm.s32 @!p1 $0x1082;
	[sflag:s4] =	ssyncset.s32 $0xFFFFF086  }
0x25: {  	[simem:s6], [sflag:s4] =	dma.local [hbm:s3], $0xF7A  }
0x26: {  	[smem:$0x3F96] =	sst s1;
	(tag) =	ssettag s2;
	_ =	strace s9  }
0x27: {  	s1 =	sld [smem:$0x3FA6]  }
0x28: {  	s2 =	sld [smem:$0x3FA7]  }
0x29: {  	s4 =	sld [smem:$0x3FA9]  }
0x2a: {  	p0 =	seq.s32 s5, $0x0;
	s5 =	sld [smem:$0x3FAA]  }
0x2b: {  	s6 =	sld [smem:$0x3FAB]  }
0x2c: {  	s7 =	sld [smem:$0x3FAC]  }
0x2d: {  	s3 =	simm.s32 $0x108;
	s8 =	sld [smem:$0x3FAD]  }
0x2e: {  	s3 =	simm.s32 @!p0 $0x1082;
	s9 =	sld [smem:$0x3FAE]  }
0x2f: {  	lr =	sadd.s32 s0, s3;
	s0 =	sld [smem:$0x3FA5]  }
0x30: {  	s3 =	sld [smem:$0x3FA8]  }
0x31: {  	[smem:$0x3FB1] =	sst s10  }
0x32: {  	s10 =	sld [smem:$0x3FAF];
	_ =	sdelay $0x3  }
0x33: {  	p0 =	seq.s32 s10, $0x1;
	s10 =	sld [smem:$0x3FB1];
	_ =	sdelay $0x3  }
0x34: {  	[smem:$0x3FB1] =	sst s10  }
0x35: {  	s10 =	sld [smem:$0x3FB0];
	_ =	sdelay $0x3  }
0x36: {  	p1 =	seq.s32 s10, $0x1;
	s10 =	sld [smem:$0x3FB1];
	_ =	sdelay $0x3  }
0x37: {  	[smem:$0x3FB1] =	sst s10  }
0x38: {  	s10 =	sld [smem:$0x3FB2]  }
0x39: {  	_ = 	snop;
	(pc) =	sbr.ind lr, $3  }
0x3a: {  	_ = 	snop  }
0x3b: {  	_ = 	snop  }
0x3c: {  	p2 =	seq.s32 s10, $0x1;
	s10 =	sld [smem:$0x3FB1]  }
0x3d: {  	_ =	shalt  }
0x3e: {  	_ =	shalt  }
0x3f: {  	_ =	shalt  }
0x40: {  	_ =	shalt  }
0x41: {  	_ =	shalt  }
0x42: {  	_ =	shalt  }
0x43: {  	_ =	shalt  }
0x44: {  	_ =	shalt  }
0x45: {  	_ =	shalt  }
0x46: {  	_ =	shalt  }
0x47: {  	_ =	shalt  }
0x48: {  	_ =	shalt  }
0x49: {  	_ =	shalt  }
0x4a: {  	_ =	shalt  }
0x4b: {  	_ =	shalt  }
0x4c: {  	_ =	shalt  }
0x4d: {  	_ =	shalt  }
0x4e: {  	_ =	shalt  }
0x4f: {  	_ =	shalt  }
0x50: {  	_ =	shalt  }
0x51: {  	_ =	shalt  }
0x52: {  	_ =	shalt  }
0x53: {  	_ =	shalt  }
0x54: {  	_ =	shalt  }
0x55: {  	_ =	shalt  }
0x56: {  	_ =	shalt  }
0x57: {  	_ =	shalt  }
0x58: {  	_ =	shalt  }
0x59: {  	_ =	shalt  }
0x5a: {  	_ =	shalt  }
0x5b: {  	_ =	shalt  }
0x5c: {  	_ =	shalt  }
0x5d: {  	_ =	shalt  }
0x5e: {  	_ =	shalt  }
0x5f: {  	_ =	shalt  }
0x60: {  	_ =	shalt  }
0x61: {  	_ =	shalt  }
0x62: {  	_ =	shalt  }
0x63: {  	_ =	shalt  }
0x64: {  	_ =	shalt  }
0x65: {  	_ =	shalt  }
0x66: {  	_ =	shalt  }
0x67: {  	_ =	shalt  }
0x68: {  	_ =	shalt  }
0x69: {  	_ =	shalt  }
0x6a: {  	_ =	shalt  }
0x6b: {  	_ =	shalt  }
0x6c: {  	_ =	shalt  }
0x6d: {  	_ =	shalt  }
0x6e: {  	_ =	shalt  }
0x6f: {  	_ =	shalt  }
0x70: {  	_ =	shalt  }
0x71: {  	_ =	shalt  }
0x72: {  	_ =	shalt  }
0x73: {  	_ =	shalt  }
0x74: {  	_ =	shalt  }
0x75: {  	_ =	shalt  }
0x76: {  	_ =	shalt  }
0x77: {  	_ =	shalt  }
0x78: {  	_ =	shalt  }
0x79: {  	_ =	shalt  }
0x7a: {  	_ =	shalt  }
0x7b: {  	_ =	shalt  }
0x7c: {  	_ =	shalt  }
0x7d: {  	_ =	shalt  }
0x7e: {  	_ =	shalt  }
0x7f: {  	_ =	shalt  }
0x80: {  	_ =	shalt  }
0x81: {  	_ =	shalt  }
0x82: {  	_ =	shalt  }
0x83: {  	_ =	shalt  }
0x84: {  	_ =	shalt  }
0x85: {  	_ =	shalt  }
0x86: {  	_ =	shalt  }
0x87: {  	_ =	shalt  }
.Lfunc_end0:
.L_simem_size_0:
called_computation.2_lowered:
.L_overlay_start_0:
0x88: {  	s2 =	sld [smem:$0x3FD9]  }
0x89: {  	s3 =	sld [smem:$0x3FFE];
	_ =	sdelay $0x1  }
0x8a: {  	s1 =	srdreg.scid  }
0x8b: {  	s0 =	sand.u32 $0x1, s1  }
0x8c: {  	s16 =	sshll.u32 s0, $0xA;
	s2 =	sadd.s32 s3, s2  }
0x8d: {  	s2 =	sadd.s32 s2, s16  }
0x8e: {  	[smem:$0x3FBD] =	sst s2  }
0x8f: {  	_ = 	snop  }
0x90: {  	(tm) =	ssettm $0x1  }
0x91: {  	s17 =	sld [smem:$0x3FFB];
	_ =	sdelay $0x3  }
0x92: {  	_ =	strace s17  }
0x93: {  	s2 =	sld [smem:$0x3FFC];
	_ =	sdelay $0x3  }
0x94: {  	_ =	strace s2  }
0x95: {  	s2 =	sld [smem:$0x3FFD];
	_ =	sdelay $0x3  }
0x96: {  	_ =	strace s2  }
0x97: {  	_ =	strace $0x8FFFFFFF  }
0x98: {  	s18 =	sld [smem:$0x3FDB];
	_ =	sdelay $0x1  }
0x99: {  	s19 =	simm.s32 $_scs_section_size  }
0x9a: {  	s4 =	simm.s32 $_size__tile_overlayer_lowered;
	s5 =	simm.s32 $_tile_overlayer_lowered  }
0x9b: {  	s22 =	simm.s32 $0x1BFF;
	s21 =	sshll.u32 s5, $0x1;
	s2 =	sadd.s32 s19, s18  }
0x9c: {  	s6 =	simm.s32 $0x0;
	s20 =	sshll.u32 s4, $0x1;
	s4 =	sadd.s32 s21, s2  }
0x9d: {  	[timem:s6], [sflag:s22] =	dma.local [hbm:s4], s20  }
0x9e: {  	_ =	swait.ge [sflag:s22], s20  }
0x9f: {  	s3 =	ssub.s32 $0x0, s20;
	[sflag:s22] =	ssyncset.done $0x0  }
0xa0: {  	[sflag:s22] =	ssyncadd.s32 s3;
	_ =	sdelay $0x1  }
0xa1: {  	s23 =	simm.s32 $0x1B8B  }
0xa2: {  	_ =	swait.ge [sflag:s23], $0x1  }
0xa3: {  	[sflag:s23] =	ssyncset.done $0x0  }
0xa4: {  	s25 =	simm.s32 $0x1B8E;
	s24 =	sld [smem:$0x3FFE];
	[sflag:s23] =	ssyncadd.s32 $0xFFFFFFFF  }
0xa5: {  	s26 =	simm.s32 $execute0_lowered;
	[smem:$0x3FD2] =	sst s25  }
0xa6: {  	s4 =	sshll.u32 s26, $0x1;
	_ =	strace $0x8000004C;
	[dreg:$0x1] =	wrdreg $0xFFFFFFFF  }
0xa7: {  	s28 =	simm.s32 $_size_execute0_lowered;
	s2 =	sadd.s32 s2, s4;
	[dreg:$0x0] =	wrdreg $0x0  }
0xa8: {  	s4 =	sshll.u32 s28, $0x1;
	[dreg:$0x2] =	wrdreg s2  }
0xa9: {  	[dreg:$0x3] =	wrdreg s4  }
0xaa: {  	[dreg:$0x4] =	wrdreg $0xC0  }
0xab: {  	_ =	task [dreg:s6], $0x5FFFF  }
0xac: {  	[dreg:$0x1] =	wrdreg $0xFFFFFFFF  }
0xad: {  	[dreg:$0x0] =	wrdreg $0x60  }
0xae: {  	[dreg:$0x2] =	wrdreg s24  }
0xaf: {  	[dreg:$0x3] =	wrdreg $0x0  }
0xb0: {  	[dreg:$0x4] =	wrdreg $0x9  }
0xb1: {  	_ =	task.clear_ibuf [dreg:s6], $0x5FFFF;
	_ =	strace $0x9000004C  }
0xb2: {  	s29 =	simm.s32 $0x9;
	_ =	strace $0x8000004E  }
0xb3: {  	_ =	swait.ge [sflag:s29], $0x1  }
0xb4: {  	[sflag:s29] =	ssyncadd.s32 $0xFFFFFFFF  }
0xb5: {  	_ =	strace $0x9000004E  }
0xb6: {  	_ =	sfence  }
0xb7: {  	s30 =	sld [smem:$0x0];
	_ =	sdelay $0x2  }
0xb8: {  	s31 =	sshll.u32 s1, $0xD;
	s1 =	sshrl.u32 s1, $0x2  }
0xb9: {  	s3 =	sand.u32 $0x4000, s31;
	s1 =	sadd.s32 s1, s30  }
0xba: {  	s0 =	sor.u32 s3, s0;
	s1 =	sshll.u32 s1, $0x11  }
0xbb: {  	s0 =	sor.u32 s1, s0  }
0xbc: {  	s0 =	sadd.s32 $0x8F2B, s0  }
0xbd: {  	[sflag:s0] =	ssyncadd.remote.s32 $0x1  }
0xbe: {  	_ =	sfence.sel $0xFFFF  }
0xbf: {  	[dreg:$0x0] =	wrdreg $0xFFFFFFFF;
	(pc) =	sbr.abs _section_cstart, $3  }
0xc0: {  	[dreg:$0x1] =	wrdreg $0xFFFFFFFF  }
0xc1: {  	_ =	task.clear_ibuf [dreg:s6], $0x2FFFF;
	_ =	strace $0x9FFFFFFF  }
0xc2: {  	(tm) =	ssettm $0x7FFFFFFF  }
0xc3: {  	_ =	shalt  }
tec
execute0_lowered:
.L_overlay_start_1:
0x0: {  	(tag) =	ssettag $0x1  }
0x1: {  	s0 =	rddreg [dreg:$0x0];
	s1 =	srdreg.scid  }
0x2: {  	s8 =	stileid.u32;
	s2 =	rddreg [dreg:$0x1];
	s3 =	simm.s32 $0x0  }
0x3: {  	s28 =	simm.s32 $0x16800;
	s29 =	simm.s32 $0x5;
	s30 =	simm.s32 $0x14000  }
0x4: {  	s31 =	simm.s32 $0x15400;
	s1 =	sand.u32 $0x1, s1;
	s5 =	smul.u32 $0x280, s8  }
0x5: {  	[smem:$0x7FF] =	sst s3;
	s4 =	sadd.s32 $0x18600, s0;
	s13 =	sadd.s32 $0xE600, s0  }
0x6: {  	s12 =	smul.u32 $0x50000, s8;
	s14 =	sadd.s32 $0x3A00, s0;
	s7 =	sadd.s32 $0xDA00, s0  }
0x7: {  	s6 =	smul.u32 $0x2800, s1;
	s15 =	ssub.s32 $0x2, s1;
	s1 =	sshll.u32 s1, $0x4  }
0x8: {  	_ =	strace $0x8000004D;
	[dreg:$0x3] =	wrdreg s7;
	s1 =	sor.u32 s8, s1  }
0x9: {  	s5 =	sadd.s32 s5, s6;
	s6 =	sshrl.u32 s12, $0x2;
	s12 =	smul.u32 $0x2800, s1  }
0xa: {  	s16 =	sshrl.u32 s15, $0x1;
	s1 =	smul.u32 $0x500, s1;
	s5 =	sshll.u32 s5, $0x4  }
0xb: {  	s6 =	sadd.s32 s6, s2;
	s0 =	sadd.s32 s5, s0;
	s5 =	ssub.s32 s15, s16  }
0xc: {  	s7 =	sadd.s32 $0x2800, s6;
	s8 =	sadd.s32 $0x5000, s6;
	s16 =	sadd.s32 s13, s1  }
0xd: {  	s9 =	sadd.s32 $0x7800, s6;
	s1 =	sadd.s32 s14, s1;
	[dreg:$0x4] =	wrdreg s16  }
0xe: {  	s10 =	sadd.s32 $0xA000, s6;
	[dreg:$0x5] =	wrdreg s1;
	s19 =	sadd.s32 $0x66A00, s0  }
0xf: {  	s11 =	sadd.s32 $0xC800, s6;
	s20 =	sadd.s32 $0x66F00, s0;
	[dreg:$0x8] =	wrdreg s19  }
0x10: {  	s15 =	sshrl.u32 s12, $0x3;
	s21 =	sadd.s32 $0x67400, s0;
	[dreg:$0x9] =	wrdreg s20  }
0x11: {  	s12 =	sadd.s32 $0xF000, s6;
	s22 =	sadd.s32 $0x67900, s0;
	[dreg:$0xa] =	wrdreg s21  }
0x12: {  	s15 =	sadd.s32 $0x280, s15;
	s23 =	sadd.s32 $0x67E00, s0;
	[dreg:$0xb] =	wrdreg s22  }
0x13: {  	s24 =	sadd.s32 $0x68300, s0;
	s25 =	sadd.s32 $0x68800, s0;
	[dreg:$0xc] =	wrdreg s23  }
0x14: {  	s0 =	sadd.s32 $0x68D00, s0;
	s26 =	smax.u32 s5, $0x1;
	[dreg:$0xd] =	wrdreg s24  }
0x15: {  	s1 =	simm.s32 $0x7D;
	s5 =	simm.s32 $0x1A800;
	[dreg:$0xe] =	wrdreg s25  }
0x16: {  	s16 =	simm.s32 $0x2;
	s17 =	sadd.s32 s13, s15;
	[dreg:$0xf] =	wrdreg s0  }
0x17: {  	s18 =	sadd.s32 s14, s15;
	[dreg:$0x10] =	wrdreg s26;
	s26 =	sadd.s32 $0x11800, s6  }
0x18: {  	s0 =	simm.s32 $0x14080;
	s13 =	simm.s32 $0x1;
	s14 =	simm.s32 $0x3  }
0x19: {  	s15 =	simm.s32 $0x14100;
	s19 =	simm.s32 $0x15380;
	s20 =	simm.s32 $0x16700  }
0x1a: {  	s21 =	simm.s32 $0x16780;
	s22 =	simm.s32 $0x0;
	[dreg:$0x6] =	wrdreg s17  }
0x1b: {  	[dreg:$0x7] =	wrdreg s18;
	s17 =	simm.s32 $0x15480;
	s18 =	simm.s32 $0x4  }
.LBB2_1:
0x1c: {  	s23 =	rddreg [dreg:$0x3]  }
0x1d: {  	[tilespmem:s28], [sflag:$0x5] =	stream.linear.gather [hbm4b:s23+s3], $0x2800, $0x38;
	[tilespmem:$0x1E800] =	vst v63  }
0x1e: {  	_ =	swait.ge [sflag:s29], $0x2800  }
0x1f: {  	[sflag:s29] =	ssyncset.done $0x0  }
0x20: {  	[sflag:s29] =	ssyncadd.s32 $0xFFFFD800  }
0x21: {  	[spmem:s6] =	stream.linear.scatter [tilespmem:s28], [sflag:$0x5], $0x2800, $0x38;
	[tilespmem:$0x1E800] =	vst v63  }
0x22: {  	_ =	swait.ge [sflag:s29], $0x2800  }
0x23: {  	[sflag:s29] =	ssyncset.done $0x0  }
0x24: {  	[sflag:s29] =	ssyncadd.s32 $0xFFFFD800  }
0x25: {  	[spmem:s7] =	stream.linear.scatter [tilespmem:s28], [sflag:$0x5], $0x2800, $0x38;
	[tilespmem:$0x1E800] =	vst v63  }
0x26: {  	_ =	swait.ge [sflag:s29], $0x2800  }
0x27: {  	[sflag:s29] =	ssyncset.done $0x0  }
0x28: {  	[sflag:s29] =	ssyncadd.s32 $0xFFFFD800  }
0x29: {  	[spmem:s8] =	stream.linear.scatter [tilespmem:s28], [sflag:$0x5], $0x2800, $0x38;
	[tilespmem:$0x1E800] =	vst v63  }
0x2a: {  	_ =	swait.ge [sflag:s29], $0x2800  }
0x2b: {  	[sflag:s29] =	ssyncset.done $0x0  }
0x2c: {  	[sflag:s29] =	ssyncadd.s32 $0xFFFFD800  }
0x2d: {  	[spmem:s9] =	stream.linear.scatter [tilespmem:s28], [sflag:$0x5], $0x2800, $0x38;
	[tilespmem:$0x1E800] =	vst v63  }
0x2e: {  	_ =	swait.ge [sflag:s29], $0x2800  }
0x2f: {  	[sflag:s29] =	ssyncset.done $0x0  }
0x30: {  	[sflag:s29] =	ssyncadd.s32 $0xFFFFD800  }
0x31: {  	[spmem:s10] =	stream.linear.scatter [tilespmem:s28], [sflag:$0x5], $0x2800, $0x38;
	[tilespmem:$0x1E800] =	vst v63  }
0x32: {  	_ =	swait.ge [sflag:s29], $0x2800  }
0x33: {  	[sflag:s29] =	ssyncset.done $0x0  }
0x34: {  	[sflag:s29] =	ssyncadd.s32 $0xFFFFD800  }
0x35: {  	[spmem:s11] =	stream.linear.scatter [tilespmem:s28], [sflag:$0x5], $0x2800, $0x38;
	[tilespmem:$0x1E800] =	vst v63  }
0x36: {  	_ =	swait.ge [sflag:s29], $0x2800  }
0x37: {  	[sflag:s29] =	ssyncset.done $0x0  }
0x38: {  	[sflag:s29] =	ssyncadd.s32 $0xFFFFD800  }
0x39: {  	[spmem:s12] =	stream.linear.scatter [tilespmem:s28], [sflag:$0x5], $0x2800, $0x38;
	[tilespmem:$0x1E800] =	vst v63  }
0x3a: {  	_ =	swait.ge [sflag:s29], $0x2800  }
0x3b: {  	[sflag:s29] =	ssyncset.done $0x0  }
0x3c: {  	[sflag:s29] =	ssyncadd.s32 $0xFFFFD800  }
0x3d: {  	[spmem:s26] =	stream.linear.scatter [tilespmem:s28], [sflag:$0x5], $0x2800, $0x38;
	[tilespmem:$0x1E800] =	vst v63  }
0x3e: {  	_ =	swait.ge [sflag:s29], $0x2800  }
0x3f: {  	[sflag:s29] =	ssyncset.done $0x0  }
0x40: {  	[sflag:s29] =	ssyncadd.s32 $0xFFFFD800  }
0x41: {  	[bflag:$0x0] =	sbarrier.arrive $0xFFFF  }
0x42: {  	s25 =	rddreg [dreg:$0x4]  }
0x43: {  	[tilespmem:s30], [sflag:$0x5] =	stream.linear.gather [hbm4b:s25+s3], $0x1400, $0x38;
	[tilespmem:$0x1E800] =	vst v63  }
0x44: {  	_ =	swait.ge [sflag:s29], $0x1400  }
0x45: {  	[sflag:s29] =	ssyncset.done $0x0  }
0x46: {  	s24 =	rddreg [dreg:$0x5];
	[sflag:s29] =	ssyncadd.s32 $0xFFFFEC00  }
0x47: {  	[tilespmem:s31], [sflag:$0x5] =	stream.linear.gather [hbm4b:s24+s3], $0x1400, $0x38;
	[tilespmem:$0x1E800] =	vst v63  }
0x48: {  	_ =	swait.ge [sflag:s29], $0x1400  }
0x49: {  	[sflag:s29] =	ssyncset.done $0x0  }
0x4a: {  	[sflag:s29] =	ssyncadd.s32 $0xFFFFEC00  }
0x4b: {  	[tilespmem:s28], [sflag:$0x1] =	stream.indirect.gather [hbm4b:s4+s1], $0x80, s30, s1, $0xb8;
	[tilespmem:$0x1E800] =	vst v63  }
0x4c: {  	_ = 	snop  }
0x4d: {  	[tilespmem:s5], [sflag:$0x2] =	stream.indirect.gather [hbm4b:s4+s1], $0x80, s0, s1, $0xb8;
	[tilespmem:$0x1E800] =	vst v63  }
0x4e: {  	_ =	swait.ge [sflag:s13], $0x3E80  }
0x4f: {  	[sflag:s13] =	ssyncset.done $0x0  }
0x50: {  	[sflag:s13] =	ssyncadd.s32 $0xFFFFC180  }
0x51: {  	[spmem:s2] =	stream.indirect.scatter.add.f32 [tilespmem:s28], [sflag:$0x3], $0x80, s31, s1, $0xb8;
	[tilespmem:$0x1E800] =	vst v63  }
0x52: {  	_ =	swait.ge [sflag:s14], $0x3E80  }
0x53: {  	[sflag:s14] =	ssyncset.done $0x0  }
0x54: {  	[sflag:s14] =	ssyncadd.s32 $0xFFFFC180  }
0x55: {  	[tilespmem:s28], [sflag:$0x1] =	stream.indirect.gather [hbm4b:s4+s1], $0x80, s15, s1, $0xb8;
	[tilespmem:$0x1E800] =	vst v63  }
0x56: {  	_ =	swait.ge [sflag:s16], $0x3E80  }
0x57: {  	[sflag:s16] =	ssyncset.done $0x0  }
0x58: {  	[sflag:s16] =	ssyncadd.s32 $0xFFFFC180  }
0x59: {  	[spmem:s2] =	stream.indirect.scatter.add.f32 [tilespmem:s5], [sflag:$0x4], $0x80, s17, s1, $0xb8;
	[tilespmem:$0x1E800] =	vst v63  }
0x5a: {  	_ =	swait.ge [sflag:s18], $0x3E80  }
0x5b: {  	[sflag:s18] =	ssyncset.done $0x0  }
0x5c: {  	s25 =	simm.s32 $0x14180;
	[sflag:s18] =	ssyncadd.s32 $0xFFFFC180  }
0x5d: {  	[tilespmem:s5], [sflag:$0x2] =	stream.indirect.gather [hbm4b:s4+s1], $0x80, s25, s1, $0xb8;
	[tilespmem:$0x1E800] =	vst v63  }
0x5e: {  	_ =	swait.ge [sflag:s13], $0x3E80  }
0x5f: {  	[sflag:s13] =	ssyncset.done $0x0  }
0x60: {  	s24 =	simm.s32 $0x15500;
	[sflag:s13] =	ssyncadd.s32 $0xFFFFC180  }
0x61: {  	[spmem:s2] =	stream.indirect.scatter.add.f32 [tilespmem:s28], [sflag:$0x3], $0x80, s24, s1, $0xb8;
	[tilespmem:$0x1E800] =	vst v63  }
0x62: {  	_ =	swait.ge [sflag:s14], $0x3E80  }
0x63: {  	[sflag:s14] =	ssyncset.done $0x0  }
0x64: {  	s25 =	simm.s32 $0x14200;
	[sflag:s14] =	ssyncadd.s32 $0xFFFFC180  }
0x65: {  	[tilespmem:s28], [sflag:$0x1] =	stream.indirect.gather [hbm4b:s4+s1], $0x80, s25, s1, $0xb8;
	[tilespmem:$0x1E800] =	vst v63  }
0x66: {  	_ =	swait.ge [sflag:s16], $0x3E80  }
0x67: {  	[sflag:s16] =	ssyncset.done $0x0  }
0x68: {  	s23 =	simm.s32 $0xFFFFBC00;
	s24 =	simm.s32 $0x15580;
	[sflag:s16] =	ssyncadd.s32 $0xFFFFC180  }
.LBB2_2:
0x69: {  	[spmem:s2] =	stream.indirect.scatter.add.f32 [tilespmem:s5], [sflag:$0x4], $0x80, s24, s1, $0xb8;
	[tilespmem:$0x1E800] =	vst v63  }
0x6a: {  	s24 =	smov.u32 s23  }
0x6b: {  	p0 =	sne.s32 s23, $0xFFFFFC00;
	s23 =	sadd.s32 $0x400, s23;
	_ =	swait.ge [sflag:s18], $0x3E80  }
0x6c: {  	s24 =	sshra.s32 s24, $0x2;
	[sflag:s18] =	ssyncset.done $0x0  }
0x6d: {  	s25 =	sadd.s32 $0x15380, s24;
	[sflag:s18] =	ssyncadd.s32 $0xFFFFC180  }
0x6e: {  	[tilespmem:s5], [sflag:$0x2] =	stream.indirect.gather [hbm4b:s4+s1], $0x80, s25, s1, $0xb8;
	[tilespmem:$0x1E800] =	vst v63  }
0x6f: {  	_ =	swait.ge [sflag:s13], $0x3E80  }
0x70: {  	[sflag:s13] =	ssyncset.done $0x0  }
0x71: {  	s25 =	sadd.s32 $0x16700, s24;
	[sflag:s13] =	ssyncadd.s32 $0xFFFFC180  }
0x72: {  	[spmem:s2] =	stream.indirect.scatter.add.f32 [tilespmem:s28], [sflag:$0x3], $0x80, s25, s1, $0xb8;
	[tilespmem:$0x1E800] =	vst v63  }
0x73: {  	_ =	swait.ge [sflag:s14], $0x3E80  }
0x74: {  	[sflag:s14] =	ssyncset.done $0x0  }
.Ltmp0:
0x75: {  	s25 =	sadd.s32 $0x15400, s24;
	[sflag:s14] =	ssyncadd.s32 $0xFFFFC180;
	(pc) =	sbr.rel @p0 .LBB2_2-.Ltmp0, $4  }
0x76: {  	[tilespmem:s28], [sflag:$0x1] =	stream.indirect.gather [hbm4b:s4+s1], $0x80, s25, s1, $0xb8;
	[tilespmem:$0x1E800] =	vst v63  }
0x77: {  	_ =	swait.ge [sflag:s16], $0x3E80  }
0x78: {  	[sflag:s16] =	ssyncset.done $0x0  }
0x79: {  	s24 =	sadd.s32 $0x16780, s24;
	[sflag:s16] =	ssyncadd.s32 $0xFFFFC180  }
0x7a: {  	[spmem:s2] =	stream.indirect.scatter.add.f32 [tilespmem:s5], [sflag:$0x4], $0x80, s24, s1, $0xb8;
	[tilespmem:$0x1E800] =	vst v63  }
0x7b: {  	_ =	swait.ge [sflag:s18], $0x3E80  }
0x7c: {  	[sflag:s18] =	ssyncset.done $0x0  }
0x7d: {  	[sflag:s18] =	ssyncadd.s32 $0xFFFFC180  }
0x7e: {  	[tilespmem:s5], [sflag:$0x2] =	stream.indirect.gather [hbm4b:s4+s1], $0x80, s19, s1, $0xb8;
	[tilespmem:$0x1E800] =	vst v63  }
0x7f: {  	_ =	swait.ge [sflag:s13], $0x3E80  }
0x80: {  	[sflag:s13] =	ssyncset.done $0x0  }
0x81: {  	[sflag:s13] =	ssyncadd.s32 $0xFFFFC180  }
0x82: {  	[spmem:s2] =	stream.indirect.scatter.add.f32 [tilespmem:s28], [sflag:$0x3], $0x80, s20, s1, $0xb8;
	[tilespmem:$0x1E800] =	vst v63  }
0x83: {  	_ =	swait.ge [sflag:s14], $0x3E80  }
0x84: {  	[sflag:s14] =	ssyncset.done $0x0  }
0x85: {  	[sflag:s14] =	ssyncadd.s32 $0xFFFFC180  }
0x86: {  	_ =	swait.ge [sflag:s16], $0x3E80  }
0x87: {  	[sflag:s16] =	ssyncset.done $0x0  }
0x88: {  	[sflag:s16] =	ssyncadd.s32 $0xFFFFC180  }
0x89: {  	[spmem:s2] =	stream.indirect.scatter.add.f32 [tilespmem:s5], [sflag:$0x4], $0x80, s21, s1, $0xb8;
	[tilespmem:$0x1E800] =	vst v63  }
0x8a: {  	_ =	swait.ge [sflag:s18], $0x3E80  }
0x8b: {  	[sflag:s18] =	ssyncset.done $0x0  }
0x8c: {  	s23 =	rddreg [dreg:$0x6];
	[sflag:s18] =	ssyncadd.s32 $0xFFFFC180  }
0x8d: {  	[tilespmem:s30], [sflag:$0x5] =	stream.linear.gather [hbm4b:s23+s3], $0x1400, $0x38;
	[tilespmem:$0x1E800] =	vst v63  }
0x8e: {  	_ =	swait.ge [sflag:s29], $0x1400  }
0x8f: {  	[sflag:s29] =	ssyncset.done $0x0  }
0x90: {  	s24 =	rddreg [dreg:$0x7];
	[sflag:s29] =	ssyncadd.s32 $0xFFFFEC00  }
0x91: {  	[tilespmem:s31], [sflag:$0x5] =	stream.linear.gather [hbm4b:s24+s3], $0x1400, $0x38;
	[tilespmem:$0x1E800] =	vst v63  }
0x92: {  	_ =	swait.ge [sflag:s29], $0x1400  }
0x93: {  	[sflag:s29] =	ssyncset.done $0x0  }
0x94: {  	[sflag:s29] =	ssyncadd.s32 $0xFFFFEC00  }
0x95: {  	[tilespmem:s28], [sflag:$0x1] =	stream.indirect.gather [hbm4b:s4+s1], $0x80, s30, s1, $0xb8;
	[tilespmem:$0x1E800] =	vst v63  }
0x96: {  	_ = 	snop  }
0x97: {  	[tilespmem:s5], [sflag:$0x2] =	stream.indirect.gather [hbm4b:s4+s1], $0x80, s0, s1, $0xb8;
	[tilespmem:$0x1E800] =	vst v63  }
0x98: {  	_ =	swait.ge [sflag:s13], $0x3E80  }
0x99: {  	[sflag:s13] =	ssyncset.done $0x0  }
0x9a: {  	[sflag:s13] =	ssyncadd.s32 $0xFFFFC180  }
0x9b: {  	[spmem:s2] =	stream.indirect.scatter.add.f32 [tilespmem:s28], [sflag:$0x3], $0x80, s31, s1, $0xb8;
	[tilespmem:$0x1E800] =	vst v63  }
0x9c: {  	_ =	swait.ge [sflag:s14], $0x3E80  }
0x9d: {  	[sflag:s14] =	ssyncset.done $0x0  }
0x9e: {  	[sflag:s14] =	ssyncadd.s32 $0xFFFFC180  }
0x9f: {  	[tilespmem:s28], [sflag:$0x1] =	stream.indirect.gather [hbm4b:s4+s1], $0x80, s15, s1, $0xb8;
	[tilespmem:$0x1E800] =	vst v63  }
0xa0: {  	_ =	swait.ge [sflag:s16], $0x3E80  }
0xa1: {  	[sflag:s16] =	ssyncset.done $0x0  }
0xa2: {  	[sflag:s16] =	ssyncadd.s32 $0xFFFFC180  }
0xa3: {  	[spmem:s2] =	stream.indirect.scatter.add.f32 [tilespmem:s5], [sflag:$0x4], $0x80, s17, s1, $0xb8;
	[tilespmem:$0x1E800] =	vst v63  }
0xa4: {  	_ =	swait.ge [sflag:s18], $0x3E80  }
0xa5: {  	[sflag:s18] =	ssyncset.done $0x0  }
0xa6: {  	s25 =	simm.s32 $0x14180;
	[sflag:s18] =	ssyncadd.s32 $0xFFFFC180  }
0xa7: {  	[tilespmem:s5], [sflag:$0x2] =	stream.indirect.gather [hbm4b:s4+s1], $0x80, s25, s1, $0xb8;
	[tilespmem:$0x1E800] =	vst v63  }
0xa8: {  	_ =	swait.ge [sflag:s13], $0x3E80  }
0xa9: {  	[sflag:s13] =	ssyncset.done $0x0  }
0xaa: {  	s24 =	simm.s32 $0x15500;
	[sflag:s13] =	ssyncadd.s32 $0xFFFFC180  }
0xab: {  	[spmem:s2] =	stream.indirect.scatter.add.f32 [tilespmem:s28], [sflag:$0x3], $0x80, s24, s1, $0xb8;
	[tilespmem:$0x1E800] =	vst v63  }
0xac: {  	_ =	swait.ge [sflag:s14], $0x3E80  }
0xad: {  	[sflag:s14] =	ssyncset.done $0x0  }
0xae: {  	s25 =	simm.s32 $0x14200;
	[sflag:s14] =	ssyncadd.s32 $0xFFFFC180  }
0xaf: {  	[tilespmem:s28], [sflag:$0x1] =	stream.indirect.gather [hbm4b:s4+s1], $0x80, s25, s1, $0xb8;
	[tilespmem:$0x1E800] =	vst v63  }
0xb0: {  	_ =	swait.ge [sflag:s16], $0x3E80  }
0xb1: {  	[sflag:s16] =	ssyncset.done $0x0  }
0xb2: {  	s23 =	simm.s32 $0xFFFFBC00;
	s24 =	simm.s32 $0x15580;
	[sflag:s16] =	ssyncadd.s32 $0xFFFFC180  }
.LBB2_4:
0xb3: {  	[spmem:s2] =	stream.indirect.scatter.add.f32 [tilespmem:s5], [sflag:$0x4], $0x80, s24, s1, $0xb8;
	[tilespmem:$0x1E800] =	vst v63  }
0xb4: {  	s24 =	smov.u32 s23  }
0xb5: {  	p0 =	sne.s32 s23, $0xFFFFFC00;
	s23 =	sadd.s32 $0x400, s23;
	_ =	swait.ge [sflag:s18], $0x3E80  }
0xb6: {  	s24 =	sshra.s32 s24, $0x2;
	[sflag:s18] =	ssyncset.done $0x0  }
0xb7: {  	s25 =	sadd.s32 $0x15380, s24;
	[sflag:s18] =	ssyncadd.s32 $0xFFFFC180  }
0xb8: {  	[tilespmem:s5], [sflag:$0x2] =	stream.indirect.gather [hbm4b:s4+s1], $0x80, s25, s1, $0xb8;
	[tilespmem:$0x1E800] =	vst v63  }
0xb9: {  	_ =	swait.ge [sflag:s13], $0x3E80  }
0xba: {  	[sflag:s13] =	ssyncset.done $0x0  }
0xbb: {  	s25 =	sadd.s32 $0x16700, s24;
	[sflag:s13] =	ssyncadd.s32 $0xFFFFC180  }
0xbc: {  	[spmem:s2] =	stream.indirect.scatter.add.f32 [tilespmem:s28], [sflag:$0x3], $0x80, s25, s1, $0xb8;
	[tilespmem:$0x1E800] =	vst v63  }
0xbd: {  	_ =	swait.ge [sflag:s14], $0x3E80  }
0xbe: {  	[sflag:s14] =	ssyncset.done $0x0  }
.Ltmp1:
0xbf: {  	s25 =	sadd.s32 $0x15400, s24;
	[sflag:s14] =	ssyncadd.s32 $0xFFFFC180;
	(pc) =	sbr.rel @p0 .LBB2_4-.Ltmp1, $4  }
0xc0: {  	[tilespmem:s28], [sflag:$0x1] =	stream.indirect.gather [hbm4b:s4+s1], $0x80, s25, s1, $0xb8;
	[tilespmem:$0x1E800] =	vst v63  }
0xc1: {  	_ =	swait.ge [sflag:s16], $0x3E80  }
0xc2: {  	[sflag:s16] =	ssyncset.done $0x0  }
0xc3: {  	s24 =	sadd.s32 $0x16780, s24;
	[sflag:s16] =	ssyncadd.s32 $0xFFFFC180  }
0xc4: {  	[spmem:s2] =	stream.indirect.scatter.add.f32 [tilespmem:s5], [sflag:$0x4], $0x80, s24, s1, $0xb8;
	[tilespmem:$0x1E800] =	vst v63  }
0xc5: {  	_ =	swait.ge [sflag:s18], $0x3E80  }
0xc6: {  	[sflag:s18] =	ssyncset.done $0x0  }
0xc7: {  	[sflag:s18] =	ssyncadd.s32 $0xFFFFC180  }
0xc8: {  	[tilespmem:s5], [sflag:$0x2] =	stream.indirect.gather [hbm4b:s4+s1], $0x80, s19, s1, $0xb8;
	[tilespmem:$0x1E800] =	vst v63  }
0xc9: {  	_ =	swait.ge [sflag:s13], $0x3E80  }
0xca: {  	[sflag:s13] =	ssyncset.done $0x0  }
0xcb: {  	[sflag:s13] =	ssyncadd.s32 $0xFFFFC180  }
0xcc: {  	[spmem:s2] =	stream.indirect.scatter.add.f32 [tilespmem:s28], [sflag:$0x3], $0x80, s20, s1, $0xb8;
	[tilespmem:$0x1E800] =	vst v63  }
0xcd: {  	_ =	swait.ge [sflag:s14], $0x3E80  }
0xce: {  	[sflag:s14] =	ssyncset.done $0x0  }
0xcf: {  	[sflag:s14] =	ssyncadd.s32 $0xFFFFC180  }
0xd0: {  	_ =	swait.ge [sflag:s16], $0x3E80  }
0xd1: {  	[sflag:s16] =	ssyncset.done $0x0  }
0xd2: {  	[sflag:s16] =	ssyncadd.s32 $0xFFFFC180  }
0xd3: {  	[spmem:s2] =	stream.indirect.scatter.add.f32 [tilespmem:s5], [sflag:$0x4], $0x80, s21, s1, $0xb8;
	[tilespmem:$0x1E800] =	vst v63  }
0xd4: {  	_ =	swait.ge [sflag:s18], $0x3E80  }
0xd5: {  	[sflag:s18] =	ssyncset.done $0x0  }
0xd6: {  	[sflag:s18] =	ssyncadd.s32 $0xFFFFC180  }
0xd7: {  	[bflag:$0x0] =	sbarrier.arrive $0xFFFF  }
0xd8: {  	[tilespmem:s28], [sflag:$0x5] =	stream.linear.gather [spmem:s6], $0x2800, $0x38;
	[tilespmem:$0x1E800] =	vst v63  }
0xd9: {  	_ =	swait.ge [sflag:s29], $0x2800  }
0xda: {  	[sflag:s29] =	ssyncset.done $0x0  }
0xdb: {  	s23 =	rddreg [dreg:$0x8];
	[sflag:s29] =	ssyncadd.s32 $0xFFFFD800  }
0xdc: {  	[hbm4b:s23+s3] =	stream.linear.scatter [tilespmem:s28], [sflag:$0x5], $0x2800, $0x38;
	[tilespmem:$0x1E800] =	vst v63  }
0xdd: {  	_ =	swait.ge [sflag:s29], $0x2800  }
0xde: {  	[sflag:s29] =	ssyncset.done $0x0  }
0xdf: {  	[sflag:s29] =	ssyncadd.s32 $0xFFFFD800  }
0xe0: {  	[tilespmem:s28], [sflag:$0x5] =	stream.linear.gather [spmem:s7], $0x2800, $0x38;
	[tilespmem:$0x1E800] =	vst v63  }
0xe1: {  	_ =	swait.ge [sflag:s29], $0x2800  }
0xe2: {  	[sflag:s29] =	ssyncset.done $0x0  }
0xe3: {  	s24 =	rddreg [dreg:$0x9];
	[sflag:s29] =	ssyncadd.s32 $0xFFFFD800  }
0xe4: {  	[hbm4b:s24+s3] =	stream.linear.scatter [tilespmem:s28], [sflag:$0x5], $0x2800, $0x38;
	[tilespmem:$0x1E800] =	vst v63  }
0xe5: {  	_ =	swait.ge [sflag:s29], $0x2800  }
0xe6: {  	[sflag:s29] =	ssyncset.done $0x0  }
0xe7: {  	[sflag:s29] =	ssyncadd.s32 $0xFFFFD800  }
0xe8: {  	[tilespmem:s28], [sflag:$0x5] =	stream.linear.gather [spmem:s8], $0x2800, $0x38;
	[tilespmem:$0x1E800] =	vst v63  }
0xe9: {  	_ =	swait.ge [sflag:s29], $0x2800  }
0xea: {  	[sflag:s29] =	ssyncset.done $0x0  }
0xeb: {  	s25 =	rddreg [dreg:$0xa];
	[sflag:s29] =	ssyncadd.s32 $0xFFFFD800  }
0xec: {  	[hbm4b:s25+s3] =	stream.linear.scatter [tilespmem:s28], [sflag:$0x5], $0x2800, $0x38;
	[tilespmem:$0x1E800] =	vst v63  }
0xed: {  	_ =	swait.ge [sflag:s29], $0x2800  }
0xee: {  	[sflag:s29] =	ssyncset.done $0x0  }
0xef: {  	[sflag:s29] =	ssyncadd.s32 $0xFFFFD800  }
0xf0: {  	[tilespmem:s28], [sflag:$0x5] =	stream.linear.gather [spmem:s9], $0x2800, $0x38;
	[tilespmem:$0x1E800] =	vst v63  }
0xf1: {  	_ =	swait.ge [sflag:s29], $0x2800  }
0xf2: {  	[sflag:s29] =	ssyncset.done $0x0  }
0xf3: {  	s24 =	rddreg [dreg:$0xb];
	[sflag:s29] =	ssyncadd.s32 $0xFFFFD800  }
0xf4: {  	[hbm4b:s24+s3] =	stream.linear.scatter [tilespmem:s28], [sflag:$0x5], $0x2800, $0x38;
	[tilespmem:$0x1E800] =	vst v63  }
0xf5: {  	_ =	swait.ge [sflag:s29], $0x2800  }
0xf6: {  	[sflag:s29] =	ssyncset.done $0x0  }
0xf7: {  	[sflag:s29] =	ssyncadd.s32 $0xFFFFD800  }
0xf8: {  	[tilespmem:s28], [sflag:$0x5] =	stream.linear.gather [spmem:s10], $0x2800, $0x38;
	[tilespmem:$0x1E800] =	vst v63  }
0xf9: {  	_ =	swait.ge [sflag:s29], $0x2800  }
0xfa: {  	[sflag:s29] =	ssyncset.done $0x0  }
0xfb: {  	s25 =	rddreg [dreg:$0xc];
	[sflag:s29] =	ssyncadd.s32 $0xFFFFD800  }
0xfc: {  	[hbm4b:s25+s3] =	stream.linear.scatter [tilespmem:s28], [sflag:$0x5], $0x2800, $0x38;
	[tilespmem:$0x1E800] =	vst v63  }
0xfd: {  	_ =	swait.ge [sflag:s29], $0x2800  }
0xfe: {  	[sflag:s29] =	ssyncset.done $0x0  }
0xff: {  	[sflag:s29] =	ssyncadd.s32 $0xFFFFD800  }
0x100: {  	[tilespmem:s28], [sflag:$0x5] =	stream.linear.gather [spmem:s11], $0x2800, $0x38;
	[tilespmem:$0x1E800] =	vst v63  }
0x101: {  	_ =	swait.ge [sflag:s29], $0x2800  }
0x102: {  	[sflag:s29] =	ssyncset.done $0x0  }
0x103: {  	s24 =	rddreg [dreg:$0xd];
	[sflag:s29] =	ssyncadd.s32 $0xFFFFD800  }
0x104: {  	[hbm4b:s24+s3] =	stream.linear.scatter [tilespmem:s28], [sflag:$0x5], $0x2800, $0x38;
	[tilespmem:$0x1E800] =	vst v63  }
0x105: {  	_ =	swait.ge [sflag:s29], $0x2800  }
0x106: {  	[sflag:s29] =	ssyncset.done $0x0  }
0x107: {  	[sflag:s29] =	ssyncadd.s32 $0xFFFFD800  }
0x108: {  	[tilespmem:s28], [sflag:$0x5] =	stream.linear.gather [spmem:s12], $0x2800, $0x38;
	[tilespmem:$0x1E800] =	vst v63  }
0x109: {  	_ =	swait.ge [sflag:s29], $0x2800  }
0x10a: {  	[sflag:s29] =	ssyncset.done $0x0  }
0x10b: {  	s25 =	rddreg [dreg:$0xe];
	[sflag:s29] =	ssyncadd.s32 $0xFFFFD800  }
0x10c: {  	[hbm4b:s25+s3] =	stream.linear.scatter [tilespmem:s28], [sflag:$0x5], $0x2800, $0x38;
	[tilespmem:$0x1E800] =	vst v63  }
0x10d: {  	_ =	swait.ge [sflag:s29], $0x2800  }
0x10e: {  	[sflag:s29] =	ssyncset.done $0x0  }
0x10f: {  	[sflag:s29] =	ssyncadd.s32 $0xFFFFD800  }
0x110: {  	[tilespmem:s28], [sflag:$0x5] =	stream.linear.gather [spmem:s26], $0x2800, $0x38;
	[tilespmem:$0x1E800] =	vst v63  }
0x111: {  	_ =	swait.ge [sflag:s29], $0x2800  }
0x112: {  	[sflag:s29] =	ssyncset.done $0x0  }
0x113: {  	s24 =	rddreg [dreg:$0xf];
	[sflag:s29] =	ssyncadd.s32 $0xFFFFD800  }
0x114: {  	[hbm4b:s24+s3] =	stream.linear.scatter [tilespmem:s28], [sflag:$0x5], $0x2800, $0x38;
	[tilespmem:$0x1E800] =	vst v63  }
0x115: {  	_ =	swait.ge [sflag:s29], $0x2800  }
0x116: {  	s22 =	sadd.s32 $0x1, s22;
	s25 =	rddreg [dreg:$0x10]  }
0x117: {  	p0 =	sne.s32 s22, s25  }
.Ltmp2:
0x118: {  	_ = 	snop;
	(pc) =	sbr.rel @p0 .LBB2_1-.Ltmp2, $3  }
0x119: {  	_ =	sdelay $0x1  }
0x11a: {  	[sflag:s29] =	ssyncset.done $0x0  }
0x11b: {  	[sflag:s29] =	ssyncadd.s32 $0xFFFFD800  }
0x11c: {  	_ =	sfence.sel $0x180000  }
0x11d: {  	[bflag:$0x0] =	sbarrier.arrive $0xFFFF  }
0x11e: {  	_ =	strace $0x9000004D  }
0x11f: {  	s0 =	stileid.u32;
	[bflag:$0x2] =	sbarrier.arrive $0xFFFF  }
0x120: {  	p0 =	sne.s32 s0, $0x0;
	s0 =	rddreg [dreg:$0x2]  }
0x121: {  	s0 =	sadd.s32 @!p0 $0x100000, s0  }
0x122: {  	[sflag:s0] =	ssyncadd.tile.s32 @!p0 $0x1;
	_ =	shalt  }
.Lfunc_end2:
_tile_overlayer_lowered:
.L_overlay_start_2:
0x123: {  	(tag) =	ssettag $0x2  }
0x124: {  	s0 =	rddreg [dreg:$0x0];
	s2 =	stileid.u32  }
0x125: {  	s1 =	rddreg [dreg:$0x1];
	p0 =	sne.s32 s2, $0x0  }
0x126: {  	s3 =	rddreg [dreg:$0x2];
	[bflag:$0x3] =	sbarrier.arrive $0xFFFF;
	s2 =	simm.s32 @!p0 $0x1C05  }
0x127: {  	[timem:s3], [sflag:s2] =	dma.local @!p0 [hbm:s0], s1  }
0x128: {  	s0 =	simm.s32 @!p0 $0x5  }
0x129: {  	_ =	swait.ge @!p0 [sflag:s0], s1  }
0x12a: {  	s1 =	ssub.s32 @!p0 $0x0, s1;
	[sflag:s0] =	ssyncset.done @!p0 $0x0  }
0x12b: {  	[sflag:s0] =	ssyncadd.s32 @!p0 s1  }
0x12c: {  	[bflag:$0x3] =	sbarrier.arrive $0xFFFF  }
0x12d: {  	_ =	shalt  }

// kernel: kernel.8.cloned.1.call-start
scs
__scs_entry_jumppad:
0x0: {  	(pc) =	sbr.rel $0x88, $3  }
0x1: {  	(tag) =	ssettag $0x0;
	lr =	simm.s32 $0x1  }
0x2: {  	[smem:$0x3F96] =	sst lr;
	_ =	strace $0xD0000000  }
0x3: {  	_ = 	snop  }
0x4: {  	_ = 	snop  }
0x5: {  	_ = 	snop  }
0x6: {  	_ = 	snop  }
0x7: {  	_ = 	snop  }
__scs_overlays_trampoline_lowered:
0x8: {  	[smem:$0x3FA5] =	sst s0  }
0x9: {  	[smem:$0x3FA6] =	sst s1  }
0xa: {  	[smem:$0x3FA7] =	sst s2  }
0xb: {  	[smem:$0x3FA8] =	sst s3  }
0xc: {  	[smem:$0x3FA9] =	sst s4  }
0xd: {  	[smem:$0x3FAA] =	sst s5  }
0xe: {  	[smem:$0x3FAB] =	sst s6  }
0xf: {  	[smem:$0x3FAC] =	sst s7  }
0x10: {  	[smem:$0x3FAD] =	sst s8  }
0x11: {  	[smem:$0x3FAE] =	sst s9;
	s0 =	simm.s32 @!p0 $0x0  }
0x12: {  	s1 =	sld [smem:$0x3F94];
	s0 =	simm.s32 @p0 $0x1  }
0x13: {  	[smem:$0x3FAF] =	sst s0;
	s0 =	simm.s32 @!p1 $0x0  }
0x14: {  	s2 =	sld [smem:$0x3F93];
	s0 =	simm.s32 @p1 $0x1  }
0x15: {  	[smem:$0x3FB0] =	sst s0;
	s0 =	simm.s32 @!p2 $0x0  }
0x16: {  	s3 =	sld [smem:$0x3FDB];
	s0 =	simm.s32 @p2 $0x1  }
0x17: {  	s4 =	simm.s32 $0x1BF5;
	[smem:$0x3FB2] =	sst s0  }
0x18: {  	s0 =	sld [smem:$0x3F95];
	_ =	swait.ge [sflag:s4], $0x0  }
0x19: {  	s7 =	sld [smem:$0x3F96]  }
0x1a: {  	s8 =	sadd.s32 $0xFFFFE003, lr  }
0x1b: {  	s9 =	sadd.s32 $0xFFFFFEF7, lr;
	s5 =	simm.s32 $0xFFFFFFFF;
	p2 =	slt.u32 s8, $0xFFFFF086  }
0x1c: {  	p1 =	slt.u32 s9, $0xF7A;
	s5 =	simm.s32 @!p2 $0x0  }
0x1d: {  	s5 =	simm.s32 @p1 $0x1;
	p0 =	seq.s32 s7, s2  }
0x1e: {  	s7 =	smul.u32 @!p0 $0xF7A, s2;
	p2 =	seq.s32 @!p0 s5, $0x0  }
0x1f: {  	s9 =	smul.u32 $0xF7A, s1;
	s8 =	simm.s32 @!p0 $0x1BF5;
	p2 =	por !p2, p0  }
0x20: {  	[sflag:s8] =	ssyncset.s32 @!p0 $0xFFFFF086;
	s6 =	sadd.s32 @!p0 s3, s7;
	s7 =	simm.s32 @!p0 $0x108  }
0x21: {  	s3 =	sadd.s32 s3, s9;
	s6 =	sadd.s32 @!p0 $0x88, s6;
	s7 =	simm.s32 @p2 $0x1082  }
0x22: {  	[simem:s7], [sflag:s8] =	dma.local @!p0 [hbm:s6], $0xF7A  }
0x23: {  	s9 =	sor.u32 $0xD0000000, s2;
	s6 =	simm.s32 $0x108;
	_ =	swait.ge @!p0 [sflag:s8], $0x0  }
0x24: {  	s3 =	sadd.s32 $0x88, s3;
	s6 =	simm.s32 @!p1 $0x1082;
	[sflag:s4] =	ssyncset.s32 $0xFFFFF086  }
0x25: {  	[simem:s6], [sflag:s4] =	dma.local [hbm:s3], $0xF7A  }
0x26: {  	[smem:$0x3F96] =	sst s1;
	(tag) =	ssettag s2;
	_ =	strace s9  }
0x27: {  	s1 =	sld [smem:$0x3FA6]  }
0x28: {  	s2 =	sld [smem:$0x3FA7]  }
0x29: {  	s4 =	sld [smem:$0x3FA9]  }
0x2a: {  	p0 =	seq.s32 s5, $0x0;
	s5 =	sld [smem:$0x3FAA]  }
0x2b: {  	s6 =	sld [smem:$0x3FAB]  }
0x2c: {  	s7 =	sld [smem:$0x3FAC]  }
0x2d: {  	s3 =	simm.s32 $0x108;
	s8 =	sld [smem:$0x3FAD]  }
0x2e: {  	s3 =	simm.s32 @!p0 $0x1082;
	s9 =	sld [smem:$0x3FAE]  }
0x2f: {  	lr =	sadd.s32 s0, s3;
	s0 =	sld [smem:$0x3FA5]  }
0x30: {  	s3 =	sld [smem:$0x3FA8]  }
0x31: {  	[smem:$0x3FB1] =	sst s10  }
0x32: {  	s10 =	sld [smem:$0x3FAF];
	_ =	sdelay $0x3  }
0x33: {  	p0 =	seq.s32 s10, $0x1;
	s10 =	sld [smem:$0x3FB1];
	_ =	sdelay $0x3  }
0x34: {  	[smem:$0x3FB1] =	sst s10  }
0x35: {  	s10 =	sld [smem:$0x3FB0];
	_ =	sdelay $0x3  }
0x36: {  	p1 =	seq.s32 s10, $0x1;
	s10 =	sld [smem:$0x3FB1];
	_ =	sdelay $0x3  }
0x37: {  	[smem:$0x3FB1] =	sst s10  }
0x38: {  	s10 =	sld [smem:$0x3FB2]  }
0x39: {  	_ = 	snop;
	(pc) =	sbr.ind lr, $3  }
0x3a: {  	_ = 	snop  }
0x3b: {  	_ = 	snop  }
0x3c: {  	p2 =	seq.s32 s10, $0x1;
	s10 =	sld [smem:$0x3FB1]  }
0x3d: {  	_ =	shalt  }
0x3e: {  	_ =	shalt  }
0x3f: {  	_ =	shalt  }
0x40: {  	_ =	shalt  }
0x41: {  	_ =	shalt  }
0x42: {  	_ =	shalt  }
0x43: {  	_ =	shalt  }
0x44: {  	_ =	shalt  }
0x45: {  	_ =	shalt  }
0x46: {  	_ =	shalt  }
0x47: {  	_ =	shalt  }
0x48: {  	_ =	shalt  }
0x49: {  	_ =	shalt  }
0x4a: {  	_ =	shalt  }
0x4b: {  	_ =	shalt  }
0x4c: {  	_ =	shalt  }
0x4d: {  	_ =	shalt  }
0x4e: {  	_ =	shalt  }
0x4f: {  	_ =	shalt  }
0x50: {  	_ =	shalt  }
0x51: {  	_ =	shalt  }
0x52: {  	_ =	shalt  }
0x53: {  	_ =	shalt  }
0x54: {  	_ =	shalt  }
0x55: {  	_ =	shalt  }
0x56: {  	_ =	shalt  }
0x57: {  	_ =	shalt  }
0x58: {  	_ =	shalt  }
0x59: {  	_ =	shalt  }
0x5a: {  	_ =	shalt  }
0x5b: {  	_ =	shalt  }
0x5c: {  	_ =	shalt  }
0x5d: {  	_ =	shalt  }
0x5e: {  	_ =	shalt  }
0x5f: {  	_ =	shalt  }
0x60: {  	_ =	shalt  }
0x61: {  	_ =	shalt  }
0x62: {  	_ =	shalt  }
0x63: {  	_ =	shalt  }
0x64: {  	_ =	shalt  }
0x65: {  	_ =	shalt  }
0x66: {  	_ =	shalt  }
0x67: {  	_ =	shalt  }
0x68: {  	_ =	shalt  }
0x69: {  	_ =	shalt  }
0x6a: {  	_ =	shalt  }
0x6b: {  	_ =	shalt  }
0x6c: {  	_ =	shalt  }
0x6d: {  	_ =	shalt  }
0x6e: {  	_ =	shalt  }
0x6f: {  	_ =	shalt  }
0x70: {  	_ =	shalt  }
0x71: {  	_ =	shalt  }
0x72: {  	_ =	shalt  }
0x73: {  	_ =	shalt  }
0x74: {  	_ =	shalt  }
0x75: {  	_ =	shalt  }
0x76: {  	_ =	shalt  }
0x77: {  	_ =	shalt  }
0x78: {  	_ =	shalt  }
0x79: {  	_ =	shalt  }
0x7a: {  	_ =	shalt  }
0x7b: {  	_ =	shalt  }
0x7c: {  	_ =	shalt  }
0x7d: {  	_ =	shalt  }
0x7e: {  	_ =	shalt  }
0x7f: {  	_ =	shalt  }
0x80: {  	_ =	shalt  }
0x81: {  	_ =	shalt  }
0x82: {  	_ =	shalt  }
0x83: {  	_ =	shalt  }
0x84: {  	_ =	shalt  }
0x85: {  	_ =	shalt  }
0x86: {  	_ =	shalt  }
0x87: {  	_ =	shalt  }
.Lfunc_end0:
.L_simem_size_0:
called_computation_lowered:
.L_overlay_start_0:
0x88: {  	s2 =	sld [smem:$0x3FD9]  }
0x89: {  	s3 =	sld [smem:$0x3FFE];
	_ =	sdelay $0x1  }
0x8a: {  	s1 =	srdreg.scid  }
0x8b: {  	s0 =	sand.u32 $0x1, s1  }
0x8c: {  	s17 =	sshll.u32 s0, $0xA;
	s2 =	sadd.s32 s3, s2  }
0x8d: {  	s2 =	sadd.s32 s2, s17  }
0x8e: {  	[smem:$0x3FBD] =	sst s2  }
0x8f: {  	_ = 	snop  }
0x90: {  	s2 =	sld [smem:$0x3FD0];
	(tm) =	ssettm $0x1  }
0x91: {  	s18 =	sld [smem:$0x3FFB];
	_ =	sdelay $0x3  }
0x92: {  	_ =	strace s18  }
0x93: {  	s3 =	sld [smem:$0x3FFC];
	_ =	sdelay $0x3  }
0x94: {  	_ =	strace s3  }
0x95: {  	s3 =	sld [smem:$0x3FFD];
	_ =	sdelay $0x3  }
0x96: {  	_ =	strace s3  }
0x97: {  	_ =	strace $0x8FFFFFFF  }
0x98: {  	s19 =	sld [smem:$0x3FDB];
	_ =	sdelay $0x1  }
0x99: {  	s4 =	simm.s32 $_scs_section_size  }
0x9a: {  	s5 =	simm.s32 $_size__tile_overlayer_lowered;
	s6 =	simm.s32 $_tile_overlayer_lowered  }
0x9b: {  	s22 =	simm.s32 $0x1BFF;
	s21 =	sshll.u32 s6, $0x1;
	s3 =	sadd.s32 s4, s19  }
0x9c: {  	s7 =	simm.s32 $0x0;
	s20 =	sshll.u32 s5, $0x1;
	s5 =	sadd.s32 s21, s3  }
0x9d: {  	[timem:s7], [sflag:s22] =	dma.local [hbm:s5], s20  }
0x9e: {  	_ =	swait.ge [sflag:s22], s20  }
0x9f: {  	s4 =	ssub.s32 $0x0, s20;
	[sflag:s22] =	ssyncset.done $0x0  }
0xa0: {  	[sflag:s22] =	ssyncadd.s32 s4;
	_ =	sdelay $0x1  }
0xa1: {  	s23 =	simm.s32 $0x1B8B  }
0xa2: {  	_ =	swait.ge [sflag:s23], $0x1  }
0xa3: {  	[sflag:s23] =	ssyncset.done $0x0  }
0xa4: {  	s25 =	simm.s32 $0x1B8E;
	s24 =	sld [smem:$0x3FFE];
	[sflag:s23] =	ssyncadd.s32 $0xFFFFFFFF  }
0xa5: {  	s26 =	simm.s32 $execute0_lowered;
	[smem:$0x3FD2] =	sst s25  }
0xa6: {  	s5 =	sshll.u32 s26, $0x1;
	_ =	strace $0x80000046;
	[dreg:$0x1] =	wrdreg $0xFFFFFFFF  }
0xa7: {  	s28 =	simm.s32 $_size_execute0_lowered;
	s3 =	sadd.s32 s3, s5;
	[dreg:$0x0] =	wrdreg $0x0  }
0xa8: {  	s5 =	sshll.u32 s28, $0x1;
	[dreg:$0x2] =	wrdreg s3  }
0xa9: {  	[dreg:$0x3] =	wrdreg s5  }
0xaa: {  	[dreg:$0x4] =	wrdreg $0xC0  }
0xab: {  	_ =	task [dreg:s7], $0x5FFFF  }
0xac: {  	[dreg:$0x1] =	wrdreg $0xFFFFFFFF  }
0xad: {  	[dreg:$0x0] =	wrdreg $0x60  }
0xae: {  	[dreg:$0x2] =	wrdreg s24  }
0xaf: {  	[dreg:$0x3] =	wrdreg s2  }
0xb0: {  	[dreg:$0x4] =	wrdreg $0x0  }
0xb1: {  	[dreg:$0x5] =	wrdreg $0x9  }
0xb2: {  	_ =	task.clear_ibuf [dreg:s7], $0x6FFFF;
	_ =	strace $0x90000046  }
0xb3: {  	s29 =	simm.s32 $0x9;
	_ =	strace $0x80000048  }
0xb4: {  	_ =	swait.ge [sflag:s29], $0x1  }
0xb5: {  	[sflag:s29] =	ssyncadd.s32 $0xFFFFFFFF  }
0xb6: {  	_ =	strace $0x90000048  }
0xb7: {  	_ =	sfence  }
0xb8: {  	s30 =	sld [smem:$0x0];
	_ =	sdelay $0x2  }
0xb9: {  	s31 =	sshll.u32 s1, $0xD;
	s1 =	sshrl.u32 s1, $0x2  }
0xba: {  	s3 =	sand.u32 $0x4000, s31;
	s1 =	sadd.s32 s1, s30  }
0xbb: {  	s0 =	sor.u32 s3, s0;
	s1 =	sshll.u32 s1, $0x11  }
0xbc: {  	s0 =	sor.u32 s1, s0  }
0xbd: {  	s0 =	sadd.s32 $0x8F2B, s0  }
0xbe: {  	[sflag:s0] =	ssyncadd.remote.s32 $0x1  }
0xbf: {  	_ =	sfence.sel $0xFFFF  }
0xc0: {  	[dreg:$0x0] =	wrdreg $0xFFFFFFFF;
	(pc) =	sbr.abs _section_cstart, $3  }
0xc1: {  	[dreg:$0x1] =	wrdreg $0xFFFFFFFF  }
0xc2: {  	_ =	task.clear_ibuf [dreg:s7], $0x2FFFF;
	_ =	strace $0x9FFFFFFF  }
0xc3: {  	(tm) =	ssettm $0x7FFFFFFF  }
tec
execute0_lowered:
.L_overlay_start_1:
0x0: {  	(tag) =	ssettag $0x1  }
0x1: {  	s6 =	rddreg [dreg:$0x0]  }
0x2: {  	s2 =	rddreg [dreg:$0x1]  }
0x3: {  	s3 =	rddreg [dreg:$0x2]  }
0x4: {  	s0 =	rddreg [dreg:$0x3]  }
0x5: {  	s5 =	srdreg.scid;
	s1 =	stileid.u32;
	s4 =	simm.s32 $0x0  }
0x6: {  	s12 =	simm.s32 $0x680;
	s13 =	simm.s32 $0x280;
	s14 =	simm.s32 $0x7D  }
0x7: {  	s15 =	simm.s32 $0x300;
	s16 =	simm.s32 $0x380;
	s17 =	simm.s32 $0x400  }
0x8: {  	s18 =	simm.s32 $0x480;
	s19 =	simm.s32 $0x500;
	s20 =	simm.s32 $0x580  }
0x9: {  	s21 =	simm.s32 $0x600;
	s22 =	simm.s32 $0x0;
	s5 =	sand.u32 $0x1, s5  }
0xa: {  	s7 =	smul.u32 $0x280, s1;
	[smem:$0x7FF] =	sst s4;
	s31 =	sshll.u32 s1, $0x7  }
0xb: {  	s8 =	smul.u32 $0x2800, s5;
	_ =	strace $0x80000047;
	s10 =	ssub.s32 $0x2, s5  }
0xc: {  	s9 =	sshll.u32 s5, $0xB;
	s5 =	sadd.s32 $0xDA00, s6;
	s11 =	sshrl.u32 s10, $0x1  }
0xd: {  	s9 =	sadd.s32 s9, s6;
	s8 =	sadd.s32 s7, s8;
	s10 =	ssub.s32 s10, s11  }
0xe: {  	s9 =	sadd.s32 s31, s9;
	s11 =	simm.s32 $0x1;
	s8 =	sshrl.u32 s8, $0x3  }
0xf: {  	s9 =	sadd.s32 $0x3A00, s9;
	s8 =	sadd.s32 s8, s6;
	s6 =	sadd.s32 s7, s3  }
0x10: {  	s7 =	sadd.s32 $0xDC00, s8;
	s8 =	smax.u32 s10, $0x1;
	s10 =	simm.s32 $0x700  }
.LBB2_1:
0x11: {  	[tilespmem:s10], [sflag:$0x1] =	stream.linear.gather [hbm4b:s5+s4], $0x280, $0x38;
	[tilespmem:$0x980] =	vst v63  }
0x12: {  	_ =	swait.ge [sflag:s11], $0x280  }
0x13: {  	[sflag:s11] =	ssyncset.done $0x0  }
0x14: {  	[sflag:s11] =	ssyncadd.s32 $0xFFFFFD80  }
0x15: {  	[tilespmem:s12], [sflag:$0x1] =	stream.linear.gather [hbm4b:s2+s4], $0x80, $0x38;
	[tilespmem:$0x980] =	vst v63  }
0x16: {  	_ =	swait.ge [sflag:s11], $0x80  }
0x17: {  	[sflag:s11] =	ssyncset.done $0x0  }
0x18: {  	[sflag:s11] =	ssyncadd.s32 $0xFFFFFF80  }
0x19: {  	[spmem:s6] =	stream.linear.scatter [tilespmem:s10], [sflag:$0x1], $0x280, $0x38;
	[tilespmem:$0x980] =	vst v63  }
0x1a: {  	_ =	swait.ge [sflag:s11], $0x280  }
0x1b: {  	[sflag:s11] =	ssyncset.done $0x0  }
0x1c: {  	[sflag:s11] =	ssyncadd.s32 $0xFFFFFD80  }
0x1d: {  	s23 =	sadd.s32 $0x0, s9;
	[bflag:$0x0] =	sbarrier.arrive $0xFFFF  }
0x1e: {  	[tilespmem:s13], [sflag:$0x1] =	stream.linear.gather [hbm4b:s23+s4], $0x400, $0x38;
	[tilespmem:$0x980] =	vst v63  }
0x1f: {  	_ =	swait.ge [sflag:s11], $0x400  }
0x20: {  	[sflag:s11] =	ssyncset.done $0x0  }
0x21: {  	[sflag:s11] =	ssyncadd.s32 $0xFFFFFC00  }
0x22: {  	[spmem:s3] =	stream.indirect.scatter.add.f32 [tilespmem:s12], [sflag:$0x1], $0x1, s13, s14, $0xb8;
	[tilespmem:$0x980] =	vst v63  }
0x23: {  	_ =	swait.ge [sflag:s11], $0x7D  }
0x24: {  	[sflag:s11] =	ssyncset.done $0x0  }
0x25: {  	[sflag:s11] =	ssyncadd.s32 $0xFFFFFF83  }
0x26: {  	[spmem:s3] =	stream.indirect.scatter.add.f32 [tilespmem:s12], [sflag:$0x1], $0x1, s15, s14, $0xb8;
	[tilespmem:$0x980] =	vst v63  }
0x27: {  	_ =	swait.ge [sflag:s11], $0x7D  }
0x28: {  	[sflag:s11] =	ssyncset.done $0x0  }
0x29: {  	[sflag:s11] =	ssyncadd.s32 $0xFFFFFF83  }
0x2a: {  	[spmem:s3] =	stream.indirect.scatter.add.f32 [tilespmem:s12], [sflag:$0x1], $0x1, s16, s14, $0xb8;
	[tilespmem:$0x980] =	vst v63  }
0x2b: {  	_ =	swait.ge [sflag:s11], $0x7D  }
0x2c: {  	[sflag:s11] =	ssyncset.done $0x0  }
0x2d: {  	[sflag:s11] =	ssyncadd.s32 $0xFFFFFF83  }
0x2e: {  	[spmem:s3] =	stream.indirect.scatter.add.f32 [tilespmem:s12], [sflag:$0x1], $0x1, s17, s14, $0xb8;
	[tilespmem:$0x980] =	vst v63  }
0x2f: {  	_ =	swait.ge [sflag:s11], $0x7D  }
0x30: {  	[sflag:s11] =	ssyncset.done $0x0  }
0x31: {  	[sflag:s11] =	ssyncadd.s32 $0xFFFFFF83  }
0x32: {  	[spmem:s3] =	stream.indirect.scatter.add.f32 [tilespmem:s12], [sflag:$0x1], $0x1, s18, s14, $0xb8;
	[tilespmem:$0x980] =	vst v63  }
0x33: {  	_ =	swait.ge [sflag:s11], $0x7D  }
0x34: {  	[sflag:s11] =	ssyncset.done $0x0  }
0x35: {  	[sflag:s11] =	ssyncadd.s32 $0xFFFFFF83  }
0x36: {  	[spmem:s3] =	stream.indirect.scatter.add.f32 [tilespmem:s12], [sflag:$0x1], $0x1, s19, s14, $0xb8;
	[tilespmem:$0x980] =	vst v63  }
0x37: {  	_ =	swait.ge [sflag:s11], $0x7D  }
0x38: {  	[sflag:s11] =	ssyncset.done $0x0  }
0x39: {  	[sflag:s11] =	ssyncadd.s32 $0xFFFFFF83  }
0x3a: {  	[spmem:s3] =	stream.indirect.scatter.add.f32 [tilespmem:s12], [sflag:$0x1], $0x1, s20, s14, $0xb8;
	[tilespmem:$0x980] =	vst v63  }
0x3b: {  	_ =	swait.ge [sflag:s11], $0x7D  }
0x3c: {  	[sflag:s11] =	ssyncset.done $0x0  }
0x3d: {  	[sflag:s11] =	ssyncadd.s32 $0xFFFFFF83  }
0x3e: {  	[spmem:s3] =	stream.indirect.scatter.add.f32 [tilespmem:s12], [sflag:$0x1], $0x1, s21, s14, $0xb8;
	[tilespmem:$0x980] =	vst v63  }
0x3f: {  	_ =	swait.ge [sflag:s11], $0x7D  }
0x40: {  	s25 =	simm.s32 $0x2000;
	s23 =	simm.s32 $0x1000;
	[sflag:s11] =	ssyncset.done $0x0  }
.LBB2_2:
0x41: {  	s26 =	sadd.s32 s23, s9  }
0x42: {  	[sflag:s11] =	ssyncadd.s32 $0xFFFFFF83;
	s23 =	smov.u32 s25;
	s24 =	sadd.s32 $0x1000, s25  }
0x43: {  	[tilespmem:s13], [sflag:$0x1] =	stream.linear.gather [hbm4b:s26+s4], $0x400, $0x38;
	[tilespmem:$0x980] =	vst v63  }
0x44: {  	p0 =	sne.s32 s25, $0x9000;
	_ =	swait.ge [sflag:s11], $0x400  }
0x45: {  	[sflag:s11] =	ssyncset.done $0x0  }
0x46: {  	[sflag:s11] =	ssyncadd.s32 $0xFFFFFC00  }
0x47: {  	[spmem:s3] =	stream.indirect.scatter.add.f32 [tilespmem:s12], [sflag:$0x1], $0x1, s13, s14, $0xb8;
	[tilespmem:$0x980] =	vst v63  }
0x48: {  	_ =	swait.ge [sflag:s11], $0x7D  }
0x49: {  	[sflag:s11] =	ssyncset.done $0x0  }
0x4a: {  	[sflag:s11] =	ssyncadd.s32 $0xFFFFFF83  }
0x4b: {  	[spmem:s3] =	stream.indirect.scatter.add.f32 [tilespmem:s12], [sflag:$0x1], $0x1, s15, s14, $0xb8;
	[tilespmem:$0x980] =	vst v63  }
0x4c: {  	_ =	swait.ge [sflag:s11], $0x7D  }
0x4d: {  	[sflag:s11] =	ssyncset.done $0x0  }
0x4e: {  	[sflag:s11] =	ssyncadd.s32 $0xFFFFFF83  }
0x4f: {  	[spmem:s3] =	stream.indirect.scatter.add.f32 [tilespmem:s12], [sflag:$0x1], $0x1, s16, s14, $0xb8;
	[tilespmem:$0x980] =	vst v63  }
0x50: {  	_ =	swait.ge [sflag:s11], $0x7D  }
0x51: {  	[sflag:s11] =	ssyncset.done $0x0  }
0x52: {  	[sflag:s11] =	ssyncadd.s32 $0xFFFFFF83  }
0x53: {  	[spmem:s3] =	stream.indirect.scatter.add.f32 [tilespmem:s12], [sflag:$0x1], $0x1, s17, s14, $0xb8;
	[tilespmem:$0x980] =	vst v63  }
0x54: {  	_ =	swait.ge [sflag:s11], $0x7D  }
0x55: {  	[sflag:s11] =	ssyncset.done $0x0  }
0x56: {  	[sflag:s11] =	ssyncadd.s32 $0xFFFFFF83  }
0x57: {  	[spmem:s3] =	stream.indirect.scatter.add.f32 [tilespmem:s12], [sflag:$0x1], $0x1, s18, s14, $0xb8;
	[tilespmem:$0x980] =	vst v63  }
0x58: {  	_ =	swait.ge [sflag:s11], $0x7D  }
0x59: {  	[sflag:s11] =	ssyncset.done $0x0  }
0x5a: {  	[sflag:s11] =	ssyncadd.s32 $0xFFFFFF83  }
0x5b: {  	[spmem:s3] =	stream.indirect.scatter.add.f32 [tilespmem:s12], [sflag:$0x1], $0x1, s19, s14, $0xb8;
	[tilespmem:$0x980] =	vst v63  }
0x5c: {  	_ =	swait.ge [sflag:s11], $0x7D  }
0x5d: {  	[sflag:s11] =	ssyncset.done $0x0  }
0x5e: {  	[sflag:s11] =	ssyncadd.s32 $0xFFFFFF83  }
0x5f: {  	[spmem:s3] =	stream.indirect.scatter.add.f32 [tilespmem:s12], [sflag:$0x1], $0x1, s20, s14, $0xb8;
	[tilespmem:$0x980] =	vst v63  }
0x60: {  	_ =	swait.ge [sflag:s11], $0x7D  }
.Ltmp0:
0x61: {  	[sflag:s11] =	ssyncset.done $0x0;
	(pc) =	sbr.rel @p0 .LBB2_2-.Ltmp0, $4  }
0x62: {  	[sflag:s11] =	ssyncadd.s32 $0xFFFFFF83  }
0x63: {  	[spmem:s3] =	stream.indirect.scatter.add.f32 [tilespmem:s12], [sflag:$0x1], $0x1, s21, s14, $0xb8;
	[tilespmem:$0x980] =	vst v63  }
0x64: {  	_ =	swait.ge [sflag:s11], $0x7D  }
0x65: {  	s25 =	smov.u32 s24;
	[sflag:s11] =	ssyncset.done $0x0  }
0x66: {  	s23 =	sadd.s32 s23, s9;
	[sflag:s11] =	ssyncadd.s32 $0xFFFFFF83  }
0x67: {  	[tilespmem:s13], [sflag:$0x1] =	stream.linear.gather [hbm4b:s23+s4], $0x400, $0x38;
	[tilespmem:$0x980] =	vst v63  }
0x68: {  	_ =	swait.ge [sflag:s11], $0x400  }
0x69: {  	[sflag:s11] =	ssyncset.done $0x0  }
0x6a: {  	[sflag:s11] =	ssyncadd.s32 $0xFFFFFC00  }
0x6b: {  	[spmem:s3] =	stream.indirect.scatter.add.f32 [tilespmem:s12], [sflag:$0x1], $0x1, s13, s14, $0xb8;
	[tilespmem:$0x980] =	vst v63  }
0x6c: {  	_ =	swait.ge [sflag:s11], $0x7D  }
0x6d: {  	[sflag:s11] =	ssyncset.done $0x0  }
0x6e: {  	[sflag:s11] =	ssyncadd.s32 $0xFFFFFF83  }
0x6f: {  	[spmem:s3] =	stream.indirect.scatter.add.f32 [tilespmem:s12], [sflag:$0x1], $0x1, s15, s14, $0xb8;
	[tilespmem:$0x980] =	vst v63  }
0x70: {  	_ =	swait.ge [sflag:s11], $0x7D  }
0x71: {  	[sflag:s11] =	ssyncset.done $0x0  }
0x72: {  	[sflag:s11] =	ssyncadd.s32 $0xFFFFFF83  }
0x73: {  	[spmem:s3] =	stream.indirect.scatter.add.f32 [tilespmem:s12], [sflag:$0x1], $0x1, s16, s14, $0xb8;
	[tilespmem:$0x980] =	vst v63  }
0x74: {  	_ =	swait.ge [sflag:s11], $0x7D  }
0x75: {  	[sflag:s11] =	ssyncset.done $0x0  }
0x76: {  	[sflag:s11] =	ssyncadd.s32 $0xFFFFFF83  }
0x77: {  	[spmem:s3] =	stream.indirect.scatter.add.f32 [tilespmem:s12], [sflag:$0x1], $0x1, s17, s14, $0xb8;
	[tilespmem:$0x980] =	vst v63  }
0x78: {  	_ =	swait.ge [sflag:s11], $0x7D  }
0x79: {  	[sflag:s11] =	ssyncset.done $0x0  }
0x7a: {  	[sflag:s11] =	ssyncadd.s32 $0xFFFFFF83  }
0x7b: {  	[spmem:s3] =	stream.indirect.scatter.add.f32 [tilespmem:s12], [sflag:$0x1], $0x1, s18, s14, $0xb8;
	[tilespmem:$0x980] =	vst v63  }
0x7c: {  	_ =	swait.ge [sflag:s11], $0x7D  }
0x7d: {  	[sflag:s11] =	ssyncset.done $0x0  }
0x7e: {  	[sflag:s11] =	ssyncadd.s32 $0xFFFFFF83  }
0x7f: {  	[spmem:s3] =	stream.indirect.scatter.add.f32 [tilespmem:s12], [sflag:$0x1], $0x1, s19, s14, $0xb8;
	[tilespmem:$0x980] =	vst v63  }
0x80: {  	_ =	swait.ge [sflag:s11], $0x7D  }
0x81: {  	[sflag:s11] =	ssyncset.done $0x0  }
0x82: {  	[sflag:s11] =	ssyncadd.s32 $0xFFFFFF83  }
0x83: {  	[spmem:s3] =	stream.indirect.scatter.add.f32 [tilespmem:s12], [sflag:$0x1], $0x1, s20, s14, $0xb8;
	[tilespmem:$0x980] =	vst v63  }
0x84: {  	_ =	swait.ge [sflag:s11], $0x7D  }
0x85: {  	[sflag:s11] =	ssyncset.done $0x0  }
0x86: {  	[sflag:s11] =	ssyncadd.s32 $0xFFFFFF83  }
0x87: {  	[spmem:s3] =	stream.indirect.scatter.add.f32 [tilespmem:s12], [sflag:$0x1], $0x1, s21, s14, $0xb8;
	[tilespmem:$0x980] =	vst v63  }
0x88: {  	_ =	swait.ge [sflag:s11], $0x7D  }
0x89: {  	[sflag:s11] =	ssyncset.done $0x0  }
0x8a: {  	[sflag:s11] =	ssyncadd.s32 $0xFFFFFF83  }
0x8b: {  	[bflag:$0x0] =	sbarrier.arrive $0xFFFF  }
0x8c: {  	[tilespmem:s10], [sflag:$0x1] =	stream.linear.gather [spmem:s6], $0x280, $0x38;
	[tilespmem:$0x980] =	vst v63  }
0x8d: {  	s22 =	sadd.s32 $0x1, s22;
	_ =	swait.ge [sflag:s11], $0x280  }
0x8e: {  	p0 =	sne.s32 s22, s8;
	[sflag:s11] =	ssyncset.done $0x0  }
.Ltmp1:
0x8f: {  	[sflag:s11] =	ssyncadd.s32 $0xFFFFFD80;
	(pc) =	sbr.rel @p0 .LBB2_1-.Ltmp1, $4  }
0x90: {  	[hbm4b:s7+s4] =	stream.linear.scatter [tilespmem:s10], [sflag:$0x1], $0x280, $0x38;
	[tilespmem:$0x980] =	vst v63  }
0x91: {  	_ =	swait.ge [sflag:s11], $0x280  }
0x92: {  	[sflag:s11] =	ssyncset.done $0x0  }
0x93: {  	[sflag:s11] =	ssyncadd.s32 $0xFFFFFD80  }
0x94: {  	_ =	sfence.sel $0x180000  }
0x95: {  	[bflag:$0x0] =	sbarrier.arrive $0xFFFF  }
0x96: {  	p0 =	sne.s32 s1, $0x0;
	_ =	strace $0x90000047  }
0x97: {  	s0 =	sadd.s32 @!p0 $0x100000, s0;
	[bflag:$0x2] =	sbarrier.arrive $0xFFFF  }
0x98: {  	[sflag:s0] =	ssyncadd.tile.s32 @!p0 $0x1;
	_ =	shalt  }
.Lfunc_end2:
_tile_overlayer_lowered:
.L_overlay_start_2:
0x99: {  	(tag) =	ssettag $0x2  }
0x9a: {  	s0 =	rddreg [dreg:$0x0];
	s2 =	stileid.u32  }
0x9b: {  	s1 =	rddreg [dreg:$0x1];
	p0 =	sne.s32 s2, $0x0  }
0x9c: {  	s3 =	rddreg [dreg:$0x2];
	[bflag:$0x3] =	sbarrier.arrive $0xFFFF;
	s2 =	simm.s32 @!p0 $0x1C01  }
0x9d: {  	[timem:s3], [sflag:s2] =	dma.local @!p0 [hbm:s0], s1  }
0x9e: {  	s0 =	simm.s32 @!p0 $0x1  }
0x9f: {  	_ =	swait.ge @!p0 [sflag:s0], s1  }
0xa0: {  	s1 =	ssub.s32 @!p0 $0x0, s1;
	[sflag:s0] =	ssyncset.done @!p0 $0x0  }
0xa1: {  	[sflag:s0] =	ssyncadd.s32 @!p0 s1  }
0xa2: {  	[bflag:$0x3] =	sbarrier.arrive $0xFFFF  }
0xa3: {  	_ =	shalt  }

</sc_bundles>
